<compile_context>
chip_gen: v7x
topology: tpu7x:2x2x1
jax: 0.10.2.dev20260603
libtpu: 0.0.44.dev20260713+nightly
codegen_flags: <defaults>
</compile_context>

<pallas_src>
import functools

import jax
import jax.numpy as jnp
from jax import lax
from jax.experimental import pallas as pl
from jax.experimental.pallas import tpu as pltpu
from jax.experimental.pallas import tpu_sc as plsc



def _tc1_body(f_ref, wb_ref, l0_ref, l1_ref, q_ref, m0_ref, m1_ref):
    f = f_ref[...]
    q_ref[...] = lax.dot_general(f, wb_ref[...], (((1,), (1,)), ((), ())),
                                 preferred_element_type=jnp.float32,
                                 precision=lax.Precision.HIGHEST)
    m0_ref[...] = jnp.dot(f, l0_ref[...], preferred_element_type=jnp.float32)
    m1_ref[...] = jnp.dot(f, l1_ref[...], preferred_element_type=jnp.float32)


def _tc1(feature, wb, linear, n_blk, blk):
    n, din = feature.shape
    emb = wb.shape[0]
    dout = linear.shape[2]
    return pl.pallas_call(
        _tc1_body,
        grid=(n_blk,),
        in_specs=[
            pl.BlockSpec((blk, din), lambda i: (i, 0)),
            pl.BlockSpec((emb, din), lambda i: (0, 0)),
            pl.BlockSpec((din, dout), lambda i: (0, 0)),
            pl.BlockSpec((din, dout), lambda i: (0, 0)),
        ],
        out_specs=[
            pl.BlockSpec((blk, emb), lambda i: (i, 0)),
            pl.BlockSpec((blk, dout), lambda i: (i, 0)),
            pl.BlockSpec((blk, dout), lambda i: (i, 0)),
        ],
        out_shape=[
            jax.ShapeDtypeStruct((n, emb), jnp.float32),
            jax.ShapeDtypeStruct((n, dout), jnp.float32),
            jax.ShapeDtypeStruct((n, dout), jnp.float32),
        ],
    )(feature, wb, linear[0], linear[1])


def _tc3_body(den_ref, b_ref):
    x = den_ref[0] + den_ref[1]
    b_ref[...] = 4.0 * jnp.log(x)


def _tc3(den3):
    _, r, c = den3.shape
    return pl.pallas_call(
        _tc3_body,
        out_shape=jax.ShapeDtypeStruct((r, c), jnp.float32),
    )(den3)


def _tc4_body(a0_ref, a1_ref, dn_ref, f_ref, w_ref, bv_ref, g_ref, bt_ref,
              out_ref):
    h = a0_ref[...] + a1_ref[...]
    den = dn_ref[:, 0:1] + dn_ref[:, 1:2]
    mask = den > 0.0
    dsafe = jnp.where(mask, den, 1.0)
    h_agg = jnp.where(mask, h / dsafe, f_ref[...])
    x = jnp.dot(h_agg, w_ref[...], preferred_element_type=jnp.float32)
    x = jnp.maximum(x + bv_ref[...], 0.0)
    mean = jnp.mean(x, axis=0, keepdims=True)
    xc = x - mean
    var = jnp.mean(xc * xc, axis=0, keepdims=True)
    out_ref[...] = g_ref[...] * xc * lax.rsqrt(var + 1e-5) + bt_ref[...]


def _tc4(acc0, acc1, den_t, feature, mlp_W, mlp_b, bn_gamma, bn_beta):
    n, dout = feature.shape
    return pl.pallas_call(
        _tc4_body,
        out_shape=jax.ShapeDtypeStruct((n, dout), jnp.float32),
    )(acc0, acc1, den_t, feature, mlp_W, mlp_b.reshape(1, dout),
      bn_gamma.reshape(1, dout), bn_beta.reshape(1, dout))



_NC = 2
_NS = 16

_SC_PARAMS = pltpu.CompilerParams(use_tc_tiling_on_sc=False,
                                  needs_layout_passes=False)


def _worker_blocks(c, s, total_blocks):
    w = s * _NC + c
    base = total_blocks // (_NC * _NS)
    rem = total_blocks % (_NC * _NS)
    nb = base + jnp.where(w < rem, 1, 0)
    start = base * w + jnp.minimum(w, rem)
    return w, nb, start


def _node_chunks(n):
    ch = ((n + _NS - 1) // _NS + 7) // 8 * 8
    last = n - (_NS - 1) * ch
    assert last > 0 and last % 8 == 0
    return ch, last


def _sc_edge_pass(q, u, src, dst, n):
    emb = q.shape[1]
    e = src.shape[0]
    total_blocks = e // 128
    ch, last = _node_chunks(n)
    mesh = plsc.VectorSubcoreMesh(core_axis_name="c", subcore_axis_name="s")

    @functools.partial(
        pl.kernel,
        out_type=[jax.ShapeDtypeStruct((e,), jnp.float32),
                  jax.ShapeDtypeStruct((e,), jnp.float32),
                  jax.ShapeDtypeStruct((_NC, n), jnp.float32)],
        mesh=mesh,
        compiler_params=_SC_PARAMS,
        scratch_types=[
            pltpu.VMEM((128,), jnp.int32),
            pltpu.VMEM((128,), jnp.int32),
            pltpu.VMEM((128, emb), jnp.float32),
            pltpu.VMEM((128, emb), jnp.float32),
            pltpu.VMEM((128, emb), jnp.float32),
            pltpu.VMEM((128,), jnp.float32),
            pltpu.VMEM((128,), jnp.float32),
            pltpu.VMEM((128,), jnp.float32),
            pltpu.VMEM(((ch + 15) // 16 * 16,), jnp.float32),
            pltpu.VMEM_SHARED((n,), jnp.float32),
            pltpu.SemaphoreType.DMA,
        ],
    )
    def k(q_hbm, u_hbm, src_hbm, dst_hbm, e_hbm, d_hbm, den_hbm,
          src_v, dst_v, bq, bus, bud, estg, dstg, pstg, ztile, dtab, sem):
        c = lax.axis_index("c")
        s = lax.axis_index("s")
        _, nb, start = _worker_blocks(c, s, total_blocks)

        zero = jnp.zeros((16,), jnp.float32)
        for t in range((ch + 15) // 16):
            ztile[pl.ds(t * 16, 16)] = zero

        @pl.when(s < _NS - 1)
        def _():
            pltpu.sync_copy(ztile.at[pl.ds(0, ch)], dtab.at[pl.ds(s * ch, ch)])

        @pl.when(s == _NS - 1)
        def _():
            pltpu.sync_copy(ztile.at[pl.ds(0, last)],
                            dtab.at[pl.ds((_NS - 1) * ch, last)])

        plsc.subcore_barrier()

        iota16 = lax.broadcasted_iota(jnp.int32, (16,), 0)

        def block(i, carry):
            base = (start + i) * 128
            pltpu.sync_copy(src_hbm.at[pl.ds(base, 128)], src_v)
            pltpu.sync_copy(dst_hbm.at[pl.ds(base, 128)], dst_v)
            pltpu.async_copy(q_hbm.at[src_v], bq, sem).wait()
            pltpu.async_copy(u_hbm.at[src_v], bus, sem).wait()
            pltpu.async_copy(u_hbm.at[dst_v], bud, sem).wait()

            def group(g, carry2):
                rows = g * 16 + iota16
                acc_e = jnp.zeros((16,), jnp.float32)
                acc_s = jnp.zeros((16,), jnp.float32)
                for dim in range(emb):
                    col = jnp.full((16,), dim, jnp.int32)
                    qv = plsc.load_gather(bq, [rows, col])
                    usv = plsc.load_gather(bus, [rows, col])
                    udv = plsc.load_gather(bud, [rows, col])
                    diffv = usv - udv
                    bits = plsc.bitcast(diffv, jnp.int32)
                    r = bits + jnp.int32(0x7FFF) + ((bits >> 16) & 1)
                    diffb = plsc.bitcast(r & jnp.int32(-65536), jnp.float32)
                    acc_e = acc_e + diffb * qv
                    acc_s = acc_s + diffv * diffv
                estg[pl.ds(g * 16, 16)] = acc_e
                dstg[pl.ds(g * 16, 16)] = 1.0 / (acc_s + 1.0)
                pstg[pl.ds(g * 16, 16)] = jnp.exp(0.25 * acc_e)
                return carry2

            lax.fori_loop(0, 8, group, 0)
            pltpu.sync_copy(estg, e_hbm.at[pl.ds(base, 128)])
            pltpu.sync_copy(dstg, d_hbm.at[pl.ds(base, 128)])
            pltpu.sync_copy(pstg, dtab.at[dst_v], add=True)
            return carry

        lax.fori_loop(0, nb, block, 0)
        plsc.subcore_barrier()

        @pl.when(s < _NS - 1)
        def _():
            pltpu.sync_copy(dtab.at[pl.ds(s * ch, ch)],
                            den_hbm.at[c, pl.ds(s * ch, ch)])

        @pl.when(s == _NS - 1)
        def _():
            pltpu.sync_copy(dtab.at[pl.ds((_NS - 1) * ch, last)],
                            den_hbm.at[c, pl.ds((_NS - 1) * ch, last)])

    return k(q, u, src, dst)


def _sc_message_pass(e_arr, d_arr, dst, midx, b, m_cat, zacc, zn):
    e = e_arr.shape[0]
    n = b.shape[0]
    total_blocks = e // 128
    ch, last = _node_chunks(n)
    mesh = plsc.VectorSubcoreMesh(core_axis_name="c", subcore_axis_name="s")

    @functools.partial(
        pl.kernel,
        out_type=[jax.ShapeDtypeStruct((_NC, n, 128), jnp.float32),
                  jax.ShapeDtypeStruct((_NC, n), jnp.float32)],
        mesh=mesh,
        compiler_params=_SC_PARAMS,
        scratch_types=[
            pltpu.VMEM((n,), jnp.float32),
            pltpu.VMEM((128,), jnp.int32),
            pltpu.VMEM((128,), jnp.int32),
            pltpu.VMEM((128,), jnp.float32),
            pltpu.VMEM((128,), jnp.float32),
            pltpu.VMEM((128,), jnp.float32),
            pltpu.VMEM((128, 128), jnp.float32),
            pltpu.VMEM_SHARED((n, 128), jnp.float32),
            pltpu.VMEM_SHARED((n,), jnp.float32),
            pltpu.SemaphoreType.DMA,
        ],
    )
    def k(e_hbm, d_hbm, dst_hbm, midx_hbm, b_hbm, mcat_hbm, z_hbm, zn_hbm,
          outh_hbm, outd_hbm,
          btab, dst_v, midx_v, e_v, d_v, ex_v, msg_v, acc, accd, sem):
        c = lax.axis_index("c")
        s = lax.axis_index("s")
        _, nb, start = _worker_blocks(c, s, total_blocks)

        @pl.when(s < _NS - 1)
        def _():
            pltpu.sync_copy(z_hbm.at[pl.ds(s * ch, ch)],
                            acc.at[pl.ds(s * ch, ch)])
            pltpu.sync_copy(zn_hbm.at[pl.ds(s * ch, ch)],
                            accd.at[pl.ds(s * ch, ch)])

        @pl.when(s == _NS - 1)
        def _():
            pltpu.sync_copy(z_hbm.at[pl.ds((_NS - 1) * ch, last)],
                            acc.at[pl.ds((_NS - 1) * ch, last)])
            pltpu.sync_copy(zn_hbm.at[pl.ds((_NS - 1) * ch, last)],
                            accd.at[pl.ds((_NS - 1) * ch, last)])

        pltpu.sync_copy(b_hbm, btab)
        plsc.subcore_barrier()

        def block(i, carry):
            base = (start + i) * 128
            pltpu.sync_copy(dst_hbm.at[pl.ds(base, 128)], dst_v)
            pltpu.sync_copy(midx_hbm.at[pl.ds(base, 128)], midx_v)
            pltpu.sync_copy(e_hbm.at[pl.ds(base, 128)], e_v)
            pltpu.sync_copy(d_hbm.at[pl.ds(base, 128)], d_v)
            pltpu.async_copy(mcat_hbm.at[midx_v], msg_v, sem).wait()

            def group(g, carry2):
                dst16 = dst_v[pl.ds(g * 16, 16)]
                bb = plsc.load_gather(btab, [dst16])
                ex = jnp.exp(e_v[pl.ds(g * 16, 16)] - bb)
                ex_v[pl.ds(g * 16, 16)] = ex
                wv = ex * d_v[pl.ds(g * 16, 16)]
                for j in range(16):
                    ro = g * 16 + j
                    wj = jnp.full((16,), wv[j], jnp.float32)
                    for r in range(8):
                        msg_v[ro, pl.ds(r * 16, 16)] = (
                            msg_v[ro, pl.ds(r * 16, 16)] * wj)
                return carry2

            lax.fori_loop(0, 8, group, 0)
            pltpu.sync_copy(msg_v, acc.at[dst_v], add=True)
            pltpu.sync_copy(ex_v, accd.at[dst_v], add=True)
            return carry

        lax.fori_loop(0, nb, block, 0)
        plsc.subcore_barrier()

        @pl.when(s < _NS - 1)
        def _():
            pltpu.sync_copy(acc.at[pl.ds(s * ch, ch)],
                            outh_hbm.at[c, pl.ds(s * ch, ch)])
            pltpu.sync_copy(accd.at[pl.ds(s * ch, ch)],
                            outd_hbm.at[c, pl.ds(s * ch, ch)])

        @pl.when(s == _NS - 1)
        def _():
            pltpu.sync_copy(acc.at[pl.ds((_NS - 1) * ch, last)],
                            outh_hbm.at[c, pl.ds((_NS - 1) * ch, last)])
            pltpu.sync_copy(accd.at[pl.ds((_NS - 1) * ch, last)],
                            outd_hbm.at[c, pl.ds((_NS - 1) * ch, last)])

    return k(e_arr, d_arr, dst, midx, b, m_cat, zacc, zn)



def kernel(feature, sp_embeddings, edge_index, edge_order, linear, attn_W,
           mlp_W, mlp_b, bn_gamma, bn_beta):
    n, din = feature.shape
    e = edge_index.shape[1]
    src = edge_index[0]
    dst = edge_index[1]

    wb = attn_W.astype(jnp.bfloat16).astype(jnp.float32)
    q, m0, m1 = _tc1(feature, wb, linear, n_blk=10, blk=n // 10)
    m_cat = jnp.concatenate([m0, m1], axis=0)
    midx = src + n * edge_order

    e_arr, d_arr, den4 = _sc_edge_pass(q, sp_embeddings, src, dst, n)

    b = _tc3(den4.reshape(_NC, n // 125, 125)).reshape(n)

    zacc = jnp.zeros((n, 128), jnp.float32)
    zn = jnp.zeros((n,), jnp.float32)
    acc, accd = _sc_message_pass(e_arr, d_arr, dst, midx, b, m_cat, zacc, zn)

    return _tc4(acc[0], acc[1], accd.T, feature, mlp_W, mlp_b,
                bn_gamma, bn_beta)

# --- scband reference (transcript-rebuilt; emitter-appended) ---
"""Pipeline reference for scband-aspgatlayer-56684978372728 (READ-ONLY COPY).

The authoritative reference and input builder live on the scoring server;
editing this copy changes nothing except your own understanding.
"""

import jax, jax.numpy as jnp
import numpy as np

N = 10000
E = 320000
IN = 128
OUT = 128
EMB = 16
KORD = 1


def setup_inputs(seed: int = 0) -> dict:
    key = jax.random.key(seed)
    ks = jax.random.split(key, 10)
    feature = jax.random.normal(ks[0], (N, IN), dtype=jnp.float32)
    sp_embeddings = jax.random.normal(ks[1], (N, EMB), dtype=jnp.float32)
    edge_index = jax.random.randint(ks[2], (2, E), 0, N, dtype=jnp.int32)
    edge_order = jax.random.randint(ks[3], (E,), 0, KORD + 1, dtype=jnp.int32)
    # xavier_normal init for linear [k_order+1, in, out]
    xav_std = float(np.sqrt(2.0 / (IN + OUT)))
    linear = jax.random.normal(ks[4], (KORD + 1, IN, OUT), dtype=jnp.float32) * xav_std
    # attention Linear(EMB, OUT, bias=False): stored as [EMB, OUT] so proj = x @ attn_W
    attn_W = jax.random.normal(ks[5], (EMB, OUT), dtype=jnp.float32) * (1.0 / np.sqrt(EMB))
    # mlp Linear(OUT, OUT)
    mlp_W = jax.random.normal(ks[6], (OUT, OUT), dtype=jnp.float32) * (1.0 / np.sqrt(OUT))
    mlp_b = jax.random.normal(ks[7], (OUT,), dtype=jnp.float32) * 0.01
    # BatchNorm1d affine params
    bn_gamma = jnp.ones((OUT,), dtype=jnp.float32)
    bn_beta = jnp.zeros((OUT,), dtype=jnp.float32)
    return {
        "feature": feature,
        "sp_embeddings": sp_embeddings,
        "edge_index": edge_index,
        "edge_order": edge_order,
        "linear": linear,
        "attn_W": attn_W,
        "mlp_W": mlp_W,
        "mlp_b": mlp_b,
        "bn_gamma": bn_gamma,
        "bn_beta": bn_beta,
    }


def reference(feature, sp_embeddings, edge_index, edge_order, linear, attn_W, mlp_W, mlp_b, bn_gamma, bn_beta):
    src = edge_index[0]
    dst = edge_index[1]
    # edge_att
    diff = sp_embeddings[src] - sp_embeddings[dst]            # [E, EMB]
    h_src = feature[src]                                      # [E, IN]
    e = jnp.sum((diff @ attn_W) * h_src, axis=1)              # [E]
    d = 1.0 / (jnp.sum(diff * diff, axis=1) + 1.0)            # [E] (= 1/(||diff||_2^2 + 1))
    # msg_fun: einsum('bij,bi->bj', linear[order], h_src), computed per-order then selected
    msgs = jnp.einsum('ei,kij->kej', h_src, linear)           # [K+1, E, OUT]
    msg = jnp.take_along_axis(msgs, edge_order[None, :, None].astype(jnp.int32), axis=0)[0]  # [E, OUT]
    # agg_fun: per-dst softmax over 'e', weight by invdist 'd', sum messages
    seg_max = jax.ops.segment_max(e, dst, num_segments=N)
    seg_max = jnp.where(jnp.isfinite(seg_max), seg_max, 0.0)
    ex = jnp.exp(e - seg_max[dst])
    denom = jax.ops.segment_sum(ex, dst, num_segments=N)
    alpha = ex / denom[dst]
    h_agg = jax.ops.segment_sum((alpha * d)[:, None] * msg, dst, num_segments=N)  # [N, OUT]
    # DGL update_all leaves zero-in-degree nodes untouched (keep feature)
    deg = jax.ops.segment_sum(jnp.ones_like(e), dst, num_segments=N)
    h_agg = jnp.where((deg > 0)[:, None], h_agg, feature)
    # mlp: Linear -> ReLU -> BatchNorm1d (training-mode batch stats, eps=1e-5)
    x = h_agg @ mlp_W + mlp_b
    x = jax.nn.relu(x)
    mean = jnp.mean(x, axis=0)
    var = jnp.var(x, axis=0)
    out = bn_gamma * (x - mean) / jnp.sqrt(var + 1e-5) + bn_beta
    # shortcut=False -> no residual
    return out

if __name__ == "__main__":
    import jax
    _d = setup_inputs()
    print(jax.jit(kernel)(*tuple(_d.values())))

</pallas_src>

<mosaic_0001>
#map = affine_map<(d0, d1) -> (0, 0)>
#map1 = affine_map<(d0, d1) -> (0)>
module attributes {stable_mosaic.version = 14 : i64} {
  func.func @k(%arg0: i32, %arg1: i32, %arg2: memref<10000x16xf32, #tpu.memory_space<hbm>>, %arg3: memref<10000x16xf32, #tpu.memory_space<hbm>>, %arg4: memref<320000xi32, #tpu.memory_space<hbm>>, %arg5: memref<320000xi32, #tpu.memory_space<hbm>>, %arg6: memref<320000xf32, #tpu.memory_space<hbm>>, %arg7: memref<320000xf32, #tpu.memory_space<hbm>>, %arg8: memref<2x10000xf32, #tpu.memory_space<hbm>>, %arg9: memref<128xi32, #tpu.memory_space<vmem>>, %arg10: memref<128xi32, #tpu.memory_space<vmem>>, %arg11: memref<128x16xf32, #tpu.memory_space<vmem>>, %arg12: memref<128x16xf32, #tpu.memory_space<vmem>>, %arg13: memref<128x16xf32, #tpu.memory_space<vmem>>, %arg14: memref<128xf32, #tpu.memory_space<vmem>>, %arg15: memref<128xf32, #tpu.memory_space<vmem>>, %arg16: memref<128xf32, #tpu.memory_space<vmem>>, %arg17: memref<640xf32, #tpu.memory_space<vmem>>, %arg18: memref<10000xf32, #tpu.memory_space<vmem_shared>>, %arg19: memref<!tpu.dma_semaphore, #tpu.memory_space<semaphore_mem>>) attributes {dimension_semantics = [#tpu.dimension_semantics<core_parallel>, #tpu.dimension_semantics<subcore_parallel>], iteration_bounds = array<i64: 2, 16>, scalar_prefetch = 0 : i64, scratch_operands = 11 : i64, tpu.core_type = #tpu.core_type<sc_vector_subcore>, window_params = [{transform_indices = #map}, {transform_indices = #map}, {transform_indices = #map1}, {transform_indices = #map1}, {transform_indices = #map1}, {transform_indices = #map1}, {transform_indices = #map}]} {
    %mul3A = arith.constant 2 : i32
    %mul3A_0 = arith.muli %arg1, %mul3A : i32
    %add3A = arith.addi %mul3A_0, %arg0 : i32
    %lt3A = arith.constant 4 : i32
    %lt3A_1 = arith.cmpi slt, %add3A, %lt3A : i32
    %jit3A = arith.constant 1 : i32
    %jit3A_2 = arith.constant 0 : i32
    %select_n3A = arith.select %lt3A_1, %jit3A, %jit3A_2 : i32
    %add3A_3 = arith.constant 78 : i32
    %add3A_4 = arith.addi %add3A_3, %select_n3A : i32
    %mul3A_5 = arith.constant 78 : i32
    %mul3A_6 = arith.muli %mul3A_5, %add3A : i32
    %min3A = arith.constant 4 : i32
    %min3A_7 = arith.minsi %add3A, %min3A : i32
    %add3A_8 = arith.addi %mul3A_6, %min3A_7 : i32
    %broadcast_in_dim3A = arith.constant 0.000000e+00 : f32
    %broadcast_in_dim3A_9 = vector.broadcast %broadcast_in_dim3A : f32 to vector<16xf32>
    %swap3A = arith.constant 0 : index
    %swap3A_10 = tpu.vector_load %arg17[%swap3A] {strides = array<i32>} : memref<640xf32, #tpu.memory_space<vmem>>, vector<16xf32>,
    tpu.vector_store %arg17[%swap3A], %broadcast_in_dim3A_9 {strides = array<i32>} : memref<640xf32, #tpu.memory_space<vmem>>, vector<16xf32>,
    %swap3A_11 = arith.constant 16 : index
    %swap3A_12 = tpu.vector_load %arg17[%swap3A_11] {strides = array<i32>} : memref<640xf32, #tpu.memory_space<vmem>>, vector<16xf32>,
    tpu.vector_store %arg17[%swap3A_11], %broadcast_in_dim3A_9 {strides = array<i32>} : memref<640xf32, #tpu.memory_space<vmem>>, vector<16xf32>,
    %swap3A_13 = arith.constant 32 : index
    %swap3A_14 = tpu.vector_load %arg17[%swap3A_13] {strides = array<i32>} : memref<640xf32, #tpu.memory_space<vmem>>, vector<16xf32>,
    tpu.vector_store %arg17[%swap3A_13], %broadcast_in_dim3A_9 {strides = array<i32>} : memref<640xf32, #tpu.memory_space<vmem>>, vector<16xf32>,
    %swap3A_15 = arith.constant 48 : index
    %swap3A_16 = tpu.vector_load %arg17[%swap3A_15] {strides = array<i32>} : memref<640xf32, #tpu.memory_space<vmem>>, vector<16xf32>,
    tpu.vector_store %arg17[%swap3A_15], %broadcast_in_dim3A_9 {strides = array<i32>} : memref<640xf32, #tpu.memory_space<vmem>>, vector<16xf32>,
    %swap3A_17 = arith.constant 64 : index
    %swap3A_18 = tpu.vector_load %arg17[%swap3A_17] {strides = array<i32>} : memref<640xf32, #tpu.memory_space<vmem>>, vector<16xf32>,
    tpu.vector_store %arg17[%swap3A_17], %broadcast_in_dim3A_9 {strides = array<i32>} : memref<640xf32, #tpu.memory_space<vmem>>, vector<16xf32>,
    %swap3A_19 = arith.constant 80 : index
    %swap3A_20 = tpu.vector_load %arg17[%swap3A_19] {strides = array<i32>} : memref<640xf32, #tpu.memory_space<vmem>>, vector<16xf32>,
    tpu.vector_store %arg17[%swap3A_19], %broadcast_in_dim3A_9 {strides = array<i32>} : memref<640xf32, #tpu.memory_space<vmem>>, vector<16xf32>,
    %swap3A_21 = arith.constant 96 : index
    %swap3A_22 = tpu.vector_load %arg17[%swap3A_21] {strides = array<i32>} : memref<640xf32, #tpu.memory_space<vmem>>, vector<16xf32>,
    tpu.vector_store %arg17[%swap3A_21], %broadcast_in_dim3A_9 {strides = array<i32>} : memref<640xf32, #tpu.memory_space<vmem>>, vector<16xf32>,
    %swap3A_23 = arith.constant 112 : index
    %swap3A_24 = tpu.vector_load %arg17[%swap3A_23] {strides = array<i32>} : memref<640xf32, #tpu.memory_space<vmem>>, vector<16xf32>,
    tpu.vector_store %arg17[%swap3A_23], %broadcast_in_dim3A_9 {strides = array<i32>} : memref<640xf32, #tpu.memory_space<vmem>>, vector<16xf32>,
    %swap3A_25 = arith.constant 128 : index
    %swap3A_26 = tpu.vector_load %arg17[%swap3A_25] {strides = array<i32>} : memref<640xf32, #tpu.memory_space<vmem>>, vector<16xf32>,
    tpu.vector_store %arg17[%swap3A_25], %broadcast_in_dim3A_9 {strides = array<i32>} : memref<640xf32, #tpu.memory_space<vmem>>, vector<16xf32>,
    %swap3A_27 = arith.constant 144 : index
    %swap3A_28 = tpu.vector_load %arg17[%swap3A_27] {strides = array<i32>} : memref<640xf32, #tpu.memory_space<vmem>>, vector<16xf32>,
    tpu.vector_store %arg17[%swap3A_27], %broadcast_in_dim3A_9 {strides = array<i32>} : memref<640xf32, #tpu.memory_space<vmem>>, vector<16xf32>,
    %swap3A_29 = arith.constant 160 : index
    %swap3A_30 = tpu.vector_load %arg17[%swap3A_29] {strides = array<i32>} : memref<640xf32, #tpu.memory_space<vmem>>, vector<16xf32>,
    tpu.vector_store %arg17[%swap3A_29], %broadcast_in_dim3A_9 {strides = array<i32>} : memref<640xf32, #tpu.memory_space<vmem>>, vector<16xf32>,
    %swap3A_31 = arith.constant 176 : index
    %swap3A_32 = tpu.vector_load %arg17[%swap3A_31] {strides = array<i32>} : memref<640xf32, #tpu.memory_space<vmem>>, vector<16xf32>,
    tpu.vector_store %arg17[%swap3A_31], %broadcast_in_dim3A_9 {strides = array<i32>} : memref<640xf32, #tpu.memory_space<vmem>>, vector<16xf32>,
    %swap3A_33 = arith.constant 192 : index
    %swap3A_34 = tpu.vector_load %arg17[%swap3A_33] {strides = array<i32>} : memref<640xf32, #tpu.memory_space<vmem>>, vector<16xf32>,
    tpu.vector_store %arg17[%swap3A_33], %broadcast_in_dim3A_9 {strides = array<i32>} : memref<640xf32, #tpu.memory_space<vmem>>, vector<16xf32>,
    %swap3A_35 = arith.constant 208 : index
    %swap3A_36 = tpu.vector_load %arg17[%swap3A_35] {strides = array<i32>} : memref<640xf32, #tpu.memory_space<vmem>>, vector<16xf32>,
    tpu.vector_store %arg17[%swap3A_35], %broadcast_in_dim3A_9 {strides = array<i32>} : memref<640xf32, #tpu.memory_space<vmem>>, vector<16xf32>,
    %swap3A_37 = arith.constant 224 : index
    %swap3A_38 = tpu.vector_load %arg17[%swap3A_37] {strides = array<i32>} : memref<640xf32, #tpu.memory_space<vmem>>, vector<16xf32>,
    tpu.vector_store %arg17[%swap3A_37], %broadcast_in_dim3A_9 {strides = array<i32>} : memref<640xf32, #tpu.memory_space<vmem>>, vector<16xf32>,
    %swap3A_39 = arith.constant 240 : index
    %swap3A_40 = tpu.vector_load %arg17[%swap3A_39] {strides = array<i32>} : memref<640xf32, #tpu.memory_space<vmem>>, vector<16xf32>,
    tpu.vector_store %arg17[%swap3A_39], %broadcast_in_dim3A_9 {strides = array<i32>} : memref<640xf32, #tpu.memory_space<vmem>>, vector<16xf32>,
    %swap3A_41 = arith.constant 256 : index
    %swap3A_42 = tpu.vector_load %arg17[%swap3A_41] {strides = array<i32>} : memref<640xf32, #tpu.memory_space<vmem>>, vector<16xf32>,
    tpu.vector_store %arg17[%swap3A_41], %broadcast_in_dim3A_9 {strides = array<i32>} : memref<640xf32, #tpu.memory_space<vmem>>, vector<16xf32>,
    %swap3A_43 = arith.constant 272 : index
    %swap3A_44 = tpu.vector_load %arg17[%swap3A_43] {strides = array<i32>} : memref<640xf32, #tpu.memory_space<vmem>>, vector<16xf32>,
    tpu.vector_store %arg17[%swap3A_43], %broadcast_in_dim3A_9 {strides = array<i32>} : memref<640xf32, #tpu.memory_space<vmem>>, vector<16xf32>,
    %swap3A_45 = arith.constant 288 : index
    %swap3A_46 = tpu.vector_load %arg17[%swap3A_45] {strides = array<i32>} : memref<640xf32, #tpu.memory_space<vmem>>, vector<16xf32>,
    tpu.vector_store %arg17[%swap3A_45], %broadcast_in_dim3A_9 {strides = array<i32>} : memref<640xf32, #tpu.memory_space<vmem>>, vector<16xf32>,
    %swap3A_47 = arith.constant 304 : index
    %swap3A_48 = tpu.vector_load %arg17[%swap3A_47] {strides = array<i32>} : memref<640xf32, #tpu.memory_space<vmem>>, vector<16xf32>,
    tpu.vector_store %arg17[%swap3A_47], %broadcast_in_dim3A_9 {strides = array<i32>} : memref<640xf32, #tpu.memory_space<vmem>>, vector<16xf32>,
    %swap3A_49 = arith.constant 320 : index
    %swap3A_50 = tpu.vector_load %arg17[%swap3A_49] {strides = array<i32>} : memref<640xf32, #tpu.memory_space<vmem>>, vector<16xf32>,
    tpu.vector_store %arg17[%swap3A_49], %broadcast_in_dim3A_9 {strides = array<i32>} : memref<640xf32, #tpu.memory_space<vmem>>, vector<16xf32>,
    %swap3A_51 = arith.constant 336 : index
    %swap3A_52 = tpu.vector_load %arg17[%swap3A_51] {strides = array<i32>} : memref<640xf32, #tpu.memory_space<vmem>>, vector<16xf32>,
    tpu.vector_store %arg17[%swap3A_51], %broadcast_in_dim3A_9 {strides = array<i32>} : memref<640xf32, #tpu.memory_space<vmem>>, vector<16xf32>,
    %swap3A_53 = arith.constant 352 : index
    %swap3A_54 = tpu.vector_load %arg17[%swap3A_53] {strides = array<i32>} : memref<640xf32, #tpu.memory_space<vmem>>, vector<16xf32>,
    tpu.vector_store %arg17[%swap3A_53], %broadcast_in_dim3A_9 {strides = array<i32>} : memref<640xf32, #tpu.memory_space<vmem>>, vector<16xf32>,
    %swap3A_55 = arith.constant 368 : index
    %swap3A_56 = tpu.vector_load %arg17[%swap3A_55] {strides = array<i32>} : memref<640xf32, #tpu.memory_space<vmem>>, vector<16xf32>,
    tpu.vector_store %arg17[%swap3A_55], %broadcast_in_dim3A_9 {strides = array<i32>} : memref<640xf32, #tpu.memory_space<vmem>>, vector<16xf32>,
    %swap3A_57 = arith.constant 384 : index
    %swap3A_58 = tpu.vector_load %arg17[%swap3A_57] {strides = array<i32>} : memref<640xf32, #tpu.memory_space<vmem>>, vector<16xf32>,
    tpu.vector_store %arg17[%swap3A_57], %broadcast_in_dim3A_9 {strides = array<i32>} : memref<640xf32, #tpu.memory_space<vmem>>, vector<16xf32>,
    %swap3A_59 = arith.constant 400 : index
    %swap3A_60 = tpu.vector_load %arg17[%swap3A_59] {strides = array<i32>} : memref<640xf32, #tpu.memory_space<vmem>>, vector<16xf32>,
    tpu.vector_store %arg17[%swap3A_59], %broadcast_in_dim3A_9 {strides = array<i32>} : memref<640xf32, #tpu.memory_space<vmem>>, vector<16xf32>,
    %swap3A_61 = arith.constant 416 : index
    %swap3A_62 = tpu.vector_load %arg17[%swap3A_61] {strides = array<i32>} : memref<640xf32, #tpu.memory_space<vmem>>, vector<16xf32>,
    tpu.vector_store %arg17[%swap3A_61], %broadcast_in_dim3A_9 {strides = array<i32>} : memref<640xf32, #tpu.memory_space<vmem>>, vector<16xf32>,
    %swap3A_63 = arith.constant 432 : index
    %swap3A_64 = tpu.vector_load %arg17[%swap3A_63] {strides = array<i32>} : memref<640xf32, #tpu.memory_space<vmem>>, vector<16xf32>,
    tpu.vector_store %arg17[%swap3A_63], %broadcast_in_dim3A_9 {strides = array<i32>} : memref<640xf32, #tpu.memory_space<vmem>>, vector<16xf32>,
    %swap3A_65 = arith.constant 448 : index
    %swap3A_66 = tpu.vector_load %arg17[%swap3A_65] {strides = array<i32>} : memref<640xf32, #tpu.memory_space<vmem>>, vector<16xf32>,
    tpu.vector_store %arg17[%swap3A_65], %broadcast_in_dim3A_9 {strides = array<i32>} : memref<640xf32, #tpu.memory_space<vmem>>, vector<16xf32>,
    %swap3A_67 = arith.constant 464 : index
    %swap3A_68 = tpu.vector_load %arg17[%swap3A_67] {strides = array<i32>} : memref<640xf32, #tpu.memory_space<vmem>>, vector<16xf32>,
    tpu.vector_store %arg17[%swap3A_67], %broadcast_in_dim3A_9 {strides = array<i32>} : memref<640xf32, #tpu.memory_space<vmem>>, vector<16xf32>,
    %swap3A_69 = arith.constant 480 : index
    %swap3A_70 = tpu.vector_load %arg17[%swap3A_69] {strides = array<i32>} : memref<640xf32, #tpu.memory_space<vmem>>, vector<16xf32>,
    tpu.vector_store %arg17[%swap3A_69], %broadcast_in_dim3A_9 {strides = array<i32>} : memref<640xf32, #tpu.memory_space<vmem>>, vector<16xf32>,
    %swap3A_71 = arith.constant 496 : index
    %swap3A_72 = tpu.vector_load %arg17[%swap3A_71] {strides = array<i32>} : memref<640xf32, #tpu.memory_space<vmem>>, vector<16xf32>,
    tpu.vector_store %arg17[%swap3A_71], %broadcast_in_dim3A_9 {strides = array<i32>} : memref<640xf32, #tpu.memory_space<vmem>>, vector<16xf32>,
    %swap3A_73 = arith.constant 512 : index
    %swap3A_74 = tpu.vector_load %arg17[%swap3A_73] {strides = array<i32>} : memref<640xf32, #tpu.memory_space<vmem>>, vector<16xf32>,
    tpu.vector_store %arg17[%swap3A_73], %broadcast_in_dim3A_9 {strides = array<i32>} : memref<640xf32, #tpu.memory_space<vmem>>, vector<16xf32>,
    %swap3A_75 = arith.constant 528 : index
    %swap3A_76 = tpu.vector_load %arg17[%swap3A_75] {strides = array<i32>} : memref<640xf32, #tpu.memory_space<vmem>>, vector<16xf32>,
    tpu.vector_store %arg17[%swap3A_75], %broadcast_in_dim3A_9 {strides = array<i32>} : memref<640xf32, #tpu.memory_space<vmem>>, vector<16xf32>,
    %swap3A_77 = arith.constant 544 : index
    %swap3A_78 = tpu.vector_load %arg17[%swap3A_77] {strides = array<i32>} : memref<640xf32, #tpu.memory_space<vmem>>, vector<16xf32>,
    tpu.vector_store %arg17[%swap3A_77], %broadcast_in_dim3A_9 {strides = array<i32>} : memref<640xf32, #tpu.memory_space<vmem>>, vector<16xf32>,
    %swap3A_79 = arith.constant 560 : index
    %swap3A_80 = tpu.vector_load %arg17[%swap3A_79] {strides = array<i32>} : memref<640xf32, #tpu.memory_space<vmem>>, vector<16xf32>,
    tpu.vector_store %arg17[%swap3A_79], %broadcast_in_dim3A_9 {strides = array<i32>} : memref<640xf32, #tpu.memory_space<vmem>>, vector<16xf32>,
    %swap3A_81 = arith.constant 576 : index
    %swap3A_82 = tpu.vector_load %arg17[%swap3A_81] {strides = array<i32>} : memref<640xf32, #tpu.memory_space<vmem>>, vector<16xf32>,
    tpu.vector_store %arg17[%swap3A_81], %broadcast_in_dim3A_9 {strides = array<i32>} : memref<640xf32, #tpu.memory_space<vmem>>, vector<16xf32>,
    %swap3A_83 = arith.constant 592 : index
    %swap3A_84 = tpu.vector_load %arg17[%swap3A_83] {strides = array<i32>} : memref<640xf32, #tpu.memory_space<vmem>>, vector<16xf32>,
    tpu.vector_store %arg17[%swap3A_83], %broadcast_in_dim3A_9 {strides = array<i32>} : memref<640xf32, #tpu.memory_space<vmem>>, vector<16xf32>,
    %swap3A_85 = arith.constant 608 : index
    %swap3A_86 = tpu.vector_load %arg17[%swap3A_85] {strides = array<i32>} : memref<640xf32, #tpu.memory_space<vmem>>, vector<16xf32>,
    tpu.vector_store %arg17[%swap3A_85], %broadcast_in_dim3A_9 {strides = array<i32>} : memref<640xf32, #tpu.memory_space<vmem>>, vector<16xf32>,
    %swap3A_87 = arith.constant 624 : index
    %swap3A_88 = tpu.vector_load %arg17[%swap3A_87] {strides = array<i32>} : memref<640xf32, #tpu.memory_space<vmem>>, vector<16xf32>,
    tpu.vector_store %arg17[%swap3A_87], %broadcast_in_dim3A_9 {strides = array<i32>} : memref<640xf32, #tpu.memory_space<vmem>>, vector<16xf32>,
    %lt3A_89 = arith.constant 15 : i32
    %lt3A_90 = arith.cmpi slt, %arg1, %lt3A_89 : i32
    %convert_element_type3A = arith.extui %lt3A_90 : i1 to i32
    %cond3A = arith.constant 0 : i32
    %cond3A_91 = arith.cmpi ne, %convert_element_type3A, %cond3A : i32
    scf.if %cond3A_91 {
      %mul3A_116 = arith.constant 632 : i32
      %mul3A_117 = arith.muli %arg1, %mul3A_116 : i32
      "tpu.region"() ({
        %run_scoped3A = tpu.sem_alloc : memref<!tpu.dma_semaphore, #tpu.memory_space<semaphore_mem>>
        %dma_start3A = arith.constant 0 : i32
        %dma_start3A_118 = tpu.memref_slice %arg17[%dma_start3A] : memref<640xf32, #tpu.memory_space<vmem>> -> memref<632xf32, #tpu.memory_space<vmem>>
        %dma_start3A_119 = tpu.memref_slice %arg18[%mul3A_117] : memref<10000xf32, #tpu.memory_space<vmem_shared>> -> memref<632xf32, #tpu.memory_space<vmem_shared>>
        %dma_start3A_120 = tpu.memref_slice %arg18[%mul3A_117] : memref<10000xf32, #tpu.memory_space<vmem_shared>> -> memref<632xf32, #tpu.memory_space<vmem_shared>>
        %dma_start3A_121 = arith.constant 0 : i32
        %dma_start3A_122 = tpu.memref_slice %arg17[%dma_start3A_121] : memref<640xf32, #tpu.memory_space<vmem>> -> memref<632xf32, #tpu.memory_space<vmem>>
        tpu.enqueue_dma source(%dma_start3A_122 : memref<632xf32, #tpu.memory_space<vmem>>) target(%dma_start3A_120 : memref<632xf32, #tpu.memory_space<vmem_shared>>) target_semaphore(%run_scoped3A : memref<!tpu.dma_semaphore, #tpu.memory_space<semaphore_mem>>)
        %dma_wait3A = arith.constant 0 : i32
        %dma_wait3A_123 = tpu.memref_slice %arg17[%dma_wait3A] : memref<640xf32, #tpu.memory_space<vmem>> -> memref<632xf32, #tpu.memory_space<vmem>>
        %dma_wait3A_124 = tpu.memref_slice %arg18[%mul3A_117] : memref<10000xf32, #tpu.memory_space<vmem_shared>> -> memref<632xf32, #tpu.memory_space<vmem_shared>>
        %dma_wait3A_125 = tpu.memref_slice %arg18[%mul3A_117] : memref<10000xf32, #tpu.memory_space<vmem_shared>> -> memref<632xf32, #tpu.memory_space<vmem_shared>>
        %dma_wait3A_126 = arith.constant 0 : i32
        %dma_wait3A_127 = tpu.memref_slice %arg17[%dma_wait3A_126] : memref<640xf32, #tpu.memory_space<vmem>> -> memref<632xf32, #tpu.memory_space<vmem>>
        tpu.wait_dma2 semaphore(%run_scoped3A : memref<!tpu.dma_semaphore, #tpu.memory_space<semaphore_mem>>) src(%dma_wait3A_127 : memref<632xf32, #tpu.memory_space<vmem>>) dst(%dma_wait3A_125 : memref<632xf32, #tpu.memory_space<vmem_shared>>)
        tpu.yield
      }) : () -> ()
    } else {
    }
    %eq3A = arith.constant 15 : i32
    %eq3A_92 = arith.cmpi eq, %arg1, %eq3A : i32
    %convert_element_type3A_93 = arith.extui %eq3A_92 : i1 to i32
    %cond3A_94 = arith.constant 0 : i32
    %cond3A_95 = arith.cmpi ne, %convert_element_type3A_93, %cond3A_94 : i32
    scf.if %cond3A_95 {
      "tpu.region"() ({
        %run_scoped3A = tpu.sem_alloc : memref<!tpu.dma_semaphore, #tpu.memory_space<semaphore_mem>>
        %dma_start3A = arith.constant 0 : i32
        %dma_start3A_116 = tpu.memref_slice %arg17[%dma_start3A] : memref<640xf32, #tpu.memory_space<vmem>> -> memref<520xf32, #tpu.memory_space<vmem>>
        %dma_start3A_117 = arith.constant 9480 : i32
        %dma_start3A_118 = tpu.memref_slice %arg18[%dma_start3A_117] : memref<10000xf32, #tpu.memory_space<vmem_shared>> -> memref<520xf32, #tpu.memory_space<vmem_shared>>
        %dma_start3A_119 = arith.constant 9480 : i32
        %dma_start3A_120 = tpu.memref_slice %arg18[%dma_start3A_119] : memref<10000xf32, #tpu.memory_space<vmem_shared>> -> memref<520xf32, #tpu.memory_space<vmem_shared>>
        %dma_start3A_121 = arith.constant 0 : i32
        %dma_start3A_122 = tpu.memref_slice %arg17[%dma_start3A_121] : memref<640xf32, #tpu.memory_space<vmem>> -> memref<520xf32, #tpu.memory_space<vmem>>
        tpu.enqueue_dma source(%dma_start3A_122 : memref<520xf32, #tpu.memory_space<vmem>>) target(%dma_start3A_120 : memref<520xf32, #tpu.memory_space<vmem_shared>>) target_semaphore(%run_scoped3A : memref<!tpu.dma_semaphore, #tpu.memory_space<semaphore_mem>>)
        %dma_wait3A = arith.constant 0 : i32
        %dma_wait3A_123 = tpu.memref_slice %arg17[%dma_wait3A] : memref<640xf32, #tpu.memory_space<vmem>> -> memref<520xf32, #tpu.memory_space<vmem>>
        %dma_wait3A_124 = arith.constant 9480 : i32
        %dma_wait3A_125 = tpu.memref_slice %arg18[%dma_wait3A_124] : memref<10000xf32, #tpu.memory_space<vmem_shared>> -> memref<520xf32, #tpu.memory_space<vmem_shared>>
        %dma_wait3A_126 = arith.constant 9480 : i32
        %dma_wait3A_127 = tpu.memref_slice %arg18[%dma_wait3A_126] : memref<10000xf32, #tpu.memory_space<vmem_shared>> -> memref<520xf32, #tpu.memory_space<vmem_shared>>
        %dma_wait3A_128 = arith.constant 0 : i32
        %dma_wait3A_129 = tpu.memref_slice %arg17[%dma_wait3A_128] : memref<640xf32, #tpu.memory_space<vmem>> -> memref<520xf32, #tpu.memory_space<vmem>>
        tpu.wait_dma2 semaphore(%run_scoped3A : memref<!tpu.dma_semaphore, #tpu.memory_space<semaphore_mem>>) src(%dma_wait3A_129 : memref<520xf32, #tpu.memory_space<vmem>>) dst(%dma_wait3A_127 : memref<520xf32, #tpu.memory_space<vmem_shared>>)
        tpu.yield
      }) : () -> ()
    } else {
    }
    %barrier3A = arith.constant 0 : index
    tpu.barrier barrier_id(%barrier3A)
    %iota3A = tpu.iota {dimensions = array<i32: 0>} : vector<16xi32>
    %while3A = arith.constant 0 : i32
    %while3A_96 = arith.constant 0 : i32
    %while3A_97 = arith.subi %add3A_4, %while3A_96 : i32
    %while3A_98 = arith.addi %while3A_96, %while3A_97 : i32
    %while3A_99 = arith.constant 1 : i32
    %while3A_100 = arith.divsi %while3A_97, %while3A_99 : i32
    %while3A_101 = arith.muli %while3A_100, %while3A_99 : i32
    %while3A_102 = arith.addi %while3A_96, %while3A_101 : i32
    %while3A_103 = arith.constant 1 : i32
    scf.for %while3A_116 = %while3A_96 to %while3A_102 step %while3A_103  : i32 {
      %add3A_117 = arith.addi %add3A_8, %while3A_116 : i32
      %mul3A_118 = arith.constant 128 : i32
      %mul3A_119 = arith.muli %add3A_117, %mul3A_118 : i32
      "tpu.region"() ({
        %run_scoped3A = tpu.sem_alloc : memref<!tpu.dma_semaphore, #tpu.memory_space<semaphore_mem>>
        %dma_start3A_141 = tpu.memref_slice %arg4[%mul3A_119] : memref<320000xi32, #tpu.memory_space<hbm>> -> memref<128xi32, #tpu.memory_space<hbm>>
        %dma_start3A_142 = tpu.memref_slice %arg4[%mul3A_119] : memref<320000xi32, #tpu.memory_space<hbm>> -> memref<128xi32, #tpu.memory_space<hbm>>
        tpu.enqueue_dma source(%dma_start3A_142 : memref<128xi32, #tpu.memory_space<hbm>>) target(%arg9 : memref<128xi32, #tpu.memory_space<vmem>>) target_semaphore(%run_scoped3A : memref<!tpu.dma_semaphore, #tpu.memory_space<semaphore_mem>>)
        %dma_wait3A_143 = tpu.memref_slice %arg4[%mul3A_119] : memref<320000xi32, #tpu.memory_space<hbm>> -> memref<128xi32, #tpu.memory_space<hbm>>
        %dma_wait3A_144 = tpu.memref_slice %arg4[%mul3A_119] : memref<320000xi32, #tpu.memory_space<hbm>> -> memref<128xi32, #tpu.memory_space<hbm>>
        tpu.wait_dma2 semaphore(%run_scoped3A : memref<!tpu.dma_semaphore, #tpu.memory_space<semaphore_mem>>) src(%dma_wait3A_144 : memref<128xi32, #tpu.memory_space<hbm>>) dst(%arg9 : memref<128xi32, #tpu.memory_space<vmem>>)
        tpu.yield
      }) : () -> ()
      "tpu.region"() ({
        %run_scoped3A = tpu.sem_alloc : memref<!tpu.dma_semaphore, #tpu.memory_space<semaphore_mem>>
        %dma_start3A_141 = tpu.memref_slice %arg5[%mul3A_119] : memref<320000xi32, #tpu.memory_space<hbm>> -> memref<128xi32, #tpu.memory_space<hbm>>
        %dma_start3A_142 = tpu.memref_slice %arg5[%mul3A_119] : memref<320000xi32, #tpu.memory_space<hbm>> -> memref<128xi32, #tpu.memory_space<hbm>>
        tpu.enqueue_dma source(%dma_start3A_142 : memref<128xi32, #tpu.memory_space<hbm>>) target(%arg10 : memref<128xi32, #tpu.memory_space<vmem>>) target_semaphore(%run_scoped3A : memref<!tpu.dma_semaphore, #tpu.memory_space<semaphore_mem>>)
        %dma_wait3A_143 = tpu.memref_slice %arg5[%mul3A_119] : memref<320000xi32, #tpu.memory_space<hbm>> -> memref<128xi32, #tpu.memory_space<hbm>>
        %dma_wait3A_144 = tpu.memref_slice %arg5[%mul3A_119] : memref<320000xi32, #tpu.memory_space<hbm>> -> memref<128xi32, #tpu.memory_space<hbm>>
        tpu.wait_dma2 semaphore(%run_scoped3A : memref<!tpu.dma_semaphore, #tpu.memory_space<semaphore_mem>>) src(%dma_wait3A_144 : memref<128xi32, #tpu.memory_space<hbm>>) dst(%arg10 : memref<128xi32, #tpu.memory_space<vmem>>)
        tpu.yield
      }) : () -> ()
      %dma_start3A = arith.constant 0 : i32
      %dma_start3A_120 = arith.constant 0 : i32
      %dma_start3A_121 = tpu.memref_slice %arg2[%dma_start3A, %dma_start3A_120] : memref<10000x16xf32, #tpu.memory_space<hbm>> -> memref<10000x16xf32, #tpu.memory_space<hbm>>
      tpu.enqueue_indirect_dma source(%dma_start3A_121 : memref<10000x16xf32, #tpu.memory_space<hbm>>) target(%arg11 : memref<128x16xf32, #tpu.memory_space<vmem>>) offsets(%arg9 : memref<128xi32, #tpu.memory_space<vmem>>) semaphore(%arg19 : memref<!tpu.dma_semaphore, #tpu.memory_space<semaphore_mem>>)
      %dma_wait3A = arith.constant 0 : i32
      %dma_wait3A_122 = arith.constant 0 : i32
      %dma_wait3A_123 = tpu.memref_slice %arg2[%dma_wait3A, %dma_wait3A_122] : memref<10000x16xf32, #tpu.memory_space<hbm>> -> memref<10000x16xf32, #tpu.memory_space<hbm>>
      tpu.wait_indirect_dma semaphore(%arg19 : memref<!tpu.dma_semaphore, #tpu.memory_space<semaphore_mem>>) src(%dma_wait3A_123 : memref<10000x16xf32, #tpu.memory_space<hbm>>) dst(%arg11 : memref<128x16xf32, #tpu.memory_space<vmem>>)
      %dma_start3A_124 = arith.constant 0 : i32
      %dma_start3A_125 = arith.constant 0 : i32
      %dma_start3A_126 = tpu.memref_slice %arg3[%dma_start3A_124, %dma_start3A_125] : memref<10000x16xf32, #tpu.memory_space<hbm>> -> memref<10000x16xf32, #tpu.memory_space<hbm>>
      tpu.enqueue_indirect_dma source(%dma_start3A_126 : memref<10000x16xf32, #tpu.memory_space<hbm>>) target(%arg12 : memref<128x16xf32, #tpu.memory_space<vmem>>) offsets(%arg9 : memref<128xi32, #tpu.memory_space<vmem>>) semaphore(%arg19 : memref<!tpu.dma_semaphore, #tpu.memory_space<semaphore_mem>>)
      %dma_wait3A_127 = arith.constant 0 : i32
      %dma_wait3A_128 = arith.constant 0 : i32
      %dma_wait3A_129 = tpu.memref_slice %arg3[%dma_wait3A_127, %dma_wait3A_128] : memref<10000x16xf32, #tpu.memory_space<hbm>> -> memref<10000x16xf32, #tpu.memory_space<hbm>>
      tpu.wait_indirect_dma semaphore(%arg19 : memref<!tpu.dma_semaphore, #tpu.memory_space<semaphore_mem>>) src(%dma_wait3A_129 : memref<10000x16xf32, #tpu.memory_space<hbm>>) dst(%arg12 : memref<128x16xf32, #tpu.memory_space<vmem>>)
      %dma_start3A_130 = arith.constant 0 : i32
      %dma_start3A_131 = arith.constant 0 : i32
      %dma_start3A_132 = tpu.memref_slice %arg3[%dma_start3A_130, %dma_start3A_131] : memref<10000x16xf32, #tpu.memory_space<hbm>> -> memref<10000x16xf32, #tpu.memory_space<hbm>>
      tpu.enqueue_indirect_dma source(%dma_start3A_132 : memref<10000x16xf32, #tpu.memory_space<hbm>>) target(%arg13 : memref<128x16xf32, #tpu.memory_space<vmem>>) offsets(%arg10 : memref<128xi32, #tpu.memory_space<vmem>>) semaphore(%arg19 : memref<!tpu.dma_semaphore, #tpu.memory_space<semaphore_mem>>)
      %dma_wait3A_133 = arith.constant 0 : i32
      %dma_wait3A_134 = arith.constant 0 : i32
      %dma_wait3A_135 = tpu.memref_slice %arg3[%dma_wait3A_133, %dma_wait3A_134] : memref<10000x16xf32, #tpu.memory_space<hbm>> -> memref<10000x16xf32, #tpu.memory_space<hbm>>
      tpu.wait_indirect_dma semaphore(%arg19 : memref<!tpu.dma_semaphore, #tpu.memory_space<semaphore_mem>>) src(%dma_wait3A_135 : memref<10000x16xf32, #tpu.memory_space<hbm>>) dst(%arg13 : memref<128x16xf32, #tpu.memory_space<vmem>>)
      %scan3A = arith.constant 0 : i32
      %scan3A_136 = arith.constant 0 : i32
      %scan3A_137 = arith.constant 8 : i32
      %scan3A_138 = arith.addi %scan3A_136, %scan3A_137 : i32
      %scan3A_139 = arith.constant 1 : i32
      scf.for %scan3A_141 = %scan3A_136 to %scan3A_138 step %scan3A_139  : i32 {
        %mul3A_142 = arith.constant 16 : i32
        %mul3A_143 = arith.muli %scan3A_141, %mul3A_142 : i32
        %add3A_144 = vector.broadcast %mul3A_143 : i32 to vector<16xi32>
        %add3A_145 = arith.addi %add3A_144, %iota3A : vector<16xi32>
        %broadcast_in_dim3A_146 = arith.constant 0.000000e+00 : f32
        %broadcast_in_dim3A_147 = vector.broadcast %broadcast_in_dim3A_146 : f32 to vector<16xf32>
        %broadcast_in_dim3A_148 = arith.constant 0.000000e+00 : f32
        %broadcast_in_dim3A_149 = vector.broadcast %broadcast_in_dim3A_148 : f32 to vector<16xf32>
        %broadcast_in_dim3A_150 = arith.constant 0 : i32
        %broadcast_in_dim3A_151 = vector.broadcast %broadcast_in_dim3A_150 : i32 to vector<16xi32>
        %gather3A = tpu.vector_load_idx %arg11[%add3A_145, %broadcast_in_dim3A_151] : memref<128x16xf32, #tpu.memory_space<vmem>>[vector<16xi32>, vector<16xi32>], vector<16xf32>,
        %gather3A_152 = tpu.vector_load_idx %arg12[%add3A_145, %broadcast_in_dim3A_151] : memref<128x16xf32, #tpu.memory_space<vmem>>[vector<16xi32>, vector<16xi32>], vector<16xf32>,
        %gather3A_153 = tpu.vector_load_idx %arg13[%add3A_145, %broadcast_in_dim3A_151] : memref<128x16xf32, #tpu.memory_space<vmem>>[vector<16xi32>, vector<16xi32>], vector<16xf32>,
        %sub3A = arith.subf %gather3A_152, %gather3A_153 : vector<16xf32>
        %bitcast3A = vector.bitcast %sub3A : vector<16xf32> to vector<16xi32>
        %add3A_154 = arith.constant 32767 : i32
        %add3A_155 = vector.broadcast %add3A_154 : i32 to vector<16xi32>
        %add3A_156 = arith.addi %bitcast3A, %add3A_155 : vector<16xi32>
        %shift_right_arithmetic3A = arith.constant 16 : i32
        %shift_right_arithmetic3A_157 = vector.broadcast %shift_right_arithmetic3A : i32 to vector<16xi32>
        %shift_right_arithmetic3A_158 = arith.shrsi %bitcast3A, %shift_right_arithmetic3A_157 : vector<16xi32>
        %and3A = arith.constant 1 : i32
        %and3A_159 = vector.broadcast %and3A : i32 to vector<16xi32>
        %and3A_160 = arith.andi %shift_right_arithmetic3A_158, %and3A_159 : vector<16xi32>
        %add3A_161 = arith.addi %add3A_156, %and3A_160 : vector<16xi32>
        %and3A_162 = arith.constant -65536 : i32
        %and3A_163 = vector.broadcast %and3A_162 : i32 to vector<16xi32>
        %and3A_164 = arith.andi %add3A_161, %and3A_163 : vector<16xi32>
        %bitcast3A_165 = vector.bitcast %and3A_164 : vector<16xi32> to vector<16xf32>
        %mul3A_166 = arith.mulf %bitcast3A_165, %gather3A : vector<16xf32>
        %add3A_167 = arith.addf %broadcast_in_dim3A_147, %mul3A_166 : vector<16xf32>
        %mul3A_168 = arith.mulf %sub3A, %sub3A : vector<16xf32>
        %add3A_169 = arith.addf %broadcast_in_dim3A_149, %mul3A_168 : vector<16xf32>
        %broadcast_in_dim3A_170 = arith.constant 1 : i32
        %broadcast_in_dim3A_171 = vector.broadcast %broadcast_in_dim3A_170 : i32 to vector<16xi32>
        %gather3A_172 = tpu.vector_load_idx %arg11[%add3A_145, %broadcast_in_dim3A_171] : memref<128x16xf32, #tpu.memory_space<vmem>>[vector<16xi32>, vector<16xi32>], vector<16xf32>,
        %gather3A_173 = tpu.vector_load_idx %arg12[%add3A_145, %broadcast_in_dim3A_171] : memref<128x16xf32, #tpu.memory_space<vmem>>[vector<16xi32>, vector<16xi32>], vector<16xf32>,
        %gather3A_174 = tpu.vector_load_idx %arg13[%add3A_145, %broadcast_in_dim3A_171] : memref<128x16xf32, #tpu.memory_space<vmem>>[vector<16xi32>, vector<16xi32>], vector<16xf32>,
        %sub3A_175 = arith.subf %gather3A_173, %gather3A_174 : vector<16xf32>
        %bitcast3A_176 = vector.bitcast %sub3A_175 : vector<16xf32> to vector<16xi32>
        %add3A_177 = arith.constant 32767 : i32
        %add3A_178 = vector.broadcast %add3A_177 : i32 to vector<16xi32>
        %add3A_179 = arith.addi %bitcast3A_176, %add3A_178 : vector<16xi32>
        %shift_right_arithmetic3A_180 = arith.constant 16 : i32
        %shift_right_arithmetic3A_181 = vector.broadcast %shift_right_arithmetic3A_180 : i32 to vector<16xi32>
        %shift_right_arithmetic3A_182 = arith.shrsi %bitcast3A_176, %shift_right_arithmetic3A_181 : vector<16xi32>
        %and3A_183 = arith.constant 1 : i32
        %and3A_184 = vector.broadcast %and3A_183 : i32 to vector<16xi32>
        %and3A_185 = arith.andi %shift_right_arithmetic3A_182, %and3A_184 : vector<16xi32>
        %add3A_186 = arith.addi %add3A_179, %and3A_185 : vector<16xi32>
        %and3A_187 = arith.constant -65536 : i32
        %and3A_188 = vector.broadcast %and3A_187 : i32 to vector<16xi32>
        %and3A_189 = arith.andi %add3A_186, %and3A_188 : vector<16xi32>
        %bitcast3A_190 = vector.bitcast %and3A_189 : vector<16xi32> to vector<16xf32>
        %mul3A_191 = arith.mulf %bitcast3A_190, %gather3A_172 : vector<16xf32>
        %add3A_192 = arith.addf %add3A_167, %mul3A_191 : vector<16xf32>
        %mul3A_193 = arith.mulf %sub3A_175, %sub3A_175 : vector<16xf32>
        %add3A_194 = arith.addf %add3A_169, %mul3A_193 : vector<16xf32>
        %broadcast_in_dim3A_195 = arith.constant 2 : i32
        %broadcast_in_dim3A_196 = vector.broadcast %broadcast_in_dim3A_195 : i32 to vector<16xi32>
        %gather3A_197 = tpu.vector_load_idx %arg11[%add3A_145, %broadcast_in_dim3A_196] : memref<128x16xf32, #tpu.memory_space<vmem>>[vector<16xi32>, vector<16xi32>], vector<16xf32>,
        %gather3A_198 = tpu.vector_load_idx %arg12[%add3A_145, %broadcast_in_dim3A_196] : memref<128x16xf32, #tpu.memory_space<vmem>>[vector<16xi32>, vector<16xi32>], vector<16xf32>,
        %gather3A_199 = tpu.vector_load_idx %arg13[%add3A_145, %broadcast_in_dim3A_196] : memref<128x16xf32, #tpu.memory_space<vmem>>[vector<16xi32>, vector<16xi32>], vector<16xf32>,
        %sub3A_200 = arith.subf %gather3A_198, %gather3A_199 : vector<16xf32>
        %bitcast3A_201 = vector.bitcast %sub3A_200 : vector<16xf32> to vector<16xi32>
        %add3A_202 = arith.constant 32767 : i32
        %add3A_203 = vector.broadcast %add3A_202 : i32 to vector<16xi32>
        %add3A_204 = arith.addi %bitcast3A_201, %add3A_203 : vector<16xi32>
        %shift_right_arithmetic3A_205 = arith.constant 16 : i32
        %shift_right_arithmetic3A_206 = vector.broadcast %shift_right_arithmetic3A_205 : i32 to vector<16xi32>
        %shift_right_arithmetic3A_207 = arith.shrsi %bitcast3A_201, %shift_right_arithmetic3A_206 : vector<16xi32>
        %and3A_208 = arith.constant 1 : i32
        %and3A_209 = vector.broadcast %and3A_208 : i32 to vector<16xi32>
        %and3A_210 = arith.andi %shift_right_arithmetic3A_207, %and3A_209 : vector<16xi32>
        %add3A_211 = arith.addi %add3A_204, %and3A_210 : vector<16xi32>
        %and3A_212 = arith.constant -65536 : i32
        %and3A_213 = vector.broadcast %and3A_212 : i32 to vector<16xi32>
        %and3A_214 = arith.andi %add3A_211, %and3A_213 : vector<16xi32>
        %bitcast3A_215 = vector.bitcast %and3A_214 : vector<16xi32> to vector<16xf32>
        %mul3A_216 = arith.mulf %bitcast3A_215, %gather3A_197 : vector<16xf32>
        %add3A_217 = arith.addf %add3A_192, %mul3A_216 : vector<16xf32>
        %mul3A_218 = arith.mulf %sub3A_200, %sub3A_200 : vector<16xf32>
        %add3A_219 = arith.addf %add3A_194, %mul3A_218 : vector<16xf32>
        %broadcast_in_dim3A_220 = arith.constant 3 : i32
        %broadcast_in_dim3A_221 = vector.broadcast %broadcast_in_dim3A_220 : i32 to vector<16xi32>
        %gather3A_222 = tpu.vector_load_idx %arg11[%add3A_145, %broadcast_in_dim3A_221] : memref<128x16xf32, #tpu.memory_space<vmem>>[vector<16xi32>, vector<16xi32>], vector<16xf32>,
        %gather3A_223 = tpu.vector_load_idx %arg12[%add3A_145, %broadcast_in_dim3A_221] : memref<128x16xf32, #tpu.memory_space<vmem>>[vector<16xi32>, vector<16xi32>], vector<16xf32>,
        %gather3A_224 = tpu.vector_load_idx %arg13[%add3A_145, %broadcast_in_dim3A_221] : memref<128x16xf32, #tpu.memory_space<vmem>>[vector<16xi32>, vector<16xi32>], vector<16xf32>,
        %sub3A_225 = arith.subf %gather3A_223, %gather3A_224 : vector<16xf32>
        %bitcast3A_226 = vector.bitcast %sub3A_225 : vector<16xf32> to vector<16xi32>
        %add3A_227 = arith.constant 32767 : i32
        %add3A_228 = vector.broadcast %add3A_227 : i32 to vector<16xi32>
        %add3A_229 = arith.addi %bitcast3A_226, %add3A_228 : vector<16xi32>
        %shift_right_arithmetic3A_230 = arith.constant 16 : i32
        %shift_right_arithmetic3A_231 = vector.broadcast %shift_right_arithmetic3A_230 : i32 to vector<16xi32>
        %shift_right_arithmetic3A_232 = arith.shrsi %bitcast3A_226, %shift_right_arithmetic3A_231 : vector<16xi32>
        %and3A_233 = arith.constant 1 : i32
        %and3A_234 = vector.broadcast %and3A_233 : i32 to vector<16xi32>
        %and3A_235 = arith.andi %shift_right_arithmetic3A_232, %and3A_234 : vector<16xi32>
        %add3A_236 = arith.addi %add3A_229, %and3A_235 : vector<16xi32>
        %and3A_237 = arith.constant -65536 : i32
        %and3A_238 = vector.broadcast %and3A_237 : i32 to vector<16xi32>
        %and3A_239 = arith.andi %add3A_236, %and3A_238 : vector<16xi32>
        %bitcast3A_240 = vector.bitcast %and3A_239 : vector<16xi32> to vector<16xf32>
        %mul3A_241 = arith.mulf %bitcast3A_240, %gather3A_222 : vector<16xf32>
        %add3A_242 = arith.addf %add3A_217, %mul3A_241 : vector<16xf32>
        %mul3A_243 = arith.mulf %sub3A_225, %sub3A_225 : vector<16xf32>
        %add3A_244 = arith.addf %add3A_219, %mul3A_243 : vector<16xf32>
        %broadcast_in_dim3A_245 = arith.constant 4 : i32
        %broadcast_in_dim3A_246 = vector.broadcast %broadcast_in_dim3A_245 : i32 to vector<16xi32>
        %gather3A_247 = tpu.vector_load_idx %arg11[%add3A_145, %broadcast_in_dim3A_246] : memref<128x16xf32, #tpu.memory_space<vmem>>[vector<16xi32>, vector<16xi32>], vector<16xf32>,
        %gather3A_248 = tpu.vector_load_idx %arg12[%add3A_145, %broadcast_in_dim3A_246] : memref<128x16xf32, #tpu.memory_space<vmem>>[vector<16xi32>, vector<16xi32>], vector<16xf32>,
        %gather3A_249 = tpu.vector_load_idx %arg13[%add3A_145, %broadcast_in_dim3A_246] : memref<128x16xf32, #tpu.memory_space<vmem>>[vector<16xi32>, vector<16xi32>], vector<16xf32>,
        %sub3A_250 = arith.subf %gather3A_248, %gather3A_249 : vector<16xf32>
        %bitcast3A_251 = vector.bitcast %sub3A_250 : vector<16xf32> to vector<16xi32>
        %add3A_252 = arith.constant 32767 : i32
        %add3A_253 = vector.broadcast %add3A_252 : i32 to vector<16xi32>
        %add3A_254 = arith.addi %bitcast3A_251, %add3A_253 : vector<16xi32>
        %shift_right_arithmetic3A_255 = arith.constant 16 : i32
        %shift_right_arithmetic3A_256 = vector.broadcast %shift_right_arithmetic3A_255 : i32 to vector<16xi32>
        %shift_right_arithmetic3A_257 = arith.shrsi %bitcast3A_251, %shift_right_arithmetic3A_256 : vector<16xi32>
        %and3A_258 = arith.constant 1 : i32
        %and3A_259 = vector.broadcast %and3A_258 : i32 to vector<16xi32>
        %and3A_260 = arith.andi %shift_right_arithmetic3A_257, %and3A_259 : vector<16xi32>
        %add3A_261 = arith.addi %add3A_254, %and3A_260 : vector<16xi32>
        %and3A_262 = arith.constant -65536 : i32
        %and3A_263 = vector.broadcast %and3A_262 : i32 to vector<16xi32>
        %and3A_264 = arith.andi %add3A_261, %and3A_263 : vector<16xi32>
        %bitcast3A_265 = vector.bitcast %and3A_264 : vector<16xi32> to vector<16xf32>
        %mul3A_266 = arith.mulf %bitcast3A_265, %gather3A_247 : vector<16xf32>
        %add3A_267 = arith.addf %add3A_242, %mul3A_266 : vector<16xf32>
        %mul3A_268 = arith.mulf %sub3A_250, %sub3A_250 : vector<16xf32>
        %add3A_269 = arith.addf %add3A_244, %mul3A_268 : vector<16xf32>
        %broadcast_in_dim3A_270 = arith.constant 5 : i32
        %broadcast_in_dim3A_271 = vector.broadcast %broadcast_in_dim3A_270 : i32 to vector<16xi32>
        %gather3A_272 = tpu.vector_load_idx %arg11[%add3A_145, %broadcast_in_dim3A_271] : memref<128x16xf32, #tpu.memory_space<vmem>>[vector<16xi32>, vector<16xi32>], vector<16xf32>,
        %gather3A_273 = tpu.vector_load_idx %arg12[%add3A_145, %broadcast_in_dim3A_271] : memref<128x16xf32, #tpu.memory_space<vmem>>[vector<16xi32>, vector<16xi32>], vector<16xf32>,
        %gather3A_274 = tpu.vector_load_idx %arg13[%add3A_145, %broadcast_in_dim3A_271] : memref<128x16xf32, #tpu.memory_space<vmem>>[vector<16xi32>, vector<16xi32>], vector<16xf32>,
        %sub3A_275 = arith.subf %gather3A_273, %gather3A_274 : vector<16xf32>
        %bitcast3A_276 = vector.bitcast %sub3A_275 : vector<16xf32> to vector<16xi32>
        %add3A_277 = arith.constant 32767 : i32
        %add3A_278 = vector.broadcast %add3A_277 : i32 to vector<16xi32>
        %add3A_279 = arith.addi %bitcast3A_276, %add3A_278 : vector<16xi32>
        %shift_right_arithmetic3A_280 = arith.constant 16 : i32
        %shift_right_arithmetic3A_281 = vector.broadcast %shift_right_arithmetic3A_280 : i32 to vector<16xi32>
        %shift_right_arithmetic3A_282 = arith.shrsi %bitcast3A_276, %shift_right_arithmetic3A_281 : vector<16xi32>
        %and3A_283 = arith.constant 1 : i32
        %and3A_284 = vector.broadcast %and3A_283 : i32 to vector<16xi32>
        %and3A_285 = arith.andi %shift_right_arithmetic3A_282, %and3A_284 : vector<16xi32>
        %add3A_286 = arith.addi %add3A_279, %and3A_285 : vector<16xi32>
        %and3A_287 = arith.constant -65536 : i32
        %and3A_288 = vector.broadcast %and3A_287 : i32 to vector<16xi32>
        %and3A_289 = arith.andi %add3A_286, %and3A_288 : vector<16xi32>
        %bitcast3A_290 = vector.bitcast %and3A_289 : vector<16xi32> to vector<16xf32>
        %mul3A_291 = arith.mulf %bitcast3A_290, %gather3A_272 : vector<16xf32>
        %add3A_292 = arith.addf %add3A_267, %mul3A_291 : vector<16xf32>
        %mul3A_293 = arith.mulf %sub3A_275, %sub3A_275 : vector<16xf32>
        %add3A_294 = arith.addf %add3A_269, %mul3A_293 : vector<16xf32>
        %broadcast_in_dim3A_295 = arith.constant 6 : i32
        %broadcast_in_dim3A_296 = vector.broadcast %broadcast_in_dim3A_295 : i32 to vector<16xi32>
        %gather3A_297 = tpu.vector_load_idx %arg11[%add3A_145, %broadcast_in_dim3A_296] : memref<128x16xf32, #tpu.memory_space<vmem>>[vector<16xi32>, vector<16xi32>], vector<16xf32>,
        %gather3A_298 = tpu.vector_load_idx %arg12[%add3A_145, %broadcast_in_dim3A_296] : memref<128x16xf32, #tpu.memory_space<vmem>>[vector<16xi32>, vector<16xi32>], vector<16xf32>,
        %gather3A_299 = tpu.vector_load_idx %arg13[%add3A_145, %broadcast_in_dim3A_296] : memref<128x16xf32, #tpu.memory_space<vmem>>[vector<16xi32>, vector<16xi32>], vector<16xf32>,
        %sub3A_300 = arith.subf %gather3A_298, %gather3A_299 : vector<16xf32>
        %bitcast3A_301 = vector.bitcast %sub3A_300 : vector<16xf32> to vector<16xi32>
        %add3A_302 = arith.constant 32767 : i32
        %add3A_303 = vector.broadcast %add3A_302 : i32 to vector<16xi32>
        %add3A_304 = arith.addi %bitcast3A_301, %add3A_303 : vector<16xi32>
        %shift_right_arithmetic3A_305 = arith.constant 16 : i32
        %shift_right_arithmetic3A_306 = vector.broadcast %shift_right_arithmetic3A_305 : i32 to vector<16xi32>
        %shift_right_arithmetic3A_307 = arith.shrsi %bitcast3A_301, %shift_right_arithmetic3A_306 : vector<16xi32>
        %and3A_308 = arith.constant 1 : i32
        %and3A_309 = vector.broadcast %and3A_308 : i32 to vector<16xi32>
        %and3A_310 = arith.andi %shift_right_arithmetic3A_307, %and3A_309 : vector<16xi32>
        %add3A_311 = arith.addi %add3A_304, %and3A_310 : vector<16xi32>
        %and3A_312 = arith.constant -65536 : i32
        %and3A_313 = vector.broadcast %and3A_312 : i32 to vector<16xi32>
        %and3A_314 = arith.andi %add3A_311, %and3A_313 : vector<16xi32>
        %bitcast3A_315 = vector.bitcast %and3A_314 : vector<16xi32> to vector<16xf32>
        %mul3A_316 = arith.mulf %bitcast3A_315, %gather3A_297 : vector<16xf32>
        %add3A_317 = arith.addf %add3A_292, %mul3A_316 : vector<16xf32>
        %mul3A_318 = arith.mulf %sub3A_300, %sub3A_300 : vector<16xf32>
        %add3A_319 = arith.addf %add3A_294, %mul3A_318 : vector<16xf32>
        %broadcast_in_dim3A_320 = arith.constant 7 : i32
        %broadcast_in_dim3A_321 = vector.broadcast %broadcast_in_dim3A_320 : i32 to vector<16xi32>
        %gather3A_322 = tpu.vector_load_idx %arg11[%add3A_145, %broadcast_in_dim3A_321] : memref<128x16xf32, #tpu.memory_space<vmem>>[vector<16xi32>, vector<16xi32>], vector<16xf32>,
        %gather3A_323 = tpu.vector_load_idx %arg12[%add3A_145, %broadcast_in_dim3A_321] : memref<128x16xf32, #tpu.memory_space<vmem>>[vector<16xi32>, vector<16xi32>], vector<16xf32>,
        %gather3A_324 = tpu.vector_load_idx %arg13[%add3A_145, %broadcast_in_dim3A_321] : memref<128x16xf32, #tpu.memory_space<vmem>>[vector<16xi32>, vector<16xi32>], vector<16xf32>,
        %sub3A_325 = arith.subf %gather3A_323, %gather3A_324 : vector<16xf32>
        %bitcast3A_326 = vector.bitcast %sub3A_325 : vector<16xf32> to vector<16xi32>
        %add3A_327 = arith.constant 32767 : i32
        %add3A_328 = vector.broadcast %add3A_327 : i32 to vector<16xi32>
        %add3A_329 = arith.addi %bitcast3A_326, %add3A_328 : vector<16xi32>
        %shift_right_arithmetic3A_330 = arith.constant 16 : i32
        %shift_right_arithmetic3A_331 = vector.broadcast %shift_right_arithmetic3A_330 : i32 to vector<16xi32>
        %shift_right_arithmetic3A_332 = arith.shrsi %bitcast3A_326, %shift_right_arithmetic3A_331 : vector<16xi32>
        %and3A_333 = arith.constant 1 : i32
        %and3A_334 = vector.broadcast %and3A_333 : i32 to vector<16xi32>
        %and3A_335 = arith.andi %shift_right_arithmetic3A_332, %and3A_334 : vector<16xi32>
        %add3A_336 = arith.addi %add3A_329, %and3A_335 : vector<16xi32>
        %and3A_337 = arith.constant -65536 : i32
        %and3A_338 = vector.broadcast %and3A_337 : i32 to vector<16xi32>
        %and3A_339 = arith.andi %add3A_336, %and3A_338 : vector<16xi32>
        %bitcast3A_340 = vector.bitcast %and3A_339 : vector<16xi32> to vector<16xf32>
        %mul3A_341 = arith.mulf %bitcast3A_340, %gather3A_322 : vector<16xf32>
        %add3A_342 = arith.addf %add3A_317, %mul3A_341 : vector<16xf32>
        %mul3A_343 = arith.mulf %sub3A_325, %sub3A_325 : vector<16xf32>
        %add3A_344 = arith.addf %add3A_319, %mul3A_343 : vector<16xf32>
        %broadcast_in_dim3A_345 = arith.constant 8 : i32
        %broadcast_in_dim3A_346 = vector.broadcast %broadcast_in_dim3A_345 : i32 to vector<16xi32>
        %gather3A_347 = tpu.vector_load_idx %arg11[%add3A_145, %broadcast_in_dim3A_346] : memref<128x16xf32, #tpu.memory_space<vmem>>[vector<16xi32>, vector<16xi32>], vector<16xf32>,
        %gather3A_348 = tpu.vector_load_idx %arg12[%add3A_145, %broadcast_in_dim3A_346] : memref<128x16xf32, #tpu.memory_space<vmem>>[vector<16xi32>, vector<16xi32>], vector<16xf32>,
        %gather3A_349 = tpu.vector_load_idx %arg13[%add3A_145, %broadcast_in_dim3A_346] : memref<128x16xf32, #tpu.memory_space<vmem>>[vector<16xi32>, vector<16xi32>], vector<16xf32>,
        %sub3A_350 = arith.subf %gather3A_348, %gather3A_349 : vector<16xf32>
        %bitcast3A_351 = vector.bitcast %sub3A_350 : vector<16xf32> to vector<16xi32>
        %add3A_352 = arith.constant 32767 : i32
        %add3A_353 = vector.broadcast %add3A_352 : i32 to vector<16xi32>
        %add3A_354 = arith.addi %bitcast3A_351, %add3A_353 : vector<16xi32>
        %shift_right_arithmetic3A_355 = arith.constant 16 : i32
        %shift_right_arithmetic3A_356 = vector.broadcast %shift_right_arithmetic3A_355 : i32 to vector<16xi32>
        %shift_right_arithmetic3A_357 = arith.shrsi %bitcast3A_351, %shift_right_arithmetic3A_356 : vector<16xi32>
        %and3A_358 = arith.constant 1 : i32
        %and3A_359 = vector.broadcast %and3A_358 : i32 to vector<16xi32>
        %and3A_360 = arith.andi %shift_right_arithmetic3A_357, %and3A_359 : vector<16xi32>
        %add3A_361 = arith.addi %add3A_354, %and3A_360 : vector<16xi32>
        %and3A_362 = arith.constant -65536 : i32
        %and3A_363 = vector.broadcast %and3A_362 : i32 to vector<16xi32>
        %and3A_364 = arith.andi %add3A_361, %and3A_363 : vector<16xi32>
        %bitcast3A_365 = vector.bitcast %and3A_364 : vector<16xi32> to vector<16xf32>
        %mul3A_366 = arith.mulf %bitcast3A_365, %gather3A_347 : vector<16xf32>
        %add3A_367 = arith.addf %add3A_342, %mul3A_366 : vector<16xf32>
        %mul3A_368 = arith.mulf %sub3A_350, %sub3A_350 : vector<16xf32>
        %add3A_369 = arith.addf %add3A_344, %mul3A_368 : vector<16xf32>
        %broadcast_in_dim3A_370 = arith.constant 9 : i32
        %broadcast_in_dim3A_371 = vector.broadcast %broadcast_in_dim3A_370 : i32 to vector<16xi32>
        %gather3A_372 = tpu.vector_load_idx %arg11[%add3A_145, %broadcast_in_dim3A_371] : memref<128x16xf32, #tpu.memory_space<vmem>>[vector<16xi32>, vector<16xi32>], vector<16xf32>,
        %gather3A_373 = tpu.vector_load_idx %arg12[%add3A_145, %broadcast_in_dim3A_371] : memref<128x16xf32, #tpu.memory_space<vmem>>[vector<16xi32>, vector<16xi32>], vector<16xf32>,
        %gather3A_374 = tpu.vector_load_idx %arg13[%add3A_145, %broadcast_in_dim3A_371] : memref<128x16xf32, #tpu.memory_space<vmem>>[vector<16xi32>, vector<16xi32>], vector<16xf32>,
        %sub3A_375 = arith.subf %gather3A_373, %gather3A_374 : vector<16xf32>
        %bitcast3A_376 = vector.bitcast %sub3A_375 : vector<16xf32> to vector<16xi32>
        %add3A_377 = arith.constant 32767 : i32
        %add3A_378 = vector.broadcast %add3A_377 : i32 to vector<16xi32>
        %add3A_379 = arith.addi %bitcast3A_376, %add3A_378 : vector<16xi32>
        %shift_right_arithmetic3A_380 = arith.constant 16 : i32
        %shift_right_arithmetic3A_381 = vector.broadcast %shift_right_arithmetic3A_380 : i32 to vector<16xi32>
        %shift_right_arithmetic3A_382 = arith.shrsi %bitcast3A_376, %shift_right_arithmetic3A_381 : vector<16xi32>
        %and3A_383 = arith.constant 1 : i32
        %and3A_384 = vector.broadcast %and3A_383 : i32 to vector<16xi32>
        %and3A_385 = arith.andi %shift_right_arithmetic3A_382, %and3A_384 : vector<16xi32>
        %add3A_386 = arith.addi %add3A_379, %and3A_385 : vector<16xi32>
        %and3A_387 = arith.constant -65536 : i32
        %and3A_388 = vector.broadcast %and3A_387 : i32 to vector<16xi32>
        %and3A_389 = arith.andi %add3A_386, %and3A_388 : vector<16xi32>
        %bitcast3A_390 = vector.bitcast %and3A_389 : vector<16xi32> to vector<16xf32>
        %mul3A_391 = arith.mulf %bitcast3A_390, %gather3A_372 : vector<16xf32>
        %add3A_392 = arith.addf %add3A_367, %mul3A_391 : vector<16xf32>
        %mul3A_393 = arith.mulf %sub3A_375, %sub3A_375 : vector<16xf32>
        %add3A_394 = arith.addf %add3A_369, %mul3A_393 : vector<16xf32>
        %broadcast_in_dim3A_395 = arith.constant 10 : i32
        %broadcast_in_dim3A_396 = vector.broadcast %broadcast_in_dim3A_395 : i32 to vector<16xi32>
        %gather3A_397 = tpu.vector_load_idx %arg11[%add3A_145, %broadcast_in_dim3A_396] : memref<128x16xf32, #tpu.memory_space<vmem>>[vector<16xi32>, vector<16xi32>], vector<16xf32>,
        %gather3A_398 = tpu.vector_load_idx %arg12[%add3A_145, %broadcast_in_dim3A_396] : memref<128x16xf32, #tpu.memory_space<vmem>>[vector<16xi32>, vector<16xi32>], vector<16xf32>,
        %gather3A_399 = tpu.vector_load_idx %arg13[%add3A_145, %broadcast_in_dim3A_396] : memref<128x16xf32, #tpu.memory_space<vmem>>[vector<16xi32>, vector<16xi32>], vector<16xf32>,
        %sub3A_400 = arith.subf %gather3A_398, %gather3A_399 : vector<16xf32>
        %bitcast3A_401 = vector.bitcast %sub3A_400 : vector<16xf32> to vector<16xi32>
        %add3A_402 = arith.constant 32767 : i32
        %add3A_403 = vector.broadcast %add3A_402 : i32 to vector<16xi32>
        %add3A_404 = arith.addi %bitcast3A_401, %add3A_403 : vector<16xi32>
        %shift_right_arithmetic3A_405 = arith.constant 16 : i32
        %shift_right_arithmetic3A_406 = vector.broadcast %shift_right_arithmetic3A_405 : i32 to vector<16xi32>
        %shift_right_arithmetic3A_407 = arith.shrsi %bitcast3A_401, %shift_right_arithmetic3A_406 : vector<16xi32>
        %and3A_408 = arith.constant 1 : i32
        %and3A_409 = vector.broadcast %and3A_408 : i32 to vector<16xi32>
        %and3A_410 = arith.andi %shift_right_arithmetic3A_407, %and3A_409 : vector<16xi32>
        %add3A_411 = arith.addi %add3A_404, %and3A_410 : vector<16xi32>
        %and3A_412 = arith.constant -65536 : i32
        %and3A_413 = vector.broadcast %and3A_412 : i32 to vector<16xi32>
        %and3A_414 = arith.andi %add3A_411, %and3A_413 : vector<16xi32>
        %bitcast3A_415 = vector.bitcast %and3A_414 : vector<16xi32> to vector<16xf32>
        %mul3A_416 = arith.mulf %bitcast3A_415, %gather3A_397 : vector<16xf32>
        %add3A_417 = arith.addf %add3A_392, %mul3A_416 : vector<16xf32>
        %mul3A_418 = arith.mulf %sub3A_400, %sub3A_400 : vector<16xf32>
        %add3A_419 = arith.addf %add3A_394, %mul3A_418 : vector<16xf32>
        %broadcast_in_dim3A_420 = arith.constant 11 : i32
        %broadcast_in_dim3A_421 = vector.broadcast %broadcast_in_dim3A_420 : i32 to vector<16xi32>
        %gather3A_422 = tpu.vector_load_idx %arg11[%add3A_145, %broadcast_in_dim3A_421] : memref<128x16xf32, #tpu.memory_space<vmem>>[vector<16xi32>, vector<16xi32>], vector<16xf32>,
        %gather3A_423 = tpu.vector_load_idx %arg12[%add3A_145, %broadcast_in_dim3A_421] : memref<128x16xf32, #tpu.memory_space<vmem>>[vector<16xi32>, vector<16xi32>], vector<16xf32>,
        %gather3A_424 = tpu.vector_load_idx %arg13[%add3A_145, %broadcast_in_dim3A_421] : memref<128x16xf32, #tpu.memory_space<vmem>>[vector<16xi32>, vector<16xi32>], vector<16xf32>,
        %sub3A_425 = arith.subf %gather3A_423, %gather3A_424 : vector<16xf32>
        %bitcast3A_426 = vector.bitcast %sub3A_425 : vector<16xf32> to vector<16xi32>
        %add3A_427 = arith.constant 32767 : i32
        %add3A_428 = vector.broadcast %add3A_427 : i32 to vector<16xi32>
        %add3A_429 = arith.addi %bitcast3A_426, %add3A_428 : vector<16xi32>
        %shift_right_arithmetic3A_430 = arith.constant 16 : i32
        %shift_right_arithmetic3A_431 = vector.broadcast %shift_right_arithmetic3A_430 : i32 to vector<16xi32>
        %shift_right_arithmetic3A_432 = arith.shrsi %bitcast3A_426, %shift_right_arithmetic3A_431 : vector<16xi32>
        %and3A_433 = arith.constant 1 : i32
        %and3A_434 = vector.broadcast %and3A_433 : i32 to vector<16xi32>
        %and3A_435 = arith.andi %shift_right_arithmetic3A_432, %and3A_434 : vector<16xi32>
        %add3A_436 = arith.addi %add3A_429, %and3A_435 : vector<16xi32>
        %and3A_437 = arith.constant -65536 : i32
        %and3A_438 = vector.broadcast %and3A_437 : i32 to vector<16xi32>
        %and3A_439 = arith.andi %add3A_436, %and3A_438 : vector<16xi32>
        %bitcast3A_440 = vector.bitcast %and3A_439 : vector<16xi32> to vector<16xf32>
        %mul3A_441 = arith.mulf %bitcast3A_440, %gather3A_422 : vector<16xf32>
        %add3A_442 = arith.addf %add3A_417, %mul3A_441 : vector<16xf32>
        %mul3A_443 = arith.mulf %sub3A_425, %sub3A_425 : vector<16xf32>
        %add3A_444 = arith.addf %add3A_419, %mul3A_443 : vector<16xf32>
        %broadcast_in_dim3A_445 = arith.constant 12 : i32
        %broadcast_in_dim3A_446 = vector.broadcast %broadcast_in_dim3A_445 : i32 to vector<16xi32>
        %gather3A_447 = tpu.vector_load_idx %arg11[%add3A_145, %broadcast_in_dim3A_446] : memref<128x16xf32, #tpu.memory_space<vmem>>[vector<16xi32>, vector<16xi32>], vector<16xf32>,
        %gather3A_448 = tpu.vector_load_idx %arg12[%add3A_145, %broadcast_in_dim3A_446] : memref<128x16xf32, #tpu.memory_space<vmem>>[vector<16xi32>, vector<16xi32>], vector<16xf32>,
        %gather3A_449 = tpu.vector_load_idx %arg13[%add3A_145, %broadcast_in_dim3A_446] : memref<128x16xf32, #tpu.memory_space<vmem>>[vector<16xi32>, vector<16xi32>], vector<16xf32>,
        %sub3A_450 = arith.subf %gather3A_448, %gather3A_449 : vector<16xf32>
        %bitcast3A_451 = vector.bitcast %sub3A_450 : vector<16xf32> to vector<16xi32>
        %add3A_452 = arith.constant 32767 : i32
        %add3A_453 = vector.broadcast %add3A_452 : i32 to vector<16xi32>
        %add3A_454 = arith.addi %bitcast3A_451, %add3A_453 : vector<16xi32>
        %shift_right_arithmetic3A_455 = arith.constant 16 : i32
        %shift_right_arithmetic3A_456 = vector.broadcast %shift_right_arithmetic3A_455 : i32 to vector<16xi32>
        %shift_right_arithmetic3A_457 = arith.shrsi %bitcast3A_451, %shift_right_arithmetic3A_456 : vector<16xi32>
        %and3A_458 = arith.constant 1 : i32
        %and3A_459 = vector.broadcast %and3A_458 : i32 to vector<16xi32>
        %and3A_460 = arith.andi %shift_right_arithmetic3A_457, %and3A_459 : vector<16xi32>
        %add3A_461 = arith.addi %add3A_454, %and3A_460 : vector<16xi32>
        %and3A_462 = arith.constant -65536 : i32
        %and3A_463 = vector.broadcast %and3A_462 : i32 to vector<16xi32>
        %and3A_464 = arith.andi %add3A_461, %and3A_463 : vector<16xi32>
        %bitcast3A_465 = vector.bitcast %and3A_464 : vector<16xi32> to vector<16xf32>
        %mul3A_466 = arith.mulf %bitcast3A_465, %gather3A_447 : vector<16xf32>
        %add3A_467 = arith.addf %add3A_442, %mul3A_466 : vector<16xf32>
        %mul3A_468 = arith.mulf %sub3A_450, %sub3A_450 : vector<16xf32>
        %add3A_469 = arith.addf %add3A_444, %mul3A_468 : vector<16xf32>
        %broadcast_in_dim3A_470 = arith.constant 13 : i32
        %broadcast_in_dim3A_471 = vector.broadcast %broadcast_in_dim3A_470 : i32 to vector<16xi32>
        %gather3A_472 = tpu.vector_load_idx %arg11[%add3A_145, %broadcast_in_dim3A_471] : memref<128x16xf32, #tpu.memory_space<vmem>>[vector<16xi32>, vector<16xi32>], vector<16xf32>,
        %gather3A_473 = tpu.vector_load_idx %arg12[%add3A_145, %broadcast_in_dim3A_471] : memref<128x16xf32, #tpu.memory_space<vmem>>[vector<16xi32>, vector<16xi32>], vector<16xf32>,
        %gather3A_474 = tpu.vector_load_idx %arg13[%add3A_145, %broadcast_in_dim3A_471] : memref<128x16xf32, #tpu.memory_space<vmem>>[vector<16xi32>, vector<16xi32>], vector<16xf32>,
        %sub3A_475 = arith.subf %gather3A_473, %gather3A_474 : vector<16xf32>
        %bitcast3A_476 = vector.bitcast %sub3A_475 : vector<16xf32> to vector<16xi32>
        %add3A_477 = arith.constant 32767 : i32
        %add3A_478 = vector.broadcast %add3A_477 : i32 to vector<16xi32>
        %add3A_479 = arith.addi %bitcast3A_476, %add3A_478 : vector<16xi32>
        %shift_right_arithmetic3A_480 = arith.constant 16 : i32
        %shift_right_arithmetic3A_481 = vector.broadcast %shift_right_arithmetic3A_480 : i32 to vector<16xi32>
        %shift_right_arithmetic3A_482 = arith.shrsi %bitcast3A_476, %shift_right_arithmetic3A_481 : vector<16xi32>
        %and3A_483 = arith.constant 1 : i32
        %and3A_484 = vector.broadcast %and3A_483 : i32 to vector<16xi32>
        %and3A_485 = arith.andi %shift_right_arithmetic3A_482, %and3A_484 : vector<16xi32>
        %add3A_486 = arith.addi %add3A_479, %and3A_485 : vector<16xi32>
        %and3A_487 = arith.constant -65536 : i32
        %and3A_488 = vector.broadcast %and3A_487 : i32 to vector<16xi32>
        %and3A_489 = arith.andi %add3A_486, %and3A_488 : vector<16xi32>
        %bitcast3A_490 = vector.bitcast %and3A_489 : vector<16xi32> to vector<16xf32>
        %mul3A_491 = arith.mulf %bitcast3A_490, %gather3A_472 : vector<16xf32>
        %add3A_492 = arith.addf %add3A_467, %mul3A_491 : vector<16xf32>
        %mul3A_493 = arith.mulf %sub3A_475, %sub3A_475 : vector<16xf32>
        %add3A_494 = arith.addf %add3A_469, %mul3A_493 : vector<16xf32>
        %broadcast_in_dim3A_495 = arith.constant 14 : i32
        %broadcast_in_dim3A_496 = vector.broadcast %broadcast_in_dim3A_495 : i32 to vector<16xi32>
        %gather3A_497 = tpu.vector_load_idx %arg11[%add3A_145, %broadcast_in_dim3A_496] : memref<128x16xf32, #tpu.memory_space<vmem>>[vector<16xi32>, vector<16xi32>], vector<16xf32>,
        %gather3A_498 = tpu.vector_load_idx %arg12[%add3A_145, %broadcast_in_dim3A_496] : memref<128x16xf32, #tpu.memory_space<vmem>>[vector<16xi32>, vector<16xi32>], vector<16xf32>,
        %gather3A_499 = tpu.vector_load_idx %arg13[%add3A_145, %broadcast_in_dim3A_496] : memref<128x16xf32, #tpu.memory_space<vmem>>[vector<16xi32>, vector<16xi32>], vector<16xf32>,
        %sub3A_500 = arith.subf %gather3A_498, %gather3A_499 : vector<16xf32>
        %bitcast3A_501 = vector.bitcast %sub3A_500 : vector<16xf32> to vector<16xi32>
        %add3A_502 = arith.constant 32767 : i32
        %add3A_503 = vector.broadcast %add3A_502 : i32 to vector<16xi32>
        %add3A_504 = arith.addi %bitcast3A_501, %add3A_503 : vector<16xi32>
        %shift_right_arithmetic3A_505 = arith.constant 16 : i32
        %shift_right_arithmetic3A_506 = vector.broadcast %shift_right_arithmetic3A_505 : i32 to vector<16xi32>
        %shift_right_arithmetic3A_507 = arith.shrsi %bitcast3A_501, %shift_right_arithmetic3A_506 : vector<16xi32>
        %and3A_508 = arith.constant 1 : i32
        %and3A_509 = vector.broadcast %and3A_508 : i32 to vector<16xi32>
        %and3A_510 = arith.andi %shift_right_arithmetic3A_507, %and3A_509 : vector<16xi32>
        %add3A_511 = arith.addi %add3A_504, %and3A_510 : vector<16xi32>
        %and3A_512 = arith.constant -65536 : i32
        %and3A_513 = vector.broadcast %and3A_512 : i32 to vector<16xi32>
        %and3A_514 = arith.andi %add3A_511, %and3A_513 : vector<16xi32>
        %bitcast3A_515 = vector.bitcast %and3A_514 : vector<16xi32> to vector<16xf32>
        %mul3A_516 = arith.mulf %bitcast3A_515, %gather3A_497 : vector<16xf32>
        %add3A_517 = arith.addf %add3A_492, %mul3A_516 : vector<16xf32>
        %mul3A_518 = arith.mulf %sub3A_500, %sub3A_500 : vector<16xf32>
        %add3A_519 = arith.addf %add3A_494, %mul3A_518 : vector<16xf32>
        %broadcast_in_dim3A_520 = arith.constant 15 : i32
        %broadcast_in_dim3A_521 = vector.broadcast %broadcast_in_dim3A_520 : i32 to vector<16xi32>
        %gather3A_522 = tpu.vector_load_idx %arg11[%add3A_145, %broadcast_in_dim3A_521] : memref<128x16xf32, #tpu.memory_space<vmem>>[vector<16xi32>, vector<16xi32>], vector<16xf32>,
        %gather3A_523 = tpu.vector_load_idx %arg12[%add3A_145, %broadcast_in_dim3A_521] : memref<128x16xf32, #tpu.memory_space<vmem>>[vector<16xi32>, vector<16xi32>], vector<16xf32>,
        %gather3A_524 = tpu.vector_load_idx %arg13[%add3A_145, %broadcast_in_dim3A_521] : memref<128x16xf32, #tpu.memory_space<vmem>>[vector<16xi32>, vector<16xi32>], vector<16xf32>,
        %sub3A_525 = arith.subf %gather3A_523, %gather3A_524 : vector<16xf32>
        %bitcast3A_526 = vector.bitcast %sub3A_525 : vector<16xf32> to vector<16xi32>
        %add3A_527 = arith.constant 32767 : i32
        %add3A_528 = vector.broadcast %add3A_527 : i32 to vector<16xi32>
        %add3A_529 = arith.addi %bitcast3A_526, %add3A_528 : vector<16xi32>
        %shift_right_arithmetic3A_530 = arith.constant 16 : i32
        %shift_right_arithmetic3A_531 = vector.broadcast %shift_right_arithmetic3A_530 : i32 to vector<16xi32>
        %shift_right_arithmetic3A_532 = arith.shrsi %bitcast3A_526, %shift_right_arithmetic3A_531 : vector<16xi32>
        %and3A_533 = arith.constant 1 : i32
        %and3A_534 = vector.broadcast %and3A_533 : i32 to vector<16xi32>
        %and3A_535 = arith.andi %shift_right_arithmetic3A_532, %and3A_534 : vector<16xi32>
        %add3A_536 = arith.addi %add3A_529, %and3A_535 : vector<16xi32>
        %and3A_537 = arith.constant -65536 : i32
        %and3A_538 = vector.broadcast %and3A_537 : i32 to vector<16xi32>
        %and3A_539 = arith.andi %add3A_536, %and3A_538 : vector<16xi32>
        %bitcast3A_540 = vector.bitcast %and3A_539 : vector<16xi32> to vector<16xf32>
        %mul3A_541 = arith.mulf %bitcast3A_540, %gather3A_522 : vector<16xf32>
        %add3A_542 = arith.addf %add3A_517, %mul3A_541 : vector<16xf32>
        %mul3A_543 = arith.mulf %sub3A_525, %sub3A_525 : vector<16xf32>
        %add3A_544 = arith.addf %add3A_519, %mul3A_543 : vector<16xf32>
        %mul3A_545 = arith.constant 16 : i32
        %mul3A_546 = arith.muli %scan3A_141, %mul3A_545 : i32
        %swap3A_547 = arith.index_cast %mul3A_546 : i32 to index
        %swap3A_548 = tpu.vector_load %arg14[%swap3A_547] {strides = array<i32>} : memref<128xf32, #tpu.memory_space<vmem>>, vector<16xf32>,
        tpu.vector_store %arg14[%swap3A_547], %add3A_542 {strides = array<i32>} : memref<128xf32, #tpu.memory_space<vmem>>, vector<16xf32>,
        %add3A_549 = arith.constant 1.000000e+00 : f32
        %add3A_550 = vector.broadcast %add3A_549 : f32 to vector<16xf32>
        %add3A_551 = arith.addf %add3A_544, %add3A_550 : vector<16xf32>
        %div3A = arith.constant 1.000000e+00 : f32
        %div3A_552 = vector.broadcast %div3A : f32 to vector<16xf32>
        %div3A_553 = arith.divf %div3A_552, %add3A_551 : vector<16xf32>
        %mul3A_554 = arith.constant 16 : i32
        %mul3A_555 = arith.muli %scan3A_141, %mul3A_554 : i32
        %swap3A_556 = arith.index_cast %mul3A_555 : i32 to index
        %swap3A_557 = tpu.vector_load %arg15[%swap3A_556] {strides = array<i32>} : memref<128xf32, #tpu.memory_space<vmem>>, vector<16xf32>,
        tpu.vector_store %arg15[%swap3A_556], %div3A_553 {strides = array<i32>} : memref<128xf32, #tpu.memory_space<vmem>>, vector<16xf32>,
        %mul3A_558 = arith.constant 2.500000e-01 : f32
        %mul3A_559 = vector.broadcast %mul3A_558 : f32 to vector<16xf32>
        %mul3A_560 = arith.mulf %mul3A_559, %add3A_542 : vector<16xf32>
        %exp3A = math.exp %mul3A_560 : vector<16xf32>
        %mul3A_561 = arith.constant 16 : i32
        %mul3A_562 = arith.muli %scan3A_141, %mul3A_561 : i32
        %swap3A_563 = arith.index_cast %mul3A_562 : i32 to index
        %swap3A_564 = tpu.vector_load %arg16[%swap3A_563] {strides = array<i32>} : memref<128xf32, #tpu.memory_space<vmem>>, vector<16xf32>,
        tpu.vector_store %arg16[%swap3A_563], %exp3A {strides = array<i32>} : memref<128xf32, #tpu.memory_space<vmem>>, vector<16xf32>,
      }
      %scan3A_140 = arith.constant 8 : i32
      "tpu.region"() ({
        %run_scoped3A = tpu.sem_alloc : memref<!tpu.dma_semaphore, #tpu.memory_space<semaphore_mem>>
        %dma_start3A_141 = tpu.memref_slice %arg6[%mul3A_119] : memref<320000xf32, #tpu.memory_space<hbm>> -> memref<128xf32, #tpu.memory_space<hbm>>
        %dma_start3A_142 = tpu.memref_slice %arg6[%mul3A_119] : memref<320000xf32, #tpu.memory_space<hbm>> -> memref<128xf32, #tpu.memory_space<hbm>>
        tpu.enqueue_dma source(%arg14 : memref<128xf32, #tpu.memory_space<vmem>>) target(%dma_start3A_142 : memref<128xf32, #tpu.memory_space<hbm>>) target_semaphore(%run_scoped3A : memref<!tpu.dma_semaphore, #tpu.memory_space<semaphore_mem>>)
        %dma_wait3A_143 = tpu.memref_slice %arg6[%mul3A_119] : memref<320000xf32, #tpu.memory_space<hbm>> -> memref<128xf32, #tpu.memory_space<hbm>>
        %dma_wait3A_144 = tpu.memref_slice %arg6[%mul3A_119] : memref<320000xf32, #tpu.memory_space<hbm>> -> memref<128xf32, #tpu.memory_space<hbm>>
        tpu.wait_dma2 semaphore(%run_scoped3A : memref<!tpu.dma_semaphore, #tpu.memory_space<semaphore_mem>>) src(%arg14 : memref<128xf32, #tpu.memory_space<vmem>>) dst(%dma_wait3A_144 : memref<128xf32, #tpu.memory_space<hbm>>)
        tpu.yield
      }) : () -> ()
      "tpu.region"() ({
        %run_scoped3A = tpu.sem_alloc : memref<!tpu.dma_semaphore, #tpu.memory_space<semaphore_mem>>
        %dma_start3A_141 = tpu.memref_slice %arg7[%mul3A_119] : memref<320000xf32, #tpu.memory_space<hbm>> -> memref<128xf32, #tpu.memory_space<hbm>>
        %dma_start3A_142 = tpu.memref_slice %arg7[%mul3A_119] : memref<320000xf32, #tpu.memory_space<hbm>> -> memref<128xf32, #tpu.memory_space<hbm>>
        tpu.enqueue_dma source(%arg15 : memref<128xf32, #tpu.memory_space<vmem>>) target(%dma_start3A_142 : memref<128xf32, #tpu.memory_space<hbm>>) target_semaphore(%run_scoped3A : memref<!tpu.dma_semaphore, #tpu.memory_space<semaphore_mem>>)
        %dma_wait3A_143 = tpu.memref_slice %arg7[%mul3A_119] : memref<320000xf32, #tpu.memory_space<hbm>> -> memref<128xf32, #tpu.memory_space<hbm>>
        %dma_wait3A_144 = tpu.memref_slice %arg7[%mul3A_119] : memref<320000xf32, #tpu.memory_space<hbm>> -> memref<128xf32, #tpu.memory_space<hbm>>
        tpu.wait_dma2 semaphore(%run_scoped3A : memref<!tpu.dma_semaphore, #tpu.memory_space<semaphore_mem>>) src(%arg15 : memref<128xf32, #tpu.memory_space<vmem>>) dst(%dma_wait3A_144 : memref<128xf32, #tpu.memory_space<hbm>>)
        tpu.yield
      }) : () -> ()
      "tpu.region"() ({
        %run_scoped3A = tpu.sem_alloc : memref<!tpu.dma_semaphore, #tpu.memory_space<semaphore_mem>>
        %dma_start3A_141 = arith.constant 0 : i32
        %dma_start3A_142 = tpu.memref_slice %arg18[%dma_start3A_141] : memref<10000xf32, #tpu.memory_space<vmem_shared>> -> memref<10000xf32, #tpu.memory_space<vmem_shared>>
        tpu.enqueue_indirect_dma source(%arg16 : memref<128xf32, #tpu.memory_space<vmem>>) target(%dma_start3A_142 : memref<10000xf32, #tpu.memory_space<vmem_shared>>) offsets(%arg10 : memref<128xi32, #tpu.memory_space<vmem>>) semaphore(%run_scoped3A : memref<!tpu.dma_semaphore, #tpu.memory_space<semaphore_mem>>) {add = true}
        %dma_wait3A_143 = arith.constant 0 : i32
        %dma_wait3A_144 = tpu.memref_slice %arg18[%dma_wait3A_143] : memref<10000xf32, #tpu.memory_space<vmem_shared>> -> memref<10000xf32, #tpu.memory_space<vmem_shared>>
        tpu.wait_indirect_dma semaphore(%run_scoped3A : memref<!tpu.dma_semaphore, #tpu.memory_space<semaphore_mem>>) src(%arg16 : memref<128xf32, #tpu.memory_space<vmem>>) dst(%dma_wait3A_144 : memref<10000xf32, #tpu.memory_space<vmem_shared>>)
        tpu.yield
      }) : () -> ()
    }
    %while3A_104 = arith.constant 1 : i32
    scf.for %while3A_116 = %while3A_102 to %while3A_98 step %while3A_104  : i32 {
      %add3A_117 = arith.addi %add3A_8, %while3A_116 : i32
      %mul3A_118 = arith.constant 128 : i32
      %mul3A_119 = arith.muli %add3A_117, %mul3A_118 : i32
      "tpu.region"() ({
        %run_scoped3A = tpu.sem_alloc : memref<!tpu.dma_semaphore, #tpu.memory_space<semaphore_mem>>
        %dma_start3A_141 = tpu.memref_slice %arg4[%mul3A_119] : memref<320000xi32, #tpu.memory_space<hbm>> -> memref<128xi32, #tpu.memory_space<hbm>>
        %dma_start3A_142 = tpu.memref_slice %arg4[%mul3A_119] : memref<320000xi32, #tpu.memory_space<hbm>> -> memref<128xi32, #tpu.memory_space<hbm>>
        tpu.enqueue_dma source(%dma_start3A_142 : memref<128xi32, #tpu.memory_space<hbm>>) target(%arg9 : memref<128xi32, #tpu.memory_space<vmem>>) target_semaphore(%run_scoped3A : memref<!tpu.dma_semaphore, #tpu.memory_space<semaphore_mem>>)
        %dma_wait3A_143 = tpu.memref_slice %arg4[%mul3A_119] : memref<320000xi32, #tpu.memory_space<hbm>> -> memref<128xi32, #tpu.memory_space<hbm>>
        %dma_wait3A_144 = tpu.memref_slice %arg4[%mul3A_119] : memref<320000xi32, #tpu.memory_space<hbm>> -> memref<128xi32, #tpu.memory_space<hbm>>
        tpu.wait_dma2 semaphore(%run_scoped3A : memref<!tpu.dma_semaphore, #tpu.memory_space<semaphore_mem>>) src(%dma_wait3A_144 : memref<128xi32, #tpu.memory_space<hbm>>) dst(%arg9 : memref<128xi32, #tpu.memory_space<vmem>>)
        tpu.yield
      }) : () -> ()
      "tpu.region"() ({
        %run_scoped3A = tpu.sem_alloc : memref<!tpu.dma_semaphore, #tpu.memory_space<semaphore_mem>>
        %dma_start3A_141 = tpu.memref_slice %arg5[%mul3A_119] : memref<320000xi32, #tpu.memory_space<hbm>> -> memref<128xi32, #tpu.memory_space<hbm>>
        %dma_start3A_142 = tpu.memref_slice %arg5[%mul3A_119] : memref<320000xi32, #tpu.memory_space<hbm>> -> memref<128xi32, #tpu.memory_space<hbm>>
        tpu.enqueue_dma source(%dma_start3A_142 : memref<128xi32, #tpu.memory_space<hbm>>) target(%arg10 : memref<128xi32, #tpu.memory_space<vmem>>) target_semaphore(%run_scoped3A : memref<!tpu.dma_semaphore, #tpu.memory_space<semaphore_mem>>)
        %dma_wait3A_143 = tpu.memref_slice %arg5[%mul3A_119] : memref<320000xi32, #tpu.memory_space<hbm>> -> memref<128xi32, #tpu.memory_space<hbm>>
        %dma_wait3A_144 = tpu.memref_slice %arg5[%mul3A_119] : memref<320000xi32, #tpu.memory_space<hbm>> -> memref<128xi32, #tpu.memory_space<hbm>>
        tpu.wait_dma2 semaphore(%run_scoped3A : memref<!tpu.dma_semaphore, #tpu.memory_space<semaphore_mem>>) src(%dma_wait3A_144 : memref<128xi32, #tpu.memory_space<hbm>>) dst(%arg10 : memref<128xi32, #tpu.memory_space<vmem>>)
        tpu.yield
      }) : () -> ()
      %dma_start3A = arith.constant 0 : i32
      %dma_start3A_120 = arith.constant 0 : i32
      %dma_start3A_121 = tpu.memref_slice %arg2[%dma_start3A, %dma_start3A_120] : memref<10000x16xf32, #tpu.memory_space<hbm>> -> memref<10000x16xf32, #tpu.memory_space<hbm>>
      tpu.enqueue_indirect_dma source(%dma_start3A_121 : memref<10000x16xf32, #tpu.memory_space<hbm>>) target(%arg11 : memref<128x16xf32, #tpu.memory_space<vmem>>) offsets(%arg9 : memref<128xi32, #tpu.memory_space<vmem>>) semaphore(%arg19 : memref<!tpu.dma_semaphore, #tpu.memory_space<semaphore_mem>>)
      %dma_wait3A = arith.constant 0 : i32
      %dma_wait3A_122 = arith.constant 0 : i32
      %dma_wait3A_123 = tpu.memref_slice %arg2[%dma_wait3A, %dma_wait3A_122] : memref<10000x16xf32, #tpu.memory_space<hbm>> -> memref<10000x16xf32, #tpu.memory_space<hbm>>
      tpu.wait_indirect_dma semaphore(%arg19 : memref<!tpu.dma_semaphore, #tpu.memory_space<semaphore_mem>>) src(%dma_wait3A_123 : memref<10000x16xf32, #tpu.memory_space<hbm>>) dst(%arg11 : memref<128x16xf32, #tpu.memory_space<vmem>>)
      %dma_start3A_124 = arith.constant 0 : i32
      %dma_start3A_125 = arith.constant 0 : i32
      %dma_start3A_126 = tpu.memref_slice %arg3[%dma_start3A_124, %dma_start3A_125] : memref<10000x16xf32, #tpu.memory_space<hbm>> -> memref<10000x16xf32, #tpu.memory_space<hbm>>
      tpu.enqueue_indirect_dma source(%dma_start3A_126 : memref<10000x16xf32, #tpu.memory_space<hbm>>) target(%arg12 : memref<128x16xf32, #tpu.memory_space<vmem>>) offsets(%arg9 : memref<128xi32, #tpu.memory_space<vmem>>) semaphore(%arg19 : memref<!tpu.dma_semaphore, #tpu.memory_space<semaphore_mem>>)
      %dma_wait3A_127 = arith.constant 0 : i32
      %dma_wait3A_128 = arith.constant 0 : i32
      %dma_wait3A_129 = tpu.memref_slice %arg3[%dma_wait3A_127, %dma_wait3A_128] : memref<10000x16xf32, #tpu.memory_space<hbm>> -> memref<10000x16xf32, #tpu.memory_space<hbm>>
      tpu.wait_indirect_dma semaphore(%arg19 : memref<!tpu.dma_semaphore, #tpu.memory_space<semaphore_mem>>) src(%dma_wait3A_129 : memref<10000x16xf32, #tpu.memory_space<hbm>>) dst(%arg12 : memref<128x16xf32, #tpu.memory_space<vmem>>)
      %dma_start3A_130 = arith.constant 0 : i32
      %dma_start3A_131 = arith.constant 0 : i32
      %dma_start3A_132 = tpu.memref_slice %arg3[%dma_start3A_130, %dma_start3A_131] : memref<10000x16xf32, #tpu.memory_space<hbm>> -> memref<10000x16xf32, #tpu.memory_space<hbm>>
      tpu.enqueue_indirect_dma source(%dma_start3A_132 : memref<10000x16xf32, #tpu.memory_space<hbm>>) target(%arg13 : memref<128x16xf32, #tpu.memory_space<vmem>>) offsets(%arg10 : memref<128xi32, #tpu.memory_space<vmem>>) semaphore(%arg19 : memref<!tpu.dma_semaphore, #tpu.memory_space<semaphore_mem>>)
      %dma_wait3A_133 = arith.constant 0 : i32
      %dma_wait3A_134 = arith.constant 0 : i32
      %dma_wait3A_135 = tpu.memref_slice %arg3[%dma_wait3A_133, %dma_wait3A_134] : memref<10000x16xf32, #tpu.memory_space<hbm>> -> memref<10000x16xf32, #tpu.memory_space<hbm>>
      tpu.wait_indirect_dma semaphore(%arg19 : memref<!tpu.dma_semaphore, #tpu.memory_space<semaphore_mem>>) src(%dma_wait3A_135 : memref<10000x16xf32, #tpu.memory_space<hbm>>) dst(%arg13 : memref<128x16xf32, #tpu.memory_space<vmem>>)
      %scan3A = arith.constant 0 : i32
      %scan3A_136 = arith.constant 0 : i32
      %scan3A_137 = arith.constant 8 : i32
      %scan3A_138 = arith.addi %scan3A_136, %scan3A_137 : i32
      %scan3A_139 = arith.constant 1 : i32
      scf.for %scan3A_141 = %scan3A_136 to %scan3A_138 step %scan3A_139  : i32 {
        %mul3A_142 = arith.constant 16 : i32
        %mul3A_143 = arith.muli %scan3A_141, %mul3A_142 : i32
        %add3A_144 = vector.broadcast %mul3A_143 : i32 to vector<16xi32>
        %add3A_145 = arith.addi %add3A_144, %iota3A : vector<16xi32>
        %broadcast_in_dim3A_146 = arith.constant 0.000000e+00 : f32
        %broadcast_in_dim3A_147 = vector.broadcast %broadcast_in_dim3A_146 : f32 to vector<16xf32>
        %broadcast_in_dim3A_148 = arith.constant 0.000000e+00 : f32
        %broadcast_in_dim3A_149 = vector.broadcast %broadcast_in_dim3A_148 : f32 to vector<16xf32>
        %broadcast_in_dim3A_150 = arith.constant 0 : i32
        %broadcast_in_dim3A_151 = vector.broadcast %broadcast_in_dim3A_150 : i32 to vector<16xi32>
        %gather3A = tpu.vector_load_idx %arg11[%add3A_145, %broadcast_in_dim3A_151] : memref<128x16xf32, #tpu.memory_space<vmem>>[vector<16xi32>, vector<16xi32>], vector<16xf32>,
        %gather3A_152 = tpu.vector_load_idx %arg12[%add3A_145, %broadcast_in_dim3A_151] : memref<128x16xf32, #tpu.memory_space<vmem>>[vector<16xi32>, vector<16xi32>], vector<16xf32>,
        %gather3A_153 = tpu.vector_load_idx %arg13[%add3A_145, %broadcast_in_dim3A_151] : memref<128x16xf32, #tpu.memory_space<vmem>>[vector<16xi32>, vector<16xi32>], vector<16xf32>,
        %sub3A = arith.subf %gather3A_152, %gather3A_153 : vector<16xf32>
        %bitcast3A = vector.bitcast %sub3A : vector<16xf32> to vector<16xi32>
        %add3A_154 = arith.constant 32767 : i32
        %add3A_155 = vector.broadcast %add3A_154 : i32 to vector<16xi32>
        %add3A_156 = arith.addi %bitcast3A, %add3A_155 : vector<16xi32>
        %shift_right_arithmetic3A = arith.constant 16 : i32
        %shift_right_arithmetic3A_157 = vector.broadcast %shift_right_arithmetic3A : i32 to vector<16xi32>
        %shift_right_arithmetic3A_158 = arith.shrsi %bitcast3A, %shift_right_arithmetic3A_157 : vector<16xi32>
        %and3A = arith.constant 1 : i32
        %and3A_159 = vector.broadcast %and3A : i32 to vector<16xi32>
        %and3A_160 = arith.andi %shift_right_arithmetic3A_158, %and3A_159 : vector<16xi32>
        %add3A_161 = arith.addi %add3A_156, %and3A_160 : vector<16xi32>
        %and3A_162 = arith.constant -65536 : i32
        %and3A_163 = vector.broadcast %and3A_162 : i32 to vector<16xi32>
        %and3A_164 = arith.andi %add3A_161, %and3A_163 : vector<16xi32>
        %bitcast3A_165 = vector.bitcast %and3A_164 : vector<16xi32> to vector<16xf32>
        %mul3A_166 = arith.mulf %bitcast3A_165, %gather3A : vector<16xf32>
        %add3A_167 = arith.addf %broadcast_in_dim3A_147, %mul3A_166 : vector<16xf32>
        %mul3A_168 = arith.mulf %sub3A, %sub3A : vector<16xf32>
        %add3A_169 = arith.addf %broadcast_in_dim3A_149, %mul3A_168 : vector<16xf32>
        %broadcast_in_dim3A_170 = arith.constant 1 : i32
        %broadcast_in_dim3A_171 = vector.broadcast %broadcast_in_dim3A_170 : i32 to vector<16xi32>
        %gather3A_172 = tpu.vector_load_idx %arg11[%add3A_145, %broadcast_in_dim3A_171] : memref<128x16xf32, #tpu.memory_space<vmem>>[vector<16xi32>, vector<16xi32>], vector<16xf32>,
        %gather3A_173 = tpu.vector_load_idx %arg12[%add3A_145, %broadcast_in_dim3A_171] : memref<128x16xf32, #tpu.memory_space<vmem>>[vector<16xi32>, vector<16xi32>], vector<16xf32>,
        %gather3A_174 = tpu.vector_load_idx %arg13[%add3A_145, %broadcast_in_dim3A_171] : memref<128x16xf32, #tpu.memory_space<vmem>>[vector<16xi32>, vector<16xi32>], vector<16xf32>,
        %sub3A_175 = arith.subf %gather3A_173, %gather3A_174 : vector<16xf32>
        %bitcast3A_176 = vector.bitcast %sub3A_175 : vector<16xf32> to vector<16xi32>
        %add3A_177 = arith.constant 32767 : i32
        %add3A_178 = vector.broadcast %add3A_177 : i32 to vector<16xi32>
        %add3A_179 = arith.addi %bitcast3A_176, %add3A_178 : vector<16xi32>
        %shift_right_arithmetic3A_180 = arith.constant 16 : i32
        %shift_right_arithmetic3A_181 = vector.broadcast %shift_right_arithmetic3A_180 : i32 to vector<16xi32>
        %shift_right_arithmetic3A_182 = arith.shrsi %bitcast3A_176, %shift_right_arithmetic3A_181 : vector<16xi32>
        %and3A_183 = arith.constant 1 : i32
        %and3A_184 = vector.broadcast %and3A_183 : i32 to vector<16xi32>
        %and3A_185 = arith.andi %shift_right_arithmetic3A_182, %and3A_184 : vector<16xi32>
        %add3A_186 = arith.addi %add3A_179, %and3A_185 : vector<16xi32>
        %and3A_187 = arith.constant -65536 : i32
        %and3A_188 = vector.broadcast %and3A_187 : i32 to vector<16xi32>
        %and3A_189 = arith.andi %add3A_186, %and3A_188 : vector<16xi32>
        %bitcast3A_190 = vector.bitcast %and3A_189 : vector<16xi32> to vector<16xf32>
        %mul3A_191 = arith.mulf %bitcast3A_190, %gather3A_172 : vector<16xf32>
        %add3A_192 = arith.addf %add3A_167, %mul3A_191 : vector<16xf32>
        %mul3A_193 = arith.mulf %sub3A_175, %sub3A_175 : vector<16xf32>
        %add3A_194 = arith.addf %add3A_169, %mul3A_193 : vector<16xf32>
        %broadcast_in_dim3A_195 = arith.constant 2 : i32
        %broadcast_in_dim3A_196 = vector.broadcast %broadcast_in_dim3A_195 : i32 to vector<16xi32>
        %gather3A_197 = tpu.vector_load_idx %arg11[%add3A_145, %broadcast_in_dim3A_196] : memref<128x16xf32, #tpu.memory_space<vmem>>[vector<16xi32>, vector<16xi32>], vector<16xf32>,
        %gather3A_198 = tpu.vector_load_idx %arg12[%add3A_145, %broadcast_in_dim3A_196] : memref<128x16xf32, #tpu.memory_space<vmem>>[vector<16xi32>, vector<16xi32>], vector<16xf32>,
        %gather3A_199 = tpu.vector_load_idx %arg13[%add3A_145, %broadcast_in_dim3A_196] : memref<128x16xf32, #tpu.memory_space<vmem>>[vector<16xi32>, vector<16xi32>], vector<16xf32>,
        %sub3A_200 = arith.subf %gather3A_198, %gather3A_199 : vector<16xf32>
        %bitcast3A_201 = vector.bitcast %sub3A_200 : vector<16xf32> to vector<16xi32>
        %add3A_202 = arith.constant 32767 : i32
        %add3A_203 = vector.broadcast %add3A_202 : i32 to vector<16xi32>
        %add3A_204 = arith.addi %bitcast3A_201, %add3A_203 : vector<16xi32>
        %shift_right_arithmetic3A_205 = arith.constant 16 : i32
        %shift_right_arithmetic3A_206 = vector.broadcast %shift_right_arithmetic3A_205 : i32 to vector<16xi32>
        %shift_right_arithmetic3A_207 = arith.shrsi %bitcast3A_201, %shift_right_arithmetic3A_206 : vector<16xi32>
        %and3A_208 = arith.constant 1 : i32
        %and3A_209 = vector.broadcast %and3A_208 : i32 to vector<16xi32>
        %and3A_210 = arith.andi %shift_right_arithmetic3A_207, %and3A_209 : vector<16xi32>
        %add3A_211 = arith.addi %add3A_204, %and3A_210 : vector<16xi32>
        %and3A_212 = arith.constant -65536 : i32
        %and3A_213 = vector.broadcast %and3A_212 : i32 to vector<16xi32>
        %and3A_214 = arith.andi %add3A_211, %and3A_213 : vector<16xi32>
        %bitcast3A_215 = vector.bitcast %and3A_214 : vector<16xi32> to vector<16xf32>
        %mul3A_216 = arith.mulf %bitcast3A_215, %gather3A_197 : vector<16xf32>
        %add3A_217 = arith.addf %add3A_192, %mul3A_216 : vector<16xf32>
        %mul3A_218 = arith.mulf %sub3A_200, %sub3A_200 : vector<16xf32>
        %add3A_219 = arith.addf %add3A_194, %mul3A_218 : vector<16xf32>
        %broadcast_in_dim3A_220 = arith.constant 3 : i32
        %broadcast_in_dim3A_221 = vector.broadcast %broadcast_in_dim3A_220 : i32 to vector<16xi32>
        %gather3A_222 = tpu.vector_load_idx %arg11[%add3A_145, %broadcast_in_dim3A_221] : memref<128x16xf32, #tpu.memory_space<vmem>>[vector<16xi32>, vector<16xi32>], vector<16xf32>,
        %gather3A_223 = tpu.vector_load_idx %arg12[%add3A_145, %broadcast_in_dim3A_221] : memref<128x16xf32, #tpu.memory_space<vmem>>[vector<16xi32>, vector<16xi32>], vector<16xf32>,
        %gather3A_224 = tpu.vector_load_idx %arg13[%add3A_145, %broadcast_in_dim3A_221] : memref<128x16xf32, #tpu.memory_space<vmem>>[vector<16xi32>, vector<16xi32>], vector<16xf32>,
        %sub3A_225 = arith.subf %gather3A_223, %gather3A_224 : vector<16xf32>
        %bitcast3A_226 = vector.bitcast %sub3A_225 : vector<16xf32> to vector<16xi32>
        %add3A_227 = arith.constant 32767 : i32
        %add3A_228 = vector.broadcast %add3A_227 : i32 to vector<16xi32>
        %add3A_229 = arith.addi %bitcast3A_226, %add3A_228 : vector<16xi32>
        %shift_right_arithmetic3A_230 = arith.constant 16 : i32
        %shift_right_arithmetic3A_231 = vector.broadcast %shift_right_arithmetic3A_230 : i32 to vector<16xi32>
        %shift_right_arithmetic3A_232 = arith.shrsi %bitcast3A_226, %shift_right_arithmetic3A_231 : vector<16xi32>
        %and3A_233 = arith.constant 1 : i32
        %and3A_234 = vector.broadcast %and3A_233 : i32 to vector<16xi32>
        %and3A_235 = arith.andi %shift_right_arithmetic3A_232, %and3A_234 : vector<16xi32>
        %add3A_236 = arith.addi %add3A_229, %and3A_235 : vector<16xi32>
        %and3A_237 = arith.constant -65536 : i32
        %and3A_238 = vector.broadcast %and3A_237 : i32 to vector<16xi32>
        %and3A_239 = arith.andi %add3A_236, %and3A_238 : vector<16xi32>
        %bitcast3A_240 = vector.bitcast %and3A_239 : vector<16xi32> to vector<16xf32>
        %mul3A_241 = arith.mulf %bitcast3A_240, %gather3A_222 : vector<16xf32>
        %add3A_242 = arith.addf %add3A_217, %mul3A_241 : vector<16xf32>
        %mul3A_243 = arith.mulf %sub3A_225, %sub3A_225 : vector<16xf32>
        %add3A_244 = arith.addf %add3A_219, %mul3A_243 : vector<16xf32>
        %broadcast_in_dim3A_245 = arith.constant 4 : i32
        %broadcast_in_dim3A_246 = vector.broadcast %broadcast_in_dim3A_245 : i32 to vector<16xi32>
        %gather3A_247 = tpu.vector_load_idx %arg11[%add3A_145, %broadcast_in_dim3A_246] : memref<128x16xf32, #tpu.memory_space<vmem>>[vector<16xi32>, vector<16xi32>], vector<16xf32>,
        %gather3A_248 = tpu.vector_load_idx %arg12[%add3A_145, %broadcast_in_dim3A_246] : memref<128x16xf32, #tpu.memory_space<vmem>>[vector<16xi32>, vector<16xi32>], vector<16xf32>,
        %gather3A_249 = tpu.vector_load_idx %arg13[%add3A_145, %broadcast_in_dim3A_246] : memref<128x16xf32, #tpu.memory_space<vmem>>[vector<16xi32>, vector<16xi32>], vector<16xf32>,
        %sub3A_250 = arith.subf %gather3A_248, %gather3A_249 : vector<16xf32>
        %bitcast3A_251 = vector.bitcast %sub3A_250 : vector<16xf32> to vector<16xi32>
        %add3A_252 = arith.constant 32767 : i32
        %add3A_253 = vector.broadcast %add3A_252 : i32 to vector<16xi32>
        %add3A_254 = arith.addi %bitcast3A_251, %add3A_253 : vector<16xi32>
        %shift_right_arithmetic3A_255 = arith.constant 16 : i32
        %shift_right_arithmetic3A_256 = vector.broadcast %shift_right_arithmetic3A_255 : i32 to vector<16xi32>
        %shift_right_arithmetic3A_257 = arith.shrsi %bitcast3A_251, %shift_right_arithmetic3A_256 : vector<16xi32>
        %and3A_258 = arith.constant 1 : i32
        %and3A_259 = vector.broadcast %and3A_258 : i32 to vector<16xi32>
        %and3A_260 = arith.andi %shift_right_arithmetic3A_257, %and3A_259 : vector<16xi32>
        %add3A_261 = arith.addi %add3A_254, %and3A_260 : vector<16xi32>
        %and3A_262 = arith.constant -65536 : i32
        %and3A_263 = vector.broadcast %and3A_262 : i32 to vector<16xi32>
        %and3A_264 = arith.andi %add3A_261, %and3A_263 : vector<16xi32>
        %bitcast3A_265 = vector.bitcast %and3A_264 : vector<16xi32> to vector<16xf32>
        %mul3A_266 = arith.mulf %bitcast3A_265, %gather3A_247 : vector<16xf32>
        %add3A_267 = arith.addf %add3A_242, %mul3A_266 : vector<16xf32>
        %mul3A_268 = arith.mulf %sub3A_250, %sub3A_250 : vector<16xf32>
        %add3A_269 = arith.addf %add3A_244, %mul3A_268 : vector<16xf32>
        %broadcast_in_dim3A_270 = arith.constant 5 : i32
        %broadcast_in_dim3A_271 = vector.broadcast %broadcast_in_dim3A_270 : i32 to vector<16xi32>
        %gather3A_272 = tpu.vector_load_idx %arg11[%add3A_145, %broadcast_in_dim3A_271] : memref<128x16xf32, #tpu.memory_space<vmem>>[vector<16xi32>, vector<16xi32>], vector<16xf32>,
        %gather3A_273 = tpu.vector_load_idx %arg12[%add3A_145, %broadcast_in_dim3A_271] : memref<128x16xf32, #tpu.memory_space<vmem>>[vector<16xi32>, vector<16xi32>], vector<16xf32>,
        %gather3A_274 = tpu.vector_load_idx %arg13[%add3A_145, %broadcast_in_dim3A_271] : memref<128x16xf32, #tpu.memory_space<vmem>>[vector<16xi32>, vector<16xi32>], vector<16xf32>,
        %sub3A_275 = arith.subf %gather3A_273, %gather3A_274 : vector<16xf32>
        %bitcast3A_276 = vector.bitcast %sub3A_275 : vector<16xf32> to vector<16xi32>
        %add3A_277 = arith.constant 32767 : i32
        %add3A_278 = vector.broadcast %add3A_277 : i32 to vector<16xi32>
        %add3A_279 = arith.addi %bitcast3A_276, %add3A_278 : vector<16xi32>
        %shift_right_arithmetic3A_280 = arith.constant 16 : i32
        %shift_right_arithmetic3A_281 = vector.broadcast %shift_right_arithmetic3A_280 : i32 to vector<16xi32>
        %shift_right_arithmetic3A_282 = arith.shrsi %bitcast3A_276, %shift_right_arithmetic3A_281 : vector<16xi32>
        %and3A_283 = arith.constant 1 : i32
        %and3A_284 = vector.broadcast %and3A_283 : i32 to vector<16xi32>
        %and3A_285 = arith.andi %shift_right_arithmetic3A_282, %and3A_284 : vector<16xi32>
        %add3A_286 = arith.addi %add3A_279, %and3A_285 : vector<16xi32>
        %and3A_287 = arith.constant -65536 : i32
        %and3A_288 = vector.broadcast %and3A_287 : i32 to vector<16xi32>
        %and3A_289 = arith.andi %add3A_286, %and3A_288 : vector<16xi32>
        %bitcast3A_290 = vector.bitcast %and3A_289 : vector<16xi32> to vector<16xf32>
        %mul3A_291 = arith.mulf %bitcast3A_290, %gather3A_272 : vector<16xf32>
        %add3A_292 = arith.addf %add3A_267, %mul3A_291 : vector<16xf32>
        %mul3A_293 = arith.mulf %sub3A_275, %sub3A_275 : vector<16xf32>
        %add3A_294 = arith.addf %add3A_269, %mul3A_293 : vector<16xf32>
        %broadcast_in_dim3A_295 = arith.constant 6 : i32
        %broadcast_in_dim3A_296 = vector.broadcast %broadcast_in_dim3A_295 : i32 to vector<16xi32>
        %gather3A_297 = tpu.vector_load_idx %arg11[%add3A_145, %broadcast_in_dim3A_296] : memref<128x16xf32, #tpu.memory_space<vmem>>[vector<16xi32>, vector<16xi32>], vector<16xf32>,
        %gather3A_298 = tpu.vector_load_idx %arg12[%add3A_145, %broadcast_in_dim3A_296] : memref<128x16xf32, #tpu.memory_space<vmem>>[vector<16xi32>, vector<16xi32>], vector<16xf32>,
        %gather3A_299 = tpu.vector_load_idx %arg13[%add3A_145, %broadcast_in_dim3A_296] : memref<128x16xf32, #tpu.memory_space<vmem>>[vector<16xi32>, vector<16xi32>], vector<16xf32>,
        %sub3A_300 = arith.subf %gather3A_298, %gather3A_299 : vector<16xf32>
        %bitcast3A_301 = vector.bitcast %sub3A_300 : vector<16xf32> to vector<16xi32>
        %add3A_302 = arith.constant 32767 : i32
        %add3A_303 = vector.broadcast %add3A_302 : i32 to vector<16xi32>
        %add3A_304 = arith.addi %bitcast3A_301, %add3A_303 : vector<16xi32>
        %shift_right_arithmetic3A_305 = arith.constant 16 : i32
        %shift_right_arithmetic3A_306 = vector.broadcast %shift_right_arithmetic3A_305 : i32 to vector<16xi32>
        %shift_right_arithmetic3A_307 = arith.shrsi %bitcast3A_301, %shift_right_arithmetic3A_306 : vector<16xi32>
        %and3A_308 = arith.constant 1 : i32
        %and3A_309 = vector.broadcast %and3A_308 : i32 to vector<16xi32>
        %and3A_310 = arith.andi %shift_right_arithmetic3A_307, %and3A_309 : vector<16xi32>
        %add3A_311 = arith.addi %add3A_304, %and3A_310 : vector<16xi32>
        %and3A_312 = arith.constant -65536 : i32
        %and3A_313 = vector.broadcast %and3A_312 : i32 to vector<16xi32>
        %and3A_314 = arith.andi %add3A_311, %and3A_313 : vector<16xi32>
        %bitcast3A_315 = vector.bitcast %and3A_314 : vector<16xi32> to vector<16xf32>
        %mul3A_316 = arith.mulf %bitcast3A_315, %gather3A_297 : vector<16xf32>
        %add3A_317 = arith.addf %add3A_292, %mul3A_316 : vector<16xf32>
        %mul3A_318 = arith.mulf %sub3A_300, %sub3A_300 : vector<16xf32>
        %add3A_319 = arith.addf %add3A_294, %mul3A_318 : vector<16xf32>
        %broadcast_in_dim3A_320 = arith.constant 7 : i32
        %broadcast_in_dim3A_321 = vector.broadcast %broadcast_in_dim3A_320 : i32 to vector<16xi32>
        %gather3A_322 = tpu.vector_load_idx %arg11[%add3A_145, %broadcast_in_dim3A_321] : memref<128x16xf32, #tpu.memory_space<vmem>>[vector<16xi32>, vector<16xi32>], vector<16xf32>,
        %gather3A_323 = tpu.vector_load_idx %arg12[%add3A_145, %broadcast_in_dim3A_321] : memref<128x16xf32, #tpu.memory_space<vmem>>[vector<16xi32>, vector<16xi32>], vector<16xf32>,
        %gather3A_324 = tpu.vector_load_idx %arg13[%add3A_145, %broadcast_in_dim3A_321] : memref<128x16xf32, #tpu.memory_space<vmem>>[vector<16xi32>, vector<16xi32>], vector<16xf32>,
        %sub3A_325 = arith.subf %gather3A_323, %gather3A_324 : vector<16xf32>
        %bitcast3A_326 = vector.bitcast %sub3A_325 : vector<16xf32> to vector<16xi32>
        %add3A_327 = arith.constant 32767 : i32
        %add3A_328 = vector.broadcast %add3A_327 : i32 to vector<16xi32>
        %add3A_329 = arith.addi %bitcast3A_326, %add3A_328 : vector<16xi32>
        %shift_right_arithmetic3A_330 = arith.constant 16 : i32
        %shift_right_arithmetic3A_331 = vector.broadcast %shift_right_arithmetic3A_330 : i32 to vector<16xi32>
        %shift_right_arithmetic3A_332 = arith.shrsi %bitcast3A_326, %shift_right_arithmetic3A_331 : vector<16xi32>
        %and3A_333 = arith.constant 1 : i32
        %and3A_334 = vector.broadcast %and3A_333 : i32 to vector<16xi32>
        %and3A_335 = arith.andi %shift_right_arithmetic3A_332, %and3A_334 : vector<16xi32>
        %add3A_336 = arith.addi %add3A_329, %and3A_335 : vector<16xi32>
        %and3A_337 = arith.constant -65536 : i32
        %and3A_338 = vector.broadcast %and3A_337 : i32 to vector<16xi32>
        %and3A_339 = arith.andi %add3A_336, %and3A_338 : vector<16xi32>
        %bitcast3A_340 = vector.bitcast %and3A_339 : vector<16xi32> to vector<16xf32>
        %mul3A_341 = arith.mulf %bitcast3A_340, %gather3A_322 : vector<16xf32>
        %add3A_342 = arith.addf %add3A_317, %mul3A_341 : vector<16xf32>
        %mul3A_343 = arith.mulf %sub3A_325, %sub3A_325 : vector<16xf32>
        %add3A_344 = arith.addf %add3A_319, %mul3A_343 : vector<16xf32>
        %broadcast_in_dim3A_345 = arith.constant 8 : i32
        %broadcast_in_dim3A_346 = vector.broadcast %broadcast_in_dim3A_345 : i32 to vector<16xi32>
        %gather3A_347 = tpu.vector_load_idx %arg11[%add3A_145, %broadcast_in_dim3A_346] : memref<128x16xf32, #tpu.memory_space<vmem>>[vector<16xi32>, vector<16xi32>], vector<16xf32>,
        %gather3A_348 = tpu.vector_load_idx %arg12[%add3A_145, %broadcast_in_dim3A_346] : memref<128x16xf32, #tpu.memory_space<vmem>>[vector<16xi32>, vector<16xi32>], vector<16xf32>,
        %gather3A_349 = tpu.vector_load_idx %arg13[%add3A_145, %broadcast_in_dim3A_346] : memref<128x16xf32, #tpu.memory_space<vmem>>[vector<16xi32>, vector<16xi32>], vector<16xf32>,
        %sub3A_350 = arith.subf %gather3A_348, %gather3A_349 : vector<16xf32>
        %bitcast3A_351 = vector.bitcast %sub3A_350 : vector<16xf32> to vector<16xi32>
        %add3A_352 = arith.constant 32767 : i32
        %add3A_353 = vector.broadcast %add3A_352 : i32 to vector<16xi32>
        %add3A_354 = arith.addi %bitcast3A_351, %add3A_353 : vector<16xi32>
        %shift_right_arithmetic3A_355 = arith.constant 16 : i32
        %shift_right_arithmetic3A_356 = vector.broadcast %shift_right_arithmetic3A_355 : i32 to vector<16xi32>
        %shift_right_arithmetic3A_357 = arith.shrsi %bitcast3A_351, %shift_right_arithmetic3A_356 : vector<16xi32>
        %and3A_358 = arith.constant 1 : i32
        %and3A_359 = vector.broadcast %and3A_358 : i32 to vector<16xi32>
        %and3A_360 = arith.andi %shift_right_arithmetic3A_357, %and3A_359 : vector<16xi32>
        %add3A_361 = arith.addi %add3A_354, %and3A_360 : vector<16xi32>
        %and3A_362 = arith.constant -65536 : i32
        %and3A_363 = vector.broadcast %and3A_362 : i32 to vector<16xi32>
        %and3A_364 = arith.andi %add3A_361, %and3A_363 : vector<16xi32>
        %bitcast3A_365 = vector.bitcast %and3A_364 : vector<16xi32> to vector<16xf32>
        %mul3A_366 = arith.mulf %bitcast3A_365, %gather3A_347 : vector<16xf32>
        %add3A_367 = arith.addf %add3A_342, %mul3A_366 : vector<16xf32>
        %mul3A_368 = arith.mulf %sub3A_350, %sub3A_350 : vector<16xf32>
        %add3A_369 = arith.addf %add3A_344, %mul3A_368 : vector<16xf32>
        %broadcast_in_dim3A_370 = arith.constant 9 : i32
        %broadcast_in_dim3A_371 = vector.broadcast %broadcast_in_dim3A_370 : i32 to vector<16xi32>
        %gather3A_372 = tpu.vector_load_idx %arg11[%add3A_145, %broadcast_in_dim3A_371] : memref<128x16xf32, #tpu.memory_space<vmem>>[vector<16xi32>, vector<16xi32>], vector<16xf32>,
        %gather3A_373 = tpu.vector_load_idx %arg12[%add3A_145, %broadcast_in_dim3A_371] : memref<128x16xf32, #tpu.memory_space<vmem>>[vector<16xi32>, vector<16xi32>], vector<16xf32>,
        %gather3A_374 = tpu.vector_load_idx %arg13[%add3A_145, %broadcast_in_dim3A_371] : memref<128x16xf32, #tpu.memory_space<vmem>>[vector<16xi32>, vector<16xi32>], vector<16xf32>,
        %sub3A_375 = arith.subf %gather3A_373, %gather3A_374 : vector<16xf32>
        %bitcast3A_376 = vector.bitcast %sub3A_375 : vector<16xf32> to vector<16xi32>
        %add3A_377 = arith.constant 32767 : i32
        %add3A_378 = vector.broadcast %add3A_377 : i32 to vector<16xi32>
        %add3A_379 = arith.addi %bitcast3A_376, %add3A_378 : vector<16xi32>
        %shift_right_arithmetic3A_380 = arith.constant 16 : i32
        %shift_right_arithmetic3A_381 = vector.broadcast %shift_right_arithmetic3A_380 : i32 to vector<16xi32>
        %shift_right_arithmetic3A_382 = arith.shrsi %bitcast3A_376, %shift_right_arithmetic3A_381 : vector<16xi32>
        %and3A_383 = arith.constant 1 : i32
        %and3A_384 = vector.broadcast %and3A_383 : i32 to vector<16xi32>
        %and3A_385 = arith.andi %shift_right_arithmetic3A_382, %and3A_384 : vector<16xi32>
        %add3A_386 = arith.addi %add3A_379, %and3A_385 : vector<16xi32>
        %and3A_387 = arith.constant -65536 : i32
        %and3A_388 = vector.broadcast %and3A_387 : i32 to vector<16xi32>
        %and3A_389 = arith.andi %add3A_386, %and3A_388 : vector<16xi32>
        %bitcast3A_390 = vector.bitcast %and3A_389 : vector<16xi32> to vector<16xf32>
        %mul3A_391 = arith.mulf %bitcast3A_390, %gather3A_372 : vector<16xf32>
        %add3A_392 = arith.addf %add3A_367, %mul3A_391 : vector<16xf32>
        %mul3A_393 = arith.mulf %sub3A_375, %sub3A_375 : vector<16xf32>
        %add3A_394 = arith.addf %add3A_369, %mul3A_393 : vector<16xf32>
        %broadcast_in_dim3A_395 = arith.constant 10 : i32
        %broadcast_in_dim3A_396 = vector.broadcast %broadcast_in_dim3A_395 : i32 to vector<16xi32>
        %gather3A_397 = tpu.vector_load_idx %arg11[%add3A_145, %broadcast_in_dim3A_396] : memref<128x16xf32, #tpu.memory_space<vmem>>[vector<16xi32>, vector<16xi32>], vector<16xf32>,
        %gather3A_398 = tpu.vector_load_idx %arg12[%add3A_145, %broadcast_in_dim3A_396] : memref<128x16xf32, #tpu.memory_space<vmem>>[vector<16xi32>, vector<16xi32>], vector<16xf32>,
        %gather3A_399 = tpu.vector_load_idx %arg13[%add3A_145, %broadcast_in_dim3A_396] : memref<128x16xf32, #tpu.memory_space<vmem>>[vector<16xi32>, vector<16xi32>], vector<16xf32>,
        %sub3A_400 = arith.subf %gather3A_398, %gather3A_399 : vector<16xf32>
        %bitcast3A_401 = vector.bitcast %sub3A_400 : vector<16xf32> to vector<16xi32>
        %add3A_402 = arith.constant 32767 : i32
        %add3A_403 = vector.broadcast %add3A_402 : i32 to vector<16xi32>
        %add3A_404 = arith.addi %bitcast3A_401, %add3A_403 : vector<16xi32>
        %shift_right_arithmetic3A_405 = arith.constant 16 : i32
        %shift_right_arithmetic3A_406 = vector.broadcast %shift_right_arithmetic3A_405 : i32 to vector<16xi32>
        %shift_right_arithmetic3A_407 = arith.shrsi %bitcast3A_401, %shift_right_arithmetic3A_406 : vector<16xi32>
        %and3A_408 = arith.constant 1 : i32
        %and3A_409 = vector.broadcast %and3A_408 : i32 to vector<16xi32>
        %and3A_410 = arith.andi %shift_right_arithmetic3A_407, %and3A_409 : vector<16xi32>
        %add3A_411 = arith.addi %add3A_404, %and3A_410 : vector<16xi32>
        %and3A_412 = arith.constant -65536 : i32
        %and3A_413 = vector.broadcast %and3A_412 : i32 to vector<16xi32>
        %and3A_414 = arith.andi %add3A_411, %and3A_413 : vector<16xi32>
        %bitcast3A_415 = vector.bitcast %and3A_414 : vector<16xi32> to vector<16xf32>
        %mul3A_416 = arith.mulf %bitcast3A_415, %gather3A_397 : vector<16xf32>
        %add3A_417 = arith.addf %add3A_392, %mul3A_416 : vector<16xf32>
        %mul3A_418 = arith.mulf %sub3A_400, %sub3A_400 : vector<16xf32>
        %add3A_419 = arith.addf %add3A_394, %mul3A_418 : vector<16xf32>
        %broadcast_in_dim3A_420 = arith.constant 11 : i32
        %broadcast_in_dim3A_421 = vector.broadcast %broadcast_in_dim3A_420 : i32 to vector<16xi32>
        %gather3A_422 = tpu.vector_load_idx %arg11[%add3A_145, %broadcast_in_dim3A_421] : memref<128x16xf32, #tpu.memory_space<vmem>>[vector<16xi32>, vector<16xi32>], vector<16xf32>,
        %gather3A_423 = tpu.vector_load_idx %arg12[%add3A_145, %broadcast_in_dim3A_421] : memref<128x16xf32, #tpu.memory_space<vmem>>[vector<16xi32>, vector<16xi32>], vector<16xf32>,
        %gather3A_424 = tpu.vector_load_idx %arg13[%add3A_145, %broadcast_in_dim3A_421] : memref<128x16xf32, #tpu.memory_space<vmem>>[vector<16xi32>, vector<16xi32>], vector<16xf32>,
        %sub3A_425 = arith.subf %gather3A_423, %gather3A_424 : vector<16xf32>
        %bitcast3A_426 = vector.bitcast %sub3A_425 : vector<16xf32> to vector<16xi32>
        %add3A_427 = arith.constant 32767 : i32
        %add3A_428 = vector.broadcast %add3A_427 : i32 to vector<16xi32>
        %add3A_429 = arith.addi %bitcast3A_426, %add3A_428 : vector<16xi32>
        %shift_right_arithmetic3A_430 = arith.constant 16 : i32
        %shift_right_arithmetic3A_431 = vector.broadcast %shift_right_arithmetic3A_430 : i32 to vector<16xi32>
        %shift_right_arithmetic3A_432 = arith.shrsi %bitcast3A_426, %shift_right_arithmetic3A_431 : vector<16xi32>
        %and3A_433 = arith.constant 1 : i32
        %and3A_434 = vector.broadcast %and3A_433 : i32 to vector<16xi32>
        %and3A_435 = arith.andi %shift_right_arithmetic3A_432, %and3A_434 : vector<16xi32>
        %add3A_436 = arith.addi %add3A_429, %and3A_435 : vector<16xi32>
        %and3A_437 = arith.constant -65536 : i32
        %and3A_438 = vector.broadcast %and3A_437 : i32 to vector<16xi32>
        %and3A_439 = arith.andi %add3A_436, %and3A_438 : vector<16xi32>
        %bitcast3A_440 = vector.bitcast %and3A_439 : vector<16xi32> to vector<16xf32>
        %mul3A_441 = arith.mulf %bitcast3A_440, %gather3A_422 : vector<16xf32>
        %add3A_442 = arith.addf %add3A_417, %mul3A_441 : vector<16xf32>
        %mul3A_443 = arith.mulf %sub3A_425, %sub3A_425 : vector<16xf32>
        %add3A_444 = arith.addf %add3A_419, %mul3A_443 : vector<16xf32>
        %broadcast_in_dim3A_445 = arith.constant 12 : i32
        %broadcast_in_dim3A_446 = vector.broadcast %broadcast_in_dim3A_445 : i32 to vector<16xi32>
        %gather3A_447 = tpu.vector_load_idx %arg11[%add3A_145, %broadcast_in_dim3A_446] : memref<128x16xf32, #tpu.memory_space<vmem>>[vector<16xi32>, vector<16xi32>], vector<16xf32>,
        %gather3A_448 = tpu.vector_load_idx %arg12[%add3A_145, %broadcast_in_dim3A_446] : memref<128x16xf32, #tpu.memory_space<vmem>>[vector<16xi32>, vector<16xi32>], vector<16xf32>,
        %gather3A_449 = tpu.vector_load_idx %arg13[%add3A_145, %broadcast_in_dim3A_446] : memref<128x16xf32, #tpu.memory_space<vmem>>[vector<16xi32>, vector<16xi32>], vector<16xf32>,
        %sub3A_450 = arith.subf %gather3A_448, %gather3A_449 : vector<16xf32>
        %bitcast3A_451 = vector.bitcast %sub3A_450 : vector<16xf32> to vector<16xi32>
        %add3A_452 = arith.constant 32767 : i32
        %add3A_453 = vector.broadcast %add3A_452 : i32 to vector<16xi32>
        %add3A_454 = arith.addi %bitcast3A_451, %add3A_453 : vector<16xi32>
        %shift_right_arithmetic3A_455 = arith.constant 16 : i32
        %shift_right_arithmetic3A_456 = vector.broadcast %shift_right_arithmetic3A_455 : i32 to vector<16xi32>
        %shift_right_arithmetic3A_457 = arith.shrsi %bitcast3A_451, %shift_right_arithmetic3A_456 : vector<16xi32>
        %and3A_458 = arith.constant 1 : i32
        %and3A_459 = vector.broadcast %and3A_458 : i32 to vector<16xi32>
        %and3A_460 = arith.andi %shift_right_arithmetic3A_457, %and3A_459 : vector<16xi32>
        %add3A_461 = arith.addi %add3A_454, %and3A_460 : vector<16xi32>
        %and3A_462 = arith.constant -65536 : i32
        %and3A_463 = vector.broadcast %and3A_462 : i32 to vector<16xi32>
        %and3A_464 = arith.andi %add3A_461, %and3A_463 : vector<16xi32>
        %bitcast3A_465 = vector.bitcast %and3A_464 : vector<16xi32> to vector<16xf32>
        %mul3A_466 = arith.mulf %bitcast3A_465, %gather3A_447 : vector<16xf32>
        %add3A_467 = arith.addf %add3A_442, %mul3A_466 : vector<16xf32>
        %mul3A_468 = arith.mulf %sub3A_450, %sub3A_450 : vector<16xf32>
        %add3A_469 = arith.addf %add3A_444, %mul3A_468 : vector<16xf32>
        %broadcast_in_dim3A_470 = arith.constant 13 : i32
        %broadcast_in_dim3A_471 = vector.broadcast %broadcast_in_dim3A_470 : i32 to vector<16xi32>
        %gather3A_472 = tpu.vector_load_idx %arg11[%add3A_145, %broadcast_in_dim3A_471] : memref<128x16xf32, #tpu.memory_space<vmem>>[vector<16xi32>, vector<16xi32>], vector<16xf32>,
        %gather3A_473 = tpu.vector_load_idx %arg12[%add3A_145, %broadcast_in_dim3A_471] : memref<128x16xf32, #tpu.memory_space<vmem>>[vector<16xi32>, vector<16xi32>], vector<16xf32>,
        %gather3A_474 = tpu.vector_load_idx %arg13[%add3A_145, %broadcast_in_dim3A_471] : memref<128x16xf32, #tpu.memory_space<vmem>>[vector<16xi32>, vector<16xi32>], vector<16xf32>,
        %sub3A_475 = arith.subf %gather3A_473, %gather3A_474 : vector<16xf32>
        %bitcast3A_476 = vector.bitcast %sub3A_475 : vector<16xf32> to vector<16xi32>
        %add3A_477 = arith.constant 32767 : i32
        %add3A_478 = vector.broadcast %add3A_477 : i32 to vector<16xi32>
        %add3A_479 = arith.addi %bitcast3A_476, %add3A_478 : vector<16xi32>
        %shift_right_arithmetic3A_480 = arith.constant 16 : i32
        %shift_right_arithmetic3A_481 = vector.broadcast %shift_right_arithmetic3A_480 : i32 to vector<16xi32>
        %shift_right_arithmetic3A_482 = arith.shrsi %bitcast3A_476, %shift_right_arithmetic3A_481 : vector<16xi32>
        %and3A_483 = arith.constant 1 : i32
        %and3A_484 = vector.broadcast %and3A_483 : i32 to vector<16xi32>
        %and3A_485 = arith.andi %shift_right_arithmetic3A_482, %and3A_484 : vector<16xi32>
        %add3A_486 = arith.addi %add3A_479, %and3A_485 : vector<16xi32>
        %and3A_487 = arith.constant -65536 : i32
        %and3A_488 = vector.broadcast %and3A_487 : i32 to vector<16xi32>
        %and3A_489 = arith.andi %add3A_486, %and3A_488 : vector<16xi32>
        %bitcast3A_490 = vector.bitcast %and3A_489 : vector<16xi32> to vector<16xf32>
        %mul3A_491 = arith.mulf %bitcast3A_490, %gather3A_472 : vector<16xf32>
        %add3A_492 = arith.addf %add3A_467, %mul3A_491 : vector<16xf32>
        %mul3A_493 = arith.mulf %sub3A_475, %sub3A_475 : vector<16xf32>
        %add3A_494 = arith.addf %add3A_469, %mul3A_493 : vector<16xf32>
        %broadcast_in_dim3A_495 = arith.constant 14 : i32
        %broadcast_in_dim3A_496 = vector.broadcast %broadcast_in_dim3A_495 : i32 to vector<16xi32>
        %gather3A_497 = tpu.vector_load_idx %arg11[%add3A_145, %broadcast_in_dim3A_496] : memref<128x16xf32, #tpu.memory_space<vmem>>[vector<16xi32>, vector<16xi32>], vector<16xf32>,
        %gather3A_498 = tpu.vector_load_idx %arg12[%add3A_145, %broadcast_in_dim3A_496] : memref<128x16xf32, #tpu.memory_space<vmem>>[vector<16xi32>, vector<16xi32>], vector<16xf32>,
        %gather3A_499 = tpu.vector_load_idx %arg13[%add3A_145, %broadcast_in_dim3A_496] : memref<128x16xf32, #tpu.memory_space<vmem>>[vector<16xi32>, vector<16xi32>], vector<16xf32>,
        %sub3A_500 = arith.subf %gather3A_498, %gather3A_499 : vector<16xf32>
        %bitcast3A_501 = vector.bitcast %sub3A_500 : vector<16xf32> to vector<16xi32>
        %add3A_502 = arith.constant 32767 : i32
        %add3A_503 = vector.broadcast %add3A_502 : i32 to vector<16xi32>
        %add3A_504 = arith.addi %bitcast3A_501, %add3A_503 : vector<16xi32>
        %shift_right_arithmetic3A_505 = arith.constant 16 : i32
        %shift_right_arithmetic3A_506 = vector.broadcast %shift_right_arithmetic3A_505 : i32 to vector<16xi32>
        %shift_right_arithmetic3A_507 = arith.shrsi %bitcast3A_501, %shift_right_arithmetic3A_506 : vector<16xi32>
        %and3A_508 = arith.constant 1 : i32
        %and3A_509 = vector.broadcast %and3A_508 : i32 to vector<16xi32>
        %and3A_510 = arith.andi %shift_right_arithmetic3A_507, %and3A_509 : vector<16xi32>
        %add3A_511 = arith.addi %add3A_504, %and3A_510 : vector<16xi32>
        %and3A_512 = arith.constant -65536 : i32
        %and3A_513 = vector.broadcast %and3A_512 : i32 to vector<16xi32>
        %and3A_514 = arith.andi %add3A_511, %and3A_513 : vector<16xi32>
        %bitcast3A_515 = vector.bitcast %and3A_514 : vector<16xi32> to vector<16xf32>
        %mul3A_516 = arith.mulf %bitcast3A_515, %gather3A_497 : vector<16xf32>
        %add3A_517 = arith.addf %add3A_492, %mul3A_516 : vector<16xf32>
        %mul3A_518 = arith.mulf %sub3A_500, %sub3A_500 : vector<16xf32>
        %add3A_519 = arith.addf %add3A_494, %mul3A_518 : vector<16xf32>
        %broadcast_in_dim3A_520 = arith.constant 15 : i32
        %broadcast_in_dim3A_521 = vector.broadcast %broadcast_in_dim3A_520 : i32 to vector<16xi32>
        %gather3A_522 = tpu.vector_load_idx %arg11[%add3A_145, %broadcast_in_dim3A_521] : memref<128x16xf32, #tpu.memory_space<vmem>>[vector<16xi32>, vector<16xi32>], vector<16xf32>,
        %gather3A_523 = tpu.vector_load_idx %arg12[%add3A_145, %broadcast_in_dim3A_521] : memref<128x16xf32, #tpu.memory_space<vmem>>[vector<16xi32>, vector<16xi32>], vector<16xf32>,
        %gather3A_524 = tpu.vector_load_idx %arg13[%add3A_145, %broadcast_in_dim3A_521] : memref<128x16xf32, #tpu.memory_space<vmem>>[vector<16xi32>, vector<16xi32>], vector<16xf32>,
        %sub3A_525 = arith.subf %gather3A_523, %gather3A_524 : vector<16xf32>
        %bitcast3A_526 = vector.bitcast %sub3A_525 : vector<16xf32> to vector<16xi32>
        %add3A_527 = arith.constant 32767 : i32
        %add3A_528 = vector.broadcast %add3A_527 : i32 to vector<16xi32>
        %add3A_529 = arith.addi %bitcast3A_526, %add3A_528 : vector<16xi32>
        %shift_right_arithmetic3A_530 = arith.constant 16 : i32
        %shift_right_arithmetic3A_531 = vector.broadcast %shift_right_arithmetic3A_530 : i32 to vector<16xi32>
        %shift_right_arithmetic3A_532 = arith.shrsi %bitcast3A_526, %shift_right_arithmetic3A_531 : vector<16xi32>
        %and3A_533 = arith.constant 1 : i32
        %and3A_534 = vector.broadcast %and3A_533 : i32 to vector<16xi32>
        %and3A_535 = arith.andi %shift_right_arithmetic3A_532, %and3A_534 : vector<16xi32>
        %add3A_536 = arith.addi %add3A_529, %and3A_535 : vector<16xi32>
        %and3A_537 = arith.constant -65536 : i32
        %and3A_538 = vector.broadcast %and3A_537 : i32 to vector<16xi32>
        %and3A_539 = arith.andi %add3A_536, %and3A_538 : vector<16xi32>
        %bitcast3A_540 = vector.bitcast %and3A_539 : vector<16xi32> to vector<16xf32>
        %mul3A_541 = arith.mulf %bitcast3A_540, %gather3A_522 : vector<16xf32>
        %add3A_542 = arith.addf %add3A_517, %mul3A_541 : vector<16xf32>
        %mul3A_543 = arith.mulf %sub3A_525, %sub3A_525 : vector<16xf32>
        %add3A_544 = arith.addf %add3A_519, %mul3A_543 : vector<16xf32>
        %mul3A_545 = arith.constant 16 : i32
        %mul3A_546 = arith.muli %scan3A_141, %mul3A_545 : i32
        %swap3A_547 = arith.index_cast %mul3A_546 : i32 to index
        %swap3A_548 = tpu.vector_load %arg14[%swap3A_547] {strides = array<i32>} : memref<128xf32, #tpu.memory_space<vmem>>, vector<16xf32>,
        tpu.vector_store %arg14[%swap3A_547], %add3A_542 {strides = array<i32>} : memref<128xf32, #tpu.memory_space<vmem>>, vector<16xf32>,
        %add3A_549 = arith.constant 1.000000e+00 : f32
        %add3A_550 = vector.broadcast %add3A_549 : f32 to vector<16xf32>
        %add3A_551 = arith.addf %add3A_544, %add3A_550 : vector<16xf32>
        %div3A = arith.constant 1.000000e+00 : f32
        %div3A_552 = vector.broadcast %div3A : f32 to vector<16xf32>
        %div3A_553 = arith.divf %div3A_552, %add3A_551 : vector<16xf32>
        %mul3A_554 = arith.constant 16 : i32
        %mul3A_555 = arith.muli %scan3A_141, %mul3A_554 : i32
        %swap3A_556 = arith.index_cast %mul3A_555 : i32 to index
        %swap3A_557 = tpu.vector_load %arg15[%swap3A_556] {strides = array<i32>} : memref<128xf32, #tpu.memory_space<vmem>>, vector<16xf32>,
        tpu.vector_store %arg15[%swap3A_556], %div3A_553 {strides = array<i32>} : memref<128xf32, #tpu.memory_space<vmem>>, vector<16xf32>,
        %mul3A_558 = arith.constant 2.500000e-01 : f32
        %mul3A_559 = vector.broadcast %mul3A_558 : f32 to vector<16xf32>
        %mul3A_560 = arith.mulf %mul3A_559, %add3A_542 : vector<16xf32>
        %exp3A = math.exp %mul3A_560 : vector<16xf32>
        %mul3A_561 = arith.constant 16 : i32
        %mul3A_562 = arith.muli %scan3A_141, %mul3A_561 : i32
        %swap3A_563 = arith.index_cast %mul3A_562 : i32 to index
        %swap3A_564 = tpu.vector_load %arg16[%swap3A_563] {strides = array<i32>} : memref<128xf32, #tpu.memory_space<vmem>>, vector<16xf32>,
        tpu.vector_store %arg16[%swap3A_563], %exp3A {strides = array<i32>} : memref<128xf32, #tpu.memory_space<vmem>>, vector<16xf32>,
      }
      %scan3A_140 = arith.constant 8 : i32
      "tpu.region"() ({
        %run_scoped3A = tpu.sem_alloc : memref<!tpu.dma_semaphore, #tpu.memory_space<semaphore_mem>>
        %dma_start3A_141 = tpu.memref_slice %arg6[%mul3A_119] : memref<320000xf32, #tpu.memory_space<hbm>> -> memref<128xf32, #tpu.memory_space<hbm>>
        %dma_start3A_142 = tpu.memref_slice %arg6[%mul3A_119] : memref<320000xf32, #tpu.memory_space<hbm>> -> memref<128xf32, #tpu.memory_space<hbm>>
        tpu.enqueue_dma source(%arg14 : memref<128xf32, #tpu.memory_space<vmem>>) target(%dma_start3A_142 : memref<128xf32, #tpu.memory_space<hbm>>) target_semaphore(%run_scoped3A : memref<!tpu.dma_semaphore, #tpu.memory_space<semaphore_mem>>)
        %dma_wait3A_143 = tpu.memref_slice %arg6[%mul3A_119] : memref<320000xf32, #tpu.memory_space<hbm>> -> memref<128xf32, #tpu.memory_space<hbm>>
        %dma_wait3A_144 = tpu.memref_slice %arg6[%mul3A_119] : memref<320000xf32, #tpu.memory_space<hbm>> -> memref<128xf32, #tpu.memory_space<hbm>>
        tpu.wait_dma2 semaphore(%run_scoped3A : memref<!tpu.dma_semaphore, #tpu.memory_space<semaphore_mem>>) src(%arg14 : memref<128xf32, #tpu.memory_space<vmem>>) dst(%dma_wait3A_144 : memref<128xf32, #tpu.memory_space<hbm>>)
        tpu.yield
      }) : () -> ()
      "tpu.region"() ({
        %run_scoped3A = tpu.sem_alloc : memref<!tpu.dma_semaphore, #tpu.memory_space<semaphore_mem>>
        %dma_start3A_141 = tpu.memref_slice %arg7[%mul3A_119] : memref<320000xf32, #tpu.memory_space<hbm>> -> memref<128xf32, #tpu.memory_space<hbm>>
        %dma_start3A_142 = tpu.memref_slice %arg7[%mul3A_119] : memref<320000xf32, #tpu.memory_space<hbm>> -> memref<128xf32, #tpu.memory_space<hbm>>
        tpu.enqueue_dma source(%arg15 : memref<128xf32, #tpu.memory_space<vmem>>) target(%dma_start3A_142 : memref<128xf32, #tpu.memory_space<hbm>>) target_semaphore(%run_scoped3A : memref<!tpu.dma_semaphore, #tpu.memory_space<semaphore_mem>>)
        %dma_wait3A_143 = tpu.memref_slice %arg7[%mul3A_119] : memref<320000xf32, #tpu.memory_space<hbm>> -> memref<128xf32, #tpu.memory_space<hbm>>
        %dma_wait3A_144 = tpu.memref_slice %arg7[%mul3A_119] : memref<320000xf32, #tpu.memory_space<hbm>> -> memref<128xf32, #tpu.memory_space<hbm>>
        tpu.wait_dma2 semaphore(%run_scoped3A : memref<!tpu.dma_semaphore, #tpu.memory_space<semaphore_mem>>) src(%arg15 : memref<128xf32, #tpu.memory_space<vmem>>) dst(%dma_wait3A_144 : memref<128xf32, #tpu.memory_space<hbm>>)
        tpu.yield
      }) : () -> ()
      "tpu.region"() ({
        %run_scoped3A = tpu.sem_alloc : memref<!tpu.dma_semaphore, #tpu.memory_space<semaphore_mem>>
        %dma_start3A_141 = arith.constant 0 : i32
        %dma_start3A_142 = tpu.memref_slice %arg18[%dma_start3A_141] : memref<10000xf32, #tpu.memory_space<vmem_shared>> -> memref<10000xf32, #tpu.memory_space<vmem_shared>>
        tpu.enqueue_indirect_dma source(%arg16 : memref<128xf32, #tpu.memory_space<vmem>>) target(%dma_start3A_142 : memref<10000xf32, #tpu.memory_space<vmem_shared>>) offsets(%arg10 : memref<128xi32, #tpu.memory_space<vmem>>) semaphore(%run_scoped3A : memref<!tpu.dma_semaphore, #tpu.memory_space<semaphore_mem>>) {add = true}
        %dma_wait3A_143 = arith.constant 0 : i32
        %dma_wait3A_144 = tpu.memref_slice %arg18[%dma_wait3A_143] : memref<10000xf32, #tpu.memory_space<vmem_shared>> -> memref<10000xf32, #tpu.memory_space<vmem_shared>>
        tpu.wait_indirect_dma semaphore(%run_scoped3A : memref<!tpu.dma_semaphore, #tpu.memory_space<semaphore_mem>>) src(%arg16 : memref<128xf32, #tpu.memory_space<vmem>>) dst(%dma_wait3A_144 : memref<10000xf32, #tpu.memory_space<vmem_shared>>)
        tpu.yield
      }) : () -> ()
    }
    %barrier3A_105 = arith.constant 0 : index
    tpu.barrier barrier_id(%barrier3A_105)
    %lt3A_106 = arith.constant 15 : i32
    %lt3A_107 = arith.cmpi slt, %arg1, %lt3A_106 : i32
    %convert_element_type3A_108 = arith.extui %lt3A_107 : i1 to i32
    %cond3A_109 = arith.constant 0 : i32
    %cond3A_110 = arith.cmpi ne, %convert_element_type3A_108, %cond3A_109 : i32
    scf.if %cond3A_110 {
      %mul3A_116 = arith.constant 632 : i32
      %mul3A_117 = arith.muli %arg1, %mul3A_116 : i32
      %mul3A_118 = arith.constant 632 : i32
      %mul3A_119 = arith.muli %arg1, %mul3A_118 : i32
      "tpu.region"() ({
        %run_scoped3A = tpu.sem_alloc : memref<!tpu.dma_semaphore, #tpu.memory_space<semaphore_mem>>
        %dma_start3A = tpu.memref_slice %arg8[%arg0, %mul3A_119] : memref<2x10000xf32, #tpu.memory_space<hbm>> -> memref<1x632xf32, #tpu.memory_space<hbm>>
        %dma_start3A_120 = tpu.memref_squeeze %dma_start3A : memref<1x632xf32, #tpu.memory_space<hbm>> -> memref<632xf32, #tpu.memory_space<hbm>>
        %dma_start3A_121 = tpu.memref_slice %arg18[%mul3A_117] : memref<10000xf32, #tpu.memory_space<vmem_shared>> -> memref<632xf32, #tpu.memory_space<vmem_shared>>
        tpu.enqueue_dma source(%dma_start3A_121 : memref<632xf32, #tpu.memory_space<vmem_shared>>) target(%dma_start3A_120 : memref<632xf32, #tpu.memory_space<hbm>>) target_semaphore(%run_scoped3A : memref<!tpu.dma_semaphore, #tpu.memory_space<semaphore_mem>>)
        %dma_wait3A = tpu.memref_slice %arg8[%arg0, %mul3A_119] : memref<2x10000xf32, #tpu.memory_space<hbm>> -> memref<1x632xf32, #tpu.memory_space<hbm>>
        %dma_wait3A_122 = tpu.memref_squeeze %dma_wait3A : memref<1x632xf32, #tpu.memory_space<hbm>> -> memref<632xf32, #tpu.memory_space<hbm>>
        %dma_wait3A_123 = tpu.memref_slice %arg18[%mul3A_117] : memref<10000xf32, #tpu.memory_space<vmem_shared>> -> memref<632xf32, #tpu.memory_space<vmem_shared>>
        tpu.wait_dma2 semaphore(%run_scoped3A : memref<!tpu.dma_semaphore, #tpu.memory_space<semaphore_mem>>) src(%dma_wait3A_123 : memref<632xf32, #tpu.memory_space<vmem_shared>>) dst(%dma_wait3A_122 : memref<632xf32, #tpu.memory_space<hbm>>)
        tpu.yield
      }) : () -> ()
    } else {
    }
    %eq3A_111 = arith.constant 15 : i32
    %eq3A_112 = arith.cmpi eq, %arg1, %eq3A_111 : i32
    %convert_element_type3A_113 = arith.extui %eq3A_112 : i1 to i32
    %cond3A_114 = arith.constant 0 : i32
    %cond3A_115 = arith.cmpi ne, %convert_element_type3A_113, %cond3A_114 : i32
    scf.if %cond3A_115 {
      "tpu.region"() ({
        %run_scoped3A = tpu.sem_alloc : memref<!tpu.dma_semaphore, #tpu.memory_space<semaphore_mem>>
        %dma_start3A = arith.constant 9480 : i32
        %dma_start3A_116 = tpu.memref_slice %arg8[%arg0, %dma_start3A] : memref<2x10000xf32, #tpu.memory_space<hbm>> -> memref<1x520xf32, #tpu.memory_space<hbm>>
        %dma_start3A_117 = tpu.memref_squeeze %dma_start3A_116 : memref<1x520xf32, #tpu.memory_space<hbm>> -> memref<520xf32, #tpu.memory_space<hbm>>
        %dma_start3A_118 = arith.constant 9480 : i32
        %dma_start3A_119 = tpu.memref_slice %arg18[%dma_start3A_118] : memref<10000xf32, #tpu.memory_space<vmem_shared>> -> memref<520xf32, #tpu.memory_space<vmem_shared>>
        tpu.enqueue_dma source(%dma_start3A_119 : memref<520xf32, #tpu.memory_space<vmem_shared>>) target(%dma_start3A_117 : memref<520xf32, #tpu.memory_space<hbm>>) target_semaphore(%run_scoped3A : memref<!tpu.dma_semaphore, #tpu.memory_space<semaphore_mem>>)
        %dma_wait3A = arith.constant 9480 : i32
        %dma_wait3A_120 = tpu.memref_slice %arg8[%arg0, %dma_wait3A] : memref<2x10000xf32, #tpu.memory_space<hbm>> -> memref<1x520xf32, #tpu.memory_space<hbm>>
        %dma_wait3A_121 = tpu.memref_squeeze %dma_wait3A_120 : memref<1x520xf32, #tpu.memory_space<hbm>> -> memref<520xf32, #tpu.memory_space<hbm>>
        %dma_wait3A_122 = arith.constant 9480 : i32
        %dma_wait3A_123 = tpu.memref_slice %arg18[%dma_wait3A_122] : memref<10000xf32, #tpu.memory_space<vmem_shared>> -> memref<520xf32, #tpu.memory_space<vmem_shared>>
        tpu.wait_dma2 semaphore(%run_scoped3A : memref<!tpu.dma_semaphore, #tpu.memory_space<semaphore_mem>>) src(%dma_wait3A_123 : memref<520xf32, #tpu.memory_space<vmem_shared>>) dst(%dma_wait3A_121 : memref<520xf32, #tpu.memory_space<hbm>>)
        tpu.yield
      }) : () -> ()
    } else {
    }
    return
  }
}

#map = affine_map<(d0, d1) -> (0)>
#map1 = affine_map<(d0, d1) -> (0, 0)>
#map2 = affine_map<(d0, d1) -> (0, 0, 0)>
module attributes {stable_mosaic.version = 14 : i64} {
  func.func @k(%arg0: i32, %arg1: i32, %arg2: memref<320000xf32, #tpu.memory_space<hbm>>, %arg3: memref<320000xf32, #tpu.memory_space<hbm>>, %arg4: memref<320000xi32, #tpu.memory_space<hbm>>, %arg5: memref<320000xi32, #tpu.memory_space<hbm>>, %arg6: memref<10000xf32, #tpu.memory_space<hbm>>, %arg7: memref<20000x128xf32, #tpu.memory_space<hbm>>, %arg8: memref<10000x128xf32, #tpu.memory_space<hbm>>, %arg9: memref<10000xf32, #tpu.memory_space<hbm>>, %arg10: memref<2x10000x128xf32, #tpu.memory_space<hbm>>, %arg11: memref<2x10000xf32, #tpu.memory_space<hbm>>, %arg12: memref<10000xf32, #tpu.memory_space<vmem>>, %arg13: memref<128xi32, #tpu.memory_space<vmem>>, %arg14: memref<128xi32, #tpu.memory_space<vmem>>, %arg15: memref<128xf32, #tpu.memory_space<vmem>>, %arg16: memref<128xf32, #tpu.memory_space<vmem>>, %arg17: memref<128xf32, #tpu.memory_space<vmem>>, %arg18: memref<128x128xf32, #tpu.memory_space<vmem>>, %arg19: memref<10000x128xf32, #tpu.memory_space<vmem_shared>>, %arg20: memref<10000xf32, #tpu.memory_space<vmem_shared>>, %arg21: memref<!tpu.dma_semaphore, #tpu.memory_space<semaphore_mem>>) attributes {dimension_semantics = [#tpu.dimension_semantics<core_parallel>, #tpu.dimension_semantics<subcore_parallel>], iteration_bounds = array<i64: 2, 16>, scalar_prefetch = 0 : i64, scratch_operands = 10 : i64, tpu.core_type = #tpu.core_type<sc_vector_subcore>, window_params = [{transform_indices = #map}, {transform_indices = #map}, {transform_indices = #map}, {transform_indices = #map}, {transform_indices = #map}, {transform_indices = #map1}, {transform_indices = #map1}, {transform_indices = #map}, {transform_indices = #map2}, {transform_indices = #map1}]} {
    %mul3A = arith.constant 2 : i32
    %mul3A_0 = arith.muli %arg1, %mul3A : i32
    %add3A = arith.addi %mul3A_0, %arg0 : i32
    %lt3A = arith.constant 4 : i32
    %lt3A_1 = arith.cmpi slt, %add3A, %lt3A : i32
    %jit3A = arith.constant 1 : i32
    %jit3A_2 = arith.constant 0 : i32
    %select_n3A = arith.select %lt3A_1, %jit3A, %jit3A_2 : i32
    %add3A_3 = arith.constant 78 : i32
    %add3A_4 = arith.addi %add3A_3, %select_n3A : i32
    %mul3A_5 = arith.constant 78 : i32
    %mul3A_6 = arith.muli %mul3A_5, %add3A : i32
    %min3A = arith.constant 4 : i32
    %min3A_7 = arith.minsi %add3A, %min3A : i32
    %add3A_8 = arith.addi %mul3A_6, %min3A_7 : i32
    %lt3A_9 = arith.constant 15 : i32
    %lt3A_10 = arith.cmpi slt, %arg1, %lt3A_9 : i32
    %convert_element_type3A = arith.extui %lt3A_10 : i1 to i32
    %cond3A = arith.constant 0 : i32
    %cond3A_11 = arith.cmpi ne, %convert_element_type3A, %cond3A : i32
    scf.if %cond3A_11 {
      %mul3A_36 = arith.constant 632 : i32
      %mul3A_37 = arith.muli %arg1, %mul3A_36 : i32
      %mul3A_38 = arith.constant 632 : i32
      %mul3A_39 = arith.muli %arg1, %mul3A_38 : i32
      "tpu.region"() ({
        %run_scoped3A = tpu.sem_alloc : memref<!tpu.dma_semaphore, #tpu.memory_space<semaphore_mem>>
        %dma_start3A = arith.constant 0 : i32
        %dma_start3A_44 = tpu.memref_slice %arg19[%mul3A_39, %dma_start3A] : memref<10000x128xf32, #tpu.memory_space<vmem_shared>> -> memref<632x128xf32, #tpu.memory_space<vmem_shared>>
        %dma_start3A_45 = arith.constant 0 : i32
        %dma_start3A_46 = tpu.memref_slice %arg8[%mul3A_37, %dma_start3A_45] : memref<10000x128xf32, #tpu.memory_space<hbm>> -> memref<632x128xf32, #tpu.memory_space<hbm>>
        tpu.enqueue_dma source(%dma_start3A_46 : memref<632x128xf32, #tpu.memory_space<hbm>>) target(%dma_start3A_44 : memref<632x128xf32, #tpu.memory_space<vmem_shared>>) target_semaphore(%run_scoped3A : memref<!tpu.dma_semaphore, #tpu.memory_space<semaphore_mem>>)
        %dma_wait3A = arith.constant 0 : i32
        %dma_wait3A_47 = tpu.memref_slice %arg19[%mul3A_39, %dma_wait3A] : memref<10000x128xf32, #tpu.memory_space<vmem_shared>> -> memref<632x128xf32, #tpu.memory_space<vmem_shared>>
        %dma_wait3A_48 = arith.constant 0 : i32
        %dma_wait3A_49 = tpu.memref_slice %arg8[%mul3A_37, %dma_wait3A_48] : memref<10000x128xf32, #tpu.memory_space<hbm>> -> memref<632x128xf32, #tpu.memory_space<hbm>>
        tpu.wait_dma2 semaphore(%run_scoped3A : memref<!tpu.dma_semaphore, #tpu.memory_space<semaphore_mem>>) src(%dma_wait3A_49 : memref<632x128xf32, #tpu.memory_space<hbm>>) dst(%dma_wait3A_47 : memref<632x128xf32, #tpu.memory_space<vmem_shared>>)
        tpu.yield
      }) : () -> ()
      %mul3A_40 = arith.constant 632 : i32
      %mul3A_41 = arith.muli %arg1, %mul3A_40 : i32
      %mul3A_42 = arith.constant 632 : i32
      %mul3A_43 = arith.muli %arg1, %mul3A_42 : i32
      "tpu.region"() ({
        %run_scoped3A = tpu.sem_alloc : memref<!tpu.dma_semaphore, #tpu.memory_space<semaphore_mem>>
        %dma_start3A = tpu.memref_slice %arg20[%mul3A_43] : memref<10000xf32, #tpu.memory_space<vmem_shared>> -> memref<632xf32, #tpu.memory_space<vmem_shared>>
        %dma_start3A_44 = tpu.memref_slice %arg9[%mul3A_41] : memref<10000xf32, #tpu.memory_space<hbm>> -> memref<632xf32, #tpu.memory_space<hbm>>
        tpu.enqueue_dma source(%dma_start3A_44 : memref<632xf32, #tpu.memory_space<hbm>>) target(%dma_start3A : memref<632xf32, #tpu.memory_space<vmem_shared>>) target_semaphore(%run_scoped3A : memref<!tpu.dma_semaphore, #tpu.memory_space<semaphore_mem>>)
        %dma_wait3A = tpu.memref_slice %arg20[%mul3A_43] : memref<10000xf32, #tpu.memory_space<vmem_shared>> -> memref<632xf32, #tpu.memory_space<vmem_shared>>
        %dma_wait3A_45 = tpu.memref_slice %arg9[%mul3A_41] : memref<10000xf32, #tpu.memory_space<hbm>> -> memref<632xf32, #tpu.memory_space<hbm>>
        tpu.wait_dma2 semaphore(%run_scoped3A : memref<!tpu.dma_semaphore, #tpu.memory_space<semaphore_mem>>) src(%dma_wait3A_45 : memref<632xf32, #tpu.memory_space<hbm>>) dst(%dma_wait3A : memref<632xf32, #tpu.memory_space<vmem_shared>>)
        tpu.yield
      }) : () -> ()
    } else {
    }
    %eq3A = arith.constant 15 : i32
    %eq3A_12 = arith.cmpi eq, %arg1, %eq3A : i32
    %convert_element_type3A_13 = arith.extui %eq3A_12 : i1 to i32
    %cond3A_14 = arith.constant 0 : i32
    %cond3A_15 = arith.cmpi ne, %convert_element_type3A_13, %cond3A_14 : i32
    scf.if %cond3A_15 {
      "tpu.region"() ({
        %run_scoped3A = tpu.sem_alloc : memref<!tpu.dma_semaphore, #tpu.memory_space<semaphore_mem>>
        %dma_start3A = arith.constant 9480 : i32
        %dma_start3A_36 = arith.constant 0 : i32
        %dma_start3A_37 = tpu.memref_slice %arg19[%dma_start3A, %dma_start3A_36] : memref<10000x128xf32, #tpu.memory_space<vmem_shared>> -> memref<520x128xf32, #tpu.memory_space<vmem_shared>>
        %dma_start3A_38 = arith.constant 9480 : i32
        %dma_start3A_39 = arith.constant 0 : i32
        %dma_start3A_40 = tpu.memref_slice %arg8[%dma_start3A_38, %dma_start3A_39] : memref<10000x128xf32, #tpu.memory_space<hbm>> -> memref<520x128xf32, #tpu.memory_space<hbm>>
        tpu.enqueue_dma source(%dma_start3A_40 : memref<520x128xf32, #tpu.memory_space<hbm>>) target(%dma_start3A_37 : memref<520x128xf32, #tpu.memory_space<vmem_shared>>) target_semaphore(%run_scoped3A : memref<!tpu.dma_semaphore, #tpu.memory_space<semaphore_mem>>)
        %dma_wait3A = arith.constant 9480 : i32
        %dma_wait3A_41 = arith.constant 0 : i32
        %dma_wait3A_42 = tpu.memref_slice %arg19[%dma_wait3A, %dma_wait3A_41] : memref<10000x128xf32, #tpu.memory_space<vmem_shared>> -> memref<520x128xf32, #tpu.memory_space<vmem_shared>>
        %dma_wait3A_43 = arith.constant 9480 : i32
        %dma_wait3A_44 = arith.constant 0 : i32
        %dma_wait3A_45 = tpu.memref_slice %arg8[%dma_wait3A_43, %dma_wait3A_44] : memref<10000x128xf32, #tpu.memory_space<hbm>> -> memref<520x128xf32, #tpu.memory_space<hbm>>
        tpu.wait_dma2 semaphore(%run_scoped3A : memref<!tpu.dma_semaphore, #tpu.memory_space<semaphore_mem>>) src(%dma_wait3A_45 : memref<520x128xf32, #tpu.memory_space<hbm>>) dst(%dma_wait3A_42 : memref<520x128xf32, #tpu.memory_space<vmem_shared>>)
        tpu.yield
      }) : () -> ()
      "tpu.region"() ({
        %run_scoped3A = tpu.sem_alloc : memref<!tpu.dma_semaphore, #tpu.memory_space<semaphore_mem>>
        %dma_start3A = arith.constant 9480 : i32
        %dma_start3A_36 = tpu.memref_slice %arg20[%dma_start3A] : memref<10000xf32, #tpu.memory_space<vmem_shared>> -> memref<520xf32, #tpu.memory_space<vmem_shared>>
        %dma_start3A_37 = arith.constant 9480 : i32
        %dma_start3A_38 = tpu.memref_slice %arg9[%dma_start3A_37] : memref<10000xf32, #tpu.memory_space<hbm>> -> memref<520xf32, #tpu.memory_space<hbm>>
        tpu.enqueue_dma source(%dma_start3A_38 : memref<520xf32, #tpu.memory_space<hbm>>) target(%dma_start3A_36 : memref<520xf32, #tpu.memory_space<vmem_shared>>) target_semaphore(%run_scoped3A : memref<!tpu.dma_semaphore, #tpu.memory_space<semaphore_mem>>)
        %dma_wait3A = arith.constant 9480 : i32
        %dma_wait3A_39 = tpu.memref_slice %arg20[%dma_wait3A] : memref<10000xf32, #tpu.memory_space<vmem_shared>> -> memref<520xf32, #tpu.memory_space<vmem_shared>>
        %dma_wait3A_40 = arith.constant 9480 : i32
        %dma_wait3A_41 = tpu.memref_slice %arg9[%dma_wait3A_40] : memref<10000xf32, #tpu.memory_space<hbm>> -> memref<520xf32, #tpu.memory_space<hbm>>
        tpu.wait_dma2 semaphore(%run_scoped3A : memref<!tpu.dma_semaphore, #tpu.memory_space<semaphore_mem>>) src(%dma_wait3A_41 : memref<520xf32, #tpu.memory_space<hbm>>) dst(%dma_wait3A_39 : memref<520xf32, #tpu.memory_space<vmem_shared>>)
        tpu.yield
      }) : () -> ()
    } else {
    }
    "tpu.region"() ({
      %run_scoped3A = tpu.sem_alloc : memref<!tpu.dma_semaphore, #tpu.memory_space<semaphore_mem>>
      tpu.enqueue_dma source(%arg6 : memref<10000xf32, #tpu.memory_space<hbm>>) target(%arg12 : memref<10000xf32, #tpu.memory_space<vmem>>) target_semaphore(%run_scoped3A : memref<!tpu.dma_semaphore, #tpu.memory_space<semaphore_mem>>)
      tpu.wait_dma2 semaphore(%run_scoped3A : memref<!tpu.dma_semaphore, #tpu.memory_space<semaphore_mem>>) src(%arg6 : memref<10000xf32, #tpu.memory_space<hbm>>) dst(%arg12 : memref<10000xf32, #tpu.memory_space<vmem>>)
      tpu.yield
    }) : () -> ()
    %barrier3A = arith.constant 0 : index
    tpu.barrier barrier_id(%barrier3A)
    %while3A = arith.constant 0 : i32
    %while3A_16 = arith.constant 0 : i32
    %while3A_17 = arith.subi %add3A_4, %while3A_16 : i32
    %while3A_18 = arith.addi %while3A_16, %while3A_17 : i32
    %while3A_19 = arith.constant 1 : i32
    %while3A_20 = arith.divsi %while3A_17, %while3A_19 : i32
    %while3A_21 = arith.muli %while3A_20, %while3A_19 : i32
    %while3A_22 = arith.addi %while3A_16, %while3A_21 : i32
    %while3A_23 = arith.constant 1 : i32
    scf.for %while3A_36 = %while3A_16 to %while3A_22 step %while3A_23  : i32 {
      %add3A_37 = arith.addi %add3A_8, %while3A_36 : i32
      %mul3A_38 = arith.constant 128 : i32
      %mul3A_39 = arith.muli %add3A_37, %mul3A_38 : i32
      "tpu.region"() ({
        %run_scoped3A = tpu.sem_alloc : memref<!tpu.dma_semaphore, #tpu.memory_space<semaphore_mem>>
        %dma_start3A_49 = tpu.memref_slice %arg4[%mul3A_39] : memref<320000xi32, #tpu.memory_space<hbm>> -> memref<128xi32, #tpu.memory_space<hbm>>
        %dma_start3A_50 = tpu.memref_slice %arg4[%mul3A_39] : memref<320000xi32, #tpu.memory_space<hbm>> -> memref<128xi32, #tpu.memory_space<hbm>>
        tpu.enqueue_dma source(%dma_start3A_50 : memref<128xi32, #tpu.memory_space<hbm>>) target(%arg13 : memref<128xi32, #tpu.memory_space<vmem>>) target_semaphore(%run_scoped3A : memref<!tpu.dma_semaphore, #tpu.memory_space<semaphore_mem>>)
        %dma_wait3A_51 = tpu.memref_slice %arg4[%mul3A_39] : memref<320000xi32, #tpu.memory_space<hbm>> -> memref<128xi32, #tpu.memory_space<hbm>>
        %dma_wait3A_52 = tpu.memref_slice %arg4[%mul3A_39] : memref<320000xi32, #tpu.memory_space<hbm>> -> memref<128xi32, #tpu.memory_space<hbm>>
        tpu.wait_dma2 semaphore(%run_scoped3A : memref<!tpu.dma_semaphore, #tpu.memory_space<semaphore_mem>>) src(%dma_wait3A_52 : memref<128xi32, #tpu.memory_space<hbm>>) dst(%arg13 : memref<128xi32, #tpu.memory_space<vmem>>)
        tpu.yield
      }) : () -> ()
      "tpu.region"() ({
        %run_scoped3A = tpu.sem_alloc : memref<!tpu.dma_semaphore, #tpu.memory_space<semaphore_mem>>
        %dma_start3A_49 = tpu.memref_slice %arg5[%mul3A_39] : memref<320000xi32, #tpu.memory_space<hbm>> -> memref<128xi32, #tpu.memory_space<hbm>>
        %dma_start3A_50 = tpu.memref_slice %arg5[%mul3A_39] : memref<320000xi32, #tpu.memory_space<hbm>> -> memref<128xi32, #tpu.memory_space<hbm>>
        tpu.enqueue_dma source(%dma_start3A_50 : memref<128xi32, #tpu.memory_space<hbm>>) target(%arg14 : memref<128xi32, #tpu.memory_space<vmem>>) target_semaphore(%run_scoped3A : memref<!tpu.dma_semaphore, #tpu.memory_space<semaphore_mem>>)
        %dma_wait3A_51 = tpu.memref_slice %arg5[%mul3A_39] : memref<320000xi32, #tpu.memory_space<hbm>> -> memref<128xi32, #tpu.memory_space<hbm>>
        %dma_wait3A_52 = tpu.memref_slice %arg5[%mul3A_39] : memref<320000xi32, #tpu.memory_space<hbm>> -> memref<128xi32, #tpu.memory_space<hbm>>
        tpu.wait_dma2 semaphore(%run_scoped3A : memref<!tpu.dma_semaphore, #tpu.memory_space<semaphore_mem>>) src(%dma_wait3A_52 : memref<128xi32, #tpu.memory_space<hbm>>) dst(%arg14 : memref<128xi32, #tpu.memory_space<vmem>>)
        tpu.yield
      }) : () -> ()
      "tpu.region"() ({
        %run_scoped3A = tpu.sem_alloc : memref<!tpu.dma_semaphore, #tpu.memory_space<semaphore_mem>>
        %dma_start3A_49 = tpu.memref_slice %arg2[%mul3A_39] : memref<320000xf32, #tpu.memory_space<hbm>> -> memref<128xf32, #tpu.memory_space<hbm>>
        %dma_start3A_50 = tpu.memref_slice %arg2[%mul3A_39] : memref<320000xf32, #tpu.memory_space<hbm>> -> memref<128xf32, #tpu.memory_space<hbm>>
        tpu.enqueue_dma source(%dma_start3A_50 : memref<128xf32, #tpu.memory_space<hbm>>) target(%arg15 : memref<128xf32, #tpu.memory_space<vmem>>) target_semaphore(%run_scoped3A : memref<!tpu.dma_semaphore, #tpu.memory_space<semaphore_mem>>)
        %dma_wait3A_51 = tpu.memref_slice %arg2[%mul3A_39] : memref<320000xf32, #tpu.memory_space<hbm>> -> memref<128xf32, #tpu.memory_space<hbm>>
        %dma_wait3A_52 = tpu.memref_slice %arg2[%mul3A_39] : memref<320000xf32, #tpu.memory_space<hbm>> -> memref<128xf32, #tpu.memory_space<hbm>>
        tpu.wait_dma2 semaphore(%run_scoped3A : memref<!tpu.dma_semaphore, #tpu.memory_space<semaphore_mem>>) src(%dma_wait3A_52 : memref<128xf32, #tpu.memory_space<hbm>>) dst(%arg15 : memref<128xf32, #tpu.memory_space<vmem>>)
        tpu.yield
      }) : () -> ()
      "tpu.region"() ({
        %run_scoped3A = tpu.sem_alloc : memref<!tpu.dma_semaphore, #tpu.memory_space<semaphore_mem>>
        %dma_start3A_49 = tpu.memref_slice %arg3[%mul3A_39] : memref<320000xf32, #tpu.memory_space<hbm>> -> memref<128xf32, #tpu.memory_space<hbm>>
        %dma_start3A_50 = tpu.memref_slice %arg3[%mul3A_39] : memref<320000xf32, #tpu.memory_space<hbm>> -> memref<128xf32, #tpu.memory_space<hbm>>
        tpu.enqueue_dma source(%dma_start3A_50 : memref<128xf32, #tpu.memory_space<hbm>>) target(%arg16 : memref<128xf32, #tpu.memory_space<vmem>>) target_semaphore(%run_scoped3A : memref<!tpu.dma_semaphore, #tpu.memory_space<semaphore_mem>>)
        %dma_wait3A_51 = tpu.memref_slice %arg3[%mul3A_39] : memref<320000xf32, #tpu.memory_space<hbm>> -> memref<128xf32, #tpu.memory_space<hbm>>
        %dma_wait3A_52 = tpu.memref_slice %arg3[%mul3A_39] : memref<320000xf32, #tpu.memory_space<hbm>> -> memref<128xf32, #tpu.memory_space<hbm>>
        tpu.wait_dma2 semaphore(%run_scoped3A : memref<!tpu.dma_semaphore, #tpu.memory_space<semaphore_mem>>) src(%dma_wait3A_52 : memref<128xf32, #tpu.memory_space<hbm>>) dst(%arg16 : memref<128xf32, #tpu.memory_space<vmem>>)
        tpu.yield
      }) : () -> ()
      %dma_start3A = arith.constant 0 : i32
      %dma_start3A_40 = arith.constant 0 : i32
      %dma_start3A_41 = tpu.memref_slice %arg7[%dma_start3A, %dma_start3A_40] : memref<20000x128xf32, #tpu.memory_space<hbm>> -> memref<20000x128xf32, #tpu.memory_space<hbm>>
      tpu.enqueue_indirect_dma source(%dma_start3A_41 : memref<20000x128xf32, #tpu.memory_space<hbm>>) target(%arg18 : memref<128x128xf32, #tpu.memory_space<vmem>>) offsets(%arg14 : memref<128xi32, #tpu.memory_space<vmem>>) semaphore(%arg21 : memref<!tpu.dma_semaphore, #tpu.memory_space<semaphore_mem>>)
      %dma_wait3A = arith.constant 0 : i32
      %dma_wait3A_42 = arith.constant 0 : i32
      %dma_wait3A_43 = tpu.memref_slice %arg7[%dma_wait3A, %dma_wait3A_42] : memref<20000x128xf32, #tpu.memory_space<hbm>> -> memref<20000x128xf32, #tpu.memory_space<hbm>>
      tpu.wait_indirect_dma semaphore(%arg21 : memref<!tpu.dma_semaphore, #tpu.memory_space<semaphore_mem>>) src(%dma_wait3A_43 : memref<20000x128xf32, #tpu.memory_space<hbm>>) dst(%arg18 : memref<128x128xf32, #tpu.memory_space<vmem>>)
      %scan3A = arith.constant 0 : i32
      %scan3A_44 = arith.constant 0 : i32
      %scan3A_45 = arith.constant 8 : i32
      %scan3A_46 = arith.addi %scan3A_44, %scan3A_45 : i32
      %scan3A_47 = arith.constant 1 : i32
      scf.for %scan3A_49 = %scan3A_44 to %scan3A_46 step %scan3A_47  : i32 {
        %mul3A_50 = arith.constant 16 : i32
        %mul3A_51 = arith.muli %scan3A_49, %mul3A_50 : i32
        %get3A = arith.index_cast %mul3A_51 : i32 to index
        %get3A_52 = tpu.vector_load %arg13[%get3A] {strides = array<i32>} : memref<128xi32, #tpu.memory_space<vmem>>, vector<16xi32>,
        %gather3A = tpu.vector_load_idx %arg12[%get3A_52] : memref<10000xf32, #tpu.memory_space<vmem>>[vector<16xi32>], vector<16xf32>,
        %mul3A_53 = arith.constant 16 : i32
        %mul3A_54 = arith.muli %scan3A_49, %mul3A_53 : i32
        %get3A_55 = arith.index_cast %mul3A_54 : i32 to index
        %get3A_56 = tpu.vector_load %arg15[%get3A_55] {strides = array<i32>} : memref<128xf32, #tpu.memory_space<vmem>>, vector<16xf32>,
        %sub3A = arith.subf %get3A_56, %gather3A : vector<16xf32>
        %exp3A = math.exp %sub3A : vector<16xf32>
        %mul3A_57 = arith.constant 16 : i32
        %mul3A_58 = arith.muli %scan3A_49, %mul3A_57 : i32
        %swap3A = arith.index_cast %mul3A_58 : i32 to index
        %swap3A_59 = tpu.vector_load %arg17[%swap3A] {strides = array<i32>} : memref<128xf32, #tpu.memory_space<vmem>>, vector<16xf32>,
        tpu.vector_store %arg17[%swap3A], %exp3A {strides = array<i32>} : memref<128xf32, #tpu.memory_space<vmem>>, vector<16xf32>,
        %mul3A_60 = arith.constant 16 : i32
        %mul3A_61 = arith.muli %scan3A_49, %mul3A_60 : i32
        %get3A_62 = arith.index_cast %mul3A_61 : i32 to index
        %get3A_63 = tpu.vector_load %arg16[%get3A_62] {strides = array<i32>} : memref<128xf32, #tpu.memory_space<vmem>>, vector<16xf32>,
        %mul3A_64 = arith.mulf %exp3A, %get3A_63 : vector<16xf32>
        %mul3A_65 = arith.constant 16 : i32
        %mul3A_66 = arith.muli %scan3A_49, %mul3A_65 : i32
        %add3A_67 = arith.constant 0 : i32
        %add3A_68 = arith.addi %mul3A_66, %add3A_67 : i32
        %slice3A = vector.extract_strided_slice %mul3A_64 {offsets = [0], sizes = [1], strides = [1]} : vector<16xf32> to vector<1xf32>
        %squeeze3A = vector.extract %slice3A[0] : f32 from vector<1xf32>
        %broadcast_in_dim3A = vector.broadcast %squeeze3A : f32 to vector<16xf32>
        %get3A_69 = arith.index_cast %add3A_68 : i32 to index
        %get3A_70 = arith.constant 0 : index
        %get3A_71 = tpu.vector_load %arg18[%get3A_69, %get3A_70] {strides = array<i32>} : memref<128x128xf32, #tpu.memory_space<vmem>>, vector<16xf32>,
        %mul3A_72 = arith.mulf %get3A_71, %broadcast_in_dim3A : vector<16xf32>
        %swap3A_73 = arith.index_cast %add3A_68 : i32 to index
        %swap3A_74 = arith.constant 0 : index
        %swap3A_75 = tpu.vector_load %arg18[%swap3A_73, %swap3A_74] {strides = array<i32>} : memref<128x128xf32, #tpu.memory_space<vmem>>, vector<16xf32>,
        tpu.vector_store %arg18[%swap3A_73, %swap3A_74], %mul3A_72 {strides = array<i32>} : memref<128x128xf32, #tpu.memory_space<vmem>>, vector<16xf32>,
        %get3A_76 = arith.index_cast %add3A_68 : i32 to index
        %get3A_77 = arith.constant 16 : index
        %get3A_78 = tpu.vector_load %arg18[%get3A_76, %get3A_77] {strides = array<i32>} : memref<128x128xf32, #tpu.memory_space<vmem>>, vector<16xf32>,
        %mul3A_79 = arith.mulf %get3A_78, %broadcast_in_dim3A : vector<16xf32>
        %swap3A_80 = arith.index_cast %add3A_68 : i32 to index
        %swap3A_81 = arith.constant 16 : index
        %swap3A_82 = tpu.vector_load %arg18[%swap3A_80, %swap3A_81] {strides = array<i32>} : memref<128x128xf32, #tpu.memory_space<vmem>>, vector<16xf32>,
        tpu.vector_store %arg18[%swap3A_80, %swap3A_81], %mul3A_79 {strides = array<i32>} : memref<128x128xf32, #tpu.memory_space<vmem>>, vector<16xf32>,
        %get3A_83 = arith.index_cast %add3A_68 : i32 to index
        %get3A_84 = arith.constant 32 : index
        %get3A_85 = tpu.vector_load %arg18[%get3A_83, %get3A_84] {strides = array<i32>} : memref<128x128xf32, #tpu.memory_space<vmem>>, vector<16xf32>,
        %mul3A_86 = arith.mulf %get3A_85, %broadcast_in_dim3A : vector<16xf32>
        %swap3A_87 = arith.index_cast %add3A_68 : i32 to index
        %swap3A_88 = arith.constant 32 : index
        %swap3A_89 = tpu.vector_load %arg18[%swap3A_87, %swap3A_88] {strides = array<i32>} : memref<128x128xf32, #tpu.memory_space<vmem>>, vector<16xf32>,
        tpu.vector_store %arg18[%swap3A_87, %swap3A_88], %mul3A_86 {strides = array<i32>} : memref<128x128xf32, #tpu.memory_space<vmem>>, vector<16xf32>,
        %get3A_90 = arith.index_cast %add3A_68 : i32 to index
        %get3A_91 = arith.constant 48 : index
        %get3A_92 = tpu.vector_load %arg18[%get3A_90, %get3A_91] {strides = array<i32>} : memref<128x128xf32, #tpu.memory_space<vmem>>, vector<16xf32>,
        %mul3A_93 = arith.mulf %get3A_92, %broadcast_in_dim3A : vector<16xf32>
        %swap3A_94 = arith.index_cast %add3A_68 : i32 to index
        %swap3A_95 = arith.constant 48 : index
        %swap3A_96 = tpu.vector_load %arg18[%swap3A_94, %swap3A_95] {strides = array<i32>} : memref<128x128xf32, #tpu.memory_space<vmem>>, vector<16xf32>,
        tpu.vector_store %arg18[%swap3A_94, %swap3A_95], %mul3A_93 {strides = array<i32>} : memref<128x128xf32, #tpu.memory_space<vmem>>, vector<16xf32>,
        %get3A_97 = arith.index_cast %add3A_68 : i32 to index
        %get3A_98 = arith.constant 64 : index
        %get3A_99 = tpu.vector_load %arg18[%get3A_97, %get3A_98] {strides = array<i32>} : memref<128x128xf32, #tpu.memory_space<vmem>>, vector<16xf32>,
        %mul3A_100 = arith.mulf %get3A_99, %broadcast_in_dim3A : vector<16xf32>
        %swap3A_101 = arith.index_cast %add3A_68 : i32 to index
        %swap3A_102 = arith.constant 64 : index
        %swap3A_103 = tpu.vector_load %arg18[%swap3A_101, %swap3A_102] {strides = array<i32>} : memref<128x128xf32, #tpu.memory_space<vmem>>, vector<16xf32>,
        tpu.vector_store %arg18[%swap3A_101, %swap3A_102], %mul3A_100 {strides = array<i32>} : memref<128x128xf32, #tpu.memory_space<vmem>>, vector<16xf32>,
        %get3A_104 = arith.index_cast %add3A_68 : i32 to index
        %get3A_105 = arith.constant 80 : index
        %get3A_106 = tpu.vector_load %arg18[%get3A_104, %get3A_105] {strides = array<i32>} : memref<128x128xf32, #tpu.memory_space<vmem>>, vector<16xf32>,
        %mul3A_107 = arith.mulf %get3A_106, %broadcast_in_dim3A : vector<16xf32>
        %swap3A_108 = arith.index_cast %add3A_68 : i32 to index
        %swap3A_109 = arith.constant 80 : index
        %swap3A_110 = tpu.vector_load %arg18[%swap3A_108, %swap3A_109] {strides = array<i32>} : memref<128x128xf32, #tpu.memory_space<vmem>>, vector<16xf32>,
        tpu.vector_store %arg18[%swap3A_108, %swap3A_109], %mul3A_107 {strides = array<i32>} : memref<128x128xf32, #tpu.memory_space<vmem>>, vector<16xf32>,
        %get3A_111 = arith.index_cast %add3A_68 : i32 to index
        %get3A_112 = arith.constant 96 : index
        %get3A_113 = tpu.vector_load %arg18[%get3A_111, %get3A_112] {strides = array<i32>} : memref<128x128xf32, #tpu.memory_space<vmem>>, vector<16xf32>,
        %mul3A_114 = arith.mulf %get3A_113, %broadcast_in_dim3A : vector<16xf32>
        %swap3A_115 = arith.index_cast %add3A_68 : i32 to index
        %swap3A_116 = arith.constant 96 : index
        %swap3A_117 = tpu.vector_load %arg18[%swap3A_115, %swap3A_116] {strides = array<i32>} : memref<128x128xf32, #tpu.memory_space<vmem>>, vector<16xf32>,
        tpu.vector_store %arg18[%swap3A_115, %swap3A_116], %mul3A_114 {strides = array<i32>} : memref<128x128xf32, #tpu.memory_space<vmem>>, vector<16xf32>,
        %get3A_118 = arith.index_cast %add3A_68 : i32 to index
        %get3A_119 = arith.constant 112 : index
        %get3A_120 = tpu.vector_load %arg18[%get3A_118, %get3A_119] {strides = array<i32>} : memref<128x128xf32, #tpu.memory_space<vmem>>, vector<16xf32>,
        %mul3A_121 = arith.mulf %get3A_120, %broadcast_in_dim3A : vector<16xf32>
        %swap3A_122 = arith.index_cast %add3A_68 : i32 to index
        %swap3A_123 = arith.constant 112 : index
        %swap3A_124 = tpu.vector_load %arg18[%swap3A_122, %swap3A_123] {strides = array<i32>} : memref<128x128xf32, #tpu.memory_space<vmem>>, vector<16xf32>,
        tpu.vector_store %arg18[%swap3A_122, %swap3A_123], %mul3A_121 {strides = array<i32>} : memref<128x128xf32, #tpu.memory_space<vmem>>, vector<16xf32>,
        %mul3A_125 = arith.constant 16 : i32
        %mul3A_126 = arith.muli %scan3A_49, %mul3A_125 : i32
        %add3A_127 = arith.constant 1 : i32
        %add3A_128 = arith.addi %mul3A_126, %add3A_127 : i32
        %slice3A_129 = vector.extract_strided_slice %mul3A_64 {offsets = [1], sizes = [1], strides = [1]} : vector<16xf32> to vector<1xf32>
        %squeeze3A_130 = vector.extract %slice3A_129[0] : f32 from vector<1xf32>
        %broadcast_in_dim3A_131 = vector.broadcast %squeeze3A_130 : f32 to vector<16xf32>
        %get3A_132 = arith.index_cast %add3A_128 : i32 to index
        %get3A_133 = arith.constant 0 : index
        %get3A_134 = tpu.vector_load %arg18[%get3A_132, %get3A_133] {strides = array<i32>} : memref<128x128xf32, #tpu.memory_space<vmem>>, vector<16xf32>,
        %mul3A_135 = arith.mulf %get3A_134, %broadcast_in_dim3A_131 : vector<16xf32>
        %swap3A_136 = arith.index_cast %add3A_128 : i32 to index
        %swap3A_137 = arith.constant 0 : index
        %swap3A_138 = tpu.vector_load %arg18[%swap3A_136, %swap3A_137] {strides = array<i32>} : memref<128x128xf32, #tpu.memory_space<vmem>>, vector<16xf32>,
        tpu.vector_store %arg18[%swap3A_136, %swap3A_137], %mul3A_135 {strides = array<i32>} : memref<128x128xf32, #tpu.memory_space<vmem>>, vector<16xf32>,
        %get3A_139 = arith.index_cast %add3A_128 : i32 to index
        %get3A_140 = arith.constant 16 : index
        %get3A_141 = tpu.vector_load %arg18[%get3A_139, %get3A_140] {strides = array<i32>} : memref<128x128xf32, #tpu.memory_space<vmem>>, vector<16xf32>,
        %mul3A_142 = arith.mulf %get3A_141, %broadcast_in_dim3A_131 : vector<16xf32>
        %swap3A_143 = arith.index_cast %add3A_128 : i32 to index
        %swap3A_144 = arith.constant 16 : index
        %swap3A_145 = tpu.vector_load %arg18[%swap3A_143, %swap3A_144] {strides = array<i32>} : memref<128x128xf32, #tpu.memory_space<vmem>>, vector<16xf32>,
        tpu.vector_store %arg18[%swap3A_143, %swap3A_144], %mul3A_142 {strides = array<i32>} : memref<128x128xf32, #tpu.memory_space<vmem>>, vector<16xf32>,
        %get3A_146 = arith.index_cast %add3A_128 : i32 to index
        %get3A_147 = arith.constant 32 : index
        %get3A_148 = tpu.vector_load %arg18[%get3A_146, %get3A_147] {strides = array<i32>} : memref<128x128xf32, #tpu.memory_space<vmem>>, vector<16xf32>,
        %mul3A_149 = arith.mulf %get3A_148, %broadcast_in_dim3A_131 : vector<16xf32>
        %swap3A_150 = arith.index_cast %add3A_128 : i32 to index
        %swap3A_151 = arith.constant 32 : index
        %swap3A_152 = tpu.vector_load %arg18[%swap3A_150, %swap3A_151] {strides = array<i32>} : memref<128x128xf32, #tpu.memory_space<vmem>>, vector<16xf32>,
        tpu.vector_store %arg18[%swap3A_150, %swap3A_151], %mul3A_149 {strides = array<i32>} : memref<128x128xf32, #tpu.memory_space<vmem>>, vector<16xf32>,
        %get3A_153 = arith.index_cast %add3A_128 : i32 to index
        %get3A_154 = arith.constant 48 : index
        %get3A_155 = tpu.vector_load %arg18[%get3A_153, %get3A_154] {strides = array<i32>} : memref<128x128xf32, #tpu.memory_space<vmem>>, vector<16xf32>,
        %mul3A_156 = arith.mulf %get3A_155, %broadcast_in_dim3A_131 : vector<16xf32>
        %swap3A_157 = arith.index_cast %add3A_128 : i32 to index
        %swap3A_158 = arith.constant 48 : index
        %swap3A_159 = tpu.vector_load %arg18[%swap3A_157, %swap3A_158] {strides = array<i32>} : memref<128x128xf32, #tpu.memory_space<vmem>>, vector<16xf32>,
        tpu.vector_store %arg18[%swap3A_157, %swap3A_158], %mul3A_156 {strides = array<i32>} : memref<128x128xf32, #tpu.memory_space<vmem>>, vector<16xf32>,
        %get3A_160 = arith.index_cast %add3A_128 : i32 to index
        %get3A_161 = arith.constant 64 : index
        %get3A_162 = tpu.vector_load %arg18[%get3A_160, %get3A_161] {strides = array<i32>} : memref<128x128xf32, #tpu.memory_space<vmem>>, vector<16xf32>,
        %mul3A_163 = arith.mulf %get3A_162, %broadcast_in_dim3A_131 : vector<16xf32>
        %swap3A_164 = arith.index_cast %add3A_128 : i32 to index
        %swap3A_165 = arith.constant 64 : index
        %swap3A_166 = tpu.vector_load %arg18[%swap3A_164, %swap3A_165] {strides = array<i32>} : memref<128x128xf32, #tpu.memory_space<vmem>>, vector<16xf32>,
        tpu.vector_store %arg18[%swap3A_164, %swap3A_165], %mul3A_163 {strides = array<i32>} : memref<128x128xf32, #tpu.memory_space<vmem>>, vector<16xf32>,
        %get3A_167 = arith.index_cast %add3A_128 : i32 to index
        %get3A_168 = arith.constant 80 : index
        %get3A_169 = tpu.vector_load %arg18[%get3A_167, %get3A_168] {strides = array<i32>} : memref<128x128xf32, #tpu.memory_space<vmem>>, vector<16xf32>,
        %mul3A_170 = arith.mulf %get3A_169, %broadcast_in_dim3A_131 : vector<16xf32>
        %swap3A_171 = arith.index_cast %add3A_128 : i32 to index
        %swap3A_172 = arith.constant 80 : index
        %swap3A_173 = tpu.vector_load %arg18[%swap3A_171, %swap3A_172] {strides = array<i32>} : memref<128x128xf32, #tpu.memory_space<vmem>>, vector<16xf32>,
        tpu.vector_store %arg18[%swap3A_171, %swap3A_172], %mul3A_170 {strides = array<i32>} : memref<128x128xf32, #tpu.memory_space<vmem>>, vector<16xf32>,
        %get3A_174 = arith.index_cast %add3A_128 : i32 to index
        %get3A_175 = arith.constant 96 : index
        %get3A_176 = tpu.vector_load %arg18[%get3A_174, %get3A_175] {strides = array<i32>} : memref<128x128xf32, #tpu.memory_space<vmem>>, vector<16xf32>,
        %mul3A_177 = arith.mulf %get3A_176, %broadcast_in_dim3A_131 : vector<16xf32>
        %swap3A_178 = arith.index_cast %add3A_128 : i32 to index
        %swap3A_179 = arith.constant 96 : index
        %swap3A_180 = tpu.vector_load %arg18[%swap3A_178, %swap3A_179] {strides = array<i32>} : memref<128x128xf32, #tpu.memory_space<vmem>>, vector<16xf32>,
        tpu.vector_store %arg18[%swap3A_178, %swap3A_179], %mul3A_177 {strides = array<i32>} : memref<128x128xf32, #tpu.memory_space<vmem>>, vector<16xf32>,
        %get3A_181 = arith.index_cast %add3A_128 : i32 to index
        %get3A_182 = arith.constant 112 : index
        %get3A_183 = tpu.vector_load %arg18[%get3A_181, %get3A_182] {strides = array<i32>} : memref<128x128xf32, #tpu.memory_space<vmem>>, vector<16xf32>,
        %mul3A_184 = arith.mulf %get3A_183, %broadcast_in_dim3A_131 : vector<16xf32>
        %swap3A_185 = arith.index_cast %add3A_128 : i32 to index
        %swap3A_186 = arith.constant 112 : index
        %swap3A_187 = tpu.vector_load %arg18[%swap3A_185, %swap3A_186] {strides = array<i32>} : memref<128x128xf32, #tpu.memory_space<vmem>>, vector<16xf32>,
        tpu.vector_store %arg18[%swap3A_185, %swap3A_186], %mul3A_184 {strides = array<i32>} : memref<128x128xf32, #tpu.memory_space<vmem>>, vector<16xf32>,
        %mul3A_188 = arith.constant 16 : i32
        %mul3A_189 = arith.muli %scan3A_49, %mul3A_188 : i32
        %add3A_190 = arith.constant 2 : i32
        %add3A_191 = arith.addi %mul3A_189, %add3A_190 : i32
        %slice3A_192 = vector.extract_strided_slice %mul3A_64 {offsets = [2], sizes = [1], strides = [1]} : vector<16xf32> to vector<1xf32>
        %squeeze3A_193 = vector.extract %slice3A_192[0] : f32 from vector<1xf32>
        %broadcast_in_dim3A_194 = vector.broadcast %squeeze3A_193 : f32 to vector<16xf32>
        %get3A_195 = arith.index_cast %add3A_191 : i32 to index
        %get3A_196 = arith.constant 0 : index
        %get3A_197 = tpu.vector_load %arg18[%get3A_195, %get3A_196] {strides = array<i32>} : memref<128x128xf32, #tpu.memory_space<vmem>>, vector<16xf32>,
        %mul3A_198 = arith.mulf %get3A_197, %broadcast_in_dim3A_194 : vector<16xf32>
        %swap3A_199 = arith.index_cast %add3A_191 : i32 to index
        %swap3A_200 = arith.constant 0 : index
        %swap3A_201 = tpu.vector_load %arg18[%swap3A_199, %swap3A_200] {strides = array<i32>} : memref<128x128xf32, #tpu.memory_space<vmem>>, vector<16xf32>,
        tpu.vector_store %arg18[%swap3A_199, %swap3A_200], %mul3A_198 {strides = array<i32>} : memref<128x128xf32, #tpu.memory_space<vmem>>, vector<16xf32>,
        %get3A_202 = arith.index_cast %add3A_191 : i32 to index
        %get3A_203 = arith.constant 16 : index
        %get3A_204 = tpu.vector_load %arg18[%get3A_202, %get3A_203] {strides = array<i32>} : memref<128x128xf32, #tpu.memory_space<vmem>>, vector<16xf32>,
        %mul3A_205 = arith.mulf %get3A_204, %broadcast_in_dim3A_194 : vector<16xf32>
        %swap3A_206 = arith.index_cast %add3A_191 : i32 to index
        %swap3A_207 = arith.constant 16 : index
        %swap3A_208 = tpu.vector_load %arg18[%swap3A_206, %swap3A_207] {strides = array<i32>} : memref<128x128xf32, #tpu.memory_space<vmem>>, vector<16xf32>,
        tpu.vector_store %arg18[%swap3A_206, %swap3A_207], %mul3A_205 {strides = array<i32>} : memref<128x128xf32, #tpu.memory_space<vmem>>, vector<16xf32>,
        %get3A_209 = arith.index_cast %add3A_191 : i32 to index
        %get3A_210 = arith.constant 32 : index
        %get3A_211 = tpu.vector_load %arg18[%get3A_209, %get3A_210] {strides = array<i32>} : memref<128x128xf32, #tpu.memory_space<vmem>>, vector<16xf32>,
        %mul3A_212 = arith.mulf %get3A_211, %broadcast_in_dim3A_194 : vector<16xf32>
        %swap3A_213 = arith.index_cast %add3A_191 : i32 to index
        %swap3A_214 = arith.constant 32 : index
        %swap3A_215 = tpu.vector_load %arg18[%swap3A_213, %swap3A_214] {strides = array<i32>} : memref<128x128xf32, #tpu.memory_space<vmem>>, vector<16xf32>,
        tpu.vector_store %arg18[%swap3A_213, %swap3A_214], %mul3A_212 {strides = array<i32>} : memref<128x128xf32, #tpu.memory_space<vmem>>, vector<16xf32>,
        %get3A_216 = arith.index_cast %add3A_191 : i32 to index
        %get3A_217 = arith.constant 48 : index
        %get3A_218 = tpu.vector_load %arg18[%get3A_216, %get3A_217] {strides = array<i32>} : memref<128x128xf32, #tpu.memory_space<vmem>>, vector<16xf32>,
        %mul3A_219 = arith.mulf %get3A_218, %broadcast_in_dim3A_194 : vector<16xf32>
        %swap3A_220 = arith.index_cast %add3A_191 : i32 to index
        %swap3A_221 = arith.constant 48 : index
        %swap3A_222 = tpu.vector_load %arg18[%swap3A_220, %swap3A_221] {strides = array<i32>} : memref<128x128xf32, #tpu.memory_space<vmem>>, vector<16xf32>,
        tpu.vector_store %arg18[%swap3A_220, %swap3A_221], %mul3A_219 {strides = array<i32>} : memref<128x128xf32, #tpu.memory_space<vmem>>, vector<16xf32>,
        %get3A_223 = arith.index_cast %add3A_191 : i32 to index
        %get3A_224 = arith.constant 64 : index
        %get3A_225 = tpu.vector_load %arg18[%get3A_223, %get3A_224] {strides = array<i32>} : memref<128x128xf32, #tpu.memory_space<vmem>>, vector<16xf32>,
        %mul3A_226 = arith.mulf %get3A_225, %broadcast_in_dim3A_194 : vector<16xf32>
        %swap3A_227 = arith.index_cast %add3A_191 : i32 to index
        %swap3A_228 = arith.constant 64 : index
        %swap3A_229 = tpu.vector_load %arg18[%swap3A_227, %swap3A_228] {strides = array<i32>} : memref<128x128xf32, #tpu.memory_space<vmem>>, vector<16xf32>,
        tpu.vector_store %arg18[%swap3A_227, %swap3A_228], %mul3A_226 {strides = array<i32>} : memref<128x128xf32, #tpu.memory_space<vmem>>, vector<16xf32>,
        %get3A_230 = arith.index_cast %add3A_191 : i32 to index
        %get3A_231 = arith.constant 80 : index
        %get3A_232 = tpu.vector_load %arg18[%get3A_230, %get3A_231] {strides = array<i32>} : memref<128x128xf32, #tpu.memory_space<vmem>>, vector<16xf32>,
        %mul3A_233 = arith.mulf %get3A_232, %broadcast_in_dim3A_194 : vector<16xf32>
        %swap3A_234 = arith.index_cast %add3A_191 : i32 to index
        %swap3A_235 = arith.constant 80 : index
        %swap3A_236 = tpu.vector_load %arg18[%swap3A_234, %swap3A_235] {strides = array<i32>} : memref<128x128xf32, #tpu.memory_space<vmem>>, vector<16xf32>,
        tpu.vector_store %arg18[%swap3A_234, %swap3A_235], %mul3A_233 {strides = array<i32>} : memref<128x128xf32, #tpu.memory_space<vmem>>, vector<16xf32>,
        %get3A_237 = arith.index_cast %add3A_191 : i32 to index
        %get3A_238 = arith.constant 96 : index
        %get3A_239 = tpu.vector_load %arg18[%get3A_237, %get3A_238] {strides = array<i32>} : memref<128x128xf32, #tpu.memory_space<vmem>>, vector<16xf32>,
        %mul3A_240 = arith.mulf %get3A_239, %broadcast_in_dim3A_194 : vector<16xf32>
        %swap3A_241 = arith.index_cast %add3A_191 : i32 to index
        %swap3A_242 = arith.constant 96 : index
        %swap3A_243 = tpu.vector_load %arg18[%swap3A_241, %swap3A_242] {strides = array<i32>} : memref<128x128xf32, #tpu.memory_space<vmem>>, vector<16xf32>,
        tpu.vector_store %arg18[%swap3A_241, %swap3A_242], %mul3A_240 {strides = array<i32>} : memref<128x128xf32, #tpu.memory_space<vmem>>, vector<16xf32>,
        %get3A_244 = arith.index_cast %add3A_191 : i32 to index
        %get3A_245 = arith.constant 112 : index
        %get3A_246 = tpu.vector_load %arg18[%get3A_244, %get3A_245] {strides = array<i32>} : memref<128x128xf32, #tpu.memory_space<vmem>>, vector<16xf32>,
        %mul3A_247 = arith.mulf %get3A_246, %broadcast_in_dim3A_194 : vector<16xf32>
        %swap3A_248 = arith.index_cast %add3A_191 : i32 to index
        %swap3A_249 = arith.constant 112 : index
        %swap3A_250 = tpu.vector_load %arg18[%swap3A_248, %swap3A_249] {strides = array<i32>} : memref<128x128xf32, #tpu.memory_space<vmem>>, vector<16xf32>,
        tpu.vector_store %arg18[%swap3A_248, %swap3A_249], %mul3A_247 {strides = array<i32>} : memref<128x128xf32, #tpu.memory_space<vmem>>, vector<16xf32>,
        %mul3A_251 = arith.constant 16 : i32
        %mul3A_252 = arith.muli %scan3A_49, %mul3A_251 : i32
        %add3A_253 = arith.constant 3 : i32
        %add3A_254 = arith.addi %mul3A_252, %add3A_253 : i32
        %slice3A_255 = vector.extract_strided_slice %mul3A_64 {offsets = [3], sizes = [1], strides = [1]} : vector<16xf32> to vector<1xf32>
        %squeeze3A_256 = vector.extract %slice3A_255[0] : f32 from vector<1xf32>
        %broadcast_in_dim3A_257 = vector.broadcast %squeeze3A_256 : f32 to vector<16xf32>
        %get3A_258 = arith.index_cast %add3A_254 : i32 to index
        %get3A_259 = arith.constant 0 : index
        %get3A_260 = tpu.vector_load %arg18[%get3A_258, %get3A_259] {strides = array<i32>} : memref<128x128xf32, #tpu.memory_space<vmem>>, vector<16xf32>,
        %mul3A_261 = arith.mulf %get3A_260, %broadcast_in_dim3A_257 : vector<16xf32>
        %swap3A_262 = arith.index_cast %add3A_254 : i32 to index
        %swap3A_263 = arith.constant 0 : index
        %swap3A_264 = tpu.vector_load %arg18[%swap3A_262, %swap3A_263] {strides = array<i32>} : memref<128x128xf32, #tpu.memory_space<vmem>>, vector<16xf32>,
        tpu.vector_store %arg18[%swap3A_262, %swap3A_263], %mul3A_261 {strides = array<i32>} : memref<128x128xf32, #tpu.memory_space<vmem>>, vector<16xf32>,
        %get3A_265 = arith.index_cast %add3A_254 : i32 to index
        %get3A_266 = arith.constant 16 : index
        %get3A_267 = tpu.vector_load %arg18[%get3A_265, %get3A_266] {strides = array<i32>} : memref<128x128xf32, #tpu.memory_space<vmem>>, vector<16xf32>,
        %mul3A_268 = arith.mulf %get3A_267, %broadcast_in_dim3A_257 : vector<16xf32>
        %swap3A_269 = arith.index_cast %add3A_254 : i32 to index
        %swap3A_270 = arith.constant 16 : index
        %swap3A_271 = tpu.vector_load %arg18[%swap3A_269, %swap3A_270] {strides = array<i32>} : memref<128x128xf32, #tpu.memory_space<vmem>>, vector<16xf32>,
        tpu.vector_store %arg18[%swap3A_269, %swap3A_270], %mul3A_268 {strides = array<i32>} : memref<128x128xf32, #tpu.memory_space<vmem>>, vector<16xf32>,
        %get3A_272 = arith.index_cast %add3A_254 : i32 to index
        %get3A_273 = arith.constant 32 : index
        %get3A_274 = tpu.vector_load %arg18[%get3A_272, %get3A_273] {strides = array<i32>} : memref<128x128xf32, #tpu.memory_space<vmem>>, vector<16xf32>,
        %mul3A_275 = arith.mulf %get3A_274, %broadcast_in_dim3A_257 : vector<16xf32>
        %swap3A_276 = arith.index_cast %add3A_254 : i32 to index
        %swap3A_277 = arith.constant 32 : index
        %swap3A_278 = tpu.vector_load %arg18[%swap3A_276, %swap3A_277] {strides = array<i32>} : memref<128x128xf32, #tpu.memory_space<vmem>>, vector<16xf32>,
        tpu.vector_store %arg18[%swap3A_276, %swap3A_277], %mul3A_275 {strides = array<i32>} : memref<128x128xf32, #tpu.memory_space<vmem>>, vector<16xf32>,
        %get3A_279 = arith.index_cast %add3A_254 : i32 to index
        %get3A_280 = arith.constant 48 : index
        %get3A_281 = tpu.vector_load %arg18[%get3A_279, %get3A_280] {strides = array<i32>} : memref<128x128xf32, #tpu.memory_space<vmem>>, vector<16xf32>,
        %mul3A_282 = arith.mulf %get3A_281, %broadcast_in_dim3A_257 : vector<16xf32>
        %swap3A_283 = arith.index_cast %add3A_254 : i32 to index
        %swap3A_284 = arith.constant 48 : index
        %swap3A_285 = tpu.vector_load %arg18[%swap3A_283, %swap3A_284] {strides = array<i32>} : memref<128x128xf32, #tpu.memory_space<vmem>>, vector<16xf32>,
        tpu.vector_store %arg18[%swap3A_283, %swap3A_284], %mul3A_282 {strides = array<i32>} : memref<128x128xf32, #tpu.memory_space<vmem>>, vector<16xf32>,
        %get3A_286 = arith.index_cast %add3A_254 : i32 to index
        %get3A_287 = arith.constant 64 : index
        %get3A_288 = tpu.vector_load %arg18[%get3A_286, %get3A_287] {strides = array<i32>} : memref<128x128xf32, #tpu.memory_space<vmem>>, vector<16xf32>,
        %mul3A_289 = arith.mulf %get3A_288, %broadcast_in_dim3A_257 : vector<16xf32>
        %swap3A_290 = arith.index_cast %add3A_254 : i32 to index
        %swap3A_291 = arith.constant 64 : index
        %swap3A_292 = tpu.vector_load %arg18[%swap3A_290, %swap3A_291] {strides = array<i32>} : memref<128x128xf32, #tpu.memory_space<vmem>>, vector<16xf32>,
        tpu.vector_store %arg18[%swap3A_290, %swap3A_291], %mul3A_289 {strides = array<i32>} : memref<128x128xf32, #tpu.memory_space<vmem>>, vector<16xf32>,
        %get3A_293 = arith.index_cast %add3A_254 : i32 to index
        %get3A_294 = arith.constant 80 : index
        %get3A_295 = tpu.vector_load %arg18[%get3A_293, %get3A_294] {strides = array<i32>} : memref<128x128xf32, #tpu.memory_space<vmem>>, vector<16xf32>,
        %mul3A_296 = arith.mulf %get3A_295, %broadcast_in_dim3A_257 : vector<16xf32>
        %swap3A_297 = arith.index_cast %add3A_254 : i32 to index
        %swap3A_298 = arith.constant 80 : index
        %swap3A_299 = tpu.vector_load %arg18[%swap3A_297, %swap3A_298] {strides = array<i32>} : memref<128x128xf32, #tpu.memory_space<vmem>>, vector<16xf32>,
        tpu.vector_store %arg18[%swap3A_297, %swap3A_298], %mul3A_296 {strides = array<i32>} : memref<128x128xf32, #tpu.memory_space<vmem>>, vector<16xf32>,
        %get3A_300 = arith.index_cast %add3A_254 : i32 to index
        %get3A_301 = arith.constant 96 : index
        %get3A_302 = tpu.vector_load %arg18[%get3A_300, %get3A_301] {strides = array<i32>} : memref<128x128xf32, #tpu.memory_space<vmem>>, vector<16xf32>,
        %mul3A_303 = arith.mulf %get3A_302, %broadcast_in_dim3A_257 : vector<16xf32>
        %swap3A_304 = arith.index_cast %add3A_254 : i32 to index
        %swap3A_305 = arith.constant 96 : index
        %swap3A_306 = tpu.vector_load %arg18[%swap3A_304, %swap3A_305] {strides = array<i32>} : memref<128x128xf32, #tpu.memory_space<vmem>>, vector<16xf32>,
        tpu.vector_store %arg18[%swap3A_304, %swap3A_305], %mul3A_303 {strides = array<i32>} : memref<128x128xf32, #tpu.memory_space<vmem>>, vector<16xf32>,
        %get3A_307 = arith.index_cast %add3A_254 : i32 to index
        %get3A_308 = arith.constant 112 : index
        %get3A_309 = tpu.vector_load %arg18[%get3A_307, %get3A_308] {strides = array<i32>} : memref<128x128xf32, #tpu.memory_space<vmem>>, vector<16xf32>,
        %mul3A_310 = arith.mulf %get3A_309, %broadcast_in_dim3A_257 : vector<16xf32>
        %swap3A_311 = arith.index_cast %add3A_254 : i32 to index
        %swap3A_312 = arith.constant 112 : index
        %swap3A_313 = tpu.vector_load %arg18[%swap3A_311, %swap3A_312] {strides = array<i32>} : memref<128x128xf32, #tpu.memory_space<vmem>>, vector<16xf32>,
        tpu.vector_store %arg18[%swap3A_311, %swap3A_312], %mul3A_310 {strides = array<i32>} : memref<128x128xf32, #tpu.memory_space<vmem>>, vector<16xf32>,
        %mul3A_314 = arith.constant 16 : i32
        %mul3A_315 = arith.muli %scan3A_49, %mul3A_314 : i32
        %add3A_316 = arith.constant 4 : i32
        %add3A_317 = arith.addi %mul3A_315, %add3A_316 : i32
        %slice3A_318 = vector.extract_strided_slice %mul3A_64 {offsets = [4], sizes = [1], strides = [1]} : vector<16xf32> to vector<1xf32>
        %squeeze3A_319 = vector.extract %slice3A_318[0] : f32 from vector<1xf32>
        %broadcast_in_dim3A_320 = vector.broadcast %squeeze3A_319 : f32 to vector<16xf32>
        %get3A_321 = arith.index_cast %add3A_317 : i32 to index
        %get3A_322 = arith.constant 0 : index
        %get3A_323 = tpu.vector_load %arg18[%get3A_321, %get3A_322] {strides = array<i32>} : memref<128x128xf32, #tpu.memory_space<vmem>>, vector<16xf32>,
        %mul3A_324 = arith.mulf %get3A_323, %broadcast_in_dim3A_320 : vector<16xf32>
        %swap3A_325 = arith.index_cast %add3A_317 : i32 to index
        %swap3A_326 = arith.constant 0 : index
        %swap3A_327 = tpu.vector_load %arg18[%swap3A_325, %swap3A_326] {strides = array<i32>} : memref<128x128xf32, #tpu.memory_space<vmem>>, vector<16xf32>,
        tpu.vector_store %arg18[%swap3A_325, %swap3A_326], %mul3A_324 {strides = array<i32>} : memref<128x128xf32, #tpu.memory_space<vmem>>, vector<16xf32>,
        %get3A_328 = arith.index_cast %add3A_317 : i32 to index
        %get3A_329 = arith.constant 16 : index
        %get3A_330 = tpu.vector_load %arg18[%get3A_328, %get3A_329] {strides = array<i32>} : memref<128x128xf32, #tpu.memory_space<vmem>>, vector<16xf32>,
        %mul3A_331 = arith.mulf %get3A_330, %broadcast_in_dim3A_320 : vector<16xf32>
        %swap3A_332 = arith.index_cast %add3A_317 : i32 to index
        %swap3A_333 = arith.constant 16 : index
        %swap3A_334 = tpu.vector_load %arg18[%swap3A_332, %swap3A_333] {strides = array<i32>} : memref<128x128xf32, #tpu.memory_space<vmem>>, vector<16xf32>,
        tpu.vector_store %arg18[%swap3A_332, %swap3A_333], %mul3A_331 {strides = array<i32>} : memref<128x128xf32, #tpu.memory_space<vmem>>, vector<16xf32>,
        %get3A_335 = arith.index_cast %add3A_317 : i32 to index
        %get3A_336 = arith.constant 32 : index
        %get3A_337 = tpu.vector_load %arg18[%get3A_335, %get3A_336] {strides = array<i32>} : memref<128x128xf32, #tpu.memory_space<vmem>>, vector<16xf32>,
        %mul3A_338 = arith.mulf %get3A_337, %broadcast_in_dim3A_320 : vector<16xf32>
        %swap3A_339 = arith.index_cast %add3A_317 : i32 to index
        %swap3A_340 = arith.constant 32 : index
        %swap3A_341 = tpu.vector_load %arg18[%swap3A_339, %swap3A_340] {strides = array<i32>} : memref<128x128xf32, #tpu.memory_space<vmem>>, vector<16xf32>,
        tpu.vector_store %arg18[%swap3A_339, %swap3A_340], %mul3A_338 {strides = array<i32>} : memref<128x128xf32, #tpu.memory_space<vmem>>, vector<16xf32>,
        %get3A_342 = arith.index_cast %add3A_317 : i32 to index
        %get3A_343 = arith.constant 48 : index
        %get3A_344 = tpu.vector_load %arg18[%get3A_342, %get3A_343] {strides = array<i32>} : memref<128x128xf32, #tpu.memory_space<vmem>>, vector<16xf32>,
        %mul3A_345 = arith.mulf %get3A_344, %broadcast_in_dim3A_320 : vector<16xf32>
        %swap3A_346 = arith.index_cast %add3A_317 : i32 to index
        %swap3A_347 = arith.constant 48 : index
        %swap3A_348 = tpu.vector_load %arg18[%swap3A_346, %swap3A_347] {strides = array<i32>} : memref<128x128xf32, #tpu.memory_space<vmem>>, vector<16xf32>,
        tpu.vector_store %arg18[%swap3A_346, %swap3A_347], %mul3A_345 {strides = array<i32>} : memref<128x128xf32, #tpu.memory_space<vmem>>, vector<16xf32>,
        %get3A_349 = arith.index_cast %add3A_317 : i32 to index
        %get3A_350 = arith.constant 64 : index
        %get3A_351 = tpu.vector_load %arg18[%get3A_349, %get3A_350] {strides = array<i32>} : memref<128x128xf32, #tpu.memory_space<vmem>>, vector<16xf32>,
        %mul3A_352 = arith.mulf %get3A_351, %broadcast_in_dim3A_320 : vector<16xf32>
        %swap3A_353 = arith.index_cast %add3A_317 : i32 to index
        %swap3A_354 = arith.constant 64 : index
        %swap3A_355 = tpu.vector_load %arg18[%swap3A_353, %swap3A_354] {strides = array<i32>} : memref<128x128xf32, #tpu.memory_space<vmem>>, vector<16xf32>,
        tpu.vector_store %arg18[%swap3A_353, %swap3A_354], %mul3A_352 {strides = array<i32>} : memref<128x128xf32, #tpu.memory_space<vmem>>, vector<16xf32>,
        %get3A_356 = arith.index_cast %add3A_317 : i32 to index
        %get3A_357 = arith.constant 80 : index
        %get3A_358 = tpu.vector_load %arg18[%get3A_356, %get3A_357] {strides = array<i32>} : memref<128x128xf32, #tpu.memory_space<vmem>>, vector<16xf32>,
        %mul3A_359 = arith.mulf %get3A_358, %broadcast_in_dim3A_320 : vector<16xf32>
        %swap3A_360 = arith.index_cast %add3A_317 : i32 to index
        %swap3A_361 = arith.constant 80 : index
        %swap3A_362 = tpu.vector_load %arg18[%swap3A_360, %swap3A_361] {strides = array<i32>} : memref<128x128xf32, #tpu.memory_space<vmem>>, vector<16xf32>,
        tpu.vector_store %arg18[%swap3A_360, %swap3A_361], %mul3A_359 {strides = array<i32>} : memref<128x128xf32, #tpu.memory_space<vmem>>, vector<16xf32>,
        %get3A_363 = arith.index_cast %add3A_317 : i32 to index
        %get3A_364 = arith.constant 96 : index
        %get3A_365 = tpu.vector_load %arg18[%get3A_363, %get3A_364] {strides = array<i32>} : memref<128x128xf32, #tpu.memory_space<vmem>>, vector<16xf32>,
        %mul3A_366 = arith.mulf %get3A_365, %broadcast_in_dim3A_320 : vector<16xf32>
        %swap3A_367 = arith.index_cast %add3A_317 : i32 to index
        %swap3A_368 = arith.constant 96 : index
        %swap3A_369 = tpu.vector_load %arg18[%swap3A_367, %swap3A_368] {strides = array<i32>} : memref<128x128xf32, #tpu.memory_space<vmem>>, vector<16xf32>,
        tpu.vector_store %arg18[%swap3A_367, %swap3A_368], %mul3A_366 {strides = array<i32>} : memref<128x128xf32, #tpu.memory_space<vmem>>, vector<16xf32>,
        %get3A_370 = arith.index_cast %add3A_317 : i32 to index
        %get3A_371 = arith.constant 112 : index
        %get3A_372 = tpu.vector_load %arg18[%get3A_370, %get3A_371] {strides = array<i32>} : memref<128x128xf32, #tpu.memory_space<vmem>>, vector<16xf32>,
        %mul3A_373 = arith.mulf %get3A_372, %broadcast_in_dim3A_320 : vector<16xf32>
        %swap3A_374 = arith.index_cast %add3A_317 : i32 to index
        %swap3A_375 = arith.constant 112 : index
        %swap3A_376 = tpu.vector_load %arg18[%swap3A_374, %swap3A_375] {strides = array<i32>} : memref<128x128xf32, #tpu.memory_space<vmem>>, vector<16xf32>,
        tpu.vector_store %arg18[%swap3A_374, %swap3A_375], %mul3A_373 {strides = array<i32>} : memref<128x128xf32, #tpu.memory_space<vmem>>, vector<16xf32>,
        %mul3A_377 = arith.constant 16 : i32
        %mul3A_378 = arith.muli %scan3A_49, %mul3A_377 : i32
        %add3A_379 = arith.constant 5 : i32
        %add3A_380 = arith.addi %mul3A_378, %add3A_379 : i32
        %slice3A_381 = vector.extract_strided_slice %mul3A_64 {offsets = [5], sizes = [1], strides = [1]} : vector<16xf32> to vector<1xf32>
        %squeeze3A_382 = vector.extract %slice3A_381[0] : f32 from vector<1xf32>
        %broadcast_in_dim3A_383 = vector.broadcast %squeeze3A_382 : f32 to vector<16xf32>
        %get3A_384 = arith.index_cast %add3A_380 : i32 to index
        %get3A_385 = arith.constant 0 : index
        %get3A_386 = tpu.vector_load %arg18[%get3A_384, %get3A_385] {strides = array<i32>} : memref<128x128xf32, #tpu.memory_space<vmem>>, vector<16xf32>,
        %mul3A_387 = arith.mulf %get3A_386, %broadcast_in_dim3A_383 : vector<16xf32>
        %swap3A_388 = arith.index_cast %add3A_380 : i32 to index
        %swap3A_389 = arith.constant 0 : index
        %swap3A_390 = tpu.vector_load %arg18[%swap3A_388, %swap3A_389] {strides = array<i32>} : memref<128x128xf32, #tpu.memory_space<vmem>>, vector<16xf32>,
        tpu.vector_store %arg18[%swap3A_388, %swap3A_389], %mul3A_387 {strides = array<i32>} : memref<128x128xf32, #tpu.memory_space<vmem>>, vector<16xf32>,
        %get3A_391 = arith.index_cast %add3A_380 : i32 to index
        %get3A_392 = arith.constant 16 : index
        %get3A_393 = tpu.vector_load %arg18[%get3A_391, %get3A_392] {strides = array<i32>} : memref<128x128xf32, #tpu.memory_space<vmem>>, vector<16xf32>,
        %mul3A_394 = arith.mulf %get3A_393, %broadcast_in_dim3A_383 : vector<16xf32>
        %swap3A_395 = arith.index_cast %add3A_380 : i32 to index
        %swap3A_396 = arith.constant 16 : index
        %swap3A_397 = tpu.vector_load %arg18[%swap3A_395, %swap3A_396] {strides = array<i32>} : memref<128x128xf32, #tpu.memory_space<vmem>>, vector<16xf32>,
        tpu.vector_store %arg18[%swap3A_395, %swap3A_396], %mul3A_394 {strides = array<i32>} : memref<128x128xf32, #tpu.memory_space<vmem>>, vector<16xf32>,
        %get3A_398 = arith.index_cast %add3A_380 : i32 to index
        %get3A_399 = arith.constant 32 : index
        %get3A_400 = tpu.vector_load %arg18[%get3A_398, %get3A_399] {strides = array<i32>} : memref<128x128xf32, #tpu.memory_space<vmem>>, vector<16xf32>,
        %mul3A_401 = arith.mulf %get3A_400, %broadcast_in_dim3A_383 : vector<16xf32>
        %swap3A_402 = arith.index_cast %add3A_380 : i32 to index
        %swap3A_403 = arith.constant 32 : index
        %swap3A_404 = tpu.vector_load %arg18[%swap3A_402, %swap3A_403] {strides = array<i32>} : memref<128x128xf32, #tpu.memory_space<vmem>>, vector<16xf32>,
        tpu.vector_store %arg18[%swap3A_402, %swap3A_403], %mul3A_401 {strides = array<i32>} : memref<128x128xf32, #tpu.memory_space<vmem>>, vector<16xf32>,
        %get3A_405 = arith.index_cast %add3A_380 : i32 to index
        %get3A_406 = arith.constant 48 : index
        %get3A_407 = tpu.vector_load %arg18[%get3A_405, %get3A_406] {strides = array<i32>} : memref<128x128xf32, #tpu.memory_space<vmem>>, vector<16xf32>,
        %mul3A_408 = arith.mulf %get3A_407, %broadcast_in_dim3A_383 : vector<16xf32>
        %swap3A_409 = arith.index_cast %add3A_380 : i32 to index
        %swap3A_410 = arith.constant 48 : index
        %swap3A_411 = tpu.vector_load %arg18[%swap3A_409, %swap3A_410] {strides = array<i32>} : memref<128x128xf32, #tpu.memory_space<vmem>>, vector<16xf32>,
        tpu.vector_store %arg18[%swap3A_409, %swap3A_410], %mul3A_408 {strides = array<i32>} : memref<128x128xf32, #tpu.memory_space<vmem>>, vector<16xf32>,
        %get3A_412 = arith.index_cast %add3A_380 : i32 to index
        %get3A_413 = arith.constant 64 : index
        %get3A_414 = tpu.vector_load %arg18[%get3A_412, %get3A_413] {strides = array<i32>} : memref<128x128xf32, #tpu.memory_space<vmem>>, vector<16xf32>,
        %mul3A_415 = arith.mulf %get3A_414, %broadcast_in_dim3A_383 : vector<16xf32>
        %swap3A_416 = arith.index_cast %add3A_380 : i32 to index
        %swap3A_417 = arith.constant 64 : index
        %swap3A_418 = tpu.vector_load %arg18[%swap3A_416, %swap3A_417] {strides = array<i32>} : memref<128x128xf32, #tpu.memory_space<vmem>>, vector<16xf32>,
        tpu.vector_store %arg18[%swap3A_416, %swap3A_417], %mul3A_415 {strides = array<i32>} : memref<128x128xf32, #tpu.memory_space<vmem>>, vector<16xf32>,
        %get3A_419 = arith.index_cast %add3A_380 : i32 to index
        %get3A_420 = arith.constant 80 : index
        %get3A_421 = tpu.vector_load %arg18[%get3A_419, %get3A_420] {strides = array<i32>} : memref<128x128xf32, #tpu.memory_space<vmem>>, vector<16xf32>,
        %mul3A_422 = arith.mulf %get3A_421, %broadcast_in_dim3A_383 : vector<16xf32>
        %swap3A_423 = arith.index_cast %add3A_380 : i32 to index
        %swap3A_424 = arith.constant 80 : index
        %swap3A_425 = tpu.vector_load %arg18[%swap3A_423, %swap3A_424] {strides = array<i32>} : memref<128x128xf32, #tpu.memory_space<vmem>>, vector<16xf32>,
        tpu.vector_store %arg18[%swap3A_423, %swap3A_424], %mul3A_422 {strides = array<i32>} : memref<128x128xf32, #tpu.memory_space<vmem>>, vector<16xf32>,
        %get3A_426 = arith.index_cast %add3A_380 : i32 to index
        %get3A_427 = arith.constant 96 : index
        %get3A_428 = tpu.vector_load %arg18[%get3A_426, %get3A_427] {strides = array<i32>} : memref<128x128xf32, #tpu.memory_space<vmem>>, vector<16xf32>,
        %mul3A_429 = arith.mulf %get3A_428, %broadcast_in_dim3A_383 : vector<16xf32>
        %swap3A_430 = arith.index_cast %add3A_380 : i32 to index
        %swap3A_431 = arith.constant 96 : index
        %swap3A_432 = tpu.vector_load %arg18[%swap3A_430, %swap3A_431] {strides = array<i32>} : memref<128x128xf32, #tpu.memory_space<vmem>>, vector<16xf32>,
        tpu.vector_store %arg18[%swap3A_430, %swap3A_431], %mul3A_429 {strides = array<i32>} : memref<128x128xf32, #tpu.memory_space<vmem>>, vector<16xf32>,
        %get3A_433 = arith.index_cast %add3A_380 : i32 to index
        %get3A_434 = arith.constant 112 : index
        %get3A_435 = tpu.vector_load %arg18[%get3A_433, %get3A_434] {strides = array<i32>} : memref<128x128xf32, #tpu.memory_space<vmem>>, vector<16xf32>,
        %mul3A_436 = arith.mulf %get3A_435, %broadcast_in_dim3A_383 : vector<16xf32>
        %swap3A_437 = arith.index_cast %add3A_380 : i32 to index
        %swap3A_438 = arith.constant 112 : index
        %swap3A_439 = tpu.vector_load %arg18[%swap3A_437, %swap3A_438] {strides = array<i32>} : memref<128x128xf32, #tpu.memory_space<vmem>>, vector<16xf32>,
        tpu.vector_store %arg18[%swap3A_437, %swap3A_438], %mul3A_436 {strides = array<i32>} : memref<128x128xf32, #tpu.memory_space<vmem>>, vector<16xf32>,
        %mul3A_440 = arith.constant 16 : i32
        %mul3A_441 = arith.muli %scan3A_49, %mul3A_440 : i32
        %add3A_442 = arith.constant 6 : i32
        %add3A_443 = arith.addi %mul3A_441, %add3A_442 : i32
        %slice3A_444 = vector.extract_strided_slice %mul3A_64 {offsets = [6], sizes = [1], strides = [1]} : vector<16xf32> to vector<1xf32>
        %squeeze3A_445 = vector.extract %slice3A_444[0] : f32 from vector<1xf32>
        %broadcast_in_dim3A_446 = vector.broadcast %squeeze3A_445 : f32 to vector<16xf32>
        %get3A_447 = arith.index_cast %add3A_443 : i32 to index
        %get3A_448 = arith.constant 0 : index
        %get3A_449 = tpu.vector_load %arg18[%get3A_447, %get3A_448] {strides = array<i32>} : memref<128x128xf32, #tpu.memory_space<vmem>>, vector<16xf32>,
        %mul3A_450 = arith.mulf %get3A_449, %broadcast_in_dim3A_446 : vector<16xf32>
        %swap3A_451 = arith.index_cast %add3A_443 : i32 to index
        %swap3A_452 = arith.constant 0 : index
        %swap3A_453 = tpu.vector_load %arg18[%swap3A_451, %swap3A_452] {strides = array<i32>} : memref<128x128xf32, #tpu.memory_space<vmem>>, vector<16xf32>,
        tpu.vector_store %arg18[%swap3A_451, %swap3A_452], %mul3A_450 {strides = array<i32>} : memref<128x128xf32, #tpu.memory_space<vmem>>, vector<16xf32>,
        %get3A_454 = arith.index_cast %add3A_443 : i32 to index
        %get3A_455 = arith.constant 16 : index
        %get3A_456 = tpu.vector_load %arg18[%get3A_454, %get3A_455] {strides = array<i32>} : memref<128x128xf32, #tpu.memory_space<vmem>>, vector<16xf32>,
        %mul3A_457 = arith.mulf %get3A_456, %broadcast_in_dim3A_446 : vector<16xf32>
        %swap3A_458 = arith.index_cast %add3A_443 : i32 to index
        %swap3A_459 = arith.constant 16 : index
        %swap3A_460 = tpu.vector_load %arg18[%swap3A_458, %swap3A_459] {strides = array<i32>} : memref<128x128xf32, #tpu.memory_space<vmem>>, vector<16xf32>,
        tpu.vector_store %arg18[%swap3A_458, %swap3A_459], %mul3A_457 {strides = array<i32>} : memref<128x128xf32, #tpu.memory_space<vmem>>, vector<16xf32>,
        %get3A_461 = arith.index_cast %add3A_443 : i32 to index
        %get3A_462 = arith.constant 32 : index
        %get3A_463 = tpu.vector_load %arg18[%get3A_461, %get3A_462] {strides = array<i32>} : memref<128x128xf32, #tpu.memory_space<vmem>>, vector<16xf32>,
        %mul3A_464 = arith.mulf %get3A_463, %broadcast_in_dim3A_446 : vector<16xf32>
        %swap3A_465 = arith.index_cast %add3A_443 : i32 to index
        %swap3A_466 = arith.constant 32 : index
        %swap3A_467 = tpu.vector_load %arg18[%swap3A_465, %swap3A_466] {strides = array<i32>} : memref<128x128xf32, #tpu.memory_space<vmem>>, vector<16xf32>,
        tpu.vector_store %arg18[%swap3A_465, %swap3A_466], %mul3A_464 {strides = array<i32>} : memref<128x128xf32, #tpu.memory_space<vmem>>, vector<16xf32>,
        %get3A_468 = arith.index_cast %add3A_443 : i32 to index
        %get3A_469 = arith.constant 48 : index
        %get3A_470 = tpu.vector_load %arg18[%get3A_468, %get3A_469] {strides = array<i32>} : memref<128x128xf32, #tpu.memory_space<vmem>>, vector<16xf32>,
        %mul3A_471 = arith.mulf %get3A_470, %broadcast_in_dim3A_446 : vector<16xf32>
        %swap3A_472 = arith.index_cast %add3A_443 : i32 to index
        %swap3A_473 = arith.constant 48 : index
        %swap3A_474 = tpu.vector_load %arg18[%swap3A_472, %swap3A_473] {strides = array<i32>} : memref<128x128xf32, #tpu.memory_space<vmem>>, vector<16xf32>,
        tpu.vector_store %arg18[%swap3A_472, %swap3A_473], %mul3A_471 {strides = array<i32>} : memref<128x128xf32, #tpu.memory_space<vmem>>, vector<16xf32>,
        %get3A_475 = arith.index_cast %add3A_443 : i32 to index
        %get3A_476 = arith.constant 64 : index
        %get3A_477 = tpu.vector_load %arg18[%get3A_475, %get3A_476] {strides = array<i32>} : memref<128x128xf32, #tpu.memory_space<vmem>>, vector<16xf32>,
        %mul3A_478 = arith.mulf %get3A_477, %broadcast_in_dim3A_446 : vector<16xf32>
        %swap3A_479 = arith.index_cast %add3A_443 : i32 to index
        %swap3A_480 = arith.constant 64 : index
        %swap3A_481 = tpu.vector_load %arg18[%swap3A_479, %swap3A_480] {strides = array<i32>} : memref<128x128xf32, #tpu.memory_space<vmem>>, vector<16xf32>,
        tpu.vector_store %arg18[%swap3A_479, %swap3A_480], %mul3A_478 {strides = array<i32>} : memref<128x128xf32, #tpu.memory_space<vmem>>, vector<16xf32>,
        %get3A_482 = arith.index_cast %add3A_443 : i32 to index
        %get3A_483 = arith.constant 80 : index
        %get3A_484 = tpu.vector_load %arg18[%get3A_482, %get3A_483] {strides = array<i32>} : memref<128x128xf32, #tpu.memory_space<vmem>>, vector<16xf32>,
        %mul3A_485 = arith.mulf %get3A_484, %broadcast_in_dim3A_446 : vector<16xf32>
        %swap3A_486 = arith.index_cast %add3A_443 : i32 to index
        %swap3A_487 = arith.constant 80 : index
        %swap3A_488 = tpu.vector_load %arg18[%swap3A_486, %swap3A_487] {strides = array<i32>} : memref<128x128xf32, #tpu.memory_space<vmem>>, vector<16xf32>,
        tpu.vector_store %arg18[%swap3A_486, %swap3A_487], %mul3A_485 {strides = array<i32>} : memref<128x128xf32, #tpu.memory_space<vmem>>, vector<16xf32>,
        %get3A_489 = arith.index_cast %add3A_443 : i32 to index
        %get3A_490 = arith.constant 96 : index
        %get3A_491 = tpu.vector_load %arg18[%get3A_489, %get3A_490] {strides = array<i32>} : memref<128x128xf32, #tpu.memory_space<vmem>>, vector<16xf32>,
        %mul3A_492 = arith.mulf %get3A_491, %broadcast_in_dim3A_446 : vector<16xf32>
        %swap3A_493 = arith.index_cast %add3A_443 : i32 to index
        %swap3A_494 = arith.constant 96 : index
        %swap3A_495 = tpu.vector_load %arg18[%swap3A_493, %swap3A_494] {strides = array<i32>} : memref<128x128xf32, #tpu.memory_space<vmem>>, vector<16xf32>,
        tpu.vector_store %arg18[%swap3A_493, %swap3A_494], %mul3A_492 {strides = array<i32>} : memref<128x128xf32, #tpu.memory_space<vmem>>, vector<16xf32>,
        %get3A_496 = arith.index_cast %add3A_443 : i32 to index
        %get3A_497 = arith.constant 112 : index
        %get3A_498 = tpu.vector_load %arg18[%get3A_496, %get3A_497] {strides = array<i32>} : memref<128x128xf32, #tpu.memory_space<vmem>>, vector<16xf32>,
        %mul3A_499 = arith.mulf %get3A_498, %broadcast_in_dim3A_446 : vector<16xf32>
        %swap3A_500 = arith.index_cast %add3A_443 : i32 to index
        %swap3A_501 = arith.constant 112 : index
        %swap3A_502 = tpu.vector_load %arg18[%swap3A_500, %swap3A_501] {strides = array<i32>} : memref<128x128xf32, #tpu.memory_space<vmem>>, vector<16xf32>,
        tpu.vector_store %arg18[%swap3A_500, %swap3A_501], %mul3A_499 {strides = array<i32>} : memref<128x128xf32, #tpu.memory_space<vmem>>, vector<16xf32>,
        %mul3A_503 = arith.constant 16 : i32
        %mul3A_504 = arith.muli %scan3A_49, %mul3A_503 : i32
        %add3A_505 = arith.constant 7 : i32
        %add3A_506 = arith.addi %mul3A_504, %add3A_505 : i32
        %slice3A_507 = vector.extract_strided_slice %mul3A_64 {offsets = [7], sizes = [1], strides = [1]} : vector<16xf32> to vector<1xf32>
        %squeeze3A_508 = vector.extract %slice3A_507[0] : f32 from vector<1xf32>
        %broadcast_in_dim3A_509 = vector.broadcast %squeeze3A_508 : f32 to vector<16xf32>
        %get3A_510 = arith.index_cast %add3A_506 : i32 to index
        %get3A_511 = arith.constant 0 : index
        %get3A_512 = tpu.vector_load %arg18[%get3A_510, %get3A_511] {strides = array<i32>} : memref<128x128xf32, #tpu.memory_space<vmem>>, vector<16xf32>,
        %mul3A_513 = arith.mulf %get3A_512, %broadcast_in_dim3A_509 : vector<16xf32>
        %swap3A_514 = arith.index_cast %add3A_506 : i32 to index
        %swap3A_515 = arith.constant 0 : index
        %swap3A_516 = tpu.vector_load %arg18[%swap3A_514, %swap3A_515] {strides = array<i32>} : memref<128x128xf32, #tpu.memory_space<vmem>>, vector<16xf32>,
        tpu.vector_store %arg18[%swap3A_514, %swap3A_515], %mul3A_513 {strides = array<i32>} : memref<128x128xf32, #tpu.memory_space<vmem>>, vector<16xf32>,
        %get3A_517 = arith.index_cast %add3A_506 : i32 to index
        %get3A_518 = arith.constant 16 : index
        %get3A_519 = tpu.vector_load %arg18[%get3A_517, %get3A_518] {strides = array<i32>} : memref<128x128xf32, #tpu.memory_space<vmem>>, vector<16xf32>,
        %mul3A_520 = arith.mulf %get3A_519, %broadcast_in_dim3A_509 : vector<16xf32>
        %swap3A_521 = arith.index_cast %add3A_506 : i32 to index
        %swap3A_522 = arith.constant 16 : index
        %swap3A_523 = tpu.vector_load %arg18[%swap3A_521, %swap3A_522] {strides = array<i32>} : memref<128x128xf32, #tpu.memory_space<vmem>>, vector<16xf32>,
        tpu.vector_store %arg18[%swap3A_521, %swap3A_522], %mul3A_520 {strides = array<i32>} : memref<128x128xf32, #tpu.memory_space<vmem>>, vector<16xf32>,
        %get3A_524 = arith.index_cast %add3A_506 : i32 to index
        %get3A_525 = arith.constant 32 : index
        %get3A_526 = tpu.vector_load %arg18[%get3A_524, %get3A_525] {strides = array<i32>} : memref<128x128xf32, #tpu.memory_space<vmem>>, vector<16xf32>,
        %mul3A_527 = arith.mulf %get3A_526, %broadcast_in_dim3A_509 : vector<16xf32>
        %swap3A_528 = arith.index_cast %add3A_506 : i32 to index
        %swap3A_529 = arith.constant 32 : index
        %swap3A_530 = tpu.vector_load %arg18[%swap3A_528, %swap3A_529] {strides = array<i32>} : memref<128x128xf32, #tpu.memory_space<vmem>>, vector<16xf32>,
        tpu.vector_store %arg18[%swap3A_528, %swap3A_529], %mul3A_527 {strides = array<i32>} : memref<128x128xf32, #tpu.memory_space<vmem>>, vector<16xf32>,
        %get3A_531 = arith.index_cast %add3A_506 : i32 to index
        %get3A_532 = arith.constant 48 : index
        %get3A_533 = tpu.vector_load %arg18[%get3A_531, %get3A_532] {strides = array<i32>} : memref<128x128xf32, #tpu.memory_space<vmem>>, vector<16xf32>,
        %mul3A_534 = arith.mulf %get3A_533, %broadcast_in_dim3A_509 : vector<16xf32>
        %swap3A_535 = arith.index_cast %add3A_506 : i32 to index
        %swap3A_536 = arith.constant 48 : index
        %swap3A_537 = tpu.vector_load %arg18[%swap3A_535, %swap3A_536] {strides = array<i32>} : memref<128x128xf32, #tpu.memory_space<vmem>>, vector<16xf32>,
        tpu.vector_store %arg18[%swap3A_535, %swap3A_536], %mul3A_534 {strides = array<i32>} : memref<128x128xf32, #tpu.memory_space<vmem>>, vector<16xf32>,
        %get3A_538 = arith.index_cast %add3A_506 : i32 to index
        %get3A_539 = arith.constant 64 : index
        %get3A_540 = tpu.vector_load %arg18[%get3A_538, %get3A_539] {strides = array<i32>} : memref<128x128xf32, #tpu.memory_space<vmem>>, vector<16xf32>,
        %mul3A_541 = arith.mulf %get3A_540, %broadcast_in_dim3A_509 : vector<16xf32>
        %swap3A_542 = arith.index_cast %add3A_506 : i32 to index
        %swap3A_543 = arith.constant 64 : index
        %swap3A_544 = tpu.vector_load %arg18[%swap3A_542, %swap3A_543] {strides = array<i32>} : memref<128x128xf32, #tpu.memory_space<vmem>>, vector<16xf32>,
        tpu.vector_store %arg18[%swap3A_542, %swap3A_543], %mul3A_541 {strides = array<i32>} : memref<128x128xf32, #tpu.memory_space<vmem>>, vector<16xf32>,
        %get3A_545 = arith.index_cast %add3A_506 : i32 to index
        %get3A_546 = arith.constant 80 : index
        %get3A_547 = tpu.vector_load %arg18[%get3A_545, %get3A_546] {strides = array<i32>} : memref<128x128xf32, #tpu.memory_space<vmem>>, vector<16xf32>,
        %mul3A_548 = arith.mulf %get3A_547, %broadcast_in_dim3A_509 : vector<16xf32>
        %swap3A_549 = arith.index_cast %add3A_506 : i32 to index
        %swap3A_550 = arith.constant 80 : index
        %swap3A_551 = tpu.vector_load %arg18[%swap3A_549, %swap3A_550] {strides = array<i32>} : memref<128x128xf32, #tpu.memory_space<vmem>>, vector<16xf32>,
        tpu.vector_store %arg18[%swap3A_549, %swap3A_550], %mul3A_548 {strides = array<i32>} : memref<128x128xf32, #tpu.memory_space<vmem>>, vector<16xf32>,
        %get3A_552 = arith.index_cast %add3A_506 : i32 to index
        %get3A_553 = arith.constant 96 : index
        %get3A_554 = tpu.vector_load %arg18[%get3A_552, %get3A_553] {strides = array<i32>} : memref<128x128xf32, #tpu.memory_space<vmem>>, vector<16xf32>,
        %mul3A_555 = arith.mulf %get3A_554, %broadcast_in_dim3A_509 : vector<16xf32>
        %swap3A_556 = arith.index_cast %add3A_506 : i32 to index
        %swap3A_557 = arith.constant 96 : index
        %swap3A_558 = tpu.vector_load %arg18[%swap3A_556, %swap3A_557] {strides = array<i32>} : memref<128x128xf32, #tpu.memory_space<vmem>>, vector<16xf32>,
        tpu.vector_store %arg18[%swap3A_556, %swap3A_557], %mul3A_555 {strides = array<i32>} : memref<128x128xf32, #tpu.memory_space<vmem>>, vector<16xf32>,
        %get3A_559 = arith.index_cast %add3A_506 : i32 to index
        %get3A_560 = arith.constant 112 : index
        %get3A_561 = tpu.vector_load %arg18[%get3A_559, %get3A_560] {strides = array<i32>} : memref<128x128xf32, #tpu.memory_space<vmem>>, vector<16xf32>,
        %mul3A_562 = arith.mulf %get3A_561, %broadcast_in_dim3A_509 : vector<16xf32>
        %swap3A_563 = arith.index_cast %add3A_506 : i32 to index
        %swap3A_564 = arith.constant 112 : index
        %swap3A_565 = tpu.vector_load %arg18[%swap3A_563, %swap3A_564] {strides = array<i32>} : memref<128x128xf32, #tpu.memory_space<vmem>>, vector<16xf32>,
        tpu.vector_store %arg18[%swap3A_563, %swap3A_564], %mul3A_562 {strides = array<i32>} : memref<128x128xf32, #tpu.memory_space<vmem>>, vector<16xf32>,
        %mul3A_566 = arith.constant 16 : i32
        %mul3A_567 = arith.muli %scan3A_49, %mul3A_566 : i32
        %add3A_568 = arith.constant 8 : i32
        %add3A_569 = arith.addi %mul3A_567, %add3A_568 : i32
        %slice3A_570 = vector.extract_strided_slice %mul3A_64 {offsets = [8], sizes = [1], strides = [1]} : vector<16xf32> to vector<1xf32>
        %squeeze3A_571 = vector.extract %slice3A_570[0] : f32 from vector<1xf32>
        %broadcast_in_dim3A_572 = vector.broadcast %squeeze3A_571 : f32 to vector<16xf32>
        %get3A_573 = arith.index_cast %add3A_569 : i32 to index
        %get3A_574 = arith.constant 0 : index
        %get3A_575 = tpu.vector_load %arg18[%get3A_573, %get3A_574] {strides = array<i32>} : memref<128x128xf32, #tpu.memory_space<vmem>>, vector<16xf32>,
        %mul3A_576 = arith.mulf %get3A_575, %broadcast_in_dim3A_572 : vector<16xf32>
        %swap3A_577 = arith.index_cast %add3A_569 : i32 to index
        %swap3A_578 = arith.constant 0 : index
        %swap3A_579 = tpu.vector_load %arg18[%swap3A_577, %swap3A_578] {strides = array<i32>} : memref<128x128xf32, #tpu.memory_space<vmem>>, vector<16xf32>,
        tpu.vector_store %arg18[%swap3A_577, %swap3A_578], %mul3A_576 {strides = array<i32>} : memref<128x128xf32, #tpu.memory_space<vmem>>, vector<16xf32>,
        %get3A_580 = arith.index_cast %add3A_569 : i32 to index
        %get3A_581 = arith.constant 16 : index
        %get3A_582 = tpu.vector_load %arg18[%get3A_580, %get3A_581] {strides = array<i32>} : memref<128x128xf32, #tpu.memory_space<vmem>>, vector<16xf32>,
        %mul3A_583 = arith.mulf %get3A_582, %broadcast_in_dim3A_572 : vector<16xf32>
        %swap3A_584 = arith.index_cast %add3A_569 : i32 to index
        %swap3A_585 = arith.constant 16 : index
        %swap3A_586 = tpu.vector_load %arg18[%swap3A_584, %swap3A_585] {strides = array<i32>} : memref<128x128xf32, #tpu.memory_space<vmem>>, vector<16xf32>,
        tpu.vector_store %arg18[%swap3A_584, %swap3A_585], %mul3A_583 {strides = array<i32>} : memref<128x128xf32, #tpu.memory_space<vmem>>, vector<16xf32>,
        %get3A_587 = arith.index_cast %add3A_569 : i32 to index
        %get3A_588 = arith.constant 32 : index
        %get3A_589 = tpu.vector_load %arg18[%get3A_587, %get3A_588] {strides = array<i32>} : memref<128x128xf32, #tpu.memory_space<vmem>>, vector<16xf32>,
        %mul3A_590 = arith.mulf %get3A_589, %broadcast_in_dim3A_572 : vector<16xf32>
        %swap3A_591 = arith.index_cast %add3A_569 : i32 to index
        %swap3A_592 = arith.constant 32 : index
        %swap3A_593 = tpu.vector_load %arg18[%swap3A_591, %swap3A_592] {strides = array<i32>} : memref<128x128xf32, #tpu.memory_space<vmem>>, vector<16xf32>,
        tpu.vector_store %arg18[%swap3A_591, %swap3A_592], %mul3A_590 {strides = array<i32>} : memref<128x128xf32, #tpu.memory_space<vmem>>, vector<16xf32>,
        %get3A_594 = arith.index_cast %add3A_569 : i32 to index
        %get3A_595 = arith.constant 48 : index
        %get3A_596 = tpu.vector_load %arg18[%get3A_594, %get3A_595] {strides = array<i32>} : memref<128x128xf32, #tpu.memory_space<vmem>>, vector<16xf32>,
        %mul3A_597 = arith.mulf %get3A_596, %broadcast_in_dim3A_572 : vector<16xf32>
        %swap3A_598 = arith.index_cast %add3A_569 : i32 to index
        %swap3A_599 = arith.constant 48 : index
        %swap3A_600 = tpu.vector_load %arg18[%swap3A_598, %swap3A_599] {strides = array<i32>} : memref<128x128xf32, #tpu.memory_space<vmem>>, vector<16xf32>,
        tpu.vector_store %arg18[%swap3A_598, %swap3A_599], %mul3A_597 {strides = array<i32>} : memref<128x128xf32, #tpu.memory_space<vmem>>, vector<16xf32>,
        %get3A_601 = arith.index_cast %add3A_569 : i32 to index
        %get3A_602 = arith.constant 64 : index
        %get3A_603 = tpu.vector_load %arg18[%get3A_601, %get3A_602] {strides = array<i32>} : memref<128x128xf32, #tpu.memory_space<vmem>>, vector<16xf32>,
        %mul3A_604 = arith.mulf %get3A_603, %broadcast_in_dim3A_572 : vector<16xf32>
        %swap3A_605 = arith.index_cast %add3A_569 : i32 to index
        %swap3A_606 = arith.constant 64 : index
        %swap3A_607 = tpu.vector_load %arg18[%swap3A_605, %swap3A_606] {strides = array<i32>} : memref<128x128xf32, #tpu.memory_space<vmem>>, vector<16xf32>,
        tpu.vector_store %arg18[%swap3A_605, %swap3A_606], %mul3A_604 {strides = array<i32>} : memref<128x128xf32, #tpu.memory_space<vmem>>, vector<16xf32>,
        %get3A_608 = arith.index_cast %add3A_569 : i32 to index
        %get3A_609 = arith.constant 80 : index
        %get3A_610 = tpu.vector_load %arg18[%get3A_608, %get3A_609] {strides = array<i32>} : memref<128x128xf32, #tpu.memory_space<vmem>>, vector<16xf32>,
        %mul3A_611 = arith.mulf %get3A_610, %broadcast_in_dim3A_572 : vector<16xf32>
        %swap3A_612 = arith.index_cast %add3A_569 : i32 to index
        %swap3A_613 = arith.constant 80 : index
        %swap3A_614 = tpu.vector_load %arg18[%swap3A_612, %swap3A_613] {strides = array<i32>} : memref<128x128xf32, #tpu.memory_space<vmem>>, vector<16xf32>,
        tpu.vector_store %arg18[%swap3A_612, %swap3A_613], %mul3A_611 {strides = array<i32>} : memref<128x128xf32, #tpu.memory_space<vmem>>, vector<16xf32>,
        %get3A_615 = arith.index_cast %add3A_569 : i32 to index
        %get3A_616 = arith.constant 96 : index
        %get3A_617 = tpu.vector_load %arg18[%get3A_615, %get3A_616] {strides = array<i32>} : memref<128x128xf32, #tpu.memory_space<vmem>>, vector<16xf32>,
        %mul3A_618 = arith.mulf %get3A_617, %broadcast_in_dim3A_572 : vector<16xf32>
        %swap3A_619 = arith.index_cast %add3A_569 : i32 to index
        %swap3A_620 = arith.constant 96 : index
        %swap3A_621 = tpu.vector_load %arg18[%swap3A_619, %swap3A_620] {strides = array<i32>} : memref<128x128xf32, #tpu.memory_space<vmem>>, vector<16xf32>,
        tpu.vector_store %arg18[%swap3A_619, %swap3A_620], %mul3A_618 {strides = array<i32>} : memref<128x128xf32, #tpu.memory_space<vmem>>, vector<16xf32>,
        %get3A_622 = arith.index_cast %add3A_569 : i32 to index
        %get3A_623 = arith.constant 112 : index
        %get3A_624 = tpu.vector_load %arg18[%get3A_622, %get3A_623] {strides = array<i32>} : memref<128x128xf32, #tpu.memory_space<vmem>>, vector<16xf32>,
        %mul3A_625 = arith.mulf %get3A_624, %broadcast_in_dim3A_572 : vector<16xf32>
        %swap3A_626 = arith.index_cast %add3A_569 : i32 to index
        %swap3A_627 = arith.constant 112 : index
        %swap3A_628 = tpu.vector_load %arg18[%swap3A_626, %swap3A_627] {strides = array<i32>} : memref<128x128xf32, #tpu.memory_space<vmem>>, vector<16xf32>,
        tpu.vector_store %arg18[%swap3A_626, %swap3A_627], %mul3A_625 {strides = array<i32>} : memref<128x128xf32, #tpu.memory_space<vmem>>, vector<16xf32>,
        %mul3A_629 = arith.constant 16 : i32
        %mul3A_630 = arith.muli %scan3A_49, %mul3A_629 : i32
        %add3A_631 = arith.constant 9 : i32
        %add3A_632 = arith.addi %mul3A_630, %add3A_631 : i32
        %slice3A_633 = vector.extract_strided_slice %mul3A_64 {offsets = [9], sizes = [1], strides = [1]} : vector<16xf32> to vector<1xf32>
        %squeeze3A_634 = vector.extract %slice3A_633[0] : f32 from vector<1xf32>
        %broadcast_in_dim3A_635 = vector.broadcast %squeeze3A_634 : f32 to vector<16xf32>
        %get3A_636 = arith.index_cast %add3A_632 : i32 to index
        %get3A_637 = arith.constant 0 : index
        %get3A_638 = tpu.vector_load %arg18[%get3A_636, %get3A_637] {strides = array<i32>} : memref<128x128xf32, #tpu.memory_space<vmem>>, vector<16xf32>,
        %mul3A_639 = arith.mulf %get3A_638, %broadcast_in_dim3A_635 : vector<16xf32>
        %swap3A_640 = arith.index_cast %add3A_632 : i32 to index
        %swap3A_641 = arith.constant 0 : index
        %swap3A_642 = tpu.vector_load %arg18[%swap3A_640, %swap3A_641] {strides = array<i32>} : memref<128x128xf32, #tpu.memory_space<vmem>>, vector<16xf32>,
        tpu.vector_store %arg18[%swap3A_640, %swap3A_641], %mul3A_639 {strides = array<i32>} : memref<128x128xf32, #tpu.memory_space<vmem>>, vector<16xf32>,
        %get3A_643 = arith.index_cast %add3A_632 : i32 to index
        %get3A_644 = arith.constant 16 : index
        %get3A_645 = tpu.vector_load %arg18[%get3A_643, %get3A_644] {strides = array<i32>} : memref<128x128xf32, #tpu.memory_space<vmem>>, vector<16xf32>,
        %mul3A_646 = arith.mulf %get3A_645, %broadcast_in_dim3A_635 : vector<16xf32>
        %swap3A_647 = arith.index_cast %add3A_632 : i32 to index
        %swap3A_648 = arith.constant 16 : index
        %swap3A_649 = tpu.vector_load %arg18[%swap3A_647, %swap3A_648] {strides = array<i32>} : memref<128x128xf32, #tpu.memory_space<vmem>>, vector<16xf32>,
        tpu.vector_store %arg18[%swap3A_647, %swap3A_648], %mul3A_646 {strides = array<i32>} : memref<128x128xf32, #tpu.memory_space<vmem>>, vector<16xf32>,
        %get3A_650 = arith.index_cast %add3A_632 : i32 to index
        %get3A_651 = arith.constant 32 : index
        %get3A_652 = tpu.vector_load %arg18[%get3A_650, %get3A_651] {strides = array<i32>} : memref<128x128xf32, #tpu.memory_space<vmem>>, vector<16xf32>,
        %mul3A_653 = arith.mulf %get3A_652, %broadcast_in_dim3A_635 : vector<16xf32>
        %swap3A_654 = arith.index_cast %add3A_632 : i32 to index
        %swap3A_655 = arith.constant 32 : index
        %swap3A_656 = tpu.vector_load %arg18[%swap3A_654, %swap3A_655] {strides = array<i32>} : memref<128x128xf32, #tpu.memory_space<vmem>>, vector<16xf32>,
        tpu.vector_store %arg18[%swap3A_654, %swap3A_655], %mul3A_653 {strides = array<i32>} : memref<128x128xf32, #tpu.memory_space<vmem>>, vector<16xf32>,
        %get3A_657 = arith.index_cast %add3A_632 : i32 to index
        %get3A_658 = arith.constant 48 : index
        %get3A_659 = tpu.vector_load %arg18[%get3A_657, %get3A_658] {strides = array<i32>} : memref<128x128xf32, #tpu.memory_space<vmem>>, vector<16xf32>,
        %mul3A_660 = arith.mulf %get3A_659, %broadcast_in_dim3A_635 : vector<16xf32>
        %swap3A_661 = arith.index_cast %add3A_632 : i32 to index
        %swap3A_662 = arith.constant 48 : index
        %swap3A_663 = tpu.vector_load %arg18[%swap3A_661, %swap3A_662] {strides = array<i32>} : memref<128x128xf32, #tpu.memory_space<vmem>>, vector<16xf32>,
        tpu.vector_store %arg18[%swap3A_661, %swap3A_662], %mul3A_660 {strides = array<i32>} : memref<128x128xf32, #tpu.memory_space<vmem>>, vector<16xf32>,
        %get3A_664 = arith.index_cast %add3A_632 : i32 to index
        %get3A_665 = arith.constant 64 : index
        %get3A_666 = tpu.vector_load %arg18[%get3A_664, %get3A_665] {strides = array<i32>} : memref<128x128xf32, #tpu.memory_space<vmem>>, vector<16xf32>,
        %mul3A_667 = arith.mulf %get3A_666, %broadcast_in_dim3A_635 : vector<16xf32>
        %swap3A_668 = arith.index_cast %add3A_632 : i32 to index
        %swap3A_669 = arith.constant 64 : index
        %swap3A_670 = tpu.vector_load %arg18[%swap3A_668, %swap3A_669] {strides = array<i32>} : memref<128x128xf32, #tpu.memory_space<vmem>>, vector<16xf32>,
        tpu.vector_store %arg18[%swap3A_668, %swap3A_669], %mul3A_667 {strides = array<i32>} : memref<128x128xf32, #tpu.memory_space<vmem>>, vector<16xf32>,
        %get3A_671 = arith.index_cast %add3A_632 : i32 to index
        %get3A_672 = arith.constant 80 : index
        %get3A_673 = tpu.vector_load %arg18[%get3A_671, %get3A_672] {strides = array<i32>} : memref<128x128xf32, #tpu.memory_space<vmem>>, vector<16xf32>,
        %mul3A_674 = arith.mulf %get3A_673, %broadcast_in_dim3A_635 : vector<16xf32>
        %swap3A_675 = arith.index_cast %add3A_632 : i32 to index
        %swap3A_676 = arith.constant 80 : index
        %swap3A_677 = tpu.vector_load %arg18[%swap3A_675, %swap3A_676] {strides = array<i32>} : memref<128x128xf32, #tpu.memory_space<vmem>>, vector<16xf32>,
        tpu.vector_store %arg18[%swap3A_675, %swap3A_676], %mul3A_674 {strides = array<i32>} : memref<128x128xf32, #tpu.memory_space<vmem>>, vector<16xf32>,
        %get3A_678 = arith.index_cast %add3A_632 : i32 to index
        %get3A_679 = arith.constant 96 : index
        %get3A_680 = tpu.vector_load %arg18[%get3A_678, %get3A_679] {strides = array<i32>} : memref<128x128xf32, #tpu.memory_space<vmem>>, vector<16xf32>,
        %mul3A_681 = arith.mulf %get3A_680, %broadcast_in_dim3A_635 : vector<16xf32>
        %swap3A_682 = arith.index_cast %add3A_632 : i32 to index
        %swap3A_683 = arith.constant 96 : index
        %swap3A_684 = tpu.vector_load %arg18[%swap3A_682, %swap3A_683] {strides = array<i32>} : memref<128x128xf32, #tpu.memory_space<vmem>>, vector<16xf32>,
        tpu.vector_store %arg18[%swap3A_682, %swap3A_683], %mul3A_681 {strides = array<i32>} : memref<128x128xf32, #tpu.memory_space<vmem>>, vector<16xf32>,
        %get3A_685 = arith.index_cast %add3A_632 : i32 to index
        %get3A_686 = arith.constant 112 : index
        %get3A_687 = tpu.vector_load %arg18[%get3A_685, %get3A_686] {strides = array<i32>} : memref<128x128xf32, #tpu.memory_space<vmem>>, vector<16xf32>,
        %mul3A_688 = arith.mulf %get3A_687, %broadcast_in_dim3A_635 : vector<16xf32>
        %swap3A_689 = arith.index_cast %add3A_632 : i32 to index
        %swap3A_690 = arith.constant 112 : index
        %swap3A_691 = tpu.vector_load %arg18[%swap3A_689, %swap3A_690] {strides = array<i32>} : memref<128x128xf32, #tpu.memory_space<vmem>>, vector<16xf32>,
        tpu.vector_store %arg18[%swap3A_689, %swap3A_690], %mul3A_688 {strides = array<i32>} : memref<128x128xf32, #tpu.memory_space<vmem>>, vector<16xf32>,
        %mul3A_692 = arith.constant 16 : i32
        %mul3A_693 = arith.muli %scan3A_49, %mul3A_692 : i32
        %add3A_694 = arith.constant 10 : i32
        %add3A_695 = arith.addi %mul3A_693, %add3A_694 : i32
        %slice3A_696 = vector.extract_strided_slice %mul3A_64 {offsets = [10], sizes = [1], strides = [1]} : vector<16xf32> to vector<1xf32>
        %squeeze3A_697 = vector.extract %slice3A_696[0] : f32 from vector<1xf32>
        %broadcast_in_dim3A_698 = vector.broadcast %squeeze3A_697 : f32 to vector<16xf32>
        %get3A_699 = arith.index_cast %add3A_695 : i32 to index
        %get3A_700 = arith.constant 0 : index
        %get3A_701 = tpu.vector_load %arg18[%get3A_699, %get3A_700] {strides = array<i32>} : memref<128x128xf32, #tpu.memory_space<vmem>>, vector<16xf32>,
        %mul3A_702 = arith.mulf %get3A_701, %broadcast_in_dim3A_698 : vector<16xf32>
        %swap3A_703 = arith.index_cast %add3A_695 : i32 to index
        %swap3A_704 = arith.constant 0 : index
        %swap3A_705 = tpu.vector_load %arg18[%swap3A_703, %swap3A_704] {strides = array<i32>} : memref<128x128xf32, #tpu.memory_space<vmem>>, vector<16xf32>,
        tpu.vector_store %arg18[%swap3A_703, %swap3A_704], %mul3A_702 {strides = array<i32>} : memref<128x128xf32, #tpu.memory_space<vmem>>, vector<16xf32>,
        %get3A_706 = arith.index_cast %add3A_695 : i32 to index
        %get3A_707 = arith.constant 16 : index
        %get3A_708 = tpu.vector_load %arg18[%get3A_706, %get3A_707] {strides = array<i32>} : memref<128x128xf32, #tpu.memory_space<vmem>>, vector<16xf32>,
        %mul3A_709 = arith.mulf %get3A_708, %broadcast_in_dim3A_698 : vector<16xf32>
        %swap3A_710 = arith.index_cast %add3A_695 : i32 to index
        %swap3A_711 = arith.constant 16 : index
        %swap3A_712 = tpu.vector_load %arg18[%swap3A_710, %swap3A_711] {strides = array<i32>} : memref<128x128xf32, #tpu.memory_space<vmem>>, vector<16xf32>,
        tpu.vector_store %arg18[%swap3A_710, %swap3A_711], %mul3A_709 {strides = array<i32>} : memref<128x128xf32, #tpu.memory_space<vmem>>, vector<16xf32>,
        %get3A_713 = arith.index_cast %add3A_695 : i32 to index
        %get3A_714 = arith.constant 32 : index
        %get3A_715 = tpu.vector_load %arg18[%get3A_713, %get3A_714] {strides = array<i32>} : memref<128x128xf32, #tpu.memory_space<vmem>>, vector<16xf32>,
        %mul3A_716 = arith.mulf %get3A_715, %broadcast_in_dim3A_698 : vector<16xf32>
        %swap3A_717 = arith.index_cast %add3A_695 : i32 to index
        %swap3A_718 = arith.constant 32 : index
        %swap3A_719 = tpu.vector_load %arg18[%swap3A_717, %swap3A_718] {strides = array<i32>} : memref<128x128xf32, #tpu.memory_space<vmem>>, vector<16xf32>,
        tpu.vector_store %arg18[%swap3A_717, %swap3A_718], %mul3A_716 {strides = array<i32>} : memref<128x128xf32, #tpu.memory_space<vmem>>, vector<16xf32>,
        %get3A_720 = arith.index_cast %add3A_695 : i32 to index
        %get3A_721 = arith.constant 48 : index
        %get3A_722 = tpu.vector_load %arg18[%get3A_720, %get3A_721] {strides = array<i32>} : memref<128x128xf32, #tpu.memory_space<vmem>>, vector<16xf32>,
        %mul3A_723 = arith.mulf %get3A_722, %broadcast_in_dim3A_698 : vector<16xf32>
        %swap3A_724 = arith.index_cast %add3A_695 : i32 to index
        %swap3A_725 = arith.constant 48 : index
        %swap3A_726 = tpu.vector_load %arg18[%swap3A_724, %swap3A_725] {strides = array<i32>} : memref<128x128xf32, #tpu.memory_space<vmem>>, vector<16xf32>,
        tpu.vector_store %arg18[%swap3A_724, %swap3A_725], %mul3A_723 {strides = array<i32>} : memref<128x128xf32, #tpu.memory_space<vmem>>, vector<16xf32>,
        %get3A_727 = arith.index_cast %add3A_695 : i32 to index
        %get3A_728 = arith.constant 64 : index
        %get3A_729 = tpu.vector_load %arg18[%get3A_727, %get3A_728] {strides = array<i32>} : memref<128x128xf32, #tpu.memory_space<vmem>>, vector<16xf32>,
        %mul3A_730 = arith.mulf %get3A_729, %broadcast_in_dim3A_698 : vector<16xf32>
        %swap3A_731 = arith.index_cast %add3A_695 : i32 to index
        %swap3A_732 = arith.constant 64 : index
        %swap3A_733 = tpu.vector_load %arg18[%swap3A_731, %swap3A_732] {strides = array<i32>} : memref<128x128xf32, #tpu.memory_space<vmem>>, vector<16xf32>,
        tpu.vector_store %arg18[%swap3A_731, %swap3A_732], %mul3A_730 {strides = array<i32>} : memref<128x128xf32, #tpu.memory_space<vmem>>, vector<16xf32>,
        %get3A_734 = arith.index_cast %add3A_695 : i32 to index
        %get3A_735 = arith.constant 80 : index
        %get3A_736 = tpu.vector_load %arg18[%get3A_734, %get3A_735] {strides = array<i32>} : memref<128x128xf32, #tpu.memory_space<vmem>>, vector<16xf32>,
        %mul3A_737 = arith.mulf %get3A_736, %broadcast_in_dim3A_698 : vector<16xf32>
        %swap3A_738 = arith.index_cast %add3A_695 : i32 to index
        %swap3A_739 = arith.constant 80 : index
        %swap3A_740 = tpu.vector_load %arg18[%swap3A_738, %swap3A_739] {strides = array<i32>} : memref<128x128xf32, #tpu.memory_space<vmem>>, vector<16xf32>,
        tpu.vector_store %arg18[%swap3A_738, %swap3A_739], %mul3A_737 {strides = array<i32>} : memref<128x128xf32, #tpu.memory_space<vmem>>, vector<16xf32>,
        %get3A_741 = arith.index_cast %add3A_695 : i32 to index
        %get3A_742 = arith.constant 96 : index
        %get3A_743 = tpu.vector_load %arg18[%get3A_741, %get3A_742] {strides = array<i32>} : memref<128x128xf32, #tpu.memory_space<vmem>>, vector<16xf32>,
        %mul3A_744 = arith.mulf %get3A_743, %broadcast_in_dim3A_698 : vector<16xf32>
        %swap3A_745 = arith.index_cast %add3A_695 : i32 to index
        %swap3A_746 = arith.constant 96 : index
        %swap3A_747 = tpu.vector_load %arg18[%swap3A_745, %swap3A_746] {strides = array<i32>} : memref<128x128xf32, #tpu.memory_space<vmem>>, vector<16xf32>,
        tpu.vector_store %arg18[%swap3A_745, %swap3A_746], %mul3A_744 {strides = array<i32>} : memref<128x128xf32, #tpu.memory_space<vmem>>, vector<16xf32>,
        %get3A_748 = arith.index_cast %add3A_695 : i32 to index
        %get3A_749 = arith.constant 112 : index
        %get3A_750 = tpu.vector_load %arg18[%get3A_748, %get3A_749] {strides = array<i32>} : memref<128x128xf32, #tpu.memory_space<vmem>>, vector<16xf32>,
        %mul3A_751 = arith.mulf %get3A_750, %broadcast_in_dim3A_698 : vector<16xf32>
        %swap3A_752 = arith.index_cast %add3A_695 : i32 to index
        %swap3A_753 = arith.constant 112 : index
        %swap3A_754 = tpu.vector_load %arg18[%swap3A_752, %swap3A_753] {strides = array<i32>} : memref<128x128xf32, #tpu.memory_space<vmem>>, vector<16xf32>,
        tpu.vector_store %arg18[%swap3A_752, %swap3A_753], %mul3A_751 {strides = array<i32>} : memref<128x128xf32, #tpu.memory_space<vmem>>, vector<16xf32>,
        %mul3A_755 = arith.constant 16 : i32
        %mul3A_756 = arith.muli %scan3A_49, %mul3A_755 : i32
        %add3A_757 = arith.constant 11 : i32
        %add3A_758 = arith.addi %mul3A_756, %add3A_757 : i32
        %slice3A_759 = vector.extract_strided_slice %mul3A_64 {offsets = [11], sizes = [1], strides = [1]} : vector<16xf32> to vector<1xf32>
        %squeeze3A_760 = vector.extract %slice3A_759[0] : f32 from vector<1xf32>
        %broadcast_in_dim3A_761 = vector.broadcast %squeeze3A_760 : f32 to vector<16xf32>
        %get3A_762 = arith.index_cast %add3A_758 : i32 to index
        %get3A_763 = arith.constant 0 : index
        %get3A_764 = tpu.vector_load %arg18[%get3A_762, %get3A_763] {strides = array<i32>} : memref<128x128xf32, #tpu.memory_space<vmem>>, vector<16xf32>,
        %mul3A_765 = arith.mulf %get3A_764, %broadcast_in_dim3A_761 : vector<16xf32>
        %swap3A_766 = arith.index_cast %add3A_758 : i32 to index
        %swap3A_767 = arith.constant 0 : index
        %swap3A_768 = tpu.vector_load %arg18[%swap3A_766, %swap3A_767] {strides = array<i32>} : memref<128x128xf32, #tpu.memory_space<vmem>>, vector<16xf32>,
        tpu.vector_store %arg18[%swap3A_766, %swap3A_767], %mul3A_765 {strides = array<i32>} : memref<128x128xf32, #tpu.memory_space<vmem>>, vector<16xf32>,
        %get3A_769 = arith.index_cast %add3A_758 : i32 to index
        %get3A_770 = arith.constant 16 : index
        %get3A_771 = tpu.vector_load %arg18[%get3A_769, %get3A_770] {strides = array<i32>} : memref<128x128xf32, #tpu.memory_space<vmem>>, vector<16xf32>,
        %mul3A_772 = arith.mulf %get3A_771, %broadcast_in_dim3A_761 : vector<16xf32>
        %swap3A_773 = arith.index_cast %add3A_758 : i32 to index
        %swap3A_774 = arith.constant 16 : index
        %swap3A_775 = tpu.vector_load %arg18[%swap3A_773, %swap3A_774] {strides = array<i32>} : memref<128x128xf32, #tpu.memory_space<vmem>>, vector<16xf32>,
        tpu.vector_store %arg18[%swap3A_773, %swap3A_774], %mul3A_772 {strides = array<i32>} : memref<128x128xf32, #tpu.memory_space<vmem>>, vector<16xf32>,
        %get3A_776 = arith.index_cast %add3A_758 : i32 to index
        %get3A_777 = arith.constant 32 : index
        %get3A_778 = tpu.vector_load %arg18[%get3A_776, %get3A_777] {strides = array<i32>} : memref<128x128xf32, #tpu.memory_space<vmem>>, vector<16xf32>,
        %mul3A_779 = arith.mulf %get3A_778, %broadcast_in_dim3A_761 : vector<16xf32>
        %swap3A_780 = arith.index_cast %add3A_758 : i32 to index
        %swap3A_781 = arith.constant 32 : index
        %swap3A_782 = tpu.vector_load %arg18[%swap3A_780, %swap3A_781] {strides = array<i32>} : memref<128x128xf32, #tpu.memory_space<vmem>>, vector<16xf32>,
        tpu.vector_store %arg18[%swap3A_780, %swap3A_781], %mul3A_779 {strides = array<i32>} : memref<128x128xf32, #tpu.memory_space<vmem>>, vector<16xf32>,
        %get3A_783 = arith.index_cast %add3A_758 : i32 to index
        %get3A_784 = arith.constant 48 : index
        %get3A_785 = tpu.vector_load %arg18[%get3A_783, %get3A_784] {strides = array<i32>} : memref<128x128xf32, #tpu.memory_space<vmem>>, vector<16xf32>,
        %mul3A_786 = arith.mulf %get3A_785, %broadcast_in_dim3A_761 : vector<16xf32>
        %swap3A_787 = arith.index_cast %add3A_758 : i32 to index
        %swap3A_788 = arith.constant 48 : index
        %swap3A_789 = tpu.vector_load %arg18[%swap3A_787, %swap3A_788] {strides = array<i32>} : memref<128x128xf32, #tpu.memory_space<vmem>>, vector<16xf32>,
        tpu.vector_store %arg18[%swap3A_787, %swap3A_788], %mul3A_786 {strides = array<i32>} : memref<128x128xf32, #tpu.memory_space<vmem>>, vector<16xf32>,
        %get3A_790 = arith.index_cast %add3A_758 : i32 to index
        %get3A_791 = arith.constant 64 : index
        %get3A_792 = tpu.vector_load %arg18[%get3A_790, %get3A_791] {strides = array<i32>} : memref<128x128xf32, #tpu.memory_space<vmem>>, vector<16xf32>,
        %mul3A_793 = arith.mulf %get3A_792, %broadcast_in_dim3A_761 : vector<16xf32>
        %swap3A_794 = arith.index_cast %add3A_758 : i32 to index
        %swap3A_795 = arith.constant 64 : index
        %swap3A_796 = tpu.vector_load %arg18[%swap3A_794, %swap3A_795] {strides = array<i32>} : memref<128x128xf32, #tpu.memory_space<vmem>>, vector<16xf32>,
        tpu.vector_store %arg18[%swap3A_794, %swap3A_795], %mul3A_793 {strides = array<i32>} : memref<128x128xf32, #tpu.memory_space<vmem>>, vector<16xf32>,
        %get3A_797 = arith.index_cast %add3A_758 : i32 to index
        %get3A_798 = arith.constant 80 : index
        %get3A_799 = tpu.vector_load %arg18[%get3A_797, %get3A_798] {strides = array<i32>} : memref<128x128xf32, #tpu.memory_space<vmem>>, vector<16xf32>,
        %mul3A_800 = arith.mulf %get3A_799, %broadcast_in_dim3A_761 : vector<16xf32>
        %swap3A_801 = arith.index_cast %add3A_758 : i32 to index
        %swap3A_802 = arith.constant 80 : index
        %swap3A_803 = tpu.vector_load %arg18[%swap3A_801, %swap3A_802] {strides = array<i32>} : memref<128x128xf32, #tpu.memory_space<vmem>>, vector<16xf32>,
        tpu.vector_store %arg18[%swap3A_801, %swap3A_802], %mul3A_800 {strides = array<i32>} : memref<128x128xf32, #tpu.memory_space<vmem>>, vector<16xf32>,
        %get3A_804 = arith.index_cast %add3A_758 : i32 to index
        %get3A_805 = arith.constant 96 : index
        %get3A_806 = tpu.vector_load %arg18[%get3A_804, %get3A_805] {strides = array<i32>} : memref<128x128xf32, #tpu.memory_space<vmem>>, vector<16xf32>,
        %mul3A_807 = arith.mulf %get3A_806, %broadcast_in_dim3A_761 : vector<16xf32>
        %swap3A_808 = arith.index_cast %add3A_758 : i32 to index
        %swap3A_809 = arith.constant 96 : index
        %swap3A_810 = tpu.vector_load %arg18[%swap3A_808, %swap3A_809] {strides = array<i32>} : memref<128x128xf32, #tpu.memory_space<vmem>>, vector<16xf32>,
        tpu.vector_store %arg18[%swap3A_808, %swap3A_809], %mul3A_807 {strides = array<i32>} : memref<128x128xf32, #tpu.memory_space<vmem>>, vector<16xf32>,
        %get3A_811 = arith.index_cast %add3A_758 : i32 to index
        %get3A_812 = arith.constant 112 : index
        %get3A_813 = tpu.vector_load %arg18[%get3A_811, %get3A_812] {strides = array<i32>} : memref<128x128xf32, #tpu.memory_space<vmem>>, vector<16xf32>,
        %mul3A_814 = arith.mulf %get3A_813, %broadcast_in_dim3A_761 : vector<16xf32>
        %swap3A_815 = arith.index_cast %add3A_758 : i32 to index
        %swap3A_816 = arith.constant 112 : index
        %swap3A_817 = tpu.vector_load %arg18[%swap3A_815, %swap3A_816] {strides = array<i32>} : memref<128x128xf32, #tpu.memory_space<vmem>>, vector<16xf32>,
        tpu.vector_store %arg18[%swap3A_815, %swap3A_816], %mul3A_814 {strides = array<i32>} : memref<128x128xf32, #tpu.memory_space<vmem>>, vector<16xf32>,
        %mul3A_818 = arith.constant 16 : i32
        %mul3A_819 = arith.muli %scan3A_49, %mul3A_818 : i32
        %add3A_820 = arith.constant 12 : i32
        %add3A_821 = arith.addi %mul3A_819, %add3A_820 : i32
        %slice3A_822 = vector.extract_strided_slice %mul3A_64 {offsets = [12], sizes = [1], strides = [1]} : vector<16xf32> to vector<1xf32>
        %squeeze3A_823 = vector.extract %slice3A_822[0] : f32 from vector<1xf32>
        %broadcast_in_dim3A_824 = vector.broadcast %squeeze3A_823 : f32 to vector<16xf32>
        %get3A_825 = arith.index_cast %add3A_821 : i32 to index
        %get3A_826 = arith.constant 0 : index
        %get3A_827 = tpu.vector_load %arg18[%get3A_825, %get3A_826] {strides = array<i32>} : memref<128x128xf32, #tpu.memory_space<vmem>>, vector<16xf32>,
        %mul3A_828 = arith.mulf %get3A_827, %broadcast_in_dim3A_824 : vector<16xf32>
        %swap3A_829 = arith.index_cast %add3A_821 : i32 to index
        %swap3A_830 = arith.constant 0 : index
        %swap3A_831 = tpu.vector_load %arg18[%swap3A_829, %swap3A_830] {strides = array<i32>} : memref<128x128xf32, #tpu.memory_space<vmem>>, vector<16xf32>,
        tpu.vector_store %arg18[%swap3A_829, %swap3A_830], %mul3A_828 {strides = array<i32>} : memref<128x128xf32, #tpu.memory_space<vmem>>, vector<16xf32>,
        %get3A_832 = arith.index_cast %add3A_821 : i32 to index
        %get3A_833 = arith.constant 16 : index
        %get3A_834 = tpu.vector_load %arg18[%get3A_832, %get3A_833] {strides = array<i32>} : memref<128x128xf32, #tpu.memory_space<vmem>>, vector<16xf32>,
        %mul3A_835 = arith.mulf %get3A_834, %broadcast_in_dim3A_824 : vector<16xf32>
        %swap3A_836 = arith.index_cast %add3A_821 : i32 to index
        %swap3A_837 = arith.constant 16 : index
        %swap3A_838 = tpu.vector_load %arg18[%swap3A_836, %swap3A_837] {strides = array<i32>} : memref<128x128xf32, #tpu.memory_space<vmem>>, vector<16xf32>,
        tpu.vector_store %arg18[%swap3A_836, %swap3A_837], %mul3A_835 {strides = array<i32>} : memref<128x128xf32, #tpu.memory_space<vmem>>, vector<16xf32>,
        %get3A_839 = arith.index_cast %add3A_821 : i32 to index
        %get3A_840 = arith.constant 32 : index
        %get3A_841 = tpu.vector_load %arg18[%get3A_839, %get3A_840] {strides = array<i32>} : memref<128x128xf32, #tpu.memory_space<vmem>>, vector<16xf32>,
        %mul3A_842 = arith.mulf %get3A_841, %broadcast_in_dim3A_824 : vector<16xf32>
        %swap3A_843 = arith.index_cast %add3A_821 : i32 to index
        %swap3A_844 = arith.constant 32 : index
        %swap3A_845 = tpu.vector_load %arg18[%swap3A_843, %swap3A_844] {strides = array<i32>} : memref<128x128xf32, #tpu.memory_space<vmem>>, vector<16xf32>,
        tpu.vector_store %arg18[%swap3A_843, %swap3A_844], %mul3A_842 {strides = array<i32>} : memref<128x128xf32, #tpu.memory_space<vmem>>, vector<16xf32>,
        %get3A_846 = arith.index_cast %add3A_821 : i32 to index
        %get3A_847 = arith.constant 48 : index
        %get3A_848 = tpu.vector_load %arg18[%get3A_846, %get3A_847] {strides = array<i32>} : memref<128x128xf32, #tpu.memory_space<vmem>>, vector<16xf32>,
        %mul3A_849 = arith.mulf %get3A_848, %broadcast_in_dim3A_824 : vector<16xf32>
        %swap3A_850 = arith.index_cast %add3A_821 : i32 to index
        %swap3A_851 = arith.constant 48 : index
        %swap3A_852 = tpu.vector_load %arg18[%swap3A_850, %swap3A_851] {strides = array<i32>} : memref<128x128xf32, #tpu.memory_space<vmem>>, vector<16xf32>,
        tpu.vector_store %arg18[%swap3A_850, %swap3A_851], %mul3A_849 {strides = array<i32>} : memref<128x128xf32, #tpu.memory_space<vmem>>, vector<16xf32>,
        %get3A_853 = arith.index_cast %add3A_821 : i32 to index
        %get3A_854 = arith.constant 64 : index
        %get3A_855 = tpu.vector_load %arg18[%get3A_853, %get3A_854] {strides = array<i32>} : memref<128x128xf32, #tpu.memory_space<vmem>>, vector<16xf32>,
        %mul3A_856 = arith.mulf %get3A_855, %broadcast_in_dim3A_824 : vector<16xf32>
        %swap3A_857 = arith.index_cast %add3A_821 : i32 to index
        %swap3A_858 = arith.constant 64 : index
        %swap3A_859 = tpu.vector_load %arg18[%swap3A_857, %swap3A_858] {strides = array<i32>} : memref<128x128xf32, #tpu.memory_space<vmem>>, vector<16xf32>,
        tpu.vector_store %arg18[%swap3A_857, %swap3A_858], %mul3A_856 {strides = array<i32>} : memref<128x128xf32, #tpu.memory_space<vmem>>, vector<16xf32>,
        %get3A_860 = arith.index_cast %add3A_821 : i32 to index
        %get3A_861 = arith.constant 80 : index
        %get3A_862 = tpu.vector_load %arg18[%get3A_860, %get3A_861] {strides = array<i32>} : memref<128x128xf32, #tpu.memory_space<vmem>>, vector<16xf32>,
        %mul3A_863 = arith.mulf %get3A_862, %broadcast_in_dim3A_824 : vector<16xf32>
        %swap3A_864 = arith.index_cast %add3A_821 : i32 to index
        %swap3A_865 = arith.constant 80 : index
        %swap3A_866 = tpu.vector_load %arg18[%swap3A_864, %swap3A_865] {strides = array<i32>} : memref<128x128xf32, #tpu.memory_space<vmem>>, vector<16xf32>,
        tpu.vector_store %arg18[%swap3A_864, %swap3A_865], %mul3A_863 {strides = array<i32>} : memref<128x128xf32, #tpu.memory_space<vmem>>, vector<16xf32>,
        %get3A_867 = arith.index_cast %add3A_821 : i32 to index
        %get3A_868 = arith.constant 96 : index
        %get3A_869 = tpu.vector_load %arg18[%get3A_867, %get3A_868] {strides = array<i32>} : memref<128x128xf32, #tpu.memory_space<vmem>>, vector<16xf32>,
        %mul3A_870 = arith.mulf %get3A_869, %broadcast_in_dim3A_824 : vector<16xf32>
        %swap3A_871 = arith.index_cast %add3A_821 : i32 to index
        %swap3A_872 = arith.constant 96 : index
        %swap3A_873 = tpu.vector_load %arg18[%swap3A_871, %swap3A_872] {strides = array<i32>} : memref<128x128xf32, #tpu.memory_space<vmem>>, vector<16xf32>,
        tpu.vector_store %arg18[%swap3A_871, %swap3A_872], %mul3A_870 {strides = array<i32>} : memref<128x128xf32, #tpu.memory_space<vmem>>, vector<16xf32>,
        %get3A_874 = arith.index_cast %add3A_821 : i32 to index
        %get3A_875 = arith.constant 112 : index
        %get3A_876 = tpu.vector_load %arg18[%get3A_874, %get3A_875] {strides = array<i32>} : memref<128x128xf32, #tpu.memory_space<vmem>>, vector<16xf32>,
        %mul3A_877 = arith.mulf %get3A_876, %broadcast_in_dim3A_824 : vector<16xf32>
        %swap3A_878 = arith.index_cast %add3A_821 : i32 to index
        %swap3A_879 = arith.constant 112 : index
        %swap3A_880 = tpu.vector_load %arg18[%swap3A_878, %swap3A_879] {strides = array<i32>} : memref<128x128xf32, #tpu.memory_space<vmem>>, vector<16xf32>,
        tpu.vector_store %arg18[%swap3A_878, %swap3A_879], %mul3A_877 {strides = array<i32>} : memref<128x128xf32, #tpu.memory_space<vmem>>, vector<16xf32>,
        %mul3A_881 = arith.constant 16 : i32
        %mul3A_882 = arith.muli %scan3A_49, %mul3A_881 : i32
        %add3A_883 = arith.constant 13 : i32
        %add3A_884 = arith.addi %mul3A_882, %add3A_883 : i32
        %slice3A_885 = vector.extract_strided_slice %mul3A_64 {offsets = [13], sizes = [1], strides = [1]} : vector<16xf32> to vector<1xf32>
        %squeeze3A_886 = vector.extract %slice3A_885[0] : f32 from vector<1xf32>
        %broadcast_in_dim3A_887 = vector.broadcast %squeeze3A_886 : f32 to vector<16xf32>
        %get3A_888 = arith.index_cast %add3A_884 : i32 to index
        %get3A_889 = arith.constant 0 : index
        %get3A_890 = tpu.vector_load %arg18[%get3A_888, %get3A_889] {strides = array<i32>} : memref<128x128xf32, #tpu.memory_space<vmem>>, vector<16xf32>,
        %mul3A_891 = arith.mulf %get3A_890, %broadcast_in_dim3A_887 : vector<16xf32>
        %swap3A_892 = arith.index_cast %add3A_884 : i32 to index
        %swap3A_893 = arith.constant 0 : index
        %swap3A_894 = tpu.vector_load %arg18[%swap3A_892, %swap3A_893] {strides = array<i32>} : memref<128x128xf32, #tpu.memory_space<vmem>>, vector<16xf32>,
        tpu.vector_store %arg18[%swap3A_892, %swap3A_893], %mul3A_891 {strides = array<i32>} : memref<128x128xf32, #tpu.memory_space<vmem>>, vector<16xf32>,
        %get3A_895 = arith.index_cast %add3A_884 : i32 to index
        %get3A_896 = arith.constant 16 : index
        %get3A_897 = tpu.vector_load %arg18[%get3A_895, %get3A_896] {strides = array<i32>} : memref<128x128xf32, #tpu.memory_space<vmem>>, vector<16xf32>,
        %mul3A_898 = arith.mulf %get3A_897, %broadcast_in_dim3A_887 : vector<16xf32>
        %swap3A_899 = arith.index_cast %add3A_884 : i32 to index
        %swap3A_900 = arith.constant 16 : index
        %swap3A_901 = tpu.vector_load %arg18[%swap3A_899, %swap3A_900] {strides = array<i32>} : memref<128x128xf32, #tpu.memory_space<vmem>>, vector<16xf32>,
        tpu.vector_store %arg18[%swap3A_899, %swap3A_900], %mul3A_898 {strides = array<i32>} : memref<128x128xf32, #tpu.memory_space<vmem>>, vector<16xf32>,
        %get3A_902 = arith.index_cast %add3A_884 : i32 to index
        %get3A_903 = arith.constant 32 : index
        %get3A_904 = tpu.vector_load %arg18[%get3A_902, %get3A_903] {strides = array<i32>} : memref<128x128xf32, #tpu.memory_space<vmem>>, vector<16xf32>,
        %mul3A_905 = arith.mulf %get3A_904, %broadcast_in_dim3A_887 : vector<16xf32>
        %swap3A_906 = arith.index_cast %add3A_884 : i32 to index
        %swap3A_907 = arith.constant 32 : index
        %swap3A_908 = tpu.vector_load %arg18[%swap3A_906, %swap3A_907] {strides = array<i32>} : memref<128x128xf32, #tpu.memory_space<vmem>>, vector<16xf32>,
        tpu.vector_store %arg18[%swap3A_906, %swap3A_907], %mul3A_905 {strides = array<i32>} : memref<128x128xf32, #tpu.memory_space<vmem>>, vector<16xf32>,
        %get3A_909 = arith.index_cast %add3A_884 : i32 to index
        %get3A_910 = arith.constant 48 : index
        %get3A_911 = tpu.vector_load %arg18[%get3A_909, %get3A_910] {strides = array<i32>} : memref<128x128xf32, #tpu.memory_space<vmem>>, vector<16xf32>,
        %mul3A_912 = arith.mulf %get3A_911, %broadcast_in_dim3A_887 : vector<16xf32>
        %swap3A_913 = arith.index_cast %add3A_884 : i32 to index
        %swap3A_914 = arith.constant 48 : index
        %swap3A_915 = tpu.vector_load %arg18[%swap3A_913, %swap3A_914] {strides = array<i32>} : memref<128x128xf32, #tpu.memory_space<vmem>>, vector<16xf32>,
        tpu.vector_store %arg18[%swap3A_913, %swap3A_914], %mul3A_912 {strides = array<i32>} : memref<128x128xf32, #tpu.memory_space<vmem>>, vector<16xf32>,
        %get3A_916 = arith.index_cast %add3A_884 : i32 to index
        %get3A_917 = arith.constant 64 : index
        %get3A_918 = tpu.vector_load %arg18[%get3A_916, %get3A_917] {strides = array<i32>} : memref<128x128xf32, #tpu.memory_space<vmem>>, vector<16xf32>,
        %mul3A_919 = arith.mulf %get3A_918, %broadcast_in_dim3A_887 : vector<16xf32>
        %swap3A_920 = arith.index_cast %add3A_884 : i32 to index
        %swap3A_921 = arith.constant 64 : index
        %swap3A_922 = tpu.vector_load %arg18[%swap3A_920, %swap3A_921] {strides = array<i32>} : memref<128x128xf32, #tpu.memory_space<vmem>>, vector<16xf32>,
        tpu.vector_store %arg18[%swap3A_920, %swap3A_921], %mul3A_919 {strides = array<i32>} : memref<128x128xf32, #tpu.memory_space<vmem>>, vector<16xf32>,
        %get3A_923 = arith.index_cast %add3A_884 : i32 to index
        %get3A_924 = arith.constant 80 : index
        %get3A_925 = tpu.vector_load %arg18[%get3A_923, %get3A_924] {strides = array<i32>} : memref<128x128xf32, #tpu.memory_space<vmem>>, vector<16xf32>,
        %mul3A_926 = arith.mulf %get3A_925, %broadcast_in_dim3A_887 : vector<16xf32>
        %swap3A_927 = arith.index_cast %add3A_884 : i32 to index
        %swap3A_928 = arith.constant 80 : index
        %swap3A_929 = tpu.vector_load %arg18[%swap3A_927, %swap3A_928] {strides = array<i32>} : memref<128x128xf32, #tpu.memory_space<vmem>>, vector<16xf32>,
        tpu.vector_store %arg18[%swap3A_927, %swap3A_928], %mul3A_926 {strides = array<i32>} : memref<128x128xf32, #tpu.memory_space<vmem>>, vector<16xf32>,
        %get3A_930 = arith.index_cast %add3A_884 : i32 to index
        %get3A_931 = arith.constant 96 : index
        %get3A_932 = tpu.vector_load %arg18[%get3A_930, %get3A_931] {strides = array<i32>} : memref<128x128xf32, #tpu.memory_space<vmem>>, vector<16xf32>,
        %mul3A_933 = arith.mulf %get3A_932, %broadcast_in_dim3A_887 : vector<16xf32>
        %swap3A_934 = arith.index_cast %add3A_884 : i32 to index
        %swap3A_935 = arith.constant 96 : index
        %swap3A_936 = tpu.vector_load %arg18[%swap3A_934, %swap3A_935] {strides = array<i32>} : memref<128x128xf32, #tpu.memory_space<vmem>>, vector<16xf32>,
        tpu.vector_store %arg18[%swap3A_934, %swap3A_935], %mul3A_933 {strides = array<i32>} : memref<128x128xf32, #tpu.memory_space<vmem>>, vector<16xf32>,
        %get3A_937 = arith.index_cast %add3A_884 : i32 to index
        %get3A_938 = arith.constant 112 : index
        %get3A_939 = tpu.vector_load %arg18[%get3A_937, %get3A_938] {strides = array<i32>} : memref<128x128xf32, #tpu.memory_space<vmem>>, vector<16xf32>,
        %mul3A_940 = arith.mulf %get3A_939, %broadcast_in_dim3A_887 : vector<16xf32>
        %swap3A_941 = arith.index_cast %add3A_884 : i32 to index
        %swap3A_942 = arith.constant 112 : index
        %swap3A_943 = tpu.vector_load %arg18[%swap3A_941, %swap3A_942] {strides = array<i32>} : memref<128x128xf32, #tpu.memory_space<vmem>>, vector<16xf32>,
        tpu.vector_store %arg18[%swap3A_941, %swap3A_942], %mul3A_940 {strides = array<i32>} : memref<128x128xf32, #tpu.memory_space<vmem>>, vector<16xf32>,
        %mul3A_944 = arith.constant 16 : i32
        %mul3A_945 = arith.muli %scan3A_49, %mul3A_944 : i32
        %add3A_946 = arith.constant 14 : i32
        %add3A_947 = arith.addi %mul3A_945, %add3A_946 : i32
        %slice3A_948 = vector.extract_strided_slice %mul3A_64 {offsets = [14], sizes = [1], strides = [1]} : vector<16xf32> to vector<1xf32>
        %squeeze3A_949 = vector.extract %slice3A_948[0] : f32 from vector<1xf32>
        %broadcast_in_dim3A_950 = vector.broadcast %squeeze3A_949 : f32 to vector<16xf32>
        %get3A_951 = arith.index_cast %add3A_947 : i32 to index
        %get3A_952 = arith.constant 0 : index
        %get3A_953 = tpu.vector_load %arg18[%get3A_951, %get3A_952] {strides = array<i32>} : memref<128x128xf32, #tpu.memory_space<vmem>>, vector<16xf32>,
        %mul3A_954 = arith.mulf %get3A_953, %broadcast_in_dim3A_950 : vector<16xf32>
        %swap3A_955 = arith.index_cast %add3A_947 : i32 to index
        %swap3A_956 = arith.constant 0 : index
        %swap3A_957 = tpu.vector_load %arg18[%swap3A_955, %swap3A_956] {strides = array<i32>} : memref<128x128xf32, #tpu.memory_space<vmem>>, vector<16xf32>,
        tpu.vector_store %arg18[%swap3A_955, %swap3A_956], %mul3A_954 {strides = array<i32>} : memref<128x128xf32, #tpu.memory_space<vmem>>, vector<16xf32>,
        %get3A_958 = arith.index_cast %add3A_947 : i32 to index
        %get3A_959 = arith.constant 16 : index
        %get3A_960 = tpu.vector_load %arg18[%get3A_958, %get3A_959] {strides = array<i32>} : memref<128x128xf32, #tpu.memory_space<vmem>>, vector<16xf32>,
        %mul3A_961 = arith.mulf %get3A_960, %broadcast_in_dim3A_950 : vector<16xf32>
        %swap3A_962 = arith.index_cast %add3A_947 : i32 to index
        %swap3A_963 = arith.constant 16 : index
        %swap3A_964 = tpu.vector_load %arg18[%swap3A_962, %swap3A_963] {strides = array<i32>} : memref<128x128xf32, #tpu.memory_space<vmem>>, vector<16xf32>,
        tpu.vector_store %arg18[%swap3A_962, %swap3A_963], %mul3A_961 {strides = array<i32>} : memref<128x128xf32, #tpu.memory_space<vmem>>, vector<16xf32>,
        %get3A_965 = arith.index_cast %add3A_947 : i32 to index
        %get3A_966 = arith.constant 32 : index
        %get3A_967 = tpu.vector_load %arg18[%get3A_965, %get3A_966] {strides = array<i32>} : memref<128x128xf32, #tpu.memory_space<vmem>>, vector<16xf32>,
        %mul3A_968 = arith.mulf %get3A_967, %broadcast_in_dim3A_950 : vector<16xf32>
        %swap3A_969 = arith.index_cast %add3A_947 : i32 to index
        %swap3A_970 = arith.constant 32 : index
        %swap3A_971 = tpu.vector_load %arg18[%swap3A_969, %swap3A_970] {strides = array<i32>} : memref<128x128xf32, #tpu.memory_space<vmem>>, vector<16xf32>,
        tpu.vector_store %arg18[%swap3A_969, %swap3A_970], %mul3A_968 {strides = array<i32>} : memref<128x128xf32, #tpu.memory_space<vmem>>, vector<16xf32>,
        %get3A_972 = arith.index_cast %add3A_947 : i32 to index
        %get3A_973 = arith.constant 48 : index
        %get3A_974 = tpu.vector_load %arg18[%get3A_972, %get3A_973] {strides = array<i32>} : memref<128x128xf32, #tpu.memory_space<vmem>>, vector<16xf32>,
        %mul3A_975 = arith.mulf %get3A_974, %broadcast_in_dim3A_950 : vector<16xf32>
        %swap3A_976 = arith.index_cast %add3A_947 : i32 to index
        %swap3A_977 = arith.constant 48 : index
        %swap3A_978 = tpu.vector_load %arg18[%swap3A_976, %swap3A_977] {strides = array<i32>} : memref<128x128xf32, #tpu.memory_space<vmem>>, vector<16xf32>,
        tpu.vector_store %arg18[%swap3A_976, %swap3A_977], %mul3A_975 {strides = array<i32>} : memref<128x128xf32, #tpu.memory_space<vmem>>, vector<16xf32>,
        %get3A_979 = arith.index_cast %add3A_947 : i32 to index
        %get3A_980 = arith.constant 64 : index
        %get3A_981 = tpu.vector_load %arg18[%get3A_979, %get3A_980] {strides = array<i32>} : memref<128x128xf32, #tpu.memory_space<vmem>>, vector<16xf32>,
        %mul3A_982 = arith.mulf %get3A_981, %broadcast_in_dim3A_950 : vector<16xf32>
        %swap3A_983 = arith.index_cast %add3A_947 : i32 to index
        %swap3A_984 = arith.constant 64 : index
        %swap3A_985 = tpu.vector_load %arg18[%swap3A_983, %swap3A_984] {strides = array<i32>} : memref<128x128xf32, #tpu.memory_space<vmem>>, vector<16xf32>,
        tpu.vector_store %arg18[%swap3A_983, %swap3A_984], %mul3A_982 {strides = array<i32>} : memref<128x128xf32, #tpu.memory_space<vmem>>, vector<16xf32>,
        %get3A_986 = arith.index_cast %add3A_947 : i32 to index
        %get3A_987 = arith.constant 80 : index
        %get3A_988 = tpu.vector_load %arg18[%get3A_986, %get3A_987] {strides = array<i32>} : memref<128x128xf32, #tpu.memory_space<vmem>>, vector<16xf32>,
        %mul3A_989 = arith.mulf %get3A_988, %broadcast_in_dim3A_950 : vector<16xf32>
        %swap3A_990 = arith.index_cast %add3A_947 : i32 to index
        %swap3A_991 = arith.constant 80 : index
        %swap3A_992 = tpu.vector_load %arg18[%swap3A_990, %swap3A_991] {strides = array<i32>} : memref<128x128xf32, #tpu.memory_space<vmem>>, vector<16xf32>,
        tpu.vector_store %arg18[%swap3A_990, %swap3A_991], %mul3A_989 {strides = array<i32>} : memref<128x128xf32, #tpu.memory_space<vmem>>, vector<16xf32>,
        %get3A_993 = arith.index_cast %add3A_947 : i32 to index
        %get3A_994 = arith.constant 96 : index
        %get3A_995 = tpu.vector_load %arg18[%get3A_993, %get3A_994] {strides = array<i32>} : memref<128x128xf32, #tpu.memory_space<vmem>>, vector<16xf32>,
        %mul3A_996 = arith.mulf %get3A_995, %broadcast_in_dim3A_950 : vector<16xf32>
        %swap3A_997 = arith.index_cast %add3A_947 : i32 to index
        %swap3A_998 = arith.constant 96 : index
        %swap3A_999 = tpu.vector_load %arg18[%swap3A_997, %swap3A_998] {strides = array<i32>} : memref<128x128xf32, #tpu.memory_space<vmem>>, vector<16xf32>,
        tpu.vector_store %arg18[%swap3A_997, %swap3A_998], %mul3A_996 {strides = array<i32>} : memref<128x128xf32, #tpu.memory_space<vmem>>, vector<16xf32>,
        %get3A_1000 = arith.index_cast %add3A_947 : i32 to index
        %get3A_1001 = arith.constant 112 : index
        %get3A_1002 = tpu.vector_load %arg18[%get3A_1000, %get3A_1001] {strides = array<i32>} : memref<128x128xf32, #tpu.memory_space<vmem>>, vector<16xf32>,
        %mul3A_1003 = arith.mulf %get3A_1002, %broadcast_in_dim3A_950 : vector<16xf32>
        %swap3A_1004 = arith.index_cast %add3A_947 : i32 to index
        %swap3A_1005 = arith.constant 112 : index
        %swap3A_1006 = tpu.vector_load %arg18[%swap3A_1004, %swap3A_1005] {strides = array<i32>} : memref<128x128xf32, #tpu.memory_space<vmem>>, vector<16xf32>,
        tpu.vector_store %arg18[%swap3A_1004, %swap3A_1005], %mul3A_1003 {strides = array<i32>} : memref<128x128xf32, #tpu.memory_space<vmem>>, vector<16xf32>,
        %mul3A_1007 = arith.constant 16 : i32
        %mul3A_1008 = arith.muli %scan3A_49, %mul3A_1007 : i32
        %add3A_1009 = arith.constant 15 : i32
        %add3A_1010 = arith.addi %mul3A_1008, %add3A_1009 : i32
        %slice3A_1011 = vector.extract_strided_slice %mul3A_64 {offsets = [15], sizes = [1], strides = [1]} : vector<16xf32> to vector<1xf32>
        %squeeze3A_1012 = vector.extract %slice3A_1011[0] : f32 from vector<1xf32>
        %broadcast_in_dim3A_1013 = vector.broadcast %squeeze3A_1012 : f32 to vector<16xf32>
        %get3A_1014 = arith.index_cast %add3A_1010 : i32 to index
        %get3A_1015 = arith.constant 0 : index
        %get3A_1016 = tpu.vector_load %arg18[%get3A_1014, %get3A_1015] {strides = array<i32>} : memref<128x128xf32, #tpu.memory_space<vmem>>, vector<16xf32>,
        %mul3A_1017 = arith.mulf %get3A_1016, %broadcast_in_dim3A_1013 : vector<16xf32>
        %swap3A_1018 = arith.index_cast %add3A_1010 : i32 to index
        %swap3A_1019 = arith.constant 0 : index
        %swap3A_1020 = tpu.vector_load %arg18[%swap3A_1018, %swap3A_1019] {strides = array<i32>} : memref<128x128xf32, #tpu.memory_space<vmem>>, vector<16xf32>,
        tpu.vector_store %arg18[%swap3A_1018, %swap3A_1019], %mul3A_1017 {strides = array<i32>} : memref<128x128xf32, #tpu.memory_space<vmem>>, vector<16xf32>,
        %get3A_1021 = arith.index_cast %add3A_1010 : i32 to index
        %get3A_1022 = arith.constant 16 : index
        %get3A_1023 = tpu.vector_load %arg18[%get3A_1021, %get3A_1022] {strides = array<i32>} : memref<128x128xf32, #tpu.memory_space<vmem>>, vector<16xf32>,
        %mul3A_1024 = arith.mulf %get3A_1023, %broadcast_in_dim3A_1013 : vector<16xf32>
        %swap3A_1025 = arith.index_cast %add3A_1010 : i32 to index
        %swap3A_1026 = arith.constant 16 : index
        %swap3A_1027 = tpu.vector_load %arg18[%swap3A_1025, %swap3A_1026] {strides = array<i32>} : memref<128x128xf32, #tpu.memory_space<vmem>>, vector<16xf32>,
        tpu.vector_store %arg18[%swap3A_1025, %swap3A_1026], %mul3A_1024 {strides = array<i32>} : memref<128x128xf32, #tpu.memory_space<vmem>>, vector<16xf32>,
        %get3A_1028 = arith.index_cast %add3A_1010 : i32 to index
        %get3A_1029 = arith.constant 32 : index
        %get3A_1030 = tpu.vector_load %arg18[%get3A_1028, %get3A_1029] {strides = array<i32>} : memref<128x128xf32, #tpu.memory_space<vmem>>, vector<16xf32>,
        %mul3A_1031 = arith.mulf %get3A_1030, %broadcast_in_dim3A_1013 : vector<16xf32>
        %swap3A_1032 = arith.index_cast %add3A_1010 : i32 to index
        %swap3A_1033 = arith.constant 32 : index
        %swap3A_1034 = tpu.vector_load %arg18[%swap3A_1032, %swap3A_1033] {strides = array<i32>} : memref<128x128xf32, #tpu.memory_space<vmem>>, vector<16xf32>,
        tpu.vector_store %arg18[%swap3A_1032, %swap3A_1033], %mul3A_1031 {strides = array<i32>} : memref<128x128xf32, #tpu.memory_space<vmem>>, vector<16xf32>,
        %get3A_1035 = arith.index_cast %add3A_1010 : i32 to index
        %get3A_1036 = arith.constant 48 : index
        %get3A_1037 = tpu.vector_load %arg18[%get3A_1035, %get3A_1036] {strides = array<i32>} : memref<128x128xf32, #tpu.memory_space<vmem>>, vector<16xf32>,
        %mul3A_1038 = arith.mulf %get3A_1037, %broadcast_in_dim3A_1013 : vector<16xf32>
        %swap3A_1039 = arith.index_cast %add3A_1010 : i32 to index
        %swap3A_1040 = arith.constant 48 : index
        %swap3A_1041 = tpu.vector_load %arg18[%swap3A_1039, %swap3A_1040] {strides = array<i32>} : memref<128x128xf32, #tpu.memory_space<vmem>>, vector<16xf32>,
        tpu.vector_store %arg18[%swap3A_1039, %swap3A_1040], %mul3A_1038 {strides = array<i32>} : memref<128x128xf32, #tpu.memory_space<vmem>>, vector<16xf32>,
        %get3A_1042 = arith.index_cast %add3A_1010 : i32 to index
        %get3A_1043 = arith.constant 64 : index
        %get3A_1044 = tpu.vector_load %arg18[%get3A_1042, %get3A_1043] {strides = array<i32>} : memref<128x128xf32, #tpu.memory_space<vmem>>, vector<16xf32>,
        %mul3A_1045 = arith.mulf %get3A_1044, %broadcast_in_dim3A_1013 : vector<16xf32>
        %swap3A_1046 = arith.index_cast %add3A_1010 : i32 to index
        %swap3A_1047 = arith.constant 64 : index
        %swap3A_1048 = tpu.vector_load %arg18[%swap3A_1046, %swap3A_1047] {strides = array<i32>} : memref<128x128xf32, #tpu.memory_space<vmem>>, vector<16xf32>,
        tpu.vector_store %arg18[%swap3A_1046, %swap3A_1047], %mul3A_1045 {strides = array<i32>} : memref<128x128xf32, #tpu.memory_space<vmem>>, vector<16xf32>,
        %get3A_1049 = arith.index_cast %add3A_1010 : i32 to index
        %get3A_1050 = arith.constant 80 : index
        %get3A_1051 = tpu.vector_load %arg18[%get3A_1049, %get3A_1050] {strides = array<i32>} : memref<128x128xf32, #tpu.memory_space<vmem>>, vector<16xf32>,
        %mul3A_1052 = arith.mulf %get3A_1051, %broadcast_in_dim3A_1013 : vector<16xf32>
        %swap3A_1053 = arith.index_cast %add3A_1010 : i32 to index
        %swap3A_1054 = arith.constant 80 : index
        %swap3A_1055 = tpu.vector_load %arg18[%swap3A_1053, %swap3A_1054] {strides = array<i32>} : memref<128x128xf32, #tpu.memory_space<vmem>>, vector<16xf32>,
        tpu.vector_store %arg18[%swap3A_1053, %swap3A_1054], %mul3A_1052 {strides = array<i32>} : memref<128x128xf32, #tpu.memory_space<vmem>>, vector<16xf32>,
        %get3A_1056 = arith.index_cast %add3A_1010 : i32 to index
        %get3A_1057 = arith.constant 96 : index
        %get3A_1058 = tpu.vector_load %arg18[%get3A_1056, %get3A_1057] {strides = array<i32>} : memref<128x128xf32, #tpu.memory_space<vmem>>, vector<16xf32>,
        %mul3A_1059 = arith.mulf %get3A_1058, %broadcast_in_dim3A_1013 : vector<16xf32>
        %swap3A_1060 = arith.index_cast %add3A_1010 : i32 to index
        %swap3A_1061 = arith.constant 96 : index
        %swap3A_1062 = tpu.vector_load %arg18[%swap3A_1060, %swap3A_1061] {strides = array<i32>} : memref<128x128xf32, #tpu.memory_space<vmem>>, vector<16xf32>,
        tpu.vector_store %arg18[%swap3A_1060, %swap3A_1061], %mul3A_1059 {strides = array<i32>} : memref<128x128xf32, #tpu.memory_space<vmem>>, vector<16xf32>,
        %get3A_1063 = arith.index_cast %add3A_1010 : i32 to index
        %get3A_1064 = arith.constant 112 : index
        %get3A_1065 = tpu.vector_load %arg18[%get3A_1063, %get3A_1064] {strides = array<i32>} : memref<128x128xf32, #tpu.memory_space<vmem>>, vector<16xf32>,
        %mul3A_1066 = arith.mulf %get3A_1065, %broadcast_in_dim3A_1013 : vector<16xf32>
        %swap3A_1067 = arith.index_cast %add3A_1010 : i32 to index
        %swap3A_1068 = arith.constant 112 : index
        %swap3A_1069 = tpu.vector_load %arg18[%swap3A_1067, %swap3A_1068] {strides = array<i32>} : memref<128x128xf32, #tpu.memory_space<vmem>>, vector<16xf32>,
        tpu.vector_store %arg18[%swap3A_1067, %swap3A_1068], %mul3A_1066 {strides = array<i32>} : memref<128x128xf32, #tpu.memory_space<vmem>>, vector<16xf32>,
      }
      %scan3A_48 = arith.constant 8 : i32
      "tpu.region"() ({
        %run_scoped3A = tpu.sem_alloc : memref<!tpu.dma_semaphore, #tpu.memory_space<semaphore_mem>>
        %dma_start3A_49 = arith.constant 0 : i32
        %dma_start3A_50 = arith.constant 0 : i32
        %dma_start3A_51 = tpu.memref_slice %arg19[%dma_start3A_49, %dma_start3A_50] : memref<10000x128xf32, #tpu.memory_space<vmem_shared>> -> memref<10000x128xf32, #tpu.memory_space<vmem_shared>>
        tpu.enqueue_indirect_dma source(%arg18 : memref<128x128xf32, #tpu.memory_space<vmem>>) target(%dma_start3A_51 : memref<10000x128xf32, #tpu.memory_space<vmem_shared>>) offsets(%arg13 : memref<128xi32, #tpu.memory_space<vmem>>) semaphore(%run_scoped3A : memref<!tpu.dma_semaphore, #tpu.memory_space<semaphore_mem>>) {add = true}
        %dma_wait3A_52 = arith.constant 0 : i32
        %dma_wait3A_53 = arith.constant 0 : i32
        %dma_wait3A_54 = tpu.memref_slice %arg19[%dma_wait3A_52, %dma_wait3A_53] : memref<10000x128xf32, #tpu.memory_space<vmem_shared>> -> memref<10000x128xf32, #tpu.memory_space<vmem_shared>>
        tpu.wait_indirect_dma semaphore(%run_scoped3A : memref<!tpu.dma_semaphore, #tpu.memory_space<semaphore_mem>>) src(%arg18 : memref<128x128xf32, #tpu.memory_space<vmem>>) dst(%dma_wait3A_54 : memref<10000x128xf32, #tpu.memory_space<vmem_shared>>)
        tpu.yield
      }) : () -> ()
      "tpu.region"() ({
        %run_scoped3A = tpu.sem_alloc : memref<!tpu.dma_semaphore, #tpu.memory_space<semaphore_mem>>
        %dma_start3A_49 = arith.constant 0 : i32
        %dma_start3A_50 = tpu.memref_slice %arg20[%dma_start3A_49] : memref<10000xf32, #tpu.memory_space<vmem_shared>> -> memref<10000xf32, #tpu.memory_space<vmem_shared>>
        tpu.enqueue_indirect_dma source(%arg17 : memref<128xf32, #tpu.memory_space<vmem>>) target(%dma_start3A_50 : memref<10000xf32, #tpu.memory_space<vmem_shared>>) offsets(%arg13 : memref<128xi32, #tpu.memory_space<vmem>>) semaphore(%run_scoped3A : memref<!tpu.dma_semaphore, #tpu.memory_space<semaphore_mem>>) {add = true}
        %dma_wait3A_51 = arith.constant 0 : i32
        %dma_wait3A_52 = tpu.memref_slice %arg20[%dma_wait3A_51] : memref<10000xf32, #tpu.memory_space<vmem_shared>> -> memref<10000xf32, #tpu.memory_space<vmem_shared>>
        tpu.wait_indirect_dma semaphore(%run_scoped3A : memref<!tpu.dma_semaphore, #tpu.memory_space<semaphore_mem>>) src(%arg17 : memref<128xf32, #tpu.memory_space<vmem>>) dst(%dma_wait3A_52 : memref<10000xf32, #tpu.memory_space<vmem_shared>>)
        tpu.yield
      }) : () -> ()
    }
    %while3A_24 = arith.constant 1 : i32
    scf.for %while3A_36 = %while3A_22 to %while3A_18 step %while3A_24  : i32 {
      %add3A_37 = arith.addi %add3A_8, %while3A_36 : i32
      %mul3A_38 = arith.constant 128 : i32
      %mul3A_39 = arith.muli %add3A_37, %mul3A_38 : i32
      "tpu.region"() ({
        %run_scoped3A = tpu.sem_alloc : memref<!tpu.dma_semaphore, #tpu.memory_space<semaphore_mem>>
        %dma_start3A_49 = tpu.memref_slice %arg4[%mul3A_39] : memref<320000xi32, #tpu.memory_space<hbm>> -> memref<128xi32, #tpu.memory_space<hbm>>
        %dma_start3A_50 = tpu.memref_slice %arg4[%mul3A_39] : memref<320000xi32, #tpu.memory_space<hbm>> -> memref<128xi32, #tpu.memory_space<hbm>>
        tpu.enqueue_dma source(%dma_start3A_50 : memref<128xi32, #tpu.memory_space<hbm>>) target(%arg13 : memref<128xi32, #tpu.memory_space<vmem>>) target_semaphore(%run_scoped3A : memref<!tpu.dma_semaphore, #tpu.memory_space<semaphore_mem>>)
        %dma_wait3A_51 = tpu.memref_slice %arg4[%mul3A_39] : memref<320000xi32, #tpu.memory_space<hbm>> -> memref<128xi32, #tpu.memory_space<hbm>>
        %dma_wait3A_52 = tpu.memref_slice %arg4[%mul3A_39] : memref<320000xi32, #tpu.memory_space<hbm>> -> memref<128xi32, #tpu.memory_space<hbm>>
        tpu.wait_dma2 semaphore(%run_scoped3A : memref<!tpu.dma_semaphore, #tpu.memory_space<semaphore_mem>>) src(%dma_wait3A_52 : memref<128xi32, #tpu.memory_space<hbm>>) dst(%arg13 : memref<128xi32, #tpu.memory_space<vmem>>)
        tpu.yield
      }) : () -> ()
      "tpu.region"() ({
        %run_scoped3A = tpu.sem_alloc : memref<!tpu.dma_semaphore, #tpu.memory_space<semaphore_mem>>
        %dma_start3A_49 = tpu.memref_slice %arg5[%mul3A_39] : memref<320000xi32, #tpu.memory_space<hbm>> -> memref<128xi32, #tpu.memory_space<hbm>>
        %dma_start3A_50 = tpu.memref_slice %arg5[%mul3A_39] : memref<320000xi32, #tpu.memory_space<hbm>> -> memref<128xi32, #tpu.memory_space<hbm>>
        tpu.enqueue_dma source(%dma_start3A_50 : memref<128xi32, #tpu.memory_space<hbm>>) target(%arg14 : memref<128xi32, #tpu.memory_space<vmem>>) target_semaphore(%run_scoped3A : memref<!tpu.dma_semaphore, #tpu.memory_space<semaphore_mem>>)
        %dma_wait3A_51 = tpu.memref_slice %arg5[%mul3A_39] : memref<320000xi32, #tpu.memory_space<hbm>> -> memref<128xi32, #tpu.memory_space<hbm>>
        %dma_wait3A_52 = tpu.memref_slice %arg5[%mul3A_39] : memref<320000xi32, #tpu.memory_space<hbm>> -> memref<128xi32, #tpu.memory_space<hbm>>
        tpu.wait_dma2 semaphore(%run_scoped3A : memref<!tpu.dma_semaphore, #tpu.memory_space<semaphore_mem>>) src(%dma_wait3A_52 : memref<128xi32, #tpu.memory_space<hbm>>) dst(%arg14 : memref<128xi32, #tpu.memory_space<vmem>>)
        tpu.yield
      }) : () -> ()
      "tpu.region"() ({
        %run_scoped3A = tpu.sem_alloc : memref<!tpu.dma_semaphore, #tpu.memory_space<semaphore_mem>>
        %dma_start3A_49 = tpu.memref_slice %arg2[%mul3A_39] : memref<320000xf32, #tpu.memory_space<hbm>> -> memref<128xf32, #tpu.memory_space<hbm>>
        %dma_start3A_50 = tpu.memref_slice %arg2[%mul3A_39] : memref<320000xf32, #tpu.memory_space<hbm>> -> memref<128xf32, #tpu.memory_space<hbm>>
        tpu.enqueue_dma source(%dma_start3A_50 : memref<128xf32, #tpu.memory_space<hbm>>) target(%arg15 : memref<128xf32, #tpu.memory_space<vmem>>) target_semaphore(%run_scoped3A : memref<!tpu.dma_semaphore, #tpu.memory_space<semaphore_mem>>)
        %dma_wait3A_51 = tpu.memref_slice %arg2[%mul3A_39] : memref<320000xf32, #tpu.memory_space<hbm>> -> memref<128xf32, #tpu.memory_space<hbm>>
        %dma_wait3A_52 = tpu.memref_slice %arg2[%mul3A_39] : memref<320000xf32, #tpu.memory_space<hbm>> -> memref<128xf32, #tpu.memory_space<hbm>>
        tpu.wait_dma2 semaphore(%run_scoped3A : memref<!tpu.dma_semaphore, #tpu.memory_space<semaphore_mem>>) src(%dma_wait3A_52 : memref<128xf32, #tpu.memory_space<hbm>>) dst(%arg15 : memref<128xf32, #tpu.memory_space<vmem>>)
        tpu.yield
      }) : () -> ()
      "tpu.region"() ({
        %run_scoped3A = tpu.sem_alloc : memref<!tpu.dma_semaphore, #tpu.memory_space<semaphore_mem>>
        %dma_start3A_49 = tpu.memref_slice %arg3[%mul3A_39] : memref<320000xf32, #tpu.memory_space<hbm>> -> memref<128xf32, #tpu.memory_space<hbm>>
        %dma_start3A_50 = tpu.memref_slice %arg3[%mul3A_39] : memref<320000xf32, #tpu.memory_space<hbm>> -> memref<128xf32, #tpu.memory_space<hbm>>
        tpu.enqueue_dma source(%dma_start3A_50 : memref<128xf32, #tpu.memory_space<hbm>>) target(%arg16 : memref<128xf32, #tpu.memory_space<vmem>>) target_semaphore(%run_scoped3A : memref<!tpu.dma_semaphore, #tpu.memory_space<semaphore_mem>>)
        %dma_wait3A_51 = tpu.memref_slice %arg3[%mul3A_39] : memref<320000xf32, #tpu.memory_space<hbm>> -> memref<128xf32, #tpu.memory_space<hbm>>
        %dma_wait3A_52 = tpu.memref_slice %arg3[%mul3A_39] : memref<320000xf32, #tpu.memory_space<hbm>> -> memref<128xf32, #tpu.memory_space<hbm>>
        tpu.wait_dma2 semaphore(%run_scoped3A : memref<!tpu.dma_semaphore, #tpu.memory_space<semaphore_mem>>) src(%dma_wait3A_52 : memref<128xf32, #tpu.memory_space<hbm>>) dst(%arg16 : memref<128xf32, #tpu.memory_space<vmem>>)
        tpu.yield
      }) : () -> ()
      %dma_start3A = arith.constant 0 : i32
      %dma_start3A_40 = arith.constant 0 : i32
      %dma_start3A_41 = tpu.memref_slice %arg7[%dma_start3A, %dma_start3A_40] : memref<20000x128xf32, #tpu.memory_space<hbm>> -> memref<20000x128xf32, #tpu.memory_space<hbm>>
      tpu.enqueue_indirect_dma source(%dma_start3A_41 : memref<20000x128xf32, #tpu.memory_space<hbm>>) target(%arg18 : memref<128x128xf32, #tpu.memory_space<vmem>>) offsets(%arg14 : memref<128xi32, #tpu.memory_space<vmem>>) semaphore(%arg21 : memref<!tpu.dma_semaphore, #tpu.memory_space<semaphore_mem>>)
      %dma_wait3A = arith.constant 0 : i32
      %dma_wait3A_42 = arith.constant 0 : i32
      %dma_wait3A_43 = tpu.memref_slice %arg7[%dma_wait3A, %dma_wait3A_42] : memref<20000x128xf32, #tpu.memory_space<hbm>> -> memref<20000x128xf32, #tpu.memory_space<hbm>>
      tpu.wait_indirect_dma semaphore(%arg21 : memref<!tpu.dma_semaphore, #tpu.memory_space<semaphore_mem>>) src(%dma_wait3A_43 : memref<20000x128xf32, #tpu.memory_space<hbm>>) dst(%arg18 : memref<128x128xf32, #tpu.memory_space<vmem>>)
      %scan3A = arith.constant 0 : i32
      %scan3A_44 = arith.constant 0 : i32
      %scan3A_45 = arith.constant 8 : i32
      %scan3A_46 = arith.addi %scan3A_44, %scan3A_45 : i32
      %scan3A_47 = arith.constant 1 : i32
      scf.for %scan3A_49 = %scan3A_44 to %scan3A_46 step %scan3A_47  : i32 {
        %mul3A_50 = arith.constant 16 : i32
        %mul3A_51 = arith.muli %scan3A_49, %mul3A_50 : i32
        %get3A = arith.index_cast %mul3A_51 : i32 to index
        %get3A_52 = tpu.vector_load %arg13[%get3A] {strides = array<i32>} : memref<128xi32, #tpu.memory_space<vmem>>, vector<16xi32>,
        %gather3A = tpu.vector_load_idx %arg12[%get3A_52] : memref<10000xf32, #tpu.memory_space<vmem>>[vector<16xi32>], vector<16xf32>,
        %mul3A_53 = arith.constant 16 : i32
        %mul3A_54 = arith.muli %scan3A_49, %mul3A_53 : i32
        %get3A_55 = arith.index_cast %mul3A_54 : i32 to index
        %get3A_56 = tpu.vector_load %arg15[%get3A_55] {strides = array<i32>} : memref<128xf32, #tpu.memory_space<vmem>>, vector<16xf32>,
        %sub3A = arith.subf %get3A_56, %gather3A : vector<16xf32>
        %exp3A = math.exp %sub3A : vector<16xf32>
        %mul3A_57 = arith.constant 16 : i32
        %mul3A_58 = arith.muli %scan3A_49, %mul3A_57 : i32
        %swap3A = arith.index_cast %mul3A_58 : i32 to index
        %swap3A_59 = tpu.vector_load %arg17[%swap3A] {strides = array<i32>} : memref<128xf32, #tpu.memory_space<vmem>>, vector<16xf32>,
        tpu.vector_store %arg17[%swap3A], %exp3A {strides = array<i32>} : memref<128xf32, #tpu.memory_space<vmem>>, vector<16xf32>,
        %mul3A_60 = arith.constant 16 : i32
        %mul3A_61 = arith.muli %scan3A_49, %mul3A_60 : i32
        %get3A_62 = arith.index_cast %mul3A_61 : i32 to index
        %get3A_63 = tpu.vector_load %arg16[%get3A_62] {strides = array<i32>} : memref<128xf32, #tpu.memory_space<vmem>>, vector<16xf32>,
        %mul3A_64 = arith.mulf %exp3A, %get3A_63 : vector<16xf32>
        %mul3A_65 = arith.constant 16 : i32
        %mul3A_66 = arith.muli %scan3A_49, %mul3A_65 : i32
        %add3A_67 = arith.constant 0 : i32
        %add3A_68 = arith.addi %mul3A_66, %add3A_67 : i32
        %slice3A = vector.extract_strided_slice %mul3A_64 {offsets = [0], sizes = [1], strides = [1]} : vector<16xf32> to vector<1xf32>
        %squeeze3A = vector.extract %slice3A[0] : f32 from vector<1xf32>
        %broadcast_in_dim3A = vector.broadcast %squeeze3A : f32 to vector<16xf32>
        %get3A_69 = arith.index_cast %add3A_68 : i32 to index
        %get3A_70 = arith.constant 0 : index
        %get3A_71 = tpu.vector_load %arg18[%get3A_69, %get3A_70] {strides = array<i32>} : memref<128x128xf32, #tpu.memory_space<vmem>>, vector<16xf32>,
        %mul3A_72 = arith.mulf %get3A_71, %broadcast_in_dim3A : vector<16xf32>
        %swap3A_73 = arith.index_cast %add3A_68 : i32 to index
        %swap3A_74 = arith.constant 0 : index
        %swap3A_75 = tpu.vector_load %arg18[%swap3A_73, %swap3A_74] {strides = array<i32>} : memref<128x128xf32, #tpu.memory_space<vmem>>, vector<16xf32>,
        tpu.vector_store %arg18[%swap3A_73, %swap3A_74], %mul3A_72 {strides = array<i32>} : memref<128x128xf32, #tpu.memory_space<vmem>>, vector<16xf32>,
        %get3A_76 = arith.index_cast %add3A_68 : i32 to index
        %get3A_77 = arith.constant 16 : index
        %get3A_78 = tpu.vector_load %arg18[%get3A_76, %get3A_77] {strides = array<i32>} : memref<128x128xf32, #tpu.memory_space<vmem>>, vector<16xf32>,
        %mul3A_79 = arith.mulf %get3A_78, %broadcast_in_dim3A : vector<16xf32>
        %swap3A_80 = arith.index_cast %add3A_68 : i32 to index
        %swap3A_81 = arith.constant 16 : index
        %swap3A_82 = tpu.vector_load %arg18[%swap3A_80, %swap3A_81] {strides = array<i32>} : memref<128x128xf32, #tpu.memory_space<vmem>>, vector<16xf32>,
        tpu.vector_store %arg18[%swap3A_80, %swap3A_81], %mul3A_79 {strides = array<i32>} : memref<128x128xf32, #tpu.memory_space<vmem>>, vector<16xf32>,
        %get3A_83 = arith.index_cast %add3A_68 : i32 to index
        %get3A_84 = arith.constant 32 : index
        %get3A_85 = tpu.vector_load %arg18[%get3A_83, %get3A_84] {strides = array<i32>} : memref<128x128xf32, #tpu.memory_space<vmem>>, vector<16xf32>,
        %mul3A_86 = arith.mulf %get3A_85, %broadcast_in_dim3A : vector<16xf32>
        %swap3A_87 = arith.index_cast %add3A_68 : i32 to index
        %swap3A_88 = arith.constant 32 : index
        %swap3A_89 = tpu.vector_load %arg18[%swap3A_87, %swap3A_88] {strides = array<i32>} : memref<128x128xf32, #tpu.memory_space<vmem>>, vector<16xf32>,
        tpu.vector_store %arg18[%swap3A_87, %swap3A_88], %mul3A_86 {strides = array<i32>} : memref<128x128xf32, #tpu.memory_space<vmem>>, vector<16xf32>,
        %get3A_90 = arith.index_cast %add3A_68 : i32 to index
        %get3A_91 = arith.constant 48 : index
        %get3A_92 = tpu.vector_load %arg18[%get3A_90, %get3A_91] {strides = array<i32>} : memref<128x128xf32, #tpu.memory_space<vmem>>, vector<16xf32>,
        %mul3A_93 = arith.mulf %get3A_92, %broadcast_in_dim3A : vector<16xf32>
        %swap3A_94 = arith.index_cast %add3A_68 : i32 to index
        %swap3A_95 = arith.constant 48 : index
        %swap3A_96 = tpu.vector_load %arg18[%swap3A_94, %swap3A_95] {strides = array<i32>} : memref<128x128xf32, #tpu.memory_space<vmem>>, vector<16xf32>,
        tpu.vector_store %arg18[%swap3A_94, %swap3A_95], %mul3A_93 {strides = array<i32>} : memref<128x128xf32, #tpu.memory_space<vmem>>, vector<16xf32>,
        %get3A_97 = arith.index_cast %add3A_68 : i32 to index
        %get3A_98 = arith.constant 64 : index
        %get3A_99 = tpu.vector_load %arg18[%get3A_97, %get3A_98] {strides = array<i32>} : memref<128x128xf32, #tpu.memory_space<vmem>>, vector<16xf32>,
        %mul3A_100 = arith.mulf %get3A_99, %broadcast_in_dim3A : vector<16xf32>
        %swap3A_101 = arith.index_cast %add3A_68 : i32 to index
        %swap3A_102 = arith.constant 64 : index
        %swap3A_103 = tpu.vector_load %arg18[%swap3A_101, %swap3A_102] {strides = array<i32>} : memref<128x128xf32, #tpu.memory_space<vmem>>, vector<16xf32>,
        tpu.vector_store %arg18[%swap3A_101, %swap3A_102], %mul3A_100 {strides = array<i32>} : memref<128x128xf32, #tpu.memory_space<vmem>>, vector<16xf32>,
        %get3A_104 = arith.index_cast %add3A_68 : i32 to index
        %get3A_105 = arith.constant 80 : index
        %get3A_106 = tpu.vector_load %arg18[%get3A_104, %get3A_105] {strides = array<i32>} : memref<128x128xf32, #tpu.memory_space<vmem>>, vector<16xf32>,
        %mul3A_107 = arith.mulf %get3A_106, %broadcast_in_dim3A : vector<16xf32>
        %swap3A_108 = arith.index_cast %add3A_68 : i32 to index
        %swap3A_109 = arith.constant 80 : index
        %swap3A_110 = tpu.vector_load %arg18[%swap3A_108, %swap3A_109] {strides = array<i32>} : memref<128x128xf32, #tpu.memory_space<vmem>>, vector<16xf32>,
        tpu.vector_store %arg18[%swap3A_108, %swap3A_109], %mul3A_107 {strides = array<i32>} : memref<128x128xf32, #tpu.memory_space<vmem>>, vector<16xf32>,
        %get3A_111 = arith.index_cast %add3A_68 : i32 to index
        %get3A_112 = arith.constant 96 : index
        %get3A_113 = tpu.vector_load %arg18[%get3A_111, %get3A_112] {strides = array<i32>} : memref<128x128xf32, #tpu.memory_space<vmem>>, vector<16xf32>,
        %mul3A_114 = arith.mulf %get3A_113, %broadcast_in_dim3A : vector<16xf32>
        %swap3A_115 = arith.index_cast %add3A_68 : i32 to index
        %swap3A_116 = arith.constant 96 : index
        %swap3A_117 = tpu.vector_load %arg18[%swap3A_115, %swap3A_116] {strides = array<i32>} : memref<128x128xf32, #tpu.memory_space<vmem>>, vector<16xf32>,
        tpu.vector_store %arg18[%swap3A_115, %swap3A_116], %mul3A_114 {strides = array<i32>} : memref<128x128xf32, #tpu.memory_space<vmem>>, vector<16xf32>,
        %get3A_118 = arith.index_cast %add3A_68 : i32 to index
        %get3A_119 = arith.constant 112 : index
        %get3A_120 = tpu.vector_load %arg18[%get3A_118, %get3A_119] {strides = array<i32>} : memref<128x128xf32, #tpu.memory_space<vmem>>, vector<16xf32>,
        %mul3A_121 = arith.mulf %get3A_120, %broadcast_in_dim3A : vector<16xf32>
        %swap3A_122 = arith.index_cast %add3A_68 : i32 to index
        %swap3A_123 = arith.constant 112 : index
        %swap3A_124 = tpu.vector_load %arg18[%swap3A_122, %swap3A_123] {strides = array<i32>} : memref<128x128xf32, #tpu.memory_space<vmem>>, vector<16xf32>,
        tpu.vector_store %arg18[%swap3A_122, %swap3A_123], %mul3A_121 {strides = array<i32>} : memref<128x128xf32, #tpu.memory_space<vmem>>, vector<16xf32>,
        %mul3A_125 = arith.constant 16 : i32
        %mul3A_126 = arith.muli %scan3A_49, %mul3A_125 : i32
        %add3A_127 = arith.constant 1 : i32
        %add3A_128 = arith.addi %mul3A_126, %add3A_127 : i32
        %slice3A_129 = vector.extract_strided_slice %mul3A_64 {offsets = [1], sizes = [1], strides = [1]} : vector<16xf32> to vector<1xf32>
        %squeeze3A_130 = vector.extract %slice3A_129[0] : f32 from vector<1xf32>
        %broadcast_in_dim3A_131 = vector.broadcast %squeeze3A_130 : f32 to vector<16xf32>
        %get3A_132 = arith.index_cast %add3A_128 : i32 to index
        %get3A_133 = arith.constant 0 : index
        %get3A_134 = tpu.vector_load %arg18[%get3A_132, %get3A_133] {strides = array<i32>} : memref<128x128xf32, #tpu.memory_space<vmem>>, vector<16xf32>,
        %mul3A_135 = arith.mulf %get3A_134, %broadcast_in_dim3A_131 : vector<16xf32>
        %swap3A_136 = arith.index_cast %add3A_128 : i32 to index
        %swap3A_137 = arith.constant 0 : index
        %swap3A_138 = tpu.vector_load %arg18[%swap3A_136, %swap3A_137] {strides = array<i32>} : memref<128x128xf32, #tpu.memory_space<vmem>>, vector<16xf32>,
        tpu.vector_store %arg18[%swap3A_136, %swap3A_137], %mul3A_135 {strides = array<i32>} : memref<128x128xf32, #tpu.memory_space<vmem>>, vector<16xf32>,
        %get3A_139 = arith.index_cast %add3A_128 : i32 to index
        %get3A_140 = arith.constant 16 : index
        %get3A_141 = tpu.vector_load %arg18[%get3A_139, %get3A_140] {strides = array<i32>} : memref<128x128xf32, #tpu.memory_space<vmem>>, vector<16xf32>,
        %mul3A_142 = arith.mulf %get3A_141, %broadcast_in_dim3A_131 : vector<16xf32>
        %swap3A_143 = arith.index_cast %add3A_128 : i32 to index
        %swap3A_144 = arith.constant 16 : index
        %swap3A_145 = tpu.vector_load %arg18[%swap3A_143, %swap3A_144] {strides = array<i32>} : memref<128x128xf32, #tpu.memory_space<vmem>>, vector<16xf32>,
        tpu.vector_store %arg18[%swap3A_143, %swap3A_144], %mul3A_142 {strides = array<i32>} : memref<128x128xf32, #tpu.memory_space<vmem>>, vector<16xf32>,
        %get3A_146 = arith.index_cast %add3A_128 : i32 to index
        %get3A_147 = arith.constant 32 : index
        %get3A_148 = tpu.vector_load %arg18[%get3A_146, %get3A_147] {strides = array<i32>} : memref<128x128xf32, #tpu.memory_space<vmem>>, vector<16xf32>,
        %mul3A_149 = arith.mulf %get3A_148, %broadcast_in_dim3A_131 : vector<16xf32>
        %swap3A_150 = arith.index_cast %add3A_128 : i32 to index
        %swap3A_151 = arith.constant 32 : index
        %swap3A_152 = tpu.vector_load %arg18[%swap3A_150, %swap3A_151] {strides = array<i32>} : memref<128x128xf32, #tpu.memory_space<vmem>>, vector<16xf32>,
        tpu.vector_store %arg18[%swap3A_150, %swap3A_151], %mul3A_149 {strides = array<i32>} : memref<128x128xf32, #tpu.memory_space<vmem>>, vector<16xf32>,
        %get3A_153 = arith.index_cast %add3A_128 : i32 to index
        %get3A_154 = arith.constant 48 : index
        %get3A_155 = tpu.vector_load %arg18[%get3A_153, %get3A_154] {strides = array<i32>} : memref<128x128xf32, #tpu.memory_space<vmem>>, vector<16xf32>,
        %mul3A_156 = arith.mulf %get3A_155, %broadcast_in_dim3A_131 : vector<16xf32>
        %swap3A_157 = arith.index_cast %add3A_128 : i32 to index
        %swap3A_158 = arith.constant 48 : index
        %swap3A_159 = tpu.vector_load %arg18[%swap3A_157, %swap3A_158] {strides = array<i32>} : memref<128x128xf32, #tpu.memory_space<vmem>>, vector<16xf32>,
        tpu.vector_store %arg18[%swap3A_157, %swap3A_158], %mul3A_156 {strides = array<i32>} : memref<128x128xf32, #tpu.memory_space<vmem>>, vector<16xf32>,
        %get3A_160 = arith.index_cast %add3A_128 : i32 to index
        %get3A_161 = arith.constant 64 : index
        %get3A_162 = tpu.vector_load %arg18[%get3A_160, %get3A_161] {strides = array<i32>} : memref<128x128xf32, #tpu.memory_space<vmem>>, vector<16xf32>,
        %mul3A_163 = arith.mulf %get3A_162, %broadcast_in_dim3A_131 : vector<16xf32>
        %swap3A_164 = arith.index_cast %add3A_128 : i32 to index
        %swap3A_165 = arith.constant 64 : index
        %swap3A_166 = tpu.vector_load %arg18[%swap3A_164, %swap3A_165] {strides = array<i32>} : memref<128x128xf32, #tpu.memory_space<vmem>>, vector<16xf32>,
        tpu.vector_store %arg18[%swap3A_164, %swap3A_165], %mul3A_163 {strides = array<i32>} : memref<128x128xf32, #tpu.memory_space<vmem>>, vector<16xf32>,
        %get3A_167 = arith.index_cast %add3A_128 : i32 to index
        %get3A_168 = arith.constant 80 : index
        %get3A_169 = tpu.vector_load %arg18[%get3A_167, %get3A_168] {strides = array<i32>} : memref<128x128xf32, #tpu.memory_space<vmem>>, vector<16xf32>,
        %mul3A_170 = arith.mulf %get3A_169, %broadcast_in_dim3A_131 : vector<16xf32>
        %swap3A_171 = arith.index_cast %add3A_128 : i32 to index
        %swap3A_172 = arith.constant 80 : index
        %swap3A_173 = tpu.vector_load %arg18[%swap3A_171, %swap3A_172] {strides = array<i32>} : memref<128x128xf32, #tpu.memory_space<vmem>>, vector<16xf32>,
        tpu.vector_store %arg18[%swap3A_171, %swap3A_172], %mul3A_170 {strides = array<i32>} : memref<128x128xf32, #tpu.memory_space<vmem>>, vector<16xf32>,
        %get3A_174 = arith.index_cast %add3A_128 : i32 to index
        %get3A_175 = arith.constant 96 : index
        %get3A_176 = tpu.vector_load %arg18[%get3A_174, %get3A_175] {strides = array<i32>} : memref<128x128xf32, #tpu.memory_space<vmem>>, vector<16xf32>,
        %mul3A_177 = arith.mulf %get3A_176, %broadcast_in_dim3A_131 : vector<16xf32>
        %swap3A_178 = arith.index_cast %add3A_128 : i32 to index
        %swap3A_179 = arith.constant 96 : index
        %swap3A_180 = tpu.vector_load %arg18[%swap3A_178, %swap3A_179] {strides = array<i32>} : memref<128x128xf32, #tpu.memory_space<vmem>>, vector<16xf32>,
        tpu.vector_store %arg18[%swap3A_178, %swap3A_179], %mul3A_177 {strides = array<i32>} : memref<128x128xf32, #tpu.memory_space<vmem>>, vector<16xf32>,
        %get3A_181 = arith.index_cast %add3A_128 : i32 to index
        %get3A_182 = arith.constant 112 : index
        %get3A_183 = tpu.vector_load %arg18[%get3A_181, %get3A_182] {strides = array<i32>} : memref<128x128xf32, #tpu.memory_space<vmem>>, vector<16xf32>,
        %mul3A_184 = arith.mulf %get3A_183, %broadcast_in_dim3A_131 : vector<16xf32>
        %swap3A_185 = arith.index_cast %add3A_128 : i32 to index
        %swap3A_186 = arith.constant 112 : index
        %swap3A_187 = tpu.vector_load %arg18[%swap3A_185, %swap3A_186] {strides = array<i32>} : memref<128x128xf32, #tpu.memory_space<vmem>>, vector<16xf32>,
        tpu.vector_store %arg18[%swap3A_185, %swap3A_186], %mul3A_184 {strides = array<i32>} : memref<128x128xf32, #tpu.memory_space<vmem>>, vector<16xf32>,
        %mul3A_188 = arith.constant 16 : i32
        %mul3A_189 = arith.muli %scan3A_49, %mul3A_188 : i32
        %add3A_190 = arith.constant 2 : i32
        %add3A_191 = arith.addi %mul3A_189, %add3A_190 : i32
        %slice3A_192 = vector.extract_strided_slice %mul3A_64 {offsets = [2], sizes = [1], strides = [1]} : vector<16xf32> to vector<1xf32>
        %squeeze3A_193 = vector.extract %slice3A_192[0] : f32 from vector<1xf32>
        %broadcast_in_dim3A_194 = vector.broadcast %squeeze3A_193 : f32 to vector<16xf32>
        %get3A_195 = arith.index_cast %add3A_191 : i32 to index
        %get3A_196 = arith.constant 0 : index
        %get3A_197 = tpu.vector_load %arg18[%get3A_195, %get3A_196] {strides = array<i32>} : memref<128x128xf32, #tpu.memory_space<vmem>>, vector<16xf32>,
        %mul3A_198 = arith.mulf %get3A_197, %broadcast_in_dim3A_194 : vector<16xf32>
        %swap3A_199 = arith.index_cast %add3A_191 : i32 to index
        %swap3A_200 = arith.constant 0 : index
        %swap3A_201 = tpu.vector_load %arg18[%swap3A_199, %swap3A_200] {strides = array<i32>} : memref<128x128xf32, #tpu.memory_space<vmem>>, vector<16xf32>,
        tpu.vector_store %arg18[%swap3A_199, %swap3A_200], %mul3A_198 {strides = array<i32>} : memref<128x128xf32, #tpu.memory_space<vmem>>, vector<16xf32>,
        %get3A_202 = arith.index_cast %add3A_191 : i32 to index
        %get3A_203 = arith.constant 16 : index
        %get3A_204 = tpu.vector_load %arg18[%get3A_202, %get3A_203] {strides = array<i32>} : memref<128x128xf32, #tpu.memory_space<vmem>>, vector<16xf32>,
        %mul3A_205 = arith.mulf %get3A_204, %broadcast_in_dim3A_194 : vector<16xf32>
        %swap3A_206 = arith.index_cast %add3A_191 : i32 to index
        %swap3A_207 = arith.constant 16 : index
        %swap3A_208 = tpu.vector_load %arg18[%swap3A_206, %swap3A_207] {strides = array<i32>} : memref<128x128xf32, #tpu.memory_space<vmem>>, vector<16xf32>,
        tpu.vector_store %arg18[%swap3A_206, %swap3A_207], %mul3A_205 {strides = array<i32>} : memref<128x128xf32, #tpu.memory_space<vmem>>, vector<16xf32>,
        %get3A_209 = arith.index_cast %add3A_191 : i32 to index
        %get3A_210 = arith.constant 32 : index
        %get3A_211 = tpu.vector_load %arg18[%get3A_209, %get3A_210] {strides = array<i32>} : memref<128x128xf32, #tpu.memory_space<vmem>>, vector<16xf32>,
        %mul3A_212 = arith.mulf %get3A_211, %broadcast_in_dim3A_194 : vector<16xf32>
        %swap3A_213 = arith.index_cast %add3A_191 : i32 to index
        %swap3A_214 = arith.constant 32 : index
        %swap3A_215 = tpu.vector_load %arg18[%swap3A_213, %swap3A_214] {strides = array<i32>} : memref<128x128xf32, #tpu.memory_space<vmem>>, vector<16xf32>,
        tpu.vector_store %arg18[%swap3A_213, %swap3A_214], %mul3A_212 {strides = array<i32>} : memref<128x128xf32, #tpu.memory_space<vmem>>, vector<16xf32>,
        %get3A_216 = arith.index_cast %add3A_191 : i32 to index
        %get3A_217 = arith.constant 48 : index
        %get3A_218 = tpu.vector_load %arg18[%get3A_216, %get3A_217] {strides = array<i32>} : memref<128x128xf32, #tpu.memory_space<vmem>>, vector<16xf32>,
        %mul3A_219 = arith.mulf %get3A_218, %broadcast_in_dim3A_194 : vector<16xf32>
        %swap3A_220 = arith.index_cast %add3A_191 : i32 to index
        %swap3A_221 = arith.constant 48 : index
        %swap3A_222 = tpu.vector_load %arg18[%swap3A_220, %swap3A_221] {strides = array<i32>} : memref<128x128xf32, #tpu.memory_space<vmem>>, vector<16xf32>,
        tpu.vector_store %arg18[%swap3A_220, %swap3A_221], %mul3A_219 {strides = array<i32>} : memref<128x128xf32, #tpu.memory_space<vmem>>, vector<16xf32>,
        %get3A_223 = arith.index_cast %add3A_191 : i32 to index
        %get3A_224 = arith.constant 64 : index
        %get3A_225 = tpu.vector_load %arg18[%get3A_223, %get3A_224] {strides = array<i32>} : memref<128x128xf32, #tpu.memory_space<vmem>>, vector<16xf32>,
        %mul3A_226 = arith.mulf %get3A_225, %broadcast_in_dim3A_194 : vector<16xf32>
        %swap3A_227 = arith.index_cast %add3A_191 : i32 to index
        %swap3A_228 = arith.constant 64 : index
        %swap3A_229 = tpu.vector_load %arg18[%swap3A_227, %swap3A_228] {strides = array<i32>} : memref<128x128xf32, #tpu.memory_space<vmem>>, vector<16xf32>,
        tpu.vector_store %arg18[%swap3A_227, %swap3A_228], %mul3A_226 {strides = array<i32>} : memref<128x128xf32, #tpu.memory_space<vmem>>, vector<16xf32>,
        %get3A_230 = arith.index_cast %add3A_191 : i32 to index
        %get3A_231 = arith.constant 80 : index
        %get3A_232 = tpu.vector_load %arg18[%get3A_230, %get3A_231] {strides = array<i32>} : memref<128x128xf32, #tpu.memory_space<vmem>>, vector<16xf32>,
        %mul3A_233 = arith.mulf %get3A_232, %broadcast_in_dim3A_194 : vector<16xf32>
        %swap3A_234 = arith.index_cast %add3A_191 : i32 to index
        %swap3A_235 = arith.constant 80 : index
        %swap3A_236 = tpu.vector_load %arg18[%swap3A_234, %swap3A_235] {strides = array<i32>} : memref<128x128xf32, #tpu.memory_space<vmem>>, vector<16xf32>,
        tpu.vector_store %arg18[%swap3A_234, %swap3A_235], %mul3A_233 {strides = array<i32>} : memref<128x128xf32, #tpu.memory_space<vmem>>, vector<16xf32>,
        %get3A_237 = arith.index_cast %add3A_191 : i32 to index
        %get3A_238 = arith.constant 96 : index
        %get3A_239 = tpu.vector_load %arg18[%get3A_237, %get3A_238] {strides = array<i32>} : memref<128x128xf32, #tpu.memory_space<vmem>>, vector<16xf32>,
        %mul3A_240 = arith.mulf %get3A_239, %broadcast_in_dim3A_194 : vector<16xf32>
        %swap3A_241 = arith.index_cast %add3A_191 : i32 to index
        %swap3A_242 = arith.constant 96 : index
        %swap3A_243 = tpu.vector_load %arg18[%swap3A_241, %swap3A_242] {strides = array<i32>} : memref<128x128xf32, #tpu.memory_space<vmem>>, vector<16xf32>,
        tpu.vector_store %arg18[%swap3A_241, %swap3A_242], %mul3A_240 {strides = array<i32>} : memref<128x128xf32, #tpu.memory_space<vmem>>, vector<16xf32>,
        %get3A_244 = arith.index_cast %add3A_191 : i32 to index
        %get3A_245 = arith.constant 112 : index
        %get3A_246 = tpu.vector_load %arg18[%get3A_244, %get3A_245] {strides = array<i32>} : memref<128x128xf32, #tpu.memory_space<vmem>>, vector<16xf32>,
        %mul3A_247 = arith.mulf %get3A_246, %broadcast_in_dim3A_194 : vector<16xf32>
        %swap3A_248 = arith.index_cast %add3A_191 : i32 to index
        %swap3A_249 = arith.constant 112 : index
        %swap3A_250 = tpu.vector_load %arg18[%swap3A_248, %swap3A_249] {strides = array<i32>} : memref<128x128xf32, #tpu.memory_space<vmem>>, vector<16xf32>,
        tpu.vector_store %arg18[%swap3A_248, %swap3A_249], %mul3A_247 {strides = array<i32>} : memref<128x128xf32, #tpu.memory_space<vmem>>, vector<16xf32>,
        %mul3A_251 = arith.constant 16 : i32
        %mul3A_252 = arith.muli %scan3A_49, %mul3A_251 : i32
        %add3A_253 = arith.constant 3 : i32
        %add3A_254 = arith.addi %mul3A_252, %add3A_253 : i32
        %slice3A_255 = vector.extract_strided_slice %mul3A_64 {offsets = [3], sizes = [1], strides = [1]} : vector<16xf32> to vector<1xf32>
        %squeeze3A_256 = vector.extract %slice3A_255[0] : f32 from vector<1xf32>
        %broadcast_in_dim3A_257 = vector.broadcast %squeeze3A_256 : f32 to vector<16xf32>
        %get3A_258 = arith.index_cast %add3A_254 : i32 to index
        %get3A_259 = arith.constant 0 : index
        %get3A_260 = tpu.vector_load %arg18[%get3A_258, %get3A_259] {strides = array<i32>} : memref<128x128xf32, #tpu.memory_space<vmem>>, vector<16xf32>,
        %mul3A_261 = arith.mulf %get3A_260, %broadcast_in_dim3A_257 : vector<16xf32>
        %swap3A_262 = arith.index_cast %add3A_254 : i32 to index
        %swap3A_263 = arith.constant 0 : index
        %swap3A_264 = tpu.vector_load %arg18[%swap3A_262, %swap3A_263] {strides = array<i32>} : memref<128x128xf32, #tpu.memory_space<vmem>>, vector<16xf32>,
        tpu.vector_store %arg18[%swap3A_262, %swap3A_263], %mul3A_261 {strides = array<i32>} : memref<128x128xf32, #tpu.memory_space<vmem>>, vector<16xf32>,
        %get3A_265 = arith.index_cast %add3A_254 : i32 to index
        %get3A_266 = arith.constant 16 : index
        %get3A_267 = tpu.vector_load %arg18[%get3A_265, %get3A_266] {strides = array<i32>} : memref<128x128xf32, #tpu.memory_space<vmem>>, vector<16xf32>,
        %mul3A_268 = arith.mulf %get3A_267, %broadcast_in_dim3A_257 : vector<16xf32>
        %swap3A_269 = arith.index_cast %add3A_254 : i32 to index
        %swap3A_270 = arith.constant 16 : index
        %swap3A_271 = tpu.vector_load %arg18[%swap3A_269, %swap3A_270] {strides = array<i32>} : memref<128x128xf32, #tpu.memory_space<vmem>>, vector<16xf32>,
        tpu.vector_store %arg18[%swap3A_269, %swap3A_270], %mul3A_268 {strides = array<i32>} : memref<128x128xf32, #tpu.memory_space<vmem>>, vector<16xf32>,
        %get3A_272 = arith.index_cast %add3A_254 : i32 to index
        %get3A_273 = arith.constant 32 : index
        %get3A_274 = tpu.vector_load %arg18[%get3A_272, %get3A_273] {strides = array<i32>} : memref<128x128xf32, #tpu.memory_space<vmem>>, vector<16xf32>,
        %mul3A_275 = arith.mulf %get3A_274, %broadcast_in_dim3A_257 : vector<16xf32>
        %swap3A_276 = arith.index_cast %add3A_254 : i32 to index
        %swap3A_277 = arith.constant 32 : index
        %swap3A_278 = tpu.vector_load %arg18[%swap3A_276, %swap3A_277] {strides = array<i32>} : memref<128x128xf32, #tpu.memory_space<vmem>>, vector<16xf32>,
        tpu.vector_store %arg18[%swap3A_276, %swap3A_277], %mul3A_275 {strides = array<i32>} : memref<128x128xf32, #tpu.memory_space<vmem>>, vector<16xf32>,
        %get3A_279 = arith.index_cast %add3A_254 : i32 to index
        %get3A_280 = arith.constant 48 : index
        %get3A_281 = tpu.vector_load %arg18[%get3A_279, %get3A_280] {strides = array<i32>} : memref<128x128xf32, #tpu.memory_space<vmem>>, vector<16xf32>,
        %mul3A_282 = arith.mulf %get3A_281, %broadcast_in_dim3A_257 : vector<16xf32>
        %swap3A_283 = arith.index_cast %add3A_254 : i32 to index
        %swap3A_284 = arith.constant 48 : index
        %swap3A_285 = tpu.vector_load %arg18[%swap3A_283, %swap3A_284] {strides = array<i32>} : memref<128x128xf32, #tpu.memory_space<vmem>>, vector<16xf32>,
        tpu.vector_store %arg18[%swap3A_283, %swap3A_284], %mul3A_282 {strides = array<i32>} : memref<128x128xf32, #tpu.memory_space<vmem>>, vector<16xf32>,
        %get3A_286 = arith.index_cast %add3A_254 : i32 to index
        %get3A_287 = arith.constant 64 : index
        %get3A_288 = tpu.vector_load %arg18[%get3A_286, %get3A_287] {strides = array<i32>} : memref<128x128xf32, #tpu.memory_space<vmem>>, vector<16xf32>,
        %mul3A_289 = arith.mulf %get3A_288, %broadcast_in_dim3A_257 : vector<16xf32>
        %swap3A_290 = arith.index_cast %add3A_254 : i32 to index
        %swap3A_291 = arith.constant 64 : index
        %swap3A_292 = tpu.vector_load %arg18[%swap3A_290, %swap3A_291] {strides = array<i32>} : memref<128x128xf32, #tpu.memory_space<vmem>>, vector<16xf32>,
        tpu.vector_store %arg18[%swap3A_290, %swap3A_291], %mul3A_289 {strides = array<i32>} : memref<128x128xf32, #tpu.memory_space<vmem>>, vector<16xf32>,
        %get3A_293 = arith.index_cast %add3A_254 : i32 to index
        %get3A_294 = arith.constant 80 : index
        %get3A_295 = tpu.vector_load %arg18[%get3A_293, %get3A_294] {strides = array<i32>} : memref<128x128xf32, #tpu.memory_space<vmem>>, vector<16xf32>,
        %mul3A_296 = arith.mulf %get3A_295, %broadcast_in_dim3A_257 : vector<16xf32>
        %swap3A_297 = arith.index_cast %add3A_254 : i32 to index
        %swap3A_298 = arith.constant 80 : index
        %swap3A_299 = tpu.vector_load %arg18[%swap3A_297, %swap3A_298] {strides = array<i32>} : memref<128x128xf32, #tpu.memory_space<vmem>>, vector<16xf32>,
        tpu.vector_store %arg18[%swap3A_297, %swap3A_298], %mul3A_296 {strides = array<i32>} : memref<128x128xf32, #tpu.memory_space<vmem>>, vector<16xf32>,
        %get3A_300 = arith.index_cast %add3A_254 : i32 to index
        %get3A_301 = arith.constant 96 : index
        %get3A_302 = tpu.vector_load %arg18[%get3A_300, %get3A_301] {strides = array<i32>} : memref<128x128xf32, #tpu.memory_space<vmem>>, vector<16xf32>,
        %mul3A_303 = arith.mulf %get3A_302, %broadcast_in_dim3A_257 : vector<16xf32>
        %swap3A_304 = arith.index_cast %add3A_254 : i32 to index
        %swap3A_305 = arith.constant 96 : index
        %swap3A_306 = tpu.vector_load %arg18[%swap3A_304, %swap3A_305] {strides = array<i32>} : memref<128x128xf32, #tpu.memory_space<vmem>>, vector<16xf32>,
        tpu.vector_store %arg18[%swap3A_304, %swap3A_305], %mul3A_303 {strides = array<i32>} : memref<128x128xf32, #tpu.memory_space<vmem>>, vector<16xf32>,
        %get3A_307 = arith.index_cast %add3A_254 : i32 to index
        %get3A_308 = arith.constant 112 : index
        %get3A_309 = tpu.vector_load %arg18[%get3A_307, %get3A_308] {strides = array<i32>} : memref<128x128xf32, #tpu.memory_space<vmem>>, vector<16xf32>,
        %mul3A_310 = arith.mulf %get3A_309, %broadcast_in_dim3A_257 : vector<16xf32>
        %swap3A_311 = arith.index_cast %add3A_254 : i32 to index
        %swap3A_312 = arith.constant 112 : index
        %swap3A_313 = tpu.vector_load %arg18[%swap3A_311, %swap3A_312] {strides = array<i32>} : memref<128x128xf32, #tpu.memory_space<vmem>>, vector<16xf32>,
        tpu.vector_store %arg18[%swap3A_311, %swap3A_312], %mul3A_310 {strides = array<i32>} : memref<128x128xf32, #tpu.memory_space<vmem>>, vector<16xf32>,
        %mul3A_314 = arith.constant 16 : i32
        %mul3A_315 = arith.muli %scan3A_49, %mul3A_314 : i32
        %add3A_316 = arith.constant 4 : i32
        %add3A_317 = arith.addi %mul3A_315, %add3A_316 : i32
        %slice3A_318 = vector.extract_strided_slice %mul3A_64 {offsets = [4], sizes = [1], strides = [1]} : vector<16xf32> to vector<1xf32>
        %squeeze3A_319 = vector.extract %slice3A_318[0] : f32 from vector<1xf32>
        %broadcast_in_dim3A_320 = vector.broadcast %squeeze3A_319 : f32 to vector<16xf32>
        %get3A_321 = arith.index_cast %add3A_317 : i32 to index
        %get3A_322 = arith.constant 0 : index
        %get3A_323 = tpu.vector_load %arg18[%get3A_321, %get3A_322] {strides = array<i32>} : memref<128x128xf32, #tpu.memory_space<vmem>>, vector<16xf32>,
        %mul3A_324 = arith.mulf %get3A_323, %broadcast_in_dim3A_320 : vector<16xf32>
        %swap3A_325 = arith.index_cast %add3A_317 : i32 to index
        %swap3A_326 = arith.constant 0 : index
        %swap3A_327 = tpu.vector_load %arg18[%swap3A_325, %swap3A_326] {strides = array<i32>} : memref<128x128xf32, #tpu.memory_space<vmem>>, vector<16xf32>,
        tpu.vector_store %arg18[%swap3A_325, %swap3A_326], %mul3A_324 {strides = array<i32>} : memref<128x128xf32, #tpu.memory_space<vmem>>, vector<16xf32>,
        %get3A_328 = arith.index_cast %add3A_317 : i32 to index
        %get3A_329 = arith.constant 16 : index
        %get3A_330 = tpu.vector_load %arg18[%get3A_328, %get3A_329] {strides = array<i32>} : memref<128x128xf32, #tpu.memory_space<vmem>>, vector<16xf32>,
        %mul3A_331 = arith.mulf %get3A_330, %broadcast_in_dim3A_320 : vector<16xf32>
        %swap3A_332 = arith.index_cast %add3A_317 : i32 to index
        %swap3A_333 = arith.constant 16 : index
        %swap3A_334 = tpu.vector_load %arg18[%swap3A_332, %swap3A_333] {strides = array<i32>} : memref<128x128xf32, #tpu.memory_space<vmem>>, vector<16xf32>,
        tpu.vector_store %arg18[%swap3A_332, %swap3A_333], %mul3A_331 {strides = array<i32>} : memref<128x128xf32, #tpu.memory_space<vmem>>, vector<16xf32>,
        %get3A_335 = arith.index_cast %add3A_317 : i32 to index
        %get3A_336 = arith.constant 32 : index
        %get3A_337 = tpu.vector_load %arg18[%get3A_335, %get3A_336] {strides = array<i32>} : memref<128x128xf32, #tpu.memory_space<vmem>>, vector<16xf32>,
        %mul3A_338 = arith.mulf %get3A_337, %broadcast_in_dim3A_320 : vector<16xf32>
        %swap3A_339 = arith.index_cast %add3A_317 : i32 to index
        %swap3A_340 = arith.constant 32 : index
        %swap3A_341 = tpu.vector_load %arg18[%swap3A_339, %swap3A_340] {strides = array<i32>} : memref<128x128xf32, #tpu.memory_space<vmem>>, vector<16xf32>,
        tpu.vector_store %arg18[%swap3A_339, %swap3A_340], %mul3A_338 {strides = array<i32>} : memref<128x128xf32, #tpu.memory_space<vmem>>, vector<16xf32>,
        %get3A_342 = arith.index_cast %add3A_317 : i32 to index
        %get3A_343 = arith.constant 48 : index
        %get3A_344 = tpu.vector_load %arg18[%get3A_342, %get3A_343] {strides = array<i32>} : memref<128x128xf32, #tpu.memory_space<vmem>>, vector<16xf32>,
        %mul3A_345 = arith.mulf %get3A_344, %broadcast_in_dim3A_320 : vector<16xf32>
        %swap3A_346 = arith.index_cast %add3A_317 : i32 to index
        %swap3A_347 = arith.constant 48 : index
        %swap3A_348 = tpu.vector_load %arg18[%swap3A_346, %swap3A_347] {strides = array<i32>} : memref<128x128xf32, #tpu.memory_space<vmem>>, vector<16xf32>,
        tpu.vector_store %arg18[%swap3A_346, %swap3A_347], %mul3A_345 {strides = array<i32>} : memref<128x128xf32, #tpu.memory_space<vmem>>, vector<16xf32>,
        %get3A_349 = arith.index_cast %add3A_317 : i32 to index
        %get3A_350 = arith.constant 64 : index
        %get3A_351 = tpu.vector_load %arg18[%get3A_349, %get3A_350] {strides = array<i32>} : memref<128x128xf32, #tpu.memory_space<vmem>>, vector<16xf32>,
        %mul3A_352 = arith.mulf %get3A_351, %broadcast_in_dim3A_320 : vector<16xf32>
        %swap3A_353 = arith.index_cast %add3A_317 : i32 to index
        %swap3A_354 = arith.constant 64 : index
        %swap3A_355 = tpu.vector_load %arg18[%swap3A_353, %swap3A_354] {strides = array<i32>} : memref<128x128xf32, #tpu.memory_space<vmem>>, vector<16xf32>,
        tpu.vector_store %arg18[%swap3A_353, %swap3A_354], %mul3A_352 {strides = array<i32>} : memref<128x128xf32, #tpu.memory_space<vmem>>, vector<16xf32>,
        %get3A_356 = arith.index_cast %add3A_317 : i32 to index
        %get3A_357 = arith.constant 80 : index
        %get3A_358 = tpu.vector_load %arg18[%get3A_356, %get3A_357] {strides = array<i32>} : memref<128x128xf32, #tpu.memory_space<vmem>>, vector<16xf32>,
        %mul3A_359 = arith.mulf %get3A_358, %broadcast_in_dim3A_320 : vector<16xf32>
        %swap3A_360 = arith.index_cast %add3A_317 : i32 to index
        %swap3A_361 = arith.constant 80 : index
        %swap3A_362 = tpu.vector_load %arg18[%swap3A_360, %swap3A_361] {strides = array<i32>} : memref<128x128xf32, #tpu.memory_space<vmem>>, vector<16xf32>,
        tpu.vector_store %arg18[%swap3A_360, %swap3A_361], %mul3A_359 {strides = array<i32>} : memref<128x128xf32, #tpu.memory_space<vmem>>, vector<16xf32>,
        %get3A_363 = arith.index_cast %add3A_317 : i32 to index
        %get3A_364 = arith.constant 96 : index
        %get3A_365 = tpu.vector_load %arg18[%get3A_363, %get3A_364] {strides = array<i32>} : memref<128x128xf32, #tpu.memory_space<vmem>>, vector<16xf32>,
        %mul3A_366 = arith.mulf %get3A_365, %broadcast_in_dim3A_320 : vector<16xf32>
        %swap3A_367 = arith.index_cast %add3A_317 : i32 to index
        %swap3A_368 = arith.constant 96 : index
        %swap3A_369 = tpu.vector_load %arg18[%swap3A_367, %swap3A_368] {strides = array<i32>} : memref<128x128xf32, #tpu.memory_space<vmem>>, vector<16xf32>,
        tpu.vector_store %arg18[%swap3A_367, %swap3A_368], %mul3A_366 {strides = array<i32>} : memref<128x128xf32, #tpu.memory_space<vmem>>, vector<16xf32>,
        %get3A_370 = arith.index_cast %add3A_317 : i32 to index
        %get3A_371 = arith.constant 112 : index
        %get3A_372 = tpu.vector_load %arg18[%get3A_370, %get3A_371] {strides = array<i32>} : memref<128x128xf32, #tpu.memory_space<vmem>>, vector<16xf32>,
        %mul3A_373 = arith.mulf %get3A_372, %broadcast_in_dim3A_320 : vector<16xf32>
        %swap3A_374 = arith.index_cast %add3A_317 : i32 to index
        %swap3A_375 = arith.constant 112 : index
        %swap3A_376 = tpu.vector_load %arg18[%swap3A_374, %swap3A_375] {strides = array<i32>} : memref<128x128xf32, #tpu.memory_space<vmem>>, vector<16xf32>,
        tpu.vector_store %arg18[%swap3A_374, %swap3A_375], %mul3A_373 {strides = array<i32>} : memref<128x128xf32, #tpu.memory_space<vmem>>, vector<16xf32>,
        %mul3A_377 = arith.constant 16 : i32
        %mul3A_378 = arith.muli %scan3A_49, %mul3A_377 : i32
        %add3A_379 = arith.constant 5 : i32
        %add3A_380 = arith.addi %mul3A_378, %add3A_379 : i32
        %slice3A_381 = vector.extract_strided_slice %mul3A_64 {offsets = [5], sizes = [1], strides = [1]} : vector<16xf32> to vector<1xf32>
        %squeeze3A_382 = vector.extract %slice3A_381[0] : f32 from vector<1xf32>
        %broadcast_in_dim3A_383 = vector.broadcast %squeeze3A_382 : f32 to vector<16xf32>
        %get3A_384 = arith.index_cast %add3A_380 : i32 to index
        %get3A_385 = arith.constant 0 : index
        %get3A_386 = tpu.vector_load %arg18[%get3A_384, %get3A_385] {strides = array<i32>} : memref<128x128xf32, #tpu.memory_space<vmem>>, vector<16xf32>,
        %mul3A_387 = arith.mulf %get3A_386, %broadcast_in_dim3A_383 : vector<16xf32>
        %swap3A_388 = arith.index_cast %add3A_380 : i32 to index
        %swap3A_389 = arith.constant 0 : index
        %swap3A_390 = tpu.vector_load %arg18[%swap3A_388, %swap3A_389] {strides = array<i32>} : memref<128x128xf32, #tpu.memory_space<vmem>>, vector<16xf32>,
        tpu.vector_store %arg18[%swap3A_388, %swap3A_389], %mul3A_387 {strides = array<i32>} : memref<128x128xf32, #tpu.memory_space<vmem>>, vector<16xf32>,
        %get3A_391 = arith.index_cast %add3A_380 : i32 to index
        %get3A_392 = arith.constant 16 : index
        %get3A_393 = tpu.vector_load %arg18[%get3A_391, %get3A_392] {strides = array<i32>} : memref<128x128xf32, #tpu.memory_space<vmem>>, vector<16xf32>,
        %mul3A_394 = arith.mulf %get3A_393, %broadcast_in_dim3A_383 : vector<16xf32>
        %swap3A_395 = arith.index_cast %add3A_380 : i32 to index
        %swap3A_396 = arith.constant 16 : index
        %swap3A_397 = tpu.vector_load %arg18[%swap3A_395, %swap3A_396] {strides = array<i32>} : memref<128x128xf32, #tpu.memory_space<vmem>>, vector<16xf32>,
        tpu.vector_store %arg18[%swap3A_395, %swap3A_396], %mul3A_394 {strides = array<i32>} : memref<128x128xf32, #tpu.memory_space<vmem>>, vector<16xf32>,
        %get3A_398 = arith.index_cast %add3A_380 : i32 to index
        %get3A_399 = arith.constant 32 : index
        %get3A_400 = tpu.vector_load %arg18[%get3A_398, %get3A_399] {strides = array<i32>} : memref<128x128xf32, #tpu.memory_space<vmem>>, vector<16xf32>,
        %mul3A_401 = arith.mulf %get3A_400, %broadcast_in_dim3A_383 : vector<16xf32>
        %swap3A_402 = arith.index_cast %add3A_380 : i32 to index
        %swap3A_403 = arith.constant 32 : index
        %swap3A_404 = tpu.vector_load %arg18[%swap3A_402, %swap3A_403] {strides = array<i32>} : memref<128x128xf32, #tpu.memory_space<vmem>>, vector<16xf32>,
        tpu.vector_store %arg18[%swap3A_402, %swap3A_403], %mul3A_401 {strides = array<i32>} : memref<128x128xf32, #tpu.memory_space<vmem>>, vector<16xf32>,
        %get3A_405 = arith.index_cast %add3A_380 : i32 to index
        %get3A_406 = arith.constant 48 : index
        %get3A_407 = tpu.vector_load %arg18[%get3A_405, %get3A_406] {strides = array<i32>} : memref<128x128xf32, #tpu.memory_space<vmem>>, vector<16xf32>,
        %mul3A_408 = arith.mulf %get3A_407, %broadcast_in_dim3A_383 : vector<16xf32>
        %swap3A_409 = arith.index_cast %add3A_380 : i32 to index
        %swap3A_410 = arith.constant 48 : index
        %swap3A_411 = tpu.vector_load %arg18[%swap3A_409, %swap3A_410] {strides = array<i32>} : memref<128x128xf32, #tpu.memory_space<vmem>>, vector<16xf32>,
        tpu.vector_store %arg18[%swap3A_409, %swap3A_410], %mul3A_408 {strides = array<i32>} : memref<128x128xf32, #tpu.memory_space<vmem>>, vector<16xf32>,
        %get3A_412 = arith.index_cast %add3A_380 : i32 to index
        %get3A_413 = arith.constant 64 : index
        %get3A_414 = tpu.vector_load %arg18[%get3A_412, %get3A_413] {strides = array<i32>} : memref<128x128xf32, #tpu.memory_space<vmem>>, vector<16xf32>,
        %mul3A_415 = arith.mulf %get3A_414, %broadcast_in_dim3A_383 : vector<16xf32>
        %swap3A_416 = arith.index_cast %add3A_380 : i32 to index
        %swap3A_417 = arith.constant 64 : index
        %swap3A_418 = tpu.vector_load %arg18[%swap3A_416, %swap3A_417] {strides = array<i32>} : memref<128x128xf32, #tpu.memory_space<vmem>>, vector<16xf32>,
        tpu.vector_store %arg18[%swap3A_416, %swap3A_417], %mul3A_415 {strides = array<i32>} : memref<128x128xf32, #tpu.memory_space<vmem>>, vector<16xf32>,
        %get3A_419 = arith.index_cast %add3A_380 : i32 to index
        %get3A_420 = arith.constant 80 : index
        %get3A_421 = tpu.vector_load %arg18[%get3A_419, %get3A_420] {strides = array<i32>} : memref<128x128xf32, #tpu.memory_space<vmem>>, vector<16xf32>,
        %mul3A_422 = arith.mulf %get3A_421, %broadcast_in_dim3A_383 : vector<16xf32>
        %swap3A_423 = arith.index_cast %add3A_380 : i32 to index
        %swap3A_424 = arith.constant 80 : index
        %swap3A_425 = tpu.vector_load %arg18[%swap3A_423, %swap3A_424] {strides = array<i32>} : memref<128x128xf32, #tpu.memory_space<vmem>>, vector<16xf32>,
        tpu.vector_store %arg18[%swap3A_423, %swap3A_424], %mul3A_422 {strides = array<i32>} : memref<128x128xf32, #tpu.memory_space<vmem>>, vector<16xf32>,
        %get3A_426 = arith.index_cast %add3A_380 : i32 to index
        %get3A_427 = arith.constant 96 : index
        %get3A_428 = tpu.vector_load %arg18[%get3A_426, %get3A_427] {strides = array<i32>} : memref<128x128xf32, #tpu.memory_space<vmem>>, vector<16xf32>,
        %mul3A_429 = arith.mulf %get3A_428, %broadcast_in_dim3A_383 : vector<16xf32>
        %swap3A_430 = arith.index_cast %add3A_380 : i32 to index
        %swap3A_431 = arith.constant 96 : index
        %swap3A_432 = tpu.vector_load %arg18[%swap3A_430, %swap3A_431] {strides = array<i32>} : memref<128x128xf32, #tpu.memory_space<vmem>>, vector<16xf32>,
        tpu.vector_store %arg18[%swap3A_430, %swap3A_431], %mul3A_429 {strides = array<i32>} : memref<128x128xf32, #tpu.memory_space<vmem>>, vector<16xf32>,
        %get3A_433 = arith.index_cast %add3A_380 : i32 to index
        %get3A_434 = arith.constant 112 : index
        %get3A_435 = tpu.vector_load %arg18[%get3A_433, %get3A_434] {strides = array<i32>} : memref<128x128xf32, #tpu.memory_space<vmem>>, vector<16xf32>,
        %mul3A_436 = arith.mulf %get3A_435, %broadcast_in_dim3A_383 : vector<16xf32>
        %swap3A_437 = arith.index_cast %add3A_380 : i32 to index
        %swap3A_438 = arith.constant 112 : index
        %swap3A_439 = tpu.vector_load %arg18[%swap3A_437, %swap3A_438] {strides = array<i32>} : memref<128x128xf32, #tpu.memory_space<vmem>>, vector<16xf32>,
        tpu.vector_store %arg18[%swap3A_437, %swap3A_438], %mul3A_436 {strides = array<i32>} : memref<128x128xf32, #tpu.memory_space<vmem>>, vector<16xf32>,
        %mul3A_440 = arith.constant 16 : i32
        %mul3A_441 = arith.muli %scan3A_49, %mul3A_440 : i32
        %add3A_442 = arith.constant 6 : i32
        %add3A_443 = arith.addi %mul3A_441, %add3A_442 : i32
        %slice3A_444 = vector.extract_strided_slice %mul3A_64 {offsets = [6], sizes = [1], strides = [1]} : vector<16xf32> to vector<1xf32>
        %squeeze3A_445 = vector.extract %slice3A_444[0] : f32 from vector<1xf32>
        %broadcast_in_dim3A_446 = vector.broadcast %squeeze3A_445 : f32 to vector<16xf32>
        %get3A_447 = arith.index_cast %add3A_443 : i32 to index
        %get3A_448 = arith.constant 0 : index
        %get3A_449 = tpu.vector_load %arg18[%get3A_447, %get3A_448] {strides = array<i32>} : memref<128x128xf32, #tpu.memory_space<vmem>>, vector<16xf32>,
        %mul3A_450 = arith.mulf %get3A_449, %broadcast_in_dim3A_446 : vector<16xf32>
        %swap3A_451 = arith.index_cast %add3A_443 : i32 to index
        %swap3A_452 = arith.constant 0 : index
        %swap3A_453 = tpu.vector_load %arg18[%swap3A_451, %swap3A_452] {strides = array<i32>} : memref<128x128xf32, #tpu.memory_space<vmem>>, vector<16xf32>,
        tpu.vector_store %arg18[%swap3A_451, %swap3A_452], %mul3A_450 {strides = array<i32>} : memref<128x128xf32, #tpu.memory_space<vmem>>, vector<16xf32>,
        %get3A_454 = arith.index_cast %add3A_443 : i32 to index
        %get3A_455 = arith.constant 16 : index
        %get3A_456 = tpu.vector_load %arg18[%get3A_454, %get3A_455] {strides = array<i32>} : memref<128x128xf32, #tpu.memory_space<vmem>>, vector<16xf32>,
        %mul3A_457 = arith.mulf %get3A_456, %broadcast_in_dim3A_446 : vector<16xf32>
        %swap3A_458 = arith.index_cast %add3A_443 : i32 to index
        %swap3A_459 = arith.constant 16 : index
        %swap3A_460 = tpu.vector_load %arg18[%swap3A_458, %swap3A_459] {strides = array<i32>} : memref<128x128xf32, #tpu.memory_space<vmem>>, vector<16xf32>,
        tpu.vector_store %arg18[%swap3A_458, %swap3A_459], %mul3A_457 {strides = array<i32>} : memref<128x128xf32, #tpu.memory_space<vmem>>, vector<16xf32>,
        %get3A_461 = arith.index_cast %add3A_443 : i32 to index
        %get3A_462 = arith.constant 32 : index
        %get3A_463 = tpu.vector_load %arg18[%get3A_461, %get3A_462] {strides = array<i32>} : memref<128x128xf32, #tpu.memory_space<vmem>>, vector<16xf32>,
        %mul3A_464 = arith.mulf %get3A_463, %broadcast_in_dim3A_446 : vector<16xf32>
        %swap3A_465 = arith.index_cast %add3A_443 : i32 to index
        %swap3A_466 = arith.constant 32 : index
        %swap3A_467 = tpu.vector_load %arg18[%swap3A_465, %swap3A_466] {strides = array<i32>} : memref<128x128xf32, #tpu.memory_space<vmem>>, vector<16xf32>,
        tpu.vector_store %arg18[%swap3A_465, %swap3A_466], %mul3A_464 {strides = array<i32>} : memref<128x128xf32, #tpu.memory_space<vmem>>, vector<16xf32>,
        %get3A_468 = arith.index_cast %add3A_443 : i32 to index
        %get3A_469 = arith.constant 48 : index
        %get3A_470 = tpu.vector_load %arg18[%get3A_468, %get3A_469] {strides = array<i32>} : memref<128x128xf32, #tpu.memory_space<vmem>>, vector<16xf32>,
        %mul3A_471 = arith.mulf %get3A_470, %broadcast_in_dim3A_446 : vector<16xf32>
        %swap3A_472 = arith.index_cast %add3A_443 : i32 to index
        %swap3A_473 = arith.constant 48 : index
        %swap3A_474 = tpu.vector_load %arg18[%swap3A_472, %swap3A_473] {strides = array<i32>} : memref<128x128xf32, #tpu.memory_space<vmem>>, vector<16xf32>,
        tpu.vector_store %arg18[%swap3A_472, %swap3A_473], %mul3A_471 {strides = array<i32>} : memref<128x128xf32, #tpu.memory_space<vmem>>, vector<16xf32>,
        %get3A_475 = arith.index_cast %add3A_443 : i32 to index
        %get3A_476 = arith.constant 64 : index
        %get3A_477 = tpu.vector_load %arg18[%get3A_475, %get3A_476] {strides = array<i32>} : memref<128x128xf32, #tpu.memory_space<vmem>>, vector<16xf32>,
        %mul3A_478 = arith.mulf %get3A_477, %broadcast_in_dim3A_446 : vector<16xf32>
        %swap3A_479 = arith.index_cast %add3A_443 : i32 to index
        %swap3A_480 = arith.constant 64 : index
        %swap3A_481 = tpu.vector_load %arg18[%swap3A_479, %swap3A_480] {strides = array<i32>} : memref<128x128xf32, #tpu.memory_space<vmem>>, vector<16xf32>,
        tpu.vector_store %arg18[%swap3A_479, %swap3A_480], %mul3A_478 {strides = array<i32>} : memref<128x128xf32, #tpu.memory_space<vmem>>, vector<16xf32>,
        %get3A_482 = arith.index_cast %add3A_443 : i32 to index
        %get3A_483 = arith.constant 80 : index
        %get3A_484 = tpu.vector_load %arg18[%get3A_482, %get3A_483] {strides = array<i32>} : memref<128x128xf32, #tpu.memory_space<vmem>>, vector<16xf32>,
        %mul3A_485 = arith.mulf %get3A_484, %broadcast_in_dim3A_446 : vector<16xf32>
        %swap3A_486 = arith.index_cast %add3A_443 : i32 to index
        %swap3A_487 = arith.constant 80 : index
        %swap3A_488 = tpu.vector_load %arg18[%swap3A_486, %swap3A_487] {strides = array<i32>} : memref<128x128xf32, #tpu.memory_space<vmem>>, vector<16xf32>,
        tpu.vector_store %arg18[%swap3A_486, %swap3A_487], %mul3A_485 {strides = array<i32>} : memref<128x128xf32, #tpu.memory_space<vmem>>, vector<16xf32>,
        %get3A_489 = arith.index_cast %add3A_443 : i32 to index
        %get3A_490 = arith.constant 96 : index
        %get3A_491 = tpu.vector_load %arg18[%get3A_489, %get3A_490] {strides = array<i32>} : memref<128x128xf32, #tpu.memory_space<vmem>>, vector<16xf32>,
        %mul3A_492 = arith.mulf %get3A_491, %broadcast_in_dim3A_446 : vector<16xf32>
        %swap3A_493 = arith.index_cast %add3A_443 : i32 to index
        %swap3A_494 = arith.constant 96 : index
        %swap3A_495 = tpu.vector_load %arg18[%swap3A_493, %swap3A_494] {strides = array<i32>} : memref<128x128xf32, #tpu.memory_space<vmem>>, vector<16xf32>,
        tpu.vector_store %arg18[%swap3A_493, %swap3A_494], %mul3A_492 {strides = array<i32>} : memref<128x128xf32, #tpu.memory_space<vmem>>, vector<16xf32>,
        %get3A_496 = arith.index_cast %add3A_443 : i32 to index
        %get3A_497 = arith.constant 112 : index
        %get3A_498 = tpu.vector_load %arg18[%get3A_496, %get3A_497] {strides = array<i32>} : memref<128x128xf32, #tpu.memory_space<vmem>>, vector<16xf32>,
        %mul3A_499 = arith.mulf %get3A_498, %broadcast_in_dim3A_446 : vector<16xf32>
        %swap3A_500 = arith.index_cast %add3A_443 : i32 to index
        %swap3A_501 = arith.constant 112 : index
        %swap3A_502 = tpu.vector_load %arg18[%swap3A_500, %swap3A_501] {strides = array<i32>} : memref<128x128xf32, #tpu.memory_space<vmem>>, vector<16xf32>,
        tpu.vector_store %arg18[%swap3A_500, %swap3A_501], %mul3A_499 {strides = array<i32>} : memref<128x128xf32, #tpu.memory_space<vmem>>, vector<16xf32>,
        %mul3A_503 = arith.constant 16 : i32
        %mul3A_504 = arith.muli %scan3A_49, %mul3A_503 : i32
        %add3A_505 = arith.constant 7 : i32
        %add3A_506 = arith.addi %mul3A_504, %add3A_505 : i32
        %slice3A_507 = vector.extract_strided_slice %mul3A_64 {offsets = [7], sizes = [1], strides = [1]} : vector<16xf32> to vector<1xf32>
        %squeeze3A_508 = vector.extract %slice3A_507[0] : f32 from vector<1xf32>
        %broadcast_in_dim3A_509 = vector.broadcast %squeeze3A_508 : f32 to vector<16xf32>
        %get3A_510 = arith.index_cast %add3A_506 : i32 to index
        %get3A_511 = arith.constant 0 : index
        %get3A_512 = tpu.vector_load %arg18[%get3A_510, %get3A_511] {strides = array<i32>} : memref<128x128xf32, #tpu.memory_space<vmem>>, vector<16xf32>,
        %mul3A_513 = arith.mulf %get3A_512, %broadcast_in_dim3A_509 : vector<16xf32>
        %swap3A_514 = arith.index_cast %add3A_506 : i32 to index
        %swap3A_515 = arith.constant 0 : index
        %swap3A_516 = tpu.vector_load %arg18[%swap3A_514, %swap3A_515] {strides = array<i32>} : memref<128x128xf32, #tpu.memory_space<vmem>>, vector<16xf32>,
        tpu.vector_store %arg18[%swap3A_514, %swap3A_515], %mul3A_513 {strides = array<i32>} : memref<128x128xf32, #tpu.memory_space<vmem>>, vector<16xf32>,
        %get3A_517 = arith.index_cast %add3A_506 : i32 to index
        %get3A_518 = arith.constant 16 : index
        %get3A_519 = tpu.vector_load %arg18[%get3A_517, %get3A_518] {strides = array<i32>} : memref<128x128xf32, #tpu.memory_space<vmem>>, vector<16xf32>,
        %mul3A_520 = arith.mulf %get3A_519, %broadcast_in_dim3A_509 : vector<16xf32>
        %swap3A_521 = arith.index_cast %add3A_506 : i32 to index
        %swap3A_522 = arith.constant 16 : index
        %swap3A_523 = tpu.vector_load %arg18[%swap3A_521, %swap3A_522] {strides = array<i32>} : memref<128x128xf32, #tpu.memory_space<vmem>>, vector<16xf32>,
        tpu.vector_store %arg18[%swap3A_521, %swap3A_522], %mul3A_520 {strides = array<i32>} : memref<128x128xf32, #tpu.memory_space<vmem>>, vector<16xf32>,
        %get3A_524 = arith.index_cast %add3A_506 : i32 to index
        %get3A_525 = arith.constant 32 : index
        %get3A_526 = tpu.vector_load %arg18[%get3A_524, %get3A_525] {strides = array<i32>} : memref<128x128xf32, #tpu.memory_space<vmem>>, vector<16xf32>,
        %mul3A_527 = arith.mulf %get3A_526, %broadcast_in_dim3A_509 : vector<16xf32>
        %swap3A_528 = arith.index_cast %add3A_506 : i32 to index
        %swap3A_529 = arith.constant 32 : index
        %swap3A_530 = tpu.vector_load %arg18[%swap3A_528, %swap3A_529] {strides = array<i32>} : memref<128x128xf32, #tpu.memory_space<vmem>>, vector<16xf32>,
        tpu.vector_store %arg18[%swap3A_528, %swap3A_529], %mul3A_527 {strides = array<i32>} : memref<128x128xf32, #tpu.memory_space<vmem>>, vector<16xf32>,
        %get3A_531 = arith.index_cast %add3A_506 : i32 to index
        %get3A_532 = arith.constant 48 : index
        %get3A_533 = tpu.vector_load %arg18[%get3A_531, %get3A_532] {strides = array<i32>} : memref<128x128xf32, #tpu.memory_space<vmem>>, vector<16xf32>,
        %mul3A_534 = arith.mulf %get3A_533, %broadcast_in_dim3A_509 : vector<16xf32>
        %swap3A_535 = arith.index_cast %add3A_506 : i32 to index
        %swap3A_536 = arith.constant 48 : index
        %swap3A_537 = tpu.vector_load %arg18[%swap3A_535, %swap3A_536] {strides = array<i32>} : memref<128x128xf32, #tpu.memory_space<vmem>>, vector<16xf32>,
        tpu.vector_store %arg18[%swap3A_535, %swap3A_536], %mul3A_534 {strides = array<i32>} : memref<128x128xf32, #tpu.memory_space<vmem>>, vector<16xf32>,
        %get3A_538 = arith.index_cast %add3A_506 : i32 to index
        %get3A_539 = arith.constant 64 : index
        %get3A_540 = tpu.vector_load %arg18[%get3A_538, %get3A_539] {strides = array<i32>} : memref<128x128xf32, #tpu.memory_space<vmem>>, vector<16xf32>,
        %mul3A_541 = arith.mulf %get3A_540, %broadcast_in_dim3A_509 : vector<16xf32>
        %swap3A_542 = arith.index_cast %add3A_506 : i32 to index
        %swap3A_543 = arith.constant 64 : index
        %swap3A_544 = tpu.vector_load %arg18[%swap3A_542, %swap3A_543] {strides = array<i32>} : memref<128x128xf32, #tpu.memory_space<vmem>>, vector<16xf32>,
        tpu.vector_store %arg18[%swap3A_542, %swap3A_543], %mul3A_541 {strides = array<i32>} : memref<128x128xf32, #tpu.memory_space<vmem>>, vector<16xf32>,
        %get3A_545 = arith.index_cast %add3A_506 : i32 to index
        %get3A_546 = arith.constant 80 : index
        %get3A_547 = tpu.vector_load %arg18[%get3A_545, %get3A_546] {strides = array<i32>} : memref<128x128xf32, #tpu.memory_space<vmem>>, vector<16xf32>,
        %mul3A_548 = arith.mulf %get3A_547, %broadcast_in_dim3A_509 : vector<16xf32>
        %swap3A_549 = arith.index_cast %add3A_506 : i32 to index
        %swap3A_550 = arith.constant 80 : index
        %swap3A_551 = tpu.vector_load %arg18[%swap3A_549, %swap3A_550] {strides = array<i32>} : memref<128x128xf32, #tpu.memory_space<vmem>>, vector<16xf32>,
        tpu.vector_store %arg18[%swap3A_549, %swap3A_550], %mul3A_548 {strides = array<i32>} : memref<128x128xf32, #tpu.memory_space<vmem>>, vector<16xf32>,
        %get3A_552 = arith.index_cast %add3A_506 : i32 to index
        %get3A_553 = arith.constant 96 : index
        %get3A_554 = tpu.vector_load %arg18[%get3A_552, %get3A_553] {strides = array<i32>} : memref<128x128xf32, #tpu.memory_space<vmem>>, vector<16xf32>,
        %mul3A_555 = arith.mulf %get3A_554, %broadcast_in_dim3A_509 : vector<16xf32>
        %swap3A_556 = arith.index_cast %add3A_506 : i32 to index
        %swap3A_557 = arith.constant 96 : index
        %swap3A_558 = tpu.vector_load %arg18[%swap3A_556, %swap3A_557] {strides = array<i32>} : memref<128x128xf32, #tpu.memory_space<vmem>>, vector<16xf32>,
        tpu.vector_store %arg18[%swap3A_556, %swap3A_557], %mul3A_555 {strides = array<i32>} : memref<128x128xf32, #tpu.memory_space<vmem>>, vector<16xf32>,
        %get3A_559 = arith.index_cast %add3A_506 : i32 to index
        %get3A_560 = arith.constant 112 : index
        %get3A_561 = tpu.vector_load %arg18[%get3A_559, %get3A_560] {strides = array<i32>} : memref<128x128xf32, #tpu.memory_space<vmem>>, vector<16xf32>,
        %mul3A_562 = arith.mulf %get3A_561, %broadcast_in_dim3A_509 : vector<16xf32>
        %swap3A_563 = arith.index_cast %add3A_506 : i32 to index
        %swap3A_564 = arith.constant 112 : index
        %swap3A_565 = tpu.vector_load %arg18[%swap3A_563, %swap3A_564] {strides = array<i32>} : memref<128x128xf32, #tpu.memory_space<vmem>>, vector<16xf32>,
        tpu.vector_store %arg18[%swap3A_563, %swap3A_564], %mul3A_562 {strides = array<i32>} : memref<128x128xf32, #tpu.memory_space<vmem>>, vector<16xf32>,
        %mul3A_566 = arith.constant 16 : i32
        %mul3A_567 = arith.muli %scan3A_49, %mul3A_566 : i32
        %add3A_568 = arith.constant 8 : i32
        %add3A_569 = arith.addi %mul3A_567, %add3A_568 : i32
        %slice3A_570 = vector.extract_strided_slice %mul3A_64 {offsets = [8], sizes = [1], strides = [1]} : vector<16xf32> to vector<1xf32>
        %squeeze3A_571 = vector.extract %slice3A_570[0] : f32 from vector<1xf32>
        %broadcast_in_dim3A_572 = vector.broadcast %squeeze3A_571 : f32 to vector<16xf32>
        %get3A_573 = arith.index_cast %add3A_569 : i32 to index
        %get3A_574 = arith.constant 0 : index
        %get3A_575 = tpu.vector_load %arg18[%get3A_573, %get3A_574] {strides = array<i32>} : memref<128x128xf32, #tpu.memory_space<vmem>>, vector<16xf32>,
        %mul3A_576 = arith.mulf %get3A_575, %broadcast_in_dim3A_572 : vector<16xf32>
        %swap3A_577 = arith.index_cast %add3A_569 : i32 to index
        %swap3A_578 = arith.constant 0 : index
        %swap3A_579 = tpu.vector_load %arg18[%swap3A_577, %swap3A_578] {strides = array<i32>} : memref<128x128xf32, #tpu.memory_space<vmem>>, vector<16xf32>,
        tpu.vector_store %arg18[%swap3A_577, %swap3A_578], %mul3A_576 {strides = array<i32>} : memref<128x128xf32, #tpu.memory_space<vmem>>, vector<16xf32>,
        %get3A_580 = arith.index_cast %add3A_569 : i32 to index
        %get3A_581 = arith.constant 16 : index
        %get3A_582 = tpu.vector_load %arg18[%get3A_580, %get3A_581] {strides = array<i32>} : memref<128x128xf32, #tpu.memory_space<vmem>>, vector<16xf32>,
        %mul3A_583 = arith.mulf %get3A_582, %broadcast_in_dim3A_572 : vector<16xf32>
        %swap3A_584 = arith.index_cast %add3A_569 : i32 to index
        %swap3A_585 = arith.constant 16 : index
        %swap3A_586 = tpu.vector_load %arg18[%swap3A_584, %swap3A_585] {strides = array<i32>} : memref<128x128xf32, #tpu.memory_space<vmem>>, vector<16xf32>,
        tpu.vector_store %arg18[%swap3A_584, %swap3A_585], %mul3A_583 {strides = array<i32>} : memref<128x128xf32, #tpu.memory_space<vmem>>, vector<16xf32>,
        %get3A_587 = arith.index_cast %add3A_569 : i32 to index
        %get3A_588 = arith.constant 32 : index
        %get3A_589 = tpu.vector_load %arg18[%get3A_587, %get3A_588] {strides = array<i32>} : memref<128x128xf32, #tpu.memory_space<vmem>>, vector<16xf32>,
        %mul3A_590 = arith.mulf %get3A_589, %broadcast_in_dim3A_572 : vector<16xf32>
        %swap3A_591 = arith.index_cast %add3A_569 : i32 to index
        %swap3A_592 = arith.constant 32 : index
        %swap3A_593 = tpu.vector_load %arg18[%swap3A_591, %swap3A_592] {strides = array<i32>} : memref<128x128xf32, #tpu.memory_space<vmem>>, vector<16xf32>,
        tpu.vector_store %arg18[%swap3A_591, %swap3A_592], %mul3A_590 {strides = array<i32>} : memref<128x128xf32, #tpu.memory_space<vmem>>, vector<16xf32>,
        %get3A_594 = arith.index_cast %add3A_569 : i32 to index
        %get3A_595 = arith.constant 48 : index
        %get3A_596 = tpu.vector_load %arg18[%get3A_594, %get3A_595] {strides = array<i32>} : memref<128x128xf32, #tpu.memory_space<vmem>>, vector<16xf32>,
        %mul3A_597 = arith.mulf %get3A_596, %broadcast_in_dim3A_572 : vector<16xf32>
        %swap3A_598 = arith.index_cast %add3A_569 : i32 to index
        %swap3A_599 = arith.constant 48 : index
        %swap3A_600 = tpu.vector_load %arg18[%swap3A_598, %swap3A_599] {strides = array<i32>} : memref<128x128xf32, #tpu.memory_space<vmem>>, vector<16xf32>,
        tpu.vector_store %arg18[%swap3A_598, %swap3A_599], %mul3A_597 {strides = array<i32>} : memref<128x128xf32, #tpu.memory_space<vmem>>, vector<16xf32>,
        %get3A_601 = arith.index_cast %add3A_569 : i32 to index
        %get3A_602 = arith.constant 64 : index
        %get3A_603 = tpu.vector_load %arg18[%get3A_601, %get3A_602] {strides = array<i32>} : memref<128x128xf32, #tpu.memory_space<vmem>>, vector<16xf32>,
        %mul3A_604 = arith.mulf %get3A_603, %broadcast_in_dim3A_572 : vector<16xf32>
        %swap3A_605 = arith.index_cast %add3A_569 : i32 to index
        %swap3A_606 = arith.constant 64 : index
        %swap3A_607 = tpu.vector_load %arg18[%swap3A_605, %swap3A_606] {strides = array<i32>} : memref<128x128xf32, #tpu.memory_space<vmem>>, vector<16xf32>,
        tpu.vector_store %arg18[%swap3A_605, %swap3A_606], %mul3A_604 {strides = array<i32>} : memref<128x128xf32, #tpu.memory_space<vmem>>, vector<16xf32>,
        %get3A_608 = arith.index_cast %add3A_569 : i32 to index
        %get3A_609 = arith.constant 80 : index
        %get3A_610 = tpu.vector_load %arg18[%get3A_608, %get3A_609] {strides = array<i32>} : memref<128x128xf32, #tpu.memory_space<vmem>>, vector<16xf32>,
        %mul3A_611 = arith.mulf %get3A_610, %broadcast_in_dim3A_572 : vector<16xf32>
        %swap3A_612 = arith.index_cast %add3A_569 : i32 to index
        %swap3A_613 = arith.constant 80 : index
        %swap3A_614 = tpu.vector_load %arg18[%swap3A_612, %swap3A_613] {strides = array<i32>} : memref<128x128xf32, #tpu.memory_space<vmem>>, vector<16xf32>,
        tpu.vector_store %arg18[%swap3A_612, %swap3A_613], %mul3A_611 {strides = array<i32>} : memref<128x128xf32, #tpu.memory_space<vmem>>, vector<16xf32>,
        %get3A_615 = arith.index_cast %add3A_569 : i32 to index
        %get3A_616 = arith.constant 96 : index
        %get3A_617 = tpu.vector_load %arg18[%get3A_615, %get3A_616] {strides = array<i32>} : memref<128x128xf32, #tpu.memory_space<vmem>>, vector<16xf32>,
        %mul3A_618 = arith.mulf %get3A_617, %broadcast_in_dim3A_572 : vector<16xf32>
        %swap3A_619 = arith.index_cast %add3A_569 : i32 to index
        %swap3A_620 = arith.constant 96 : index
        %swap3A_621 = tpu.vector_load %arg18[%swap3A_619, %swap3A_620] {strides = array<i32>} : memref<128x128xf32, #tpu.memory_space<vmem>>, vector<16xf32>,
        tpu.vector_store %arg18[%swap3A_619, %swap3A_620], %mul3A_618 {strides = array<i32>} : memref<128x128xf32, #tpu.memory_space<vmem>>, vector<16xf32>,
        %get3A_622 = arith.index_cast %add3A_569 : i32 to index
        %get3A_623 = arith.constant 112 : index
        %get3A_624 = tpu.vector_load %arg18[%get3A_622, %get3A_623] {strides = array<i32>} : memref<128x128xf32, #tpu.memory_space<vmem>>, vector<16xf32>,
        %mul3A_625 = arith.mulf %get3A_624, %broadcast_in_dim3A_572 : vector<16xf32>
        %swap3A_626 = arith.index_cast %add3A_569 : i32 to index
        %swap3A_627 = arith.constant 112 : index
        %swap3A_628 = tpu.vector_load %arg18[%swap3A_626, %swap3A_627] {strides = array<i32>} : memref<128x128xf32, #tpu.memory_space<vmem>>, vector<16xf32>,
        tpu.vector_store %arg18[%swap3A_626, %swap3A_627], %mul3A_625 {strides = array<i32>} : memref<128x128xf32, #tpu.memory_space<vmem>>, vector<16xf32>,
        %mul3A_629 = arith.constant 16 : i32
        %mul3A_630 = arith.muli %scan3A_49, %mul3A_629 : i32
        %add3A_631 = arith.constant 9 : i32
        %add3A_632 = arith.addi %mul3A_630, %add3A_631 : i32
        %slice3A_633 = vector.extract_strided_slice %mul3A_64 {offsets = [9], sizes = [1], strides = [1]} : vector<16xf32> to vector<1xf32>
        %squeeze3A_634 = vector.extract %slice3A_633[0] : f32 from vector<1xf32>
        %broadcast_in_dim3A_635 = vector.broadcast %squeeze3A_634 : f32 to vector<16xf32>
        %get3A_636 = arith.index_cast %add3A_632 : i32 to index
        %get3A_637 = arith.constant 0 : index
        %get3A_638 = tpu.vector_load %arg18[%get3A_636, %get3A_637] {strides = array<i32>} : memref<128x128xf32, #tpu.memory_space<vmem>>, vector<16xf32>,
        %mul3A_639 = arith.mulf %get3A_638, %broadcast_in_dim3A_635 : vector<16xf32>
        %swap3A_640 = arith.index_cast %add3A_632 : i32 to index
        %swap3A_641 = arith.constant 0 : index
        %swap3A_642 = tpu.vector_load %arg18[%swap3A_640, %swap3A_641] {strides = array<i32>} : memref<128x128xf32, #tpu.memory_space<vmem>>, vector<16xf32>,
        tpu.vector_store %arg18[%swap3A_640, %swap3A_641], %mul3A_639 {strides = array<i32>} : memref<128x128xf32, #tpu.memory_space<vmem>>, vector<16xf32>,
        %get3A_643 = arith.index_cast %add3A_632 : i32 to index
        %get3A_644 = arith.constant 16 : index
        %get3A_645 = tpu.vector_load %arg18[%get3A_643, %get3A_644] {strides = array<i32>} : memref<128x128xf32, #tpu.memory_space<vmem>>, vector<16xf32>,
        %mul3A_646 = arith.mulf %get3A_645, %broadcast_in_dim3A_635 : vector<16xf32>
        %swap3A_647 = arith.index_cast %add3A_632 : i32 to index
        %swap3A_648 = arith.constant 16 : index
        %swap3A_649 = tpu.vector_load %arg18[%swap3A_647, %swap3A_648] {strides = array<i32>} : memref<128x128xf32, #tpu.memory_space<vmem>>, vector<16xf32>,
        tpu.vector_store %arg18[%swap3A_647, %swap3A_648], %mul3A_646 {strides = array<i32>} : memref<128x128xf32, #tpu.memory_space<vmem>>, vector<16xf32>,
        %get3A_650 = arith.index_cast %add3A_632 : i32 to index
        %get3A_651 = arith.constant 32 : index
        %get3A_652 = tpu.vector_load %arg18[%get3A_650, %get3A_651] {strides = array<i32>} : memref<128x128xf32, #tpu.memory_space<vmem>>, vector<16xf32>,
        %mul3A_653 = arith.mulf %get3A_652, %broadcast_in_dim3A_635 : vector<16xf32>
        %swap3A_654 = arith.index_cast %add3A_632 : i32 to index
        %swap3A_655 = arith.constant 32 : index
        %swap3A_656 = tpu.vector_load %arg18[%swap3A_654, %swap3A_655] {strides = array<i32>} : memref<128x128xf32, #tpu.memory_space<vmem>>, vector<16xf32>,
        tpu.vector_store %arg18[%swap3A_654, %swap3A_655], %mul3A_653 {strides = array<i32>} : memref<128x128xf32, #tpu.memory_space<vmem>>, vector<16xf32>,
        %get3A_657 = arith.index_cast %add3A_632 : i32 to index
        %get3A_658 = arith.constant 48 : index
        %get3A_659 = tpu.vector_load %arg18[%get3A_657, %get3A_658] {strides = array<i32>} : memref<128x128xf32, #tpu.memory_space<vmem>>, vector<16xf32>,
        %mul3A_660 = arith.mulf %get3A_659, %broadcast_in_dim3A_635 : vector<16xf32>
        %swap3A_661 = arith.index_cast %add3A_632 : i32 to index
        %swap3A_662 = arith.constant 48 : index
        %swap3A_663 = tpu.vector_load %arg18[%swap3A_661, %swap3A_662] {strides = array<i32>} : memref<128x128xf32, #tpu.memory_space<vmem>>, vector<16xf32>,
        tpu.vector_store %arg18[%swap3A_661, %swap3A_662], %mul3A_660 {strides = array<i32>} : memref<128x128xf32, #tpu.memory_space<vmem>>, vector<16xf32>,
        %get3A_664 = arith.index_cast %add3A_632 : i32 to index
        %get3A_665 = arith.constant 64 : index
        %get3A_666 = tpu.vector_load %arg18[%get3A_664, %get3A_665] {strides = array<i32>} : memref<128x128xf32, #tpu.memory_space<vmem>>, vector<16xf32>,
        %mul3A_667 = arith.mulf %get3A_666, %broadcast_in_dim3A_635 : vector<16xf32>
        %swap3A_668 = arith.index_cast %add3A_632 : i32 to index
        %swap3A_669 = arith.constant 64 : index
        %swap3A_670 = tpu.vector_load %arg18[%swap3A_668, %swap3A_669] {strides = array<i32>} : memref<128x128xf32, #tpu.memory_space<vmem>>, vector<16xf32>,
        tpu.vector_store %arg18[%swap3A_668, %swap3A_669], %mul3A_667 {strides = array<i32>} : memref<128x128xf32, #tpu.memory_space<vmem>>, vector<16xf32>,
        %get3A_671 = arith.index_cast %add3A_632 : i32 to index
        %get3A_672 = arith.constant 80 : index
        %get3A_673 = tpu.vector_load %arg18[%get3A_671, %get3A_672] {strides = array<i32>} : memref<128x128xf32, #tpu.memory_space<vmem>>, vector<16xf32>,
        %mul3A_674 = arith.mulf %get3A_673, %broadcast_in_dim3A_635 : vector<16xf32>
        %swap3A_675 = arith.index_cast %add3A_632 : i32 to index
        %swap3A_676 = arith.constant 80 : index
        %swap3A_677 = tpu.vector_load %arg18[%swap3A_675, %swap3A_676] {strides = array<i32>} : memref<128x128xf32, #tpu.memory_space<vmem>>, vector<16xf32>,
        tpu.vector_store %arg18[%swap3A_675, %swap3A_676], %mul3A_674 {strides = array<i32>} : memref<128x128xf32, #tpu.memory_space<vmem>>, vector<16xf32>,
        %get3A_678 = arith.index_cast %add3A_632 : i32 to index
        %get3A_679 = arith.constant 96 : index
        %get3A_680 = tpu.vector_load %arg18[%get3A_678, %get3A_679] {strides = array<i32>} : memref<128x128xf32, #tpu.memory_space<vmem>>, vector<16xf32>,
        %mul3A_681 = arith.mulf %get3A_680, %broadcast_in_dim3A_635 : vector<16xf32>
        %swap3A_682 = arith.index_cast %add3A_632 : i32 to index
        %swap3A_683 = arith.constant 96 : index
        %swap3A_684 = tpu.vector_load %arg18[%swap3A_682, %swap3A_683] {strides = array<i32>} : memref<128x128xf32, #tpu.memory_space<vmem>>, vector<16xf32>,
        tpu.vector_store %arg18[%swap3A_682, %swap3A_683], %mul3A_681 {strides = array<i32>} : memref<128x128xf32, #tpu.memory_space<vmem>>, vector<16xf32>,
        %get3A_685 = arith.index_cast %add3A_632 : i32 to index
        %get3A_686 = arith.constant 112 : index
        %get3A_687 = tpu.vector_load %arg18[%get3A_685, %get3A_686] {strides = array<i32>} : memref<128x128xf32, #tpu.memory_space<vmem>>, vector<16xf32>,
        %mul3A_688 = arith.mulf %get3A_687, %broadcast_in_dim3A_635 : vector<16xf32>
        %swap3A_689 = arith.index_cast %add3A_632 : i32 to index
        %swap3A_690 = arith.constant 112 : index
        %swap3A_691 = tpu.vector_load %arg18[%swap3A_689, %swap3A_690] {strides = array<i32>} : memref<128x128xf32, #tpu.memory_space<vmem>>, vector<16xf32>,
        tpu.vector_store %arg18[%swap3A_689, %swap3A_690], %mul3A_688 {strides = array<i32>} : memref<128x128xf32, #tpu.memory_space<vmem>>, vector<16xf32>,
        %mul3A_692 = arith.constant 16 : i32
        %mul3A_693 = arith.muli %scan3A_49, %mul3A_692 : i32
        %add3A_694 = arith.constant 10 : i32
        %add3A_695 = arith.addi %mul3A_693, %add3A_694 : i32
        %slice3A_696 = vector.extract_strided_slice %mul3A_64 {offsets = [10], sizes = [1], strides = [1]} : vector<16xf32> to vector<1xf32>
        %squeeze3A_697 = vector.extract %slice3A_696[0] : f32 from vector<1xf32>
        %broadcast_in_dim3A_698 = vector.broadcast %squeeze3A_697 : f32 to vector<16xf32>
        %get3A_699 = arith.index_cast %add3A_695 : i32 to index
        %get3A_700 = arith.constant 0 : index
        %get3A_701 = tpu.vector_load %arg18[%get3A_699, %get3A_700] {strides = array<i32>} : memref<128x128xf32, #tpu.memory_space<vmem>>, vector<16xf32>,
        %mul3A_702 = arith.mulf %get3A_701, %broadcast_in_dim3A_698 : vector<16xf32>
        %swap3A_703 = arith.index_cast %add3A_695 : i32 to index
        %swap3A_704 = arith.constant 0 : index
        %swap3A_705 = tpu.vector_load %arg18[%swap3A_703, %swap3A_704] {strides = array<i32>} : memref<128x128xf32, #tpu.memory_space<vmem>>, vector<16xf32>,
        tpu.vector_store %arg18[%swap3A_703, %swap3A_704], %mul3A_702 {strides = array<i32>} : memref<128x128xf32, #tpu.memory_space<vmem>>, vector<16xf32>,
        %get3A_706 = arith.index_cast %add3A_695 : i32 to index
        %get3A_707 = arith.constant 16 : index
        %get3A_708 = tpu.vector_load %arg18[%get3A_706, %get3A_707] {strides = array<i32>} : memref<128x128xf32, #tpu.memory_space<vmem>>, vector<16xf32>,
        %mul3A_709 = arith.mulf %get3A_708, %broadcast_in_dim3A_698 : vector<16xf32>
        %swap3A_710 = arith.index_cast %add3A_695 : i32 to index
        %swap3A_711 = arith.constant 16 : index
        %swap3A_712 = tpu.vector_load %arg18[%swap3A_710, %swap3A_711] {strides = array<i32>} : memref<128x128xf32, #tpu.memory_space<vmem>>, vector<16xf32>,
        tpu.vector_store %arg18[%swap3A_710, %swap3A_711], %mul3A_709 {strides = array<i32>} : memref<128x128xf32, #tpu.memory_space<vmem>>, vector<16xf32>,
        %get3A_713 = arith.index_cast %add3A_695 : i32 to index
        %get3A_714 = arith.constant 32 : index
        %get3A_715 = tpu.vector_load %arg18[%get3A_713, %get3A_714] {strides = array<i32>} : memref<128x128xf32, #tpu.memory_space<vmem>>, vector<16xf32>,
        %mul3A_716 = arith.mulf %get3A_715, %broadcast_in_dim3A_698 : vector<16xf32>
        %swap3A_717 = arith.index_cast %add3A_695 : i32 to index
        %swap3A_718 = arith.constant 32 : index
        %swap3A_719 = tpu.vector_load %arg18[%swap3A_717, %swap3A_718] {strides = array<i32>} : memref<128x128xf32, #tpu.memory_space<vmem>>, vector<16xf32>,
        tpu.vector_store %arg18[%swap3A_717, %swap3A_718], %mul3A_716 {strides = array<i32>} : memref<128x128xf32, #tpu.memory_space<vmem>>, vector<16xf32>,
        %get3A_720 = arith.index_cast %add3A_695 : i32 to index
        %get3A_721 = arith.constant 48 : index
        %get3A_722 = tpu.vector_load %arg18[%get3A_720, %get3A_721] {strides = array<i32>} : memref<128x128xf32, #tpu.memory_space<vmem>>, vector<16xf32>,
        %mul3A_723 = arith.mulf %get3A_722, %broadcast_in_dim3A_698 : vector<16xf32>
        %swap3A_724 = arith.index_cast %add3A_695 : i32 to index
        %swap3A_725 = arith.constant 48 : index
        %swap3A_726 = tpu.vector_load %arg18[%swap3A_724, %swap3A_725] {strides = array<i32>} : memref<128x128xf32, #tpu.memory_space<vmem>>, vector<16xf32>,
        tpu.vector_store %arg18[%swap3A_724, %swap3A_725], %mul3A_723 {strides = array<i32>} : memref<128x128xf32, #tpu.memory_space<vmem>>, vector<16xf32>,
        %get3A_727 = arith.index_cast %add3A_695 : i32 to index
        %get3A_728 = arith.constant 64 : index
        %get3A_729 = tpu.vector_load %arg18[%get3A_727, %get3A_728] {strides = array<i32>} : memref<128x128xf32, #tpu.memory_space<vmem>>, vector<16xf32>,
        %mul3A_730 = arith.mulf %get3A_729, %broadcast_in_dim3A_698 : vector<16xf32>
        %swap3A_731 = arith.index_cast %add3A_695 : i32 to index
        %swap3A_732 = arith.constant 64 : index
        %swap3A_733 = tpu.vector_load %arg18[%swap3A_731, %swap3A_732] {strides = array<i32>} : memref<128x128xf32, #tpu.memory_space<vmem>>, vector<16xf32>,
        tpu.vector_store %arg18[%swap3A_731, %swap3A_732], %mul3A_730 {strides = array<i32>} : memref<128x128xf32, #tpu.memory_space<vmem>>, vector<16xf32>,
        %get3A_734 = arith.index_cast %add3A_695 : i32 to index
        %get3A_735 = arith.constant 80 : index
        %get3A_736 = tpu.vector_load %arg18[%get3A_734, %get3A_735] {strides = array<i32>} : memref<128x128xf32, #tpu.memory_space<vmem>>, vector<16xf32>,
        %mul3A_737 = arith.mulf %get3A_736, %broadcast_in_dim3A_698 : vector<16xf32>
        %swap3A_738 = arith.index_cast %add3A_695 : i32 to index
        %swap3A_739 = arith.constant 80 : index
        %swap3A_740 = tpu.vector_load %arg18[%swap3A_738, %swap3A_739] {strides = array<i32>} : memref<128x128xf32, #tpu.memory_space<vmem>>, vector<16xf32>,
        tpu.vector_store %arg18[%swap3A_738, %swap3A_739], %mul3A_737 {strides = array<i32>} : memref<128x128xf32, #tpu.memory_space<vmem>>, vector<16xf32>,
        %get3A_741 = arith.index_cast %add3A_695 : i32 to index
        %get3A_742 = arith.constant 96 : index
        %get3A_743 = tpu.vector_load %arg18[%get3A_741, %get3A_742] {strides = array<i32>} : memref<128x128xf32, #tpu.memory_space<vmem>>, vector<16xf32>,
        %mul3A_744 = arith.mulf %get3A_743, %broadcast_in_dim3A_698 : vector<16xf32>
        %swap3A_745 = arith.index_cast %add3A_695 : i32 to index
        %swap3A_746 = arith.constant 96 : index
        %swap3A_747 = tpu.vector_load %arg18[%swap3A_745, %swap3A_746] {strides = array<i32>} : memref<128x128xf32, #tpu.memory_space<vmem>>, vector<16xf32>,
        tpu.vector_store %arg18[%swap3A_745, %swap3A_746], %mul3A_744 {strides = array<i32>} : memref<128x128xf32, #tpu.memory_space<vmem>>, vector<16xf32>,
        %get3A_748 = arith.index_cast %add3A_695 : i32 to index
        %get3A_749 = arith.constant 112 : index
        %get3A_750 = tpu.vector_load %arg18[%get3A_748, %get3A_749] {strides = array<i32>} : memref<128x128xf32, #tpu.memory_space<vmem>>, vector<16xf32>,
        %mul3A_751 = arith.mulf %get3A_750, %broadcast_in_dim3A_698 : vector<16xf32>
        %swap3A_752 = arith.index_cast %add3A_695 : i32 to index
        %swap3A_753 = arith.constant 112 : index
        %swap3A_754 = tpu.vector_load %arg18[%swap3A_752, %swap3A_753] {strides = array<i32>} : memref<128x128xf32, #tpu.memory_space<vmem>>, vector<16xf32>,
        tpu.vector_store %arg18[%swap3A_752, %swap3A_753], %mul3A_751 {strides = array<i32>} : memref<128x128xf32, #tpu.memory_space<vmem>>, vector<16xf32>,
        %mul3A_755 = arith.constant 16 : i32
        %mul3A_756 = arith.muli %scan3A_49, %mul3A_755 : i32
        %add3A_757 = arith.constant 11 : i32
        %add3A_758 = arith.addi %mul3A_756, %add3A_757 : i32
        %slice3A_759 = vector.extract_strided_slice %mul3A_64 {offsets = [11], sizes = [1], strides = [1]} : vector<16xf32> to vector<1xf32>
        %squeeze3A_760 = vector.extract %slice3A_759[0] : f32 from vector<1xf32>
        %broadcast_in_dim3A_761 = vector.broadcast %squeeze3A_760 : f32 to vector<16xf32>
        %get3A_762 = arith.index_cast %add3A_758 : i32 to index
        %get3A_763 = arith.constant 0 : index
        %get3A_764 = tpu.vector_load %arg18[%get3A_762, %get3A_763] {strides = array<i32>} : memref<128x128xf32, #tpu.memory_space<vmem>>, vector<16xf32>,
        %mul3A_765 = arith.mulf %get3A_764, %broadcast_in_dim3A_761 : vector<16xf32>
        %swap3A_766 = arith.index_cast %add3A_758 : i32 to index
        %swap3A_767 = arith.constant 0 : index
        %swap3A_768 = tpu.vector_load %arg18[%swap3A_766, %swap3A_767] {strides = array<i32>} : memref<128x128xf32, #tpu.memory_space<vmem>>, vector<16xf32>,
        tpu.vector_store %arg18[%swap3A_766, %swap3A_767], %mul3A_765 {strides = array<i32>} : memref<128x128xf32, #tpu.memory_space<vmem>>, vector<16xf32>,
        %get3A_769 = arith.index_cast %add3A_758 : i32 to index
        %get3A_770 = arith.constant 16 : index
        %get3A_771 = tpu.vector_load %arg18[%get3A_769, %get3A_770] {strides = array<i32>} : memref<128x128xf32, #tpu.memory_space<vmem>>, vector<16xf32>,
        %mul3A_772 = arith.mulf %get3A_771, %broadcast_in_dim3A_761 : vector<16xf32>
        %swap3A_773 = arith.index_cast %add3A_758 : i32 to index
        %swap3A_774 = arith.constant 16 : index
        %swap3A_775 = tpu.vector_load %arg18[%swap3A_773, %swap3A_774] {strides = array<i32>} : memref<128x128xf32, #tpu.memory_space<vmem>>, vector<16xf32>,
        tpu.vector_store %arg18[%swap3A_773, %swap3A_774], %mul3A_772 {strides = array<i32>} : memref<128x128xf32, #tpu.memory_space<vmem>>, vector<16xf32>,
        %get3A_776 = arith.index_cast %add3A_758 : i32 to index
        %get3A_777 = arith.constant 32 : index
        %get3A_778 = tpu.vector_load %arg18[%get3A_776, %get3A_777] {strides = array<i32>} : memref<128x128xf32, #tpu.memory_space<vmem>>, vector<16xf32>,
        %mul3A_779 = arith.mulf %get3A_778, %broadcast_in_dim3A_761 : vector<16xf32>
        %swap3A_780 = arith.index_cast %add3A_758 : i32 to index
        %swap3A_781 = arith.constant 32 : index
        %swap3A_782 = tpu.vector_load %arg18[%swap3A_780, %swap3A_781] {strides = array<i32>} : memref<128x128xf32, #tpu.memory_space<vmem>>, vector<16xf32>,
        tpu.vector_store %arg18[%swap3A_780, %swap3A_781], %mul3A_779 {strides = array<i32>} : memref<128x128xf32, #tpu.memory_space<vmem>>, vector<16xf32>,
        %get3A_783 = arith.index_cast %add3A_758 : i32 to index
        %get3A_784 = arith.constant 48 : index
        %get3A_785 = tpu.vector_load %arg18[%get3A_783, %get3A_784] {strides = array<i32>} : memref<128x128xf32, #tpu.memory_space<vmem>>, vector<16xf32>,
        %mul3A_786 = arith.mulf %get3A_785, %broadcast_in_dim3A_761 : vector<16xf32>
        %swap3A_787 = arith.index_cast %add3A_758 : i32 to index
        %swap3A_788 = arith.constant 48 : index
        %swap3A_789 = tpu.vector_load %arg18[%swap3A_787, %swap3A_788] {strides = array<i32>} : memref<128x128xf32, #tpu.memory_space<vmem>>, vector<16xf32>,
        tpu.vector_store %arg18[%swap3A_787, %swap3A_788], %mul3A_786 {strides = array<i32>} : memref<128x128xf32, #tpu.memory_space<vmem>>, vector<16xf32>,
        %get3A_790 = arith.index_cast %add3A_758 : i32 to index
        %get3A_791 = arith.constant 64 : index
        %get3A_792 = tpu.vector_load %arg18[%get3A_790, %get3A_791] {strides = array<i32>} : memref<128x128xf32, #tpu.memory_space<vmem>>, vector<16xf32>,
        %mul3A_793 = arith.mulf %get3A_792, %broadcast_in_dim3A_761 : vector<16xf32>
        %swap3A_794 = arith.index_cast %add3A_758 : i32 to index
        %swap3A_795 = arith.constant 64 : index
        %swap3A_796 = tpu.vector_load %arg18[%swap3A_794, %swap3A_795] {strides = array<i32>} : memref<128x128xf32, #tpu.memory_space<vmem>>, vector<16xf32>,
        tpu.vector_store %arg18[%swap3A_794, %swap3A_795], %mul3A_793 {strides = array<i32>} : memref<128x128xf32, #tpu.memory_space<vmem>>, vector<16xf32>,
        %get3A_797 = arith.index_cast %add3A_758 : i32 to index
        %get3A_798 = arith.constant 80 : index
        %get3A_799 = tpu.vector_load %arg18[%get3A_797, %get3A_798] {strides = array<i32>} : memref<128x128xf32, #tpu.memory_space<vmem>>, vector<16xf32>,
        %mul3A_800 = arith.mulf %get3A_799, %broadcast_in_dim3A_761 : vector<16xf32>
        %swap3A_801 = arith.index_cast %add3A_758 : i32 to index
        %swap3A_802 = arith.constant 80 : index
        %swap3A_803 = tpu.vector_load %arg18[%swap3A_801, %swap3A_802] {strides = array<i32>} : memref<128x128xf32, #tpu.memory_space<vmem>>, vector<16xf32>,
        tpu.vector_store %arg18[%swap3A_801, %swap3A_802], %mul3A_800 {strides = array<i32>} : memref<128x128xf32, #tpu.memory_space<vmem>>, vector<16xf32>,
        %get3A_804 = arith.index_cast %add3A_758 : i32 to index
        %get3A_805 = arith.constant 96 : index
        %get3A_806 = tpu.vector_load %arg18[%get3A_804, %get3A_805] {strides = array<i32>} : memref<128x128xf32, #tpu.memory_space<vmem>>, vector<16xf32>,
        %mul3A_807 = arith.mulf %get3A_806, %broadcast_in_dim3A_761 : vector<16xf32>
        %swap3A_808 = arith.index_cast %add3A_758 : i32 to index
        %swap3A_809 = arith.constant 96 : index
        %swap3A_810 = tpu.vector_load %arg18[%swap3A_808, %swap3A_809] {strides = array<i32>} : memref<128x128xf32, #tpu.memory_space<vmem>>, vector<16xf32>,
        tpu.vector_store %arg18[%swap3A_808, %swap3A_809], %mul3A_807 {strides = array<i32>} : memref<128x128xf32, #tpu.memory_space<vmem>>, vector<16xf32>,
        %get3A_811 = arith.index_cast %add3A_758 : i32 to index
        %get3A_812 = arith.constant 112 : index
        %get3A_813 = tpu.vector_load %arg18[%get3A_811, %get3A_812] {strides = array<i32>} : memref<128x128xf32, #tpu.memory_space<vmem>>, vector<16xf32>,
        %mul3A_814 = arith.mulf %get3A_813, %broadcast_in_dim3A_761 : vector<16xf32>
        %swap3A_815 = arith.index_cast %add3A_758 : i32 to index
        %swap3A_816 = arith.constant 112 : index
        %swap3A_817 = tpu.vector_load %arg18[%swap3A_815, %swap3A_816] {strides = array<i32>} : memref<128x128xf32, #tpu.memory_space<vmem>>, vector<16xf32>,
        tpu.vector_store %arg18[%swap3A_815, %swap3A_816], %mul3A_814 {strides = array<i32>} : memref<128x128xf32, #tpu.memory_space<vmem>>, vector<16xf32>,
        %mul3A_818 = arith.constant 16 : i32
        %mul3A_819 = arith.muli %scan3A_49, %mul3A_818 : i32
        %add3A_820 = arith.constant 12 : i32
        %add3A_821 = arith.addi %mul3A_819, %add3A_820 : i32
        %slice3A_822 = vector.extract_strided_slice %mul3A_64 {offsets = [12], sizes = [1], strides = [1]} : vector<16xf32> to vector<1xf32>
        %squeeze3A_823 = vector.extract %slice3A_822[0] : f32 from vector<1xf32>
        %broadcast_in_dim3A_824 = vector.broadcast %squeeze3A_823 : f32 to vector<16xf32>
        %get3A_825 = arith.index_cast %add3A_821 : i32 to index
        %get3A_826 = arith.constant 0 : index
        %get3A_827 = tpu.vector_load %arg18[%get3A_825, %get3A_826] {strides = array<i32>} : memref<128x128xf32, #tpu.memory_space<vmem>>, vector<16xf32>,
        %mul3A_828 = arith.mulf %get3A_827, %broadcast_in_dim3A_824 : vector<16xf32>
        %swap3A_829 = arith.index_cast %add3A_821 : i32 to index
        %swap3A_830 = arith.constant 0 : index
        %swap3A_831 = tpu.vector_load %arg18[%swap3A_829, %swap3A_830] {strides = array<i32>} : memref<128x128xf32, #tpu.memory_space<vmem>>, vector<16xf32>,
        tpu.vector_store %arg18[%swap3A_829, %swap3A_830], %mul3A_828 {strides = array<i32>} : memref<128x128xf32, #tpu.memory_space<vmem>>, vector<16xf32>,
        %get3A_832 = arith.index_cast %add3A_821 : i32 to index
        %get3A_833 = arith.constant 16 : index
        %get3A_834 = tpu.vector_load %arg18[%get3A_832, %get3A_833] {strides = array<i32>} : memref<128x128xf32, #tpu.memory_space<vmem>>, vector<16xf32>,
        %mul3A_835 = arith.mulf %get3A_834, %broadcast_in_dim3A_824 : vector<16xf32>
        %swap3A_836 = arith.index_cast %add3A_821 : i32 to index
        %swap3A_837 = arith.constant 16 : index
        %swap3A_838 = tpu.vector_load %arg18[%swap3A_836, %swap3A_837] {strides = array<i32>} : memref<128x128xf32, #tpu.memory_space<vmem>>, vector<16xf32>,
        tpu.vector_store %arg18[%swap3A_836, %swap3A_837], %mul3A_835 {strides = array<i32>} : memref<128x128xf32, #tpu.memory_space<vmem>>, vector<16xf32>,
        %get3A_839 = arith.index_cast %add3A_821 : i32 to index
        %get3A_840 = arith.constant 32 : index
        %get3A_841 = tpu.vector_load %arg18[%get3A_839, %get3A_840] {strides = array<i32>} : memref<128x128xf32, #tpu.memory_space<vmem>>, vector<16xf32>,
        %mul3A_842 = arith.mulf %get3A_841, %broadcast_in_dim3A_824 : vector<16xf32>
        %swap3A_843 = arith.index_cast %add3A_821 : i32 to index
        %swap3A_844 = arith.constant 32 : index
        %swap3A_845 = tpu.vector_load %arg18[%swap3A_843, %swap3A_844] {strides = array<i32>} : memref<128x128xf32, #tpu.memory_space<vmem>>, vector<16xf32>,
        tpu.vector_store %arg18[%swap3A_843, %swap3A_844], %mul3A_842 {strides = array<i32>} : memref<128x128xf32, #tpu.memory_space<vmem>>, vector<16xf32>,
        %get3A_846 = arith.index_cast %add3A_821 : i32 to index
        %get3A_847 = arith.constant 48 : index
        %get3A_848 = tpu.vector_load %arg18[%get3A_846, %get3A_847] {strides = array<i32>} : memref<128x128xf32, #tpu.memory_space<vmem>>, vector<16xf32>,
        %mul3A_849 = arith.mulf %get3A_848, %broadcast_in_dim3A_824 : vector<16xf32>
        %swap3A_850 = arith.index_cast %add3A_821 : i32 to index
        %swap3A_851 = arith.constant 48 : index
        %swap3A_852 = tpu.vector_load %arg18[%swap3A_850, %swap3A_851] {strides = array<i32>} : memref<128x128xf32, #tpu.memory_space<vmem>>, vector<16xf32>,
        tpu.vector_store %arg18[%swap3A_850, %swap3A_851], %mul3A_849 {strides = array<i32>} : memref<128x128xf32, #tpu.memory_space<vmem>>, vector<16xf32>,
        %get3A_853 = arith.index_cast %add3A_821 : i32 to index
        %get3A_854 = arith.constant 64 : index
        %get3A_855 = tpu.vector_load %arg18[%get3A_853, %get3A_854] {strides = array<i32>} : memref<128x128xf32, #tpu.memory_space<vmem>>, vector<16xf32>,
        %mul3A_856 = arith.mulf %get3A_855, %broadcast_in_dim3A_824 : vector<16xf32>
        %swap3A_857 = arith.index_cast %add3A_821 : i32 to index
        %swap3A_858 = arith.constant 64 : index
        %swap3A_859 = tpu.vector_load %arg18[%swap3A_857, %swap3A_858] {strides = array<i32>} : memref<128x128xf32, #tpu.memory_space<vmem>>, vector<16xf32>,
        tpu.vector_store %arg18[%swap3A_857, %swap3A_858], %mul3A_856 {strides = array<i32>} : memref<128x128xf32, #tpu.memory_space<vmem>>, vector<16xf32>,
        %get3A_860 = arith.index_cast %add3A_821 : i32 to index
        %get3A_861 = arith.constant 80 : index
        %get3A_862 = tpu.vector_load %arg18[%get3A_860, %get3A_861] {strides = array<i32>} : memref<128x128xf32, #tpu.memory_space<vmem>>, vector<16xf32>,
        %mul3A_863 = arith.mulf %get3A_862, %broadcast_in_dim3A_824 : vector<16xf32>
        %swap3A_864 = arith.index_cast %add3A_821 : i32 to index
        %swap3A_865 = arith.constant 80 : index
        %swap3A_866 = tpu.vector_load %arg18[%swap3A_864, %swap3A_865] {strides = array<i32>} : memref<128x128xf32, #tpu.memory_space<vmem>>, vector<16xf32>,
        tpu.vector_store %arg18[%swap3A_864, %swap3A_865], %mul3A_863 {strides = array<i32>} : memref<128x128xf32, #tpu.memory_space<vmem>>, vector<16xf32>,
        %get3A_867 = arith.index_cast %add3A_821 : i32 to index
        %get3A_868 = arith.constant 96 : index
        %get3A_869 = tpu.vector_load %arg18[%get3A_867, %get3A_868] {strides = array<i32>} : memref<128x128xf32, #tpu.memory_space<vmem>>, vector<16xf32>,
        %mul3A_870 = arith.mulf %get3A_869, %broadcast_in_dim3A_824 : vector<16xf32>
        %swap3A_871 = arith.index_cast %add3A_821 : i32 to index
        %swap3A_872 = arith.constant 96 : index
        %swap3A_873 = tpu.vector_load %arg18[%swap3A_871, %swap3A_872] {strides = array<i32>} : memref<128x128xf32, #tpu.memory_space<vmem>>, vector<16xf32>,
        tpu.vector_store %arg18[%swap3A_871, %swap3A_872], %mul3A_870 {strides = array<i32>} : memref<128x128xf32, #tpu.memory_space<vmem>>, vector<16xf32>,
        %get3A_874 = arith.index_cast %add3A_821 : i32 to index
        %get3A_875 = arith.constant 112 : index
        %get3A_876 = tpu.vector_load %arg18[%get3A_874, %get3A_875] {strides = array<i32>} : memref<128x128xf32, #tpu.memory_space<vmem>>, vector<16xf32>,
        %mul3A_877 = arith.mulf %get3A_876, %broadcast_in_dim3A_824 : vector<16xf32>
        %swap3A_878 = arith.index_cast %add3A_821 : i32 to index
        %swap3A_879 = arith.constant 112 : index
        %swap3A_880 = tpu.vector_load %arg18[%swap3A_878, %swap3A_879] {strides = array<i32>} : memref<128x128xf32, #tpu.memory_space<vmem>>, vector<16xf32>,
        tpu.vector_store %arg18[%swap3A_878, %swap3A_879], %mul3A_877 {strides = array<i32>} : memref<128x128xf32, #tpu.memory_space<vmem>>, vector<16xf32>,
        %mul3A_881 = arith.constant 16 : i32
        %mul3A_882 = arith.muli %scan3A_49, %mul3A_881 : i32
        %add3A_883 = arith.constant 13 : i32
        %add3A_884 = arith.addi %mul3A_882, %add3A_883 : i32
        %slice3A_885 = vector.extract_strided_slice %mul3A_64 {offsets = [13], sizes = [1], strides = [1]} : vector<16xf32> to vector<1xf32>
        %squeeze3A_886 = vector.extract %slice3A_885[0] : f32 from vector<1xf32>
        %broadcast_in_dim3A_887 = vector.broadcast %squeeze3A_886 : f32 to vector<16xf32>
        %get3A_888 = arith.index_cast %add3A_884 : i32 to index
        %get3A_889 = arith.constant 0 : index
        %get3A_890 = tpu.vector_load %arg18[%get3A_888, %get3A_889] {strides = array<i32>} : memref<128x128xf32, #tpu.memory_space<vmem>>, vector<16xf32>,
        %mul3A_891 = arith.mulf %get3A_890, %broadcast_in_dim3A_887 : vector<16xf32>
        %swap3A_892 = arith.index_cast %add3A_884 : i32 to index
        %swap3A_893 = arith.constant 0 : index
        %swap3A_894 = tpu.vector_load %arg18[%swap3A_892, %swap3A_893] {strides = array<i32>} : memref<128x128xf32, #tpu.memory_space<vmem>>, vector<16xf32>,
        tpu.vector_store %arg18[%swap3A_892, %swap3A_893], %mul3A_891 {strides = array<i32>} : memref<128x128xf32, #tpu.memory_space<vmem>>, vector<16xf32>,
        %get3A_895 = arith.index_cast %add3A_884 : i32 to index
        %get3A_896 = arith.constant 16 : index
        %get3A_897 = tpu.vector_load %arg18[%get3A_895, %get3A_896] {strides = array<i32>} : memref<128x128xf32, #tpu.memory_space<vmem>>, vector<16xf32>,
        %mul3A_898 = arith.mulf %get3A_897, %broadcast_in_dim3A_887 : vector<16xf32>
        %swap3A_899 = arith.index_cast %add3A_884 : i32 to index
        %swap3A_900 = arith.constant 16 : index
        %swap3A_901 = tpu.vector_load %arg18[%swap3A_899, %swap3A_900] {strides = array<i32>} : memref<128x128xf32, #tpu.memory_space<vmem>>, vector<16xf32>,
        tpu.vector_store %arg18[%swap3A_899, %swap3A_900], %mul3A_898 {strides = array<i32>} : memref<128x128xf32, #tpu.memory_space<vmem>>, vector<16xf32>,
        %get3A_902 = arith.index_cast %add3A_884 : i32 to index
        %get3A_903 = arith.constant 32 : index
        %get3A_904 = tpu.vector_load %arg18[%get3A_902, %get3A_903] {strides = array<i32>} : memref<128x128xf32, #tpu.memory_space<vmem>>, vector<16xf32>,
        %mul3A_905 = arith.mulf %get3A_904, %broadcast_in_dim3A_887 : vector<16xf32>
        %swap3A_906 = arith.index_cast %add3A_884 : i32 to index
        %swap3A_907 = arith.constant 32 : index
        %swap3A_908 = tpu.vector_load %arg18[%swap3A_906, %swap3A_907] {strides = array<i32>} : memref<128x128xf32, #tpu.memory_space<vmem>>, vector<16xf32>,
        tpu.vector_store %arg18[%swap3A_906, %swap3A_907], %mul3A_905 {strides = array<i32>} : memref<128x128xf32, #tpu.memory_space<vmem>>, vector<16xf32>,
        %get3A_909 = arith.index_cast %add3A_884 : i32 to index
        %get3A_910 = arith.constant 48 : index
        %get3A_911 = tpu.vector_load %arg18[%get3A_909, %get3A_910] {strides = array<i32>} : memref<128x128xf32, #tpu.memory_space<vmem>>, vector<16xf32>,
        %mul3A_912 = arith.mulf %get3A_911, %broadcast_in_dim3A_887 : vector<16xf32>
        %swap3A_913 = arith.index_cast %add3A_884 : i32 to index
        %swap3A_914 = arith.constant 48 : index
        %swap3A_915 = tpu.vector_load %arg18[%swap3A_913, %swap3A_914] {strides = array<i32>} : memref<128x128xf32, #tpu.memory_space<vmem>>, vector<16xf32>,
        tpu.vector_store %arg18[%swap3A_913, %swap3A_914], %mul3A_912 {strides = array<i32>} : memref<128x128xf32, #tpu.memory_space<vmem>>, vector<16xf32>,
        %get3A_916 = arith.index_cast %add3A_884 : i32 to index
        %get3A_917 = arith.constant 64 : index
        %get3A_918 = tpu.vector_load %arg18[%get3A_916, %get3A_917] {strides = array<i32>} : memref<128x128xf32, #tpu.memory_space<vmem>>, vector<16xf32>,
        %mul3A_919 = arith.mulf %get3A_918, %broadcast_in_dim3A_887 : vector<16xf32>
        %swap3A_920 = arith.index_cast %add3A_884 : i32 to index
        %swap3A_921 = arith.constant 64 : index
        %swap3A_922 = tpu.vector_load %arg18[%swap3A_920, %swap3A_921] {strides = array<i32>} : memref<128x128xf32, #tpu.memory_space<vmem>>, vector<16xf32>,
        tpu.vector_store %arg18[%swap3A_920, %swap3A_921], %mul3A_919 {strides = array<i32>} : memref<128x128xf32, #tpu.memory_space<vmem>>, vector<16xf32>,
        %get3A_923 = arith.index_cast %add3A_884 : i32 to index
        %get3A_924 = arith.constant 80 : index
        %get3A_925 = tpu.vector_load %arg18[%get3A_923, %get3A_924] {strides = array<i32>} : memref<128x128xf32, #tpu.memory_space<vmem>>, vector<16xf32>,
        %mul3A_926 = arith.mulf %get3A_925, %broadcast_in_dim3A_887 : vector<16xf32>
        %swap3A_927 = arith.index_cast %add3A_884 : i32 to index
        %swap3A_928 = arith.constant 80 : index
        %swap3A_929 = tpu.vector_load %arg18[%swap3A_927, %swap3A_928] {strides = array<i32>} : memref<128x128xf32, #tpu.memory_space<vmem>>, vector<16xf32>,
        tpu.vector_store %arg18[%swap3A_927, %swap3A_928], %mul3A_926 {strides = array<i32>} : memref<128x128xf32, #tpu.memory_space<vmem>>, vector<16xf32>,
        %get3A_930 = arith.index_cast %add3A_884 : i32 to index
        %get3A_931 = arith.constant 96 : index
        %get3A_932 = tpu.vector_load %arg18[%get3A_930, %get3A_931] {strides = array<i32>} : memref<128x128xf32, #tpu.memory_space<vmem>>, vector<16xf32>,
        %mul3A_933 = arith.mulf %get3A_932, %broadcast_in_dim3A_887 : vector<16xf32>
        %swap3A_934 = arith.index_cast %add3A_884 : i32 to index
        %swap3A_935 = arith.constant 96 : index
        %swap3A_936 = tpu.vector_load %arg18[%swap3A_934, %swap3A_935] {strides = array<i32>} : memref<128x128xf32, #tpu.memory_space<vmem>>, vector<16xf32>,
        tpu.vector_store %arg18[%swap3A_934, %swap3A_935], %mul3A_933 {strides = array<i32>} : memref<128x128xf32, #tpu.memory_space<vmem>>, vector<16xf32>,
        %get3A_937 = arith.index_cast %add3A_884 : i32 to index
        %get3A_938 = arith.constant 112 : index
        %get3A_939 = tpu.vector_load %arg18[%get3A_937, %get3A_938] {strides = array<i32>} : memref<128x128xf32, #tpu.memory_space<vmem>>, vector<16xf32>,
        %mul3A_940 = arith.mulf %get3A_939, %broadcast_in_dim3A_887 : vector<16xf32>
        %swap3A_941 = arith.index_cast %add3A_884 : i32 to index
        %swap3A_942 = arith.constant 112 : index
        %swap3A_943 = tpu.vector_load %arg18[%swap3A_941, %swap3A_942] {strides = array<i32>} : memref<128x128xf32, #tpu.memory_space<vmem>>, vector<16xf32>,
        tpu.vector_store %arg18[%swap3A_941, %swap3A_942], %mul3A_940 {strides = array<i32>} : memref<128x128xf32, #tpu.memory_space<vmem>>, vector<16xf32>,
        %mul3A_944 = arith.constant 16 : i32
        %mul3A_945 = arith.muli %scan3A_49, %mul3A_944 : i32
        %add3A_946 = arith.constant 14 : i32
        %add3A_947 = arith.addi %mul3A_945, %add3A_946 : i32
        %slice3A_948 = vector.extract_strided_slice %mul3A_64 {offsets = [14], sizes = [1], strides = [1]} : vector<16xf32> to vector<1xf32>
        %squeeze3A_949 = vector.extract %slice3A_948[0] : f32 from vector<1xf32>
        %broadcast_in_dim3A_950 = vector.broadcast %squeeze3A_949 : f32 to vector<16xf32>
        %get3A_951 = arith.index_cast %add3A_947 : i32 to index
        %get3A_952 = arith.constant 0 : index
        %get3A_953 = tpu.vector_load %arg18[%get3A_951, %get3A_952] {strides = array<i32>} : memref<128x128xf32, #tpu.memory_space<vmem>>, vector<16xf32>,
        %mul3A_954 = arith.mulf %get3A_953, %broadcast_in_dim3A_950 : vector<16xf32>
        %swap3A_955 = arith.index_cast %add3A_947 : i32 to index
        %swap3A_956 = arith.constant 0 : index
        %swap3A_957 = tpu.vector_load %arg18[%swap3A_955, %swap3A_956] {strides = array<i32>} : memref<128x128xf32, #tpu.memory_space<vmem>>, vector<16xf32>,
        tpu.vector_store %arg18[%swap3A_955, %swap3A_956], %mul3A_954 {strides = array<i32>} : memref<128x128xf32, #tpu.memory_space<vmem>>, vector<16xf32>,
        %get3A_958 = arith.index_cast %add3A_947 : i32 to index
        %get3A_959 = arith.constant 16 : index
        %get3A_960 = tpu.vector_load %arg18[%get3A_958, %get3A_959] {strides = array<i32>} : memref<128x128xf32, #tpu.memory_space<vmem>>, vector<16xf32>,
        %mul3A_961 = arith.mulf %get3A_960, %broadcast_in_dim3A_950 : vector<16xf32>
        %swap3A_962 = arith.index_cast %add3A_947 : i32 to index
        %swap3A_963 = arith.constant 16 : index
        %swap3A_964 = tpu.vector_load %arg18[%swap3A_962, %swap3A_963] {strides = array<i32>} : memref<128x128xf32, #tpu.memory_space<vmem>>, vector<16xf32>,
        tpu.vector_store %arg18[%swap3A_962, %swap3A_963], %mul3A_961 {strides = array<i32>} : memref<128x128xf32, #tpu.memory_space<vmem>>, vector<16xf32>,
        %get3A_965 = arith.index_cast %add3A_947 : i32 to index
        %get3A_966 = arith.constant 32 : index
        %get3A_967 = tpu.vector_load %arg18[%get3A_965, %get3A_966] {strides = array<i32>} : memref<128x128xf32, #tpu.memory_space<vmem>>, vector<16xf32>,
        %mul3A_968 = arith.mulf %get3A_967, %broadcast_in_dim3A_950 : vector<16xf32>
        %swap3A_969 = arith.index_cast %add3A_947 : i32 to index
        %swap3A_970 = arith.constant 32 : index
        %swap3A_971 = tpu.vector_load %arg18[%swap3A_969, %swap3A_970] {strides = array<i32>} : memref<128x128xf32, #tpu.memory_space<vmem>>, vector<16xf32>,
        tpu.vector_store %arg18[%swap3A_969, %swap3A_970], %mul3A_968 {strides = array<i32>} : memref<128x128xf32, #tpu.memory_space<vmem>>, vector<16xf32>,
        %get3A_972 = arith.index_cast %add3A_947 : i32 to index
        %get3A_973 = arith.constant 48 : index
        %get3A_974 = tpu.vector_load %arg18[%get3A_972, %get3A_973] {strides = array<i32>} : memref<128x128xf32, #tpu.memory_space<vmem>>, vector<16xf32>,
        %mul3A_975 = arith.mulf %get3A_974, %broadcast_in_dim3A_950 : vector<16xf32>
        %swap3A_976 = arith.index_cast %add3A_947 : i32 to index
        %swap3A_977 = arith.constant 48 : index
        %swap3A_978 = tpu.vector_load %arg18[%swap3A_976, %swap3A_977] {strides = array<i32>} : memref<128x128xf32, #tpu.memory_space<vmem>>, vector<16xf32>,
        tpu.vector_store %arg18[%swap3A_976, %swap3A_977], %mul3A_975 {strides = array<i32>} : memref<128x128xf32, #tpu.memory_space<vmem>>, vector<16xf32>,
        %get3A_979 = arith.index_cast %add3A_947 : i32 to index
        %get3A_980 = arith.constant 64 : index
        %get3A_981 = tpu.vector_load %arg18[%get3A_979, %get3A_980] {strides = array<i32>} : memref<128x128xf32, #tpu.memory_space<vmem>>, vector<16xf32>,
        %mul3A_982 = arith.mulf %get3A_981, %broadcast_in_dim3A_950 : vector<16xf32>
        %swap3A_983 = arith.index_cast %add3A_947 : i32 to index
        %swap3A_984 = arith.constant 64 : index
        %swap3A_985 = tpu.vector_load %arg18[%swap3A_983, %swap3A_984] {strides = array<i32>} : memref<128x128xf32, #tpu.memory_space<vmem>>, vector<16xf32>,
        tpu.vector_store %arg18[%swap3A_983, %swap3A_984], %mul3A_982 {strides = array<i32>} : memref<128x128xf32, #tpu.memory_space<vmem>>, vector<16xf32>,
        %get3A_986 = arith.index_cast %add3A_947 : i32 to index
        %get3A_987 = arith.constant 80 : index
        %get3A_988 = tpu.vector_load %arg18[%get3A_986, %get3A_987] {strides = array<i32>} : memref<128x128xf32, #tpu.memory_space<vmem>>, vector<16xf32>,
        %mul3A_989 = arith.mulf %get3A_988, %broadcast_in_dim3A_950 : vector<16xf32>
        %swap3A_990 = arith.index_cast %add3A_947 : i32 to index
        %swap3A_991 = arith.constant 80 : index
        %swap3A_992 = tpu.vector_load %arg18[%swap3A_990, %swap3A_991] {strides = array<i32>} : memref<128x128xf32, #tpu.memory_space<vmem>>, vector<16xf32>,
        tpu.vector_store %arg18[%swap3A_990, %swap3A_991], %mul3A_989 {strides = array<i32>} : memref<128x128xf32, #tpu.memory_space<vmem>>, vector<16xf32>,
        %get3A_993 = arith.index_cast %add3A_947 : i32 to index
        %get3A_994 = arith.constant 96 : index
        %get3A_995 = tpu.vector_load %arg18[%get3A_993, %get3A_994] {strides = array<i32>} : memref<128x128xf32, #tpu.memory_space<vmem>>, vector<16xf32>,
        %mul3A_996 = arith.mulf %get3A_995, %broadcast_in_dim3A_950 : vector<16xf32>
        %swap3A_997 = arith.index_cast %add3A_947 : i32 to index
        %swap3A_998 = arith.constant 96 : index
        %swap3A_999 = tpu.vector_load %arg18[%swap3A_997, %swap3A_998] {strides = array<i32>} : memref<128x128xf32, #tpu.memory_space<vmem>>, vector<16xf32>,
        tpu.vector_store %arg18[%swap3A_997, %swap3A_998], %mul3A_996 {strides = array<i32>} : memref<128x128xf32, #tpu.memory_space<vmem>>, vector<16xf32>,
        %get3A_1000 = arith.index_cast %add3A_947 : i32 to index
        %get3A_1001 = arith.constant 112 : index
        %get3A_1002 = tpu.vector_load %arg18[%get3A_1000, %get3A_1001] {strides = array<i32>} : memref<128x128xf32, #tpu.memory_space<vmem>>, vector<16xf32>,
        %mul3A_1003 = arith.mulf %get3A_1002, %broadcast_in_dim3A_950 : vector<16xf32>
        %swap3A_1004 = arith.index_cast %add3A_947 : i32 to index
        %swap3A_1005 = arith.constant 112 : index
        %swap3A_1006 = tpu.vector_load %arg18[%swap3A_1004, %swap3A_1005] {strides = array<i32>} : memref<128x128xf32, #tpu.memory_space<vmem>>, vector<16xf32>,
        tpu.vector_store %arg18[%swap3A_1004, %swap3A_1005], %mul3A_1003 {strides = array<i32>} : memref<128x128xf32, #tpu.memory_space<vmem>>, vector<16xf32>,
        %mul3A_1007 = arith.constant 16 : i32
        %mul3A_1008 = arith.muli %scan3A_49, %mul3A_1007 : i32
        %add3A_1009 = arith.constant 15 : i32
        %add3A_1010 = arith.addi %mul3A_1008, %add3A_1009 : i32
        %slice3A_1011 = vector.extract_strided_slice %mul3A_64 {offsets = [15], sizes = [1], strides = [1]} : vector<16xf32> to vector<1xf32>
        %squeeze3A_1012 = vector.extract %slice3A_1011[0] : f32 from vector<1xf32>
        %broadcast_in_dim3A_1013 = vector.broadcast %squeeze3A_1012 : f32 to vector<16xf32>
        %get3A_1014 = arith.index_cast %add3A_1010 : i32 to index
        %get3A_1015 = arith.constant 0 : index
        %get3A_1016 = tpu.vector_load %arg18[%get3A_1014, %get3A_1015] {strides = array<i32>} : memref<128x128xf32, #tpu.memory_space<vmem>>, vector<16xf32>,
        %mul3A_1017 = arith.mulf %get3A_1016, %broadcast_in_dim3A_1013 : vector<16xf32>
        %swap3A_1018 = arith.index_cast %add3A_1010 : i32 to index
        %swap3A_1019 = arith.constant 0 : index
        %swap3A_1020 = tpu.vector_load %arg18[%swap3A_1018, %swap3A_1019] {strides = array<i32>} : memref<128x128xf32, #tpu.memory_space<vmem>>, vector<16xf32>,
        tpu.vector_store %arg18[%swap3A_1018, %swap3A_1019], %mul3A_1017 {strides = array<i32>} : memref<128x128xf32, #tpu.memory_space<vmem>>, vector<16xf32>,
        %get3A_1021 = arith.index_cast %add3A_1010 : i32 to index
        %get3A_1022 = arith.constant 16 : index
        %get3A_1023 = tpu.vector_load %arg18[%get3A_1021, %get3A_1022] {strides = array<i32>} : memref<128x128xf32, #tpu.memory_space<vmem>>, vector<16xf32>,
        %mul3A_1024 = arith.mulf %get3A_1023, %broadcast_in_dim3A_1013 : vector<16xf32>
        %swap3A_1025 = arith.index_cast %add3A_1010 : i32 to index
        %swap3A_1026 = arith.constant 16 : index
        %swap3A_1027 = tpu.vector_load %arg18[%swap3A_1025, %swap3A_1026] {strides = array<i32>} : memref<128x128xf32, #tpu.memory_space<vmem>>, vector<16xf32>,
        tpu.vector_store %arg18[%swap3A_1025, %swap3A_1026], %mul3A_1024 {strides = array<i32>} : memref<128x128xf32, #tpu.memory_space<vmem>>, vector<16xf32>,
        %get3A_1028 = arith.index_cast %add3A_1010 : i32 to index
        %get3A_1029 = arith.constant 32 : index
        %get3A_1030 = tpu.vector_load %arg18[%get3A_1028, %get3A_1029] {strides = array<i32>} : memref<128x128xf32, #tpu.memory_space<vmem>>, vector<16xf32>,
        %mul3A_1031 = arith.mulf %get3A_1030, %broadcast_in_dim3A_1013 : vector<16xf32>
        %swap3A_1032 = arith.index_cast %add3A_1010 : i32 to index
        %swap3A_1033 = arith.constant 32 : index
        %swap3A_1034 = tpu.vector_load %arg18[%swap3A_1032, %swap3A_1033] {strides = array<i32>} : memref<128x128xf32, #tpu.memory_space<vmem>>, vector<16xf32>,
        tpu.vector_store %arg18[%swap3A_1032, %swap3A_1033], %mul3A_1031 {strides = array<i32>} : memref<128x128xf32, #tpu.memory_space<vmem>>, vector<16xf32>,
        %get3A_1035 = arith.index_cast %add3A_1010 : i32 to index
        %get3A_1036 = arith.constant 48 : index
        %get3A_1037 = tpu.vector_load %arg18[%get3A_1035, %get3A_1036] {strides = array<i32>} : memref<128x128xf32, #tpu.memory_space<vmem>>, vector<16xf32>,
        %mul3A_1038 = arith.mulf %get3A_1037, %broadcast_in_dim3A_1013 : vector<16xf32>
        %swap3A_1039 = arith.index_cast %add3A_1010 : i32 to index
        %swap3A_1040 = arith.constant 48 : index
        %swap3A_1041 = tpu.vector_load %arg18[%swap3A_1039, %swap3A_1040] {strides = array<i32>} : memref<128x128xf32, #tpu.memory_space<vmem>>, vector<16xf32>,
        tpu.vector_store %arg18[%swap3A_1039, %swap3A_1040], %mul3A_1038 {strides = array<i32>} : memref<128x128xf32, #tpu.memory_space<vmem>>, vector<16xf32>,
        %get3A_1042 = arith.index_cast %add3A_1010 : i32 to index
        %get3A_1043 = arith.constant 64 : index
        %get3A_1044 = tpu.vector_load %arg18[%get3A_1042, %get3A_1043] {strides = array<i32>} : memref<128x128xf32, #tpu.memory_space<vmem>>, vector<16xf32>,
        %mul3A_1045 = arith.mulf %get3A_1044, %broadcast_in_dim3A_1013 : vector<16xf32>
        %swap3A_1046 = arith.index_cast %add3A_1010 : i32 to index
        %swap3A_1047 = arith.constant 64 : index
        %swap3A_1048 = tpu.vector_load %arg18[%swap3A_1046, %swap3A_1047] {strides = array<i32>} : memref<128x128xf32, #tpu.memory_space<vmem>>, vector<16xf32>,
        tpu.vector_store %arg18[%swap3A_1046, %swap3A_1047], %mul3A_1045 {strides = array<i32>} : memref<128x128xf32, #tpu.memory_space<vmem>>, vector<16xf32>,
        %get3A_1049 = arith.index_cast %add3A_1010 : i32 to index
        %get3A_1050 = arith.constant 80 : index
        %get3A_1051 = tpu.vector_load %arg18[%get3A_1049, %get3A_1050] {strides = array<i32>} : memref<128x128xf32, #tpu.memory_space<vmem>>, vector<16xf32>,
        %mul3A_1052 = arith.mulf %get3A_1051, %broadcast_in_dim3A_1013 : vector<16xf32>
        %swap3A_1053 = arith.index_cast %add3A_1010 : i32 to index
        %swap3A_1054 = arith.constant 80 : index
        %swap3A_1055 = tpu.vector_load %arg18[%swap3A_1053, %swap3A_1054] {strides = array<i32>} : memref<128x128xf32, #tpu.memory_space<vmem>>, vector<16xf32>,
        tpu.vector_store %arg18[%swap3A_1053, %swap3A_1054], %mul3A_1052 {strides = array<i32>} : memref<128x128xf32, #tpu.memory_space<vmem>>, vector<16xf32>,
        %get3A_1056 = arith.index_cast %add3A_1010 : i32 to index
        %get3A_1057 = arith.constant 96 : index
        %get3A_1058 = tpu.vector_load %arg18[%get3A_1056, %get3A_1057] {strides = array<i32>} : memref<128x128xf32, #tpu.memory_space<vmem>>, vector<16xf32>,
        %mul3A_1059 = arith.mulf %get3A_1058, %broadcast_in_dim3A_1013 : vector<16xf32>
        %swap3A_1060 = arith.index_cast %add3A_1010 : i32 to index
        %swap3A_1061 = arith.constant 96 : index
        %swap3A_1062 = tpu.vector_load %arg18[%swap3A_1060, %swap3A_1061] {strides = array<i32>} : memref<128x128xf32, #tpu.memory_space<vmem>>, vector<16xf32>,
        tpu.vector_store %arg18[%swap3A_1060, %swap3A_1061], %mul3A_1059 {strides = array<i32>} : memref<128x128xf32, #tpu.memory_space<vmem>>, vector<16xf32>,
        %get3A_1063 = arith.index_cast %add3A_1010 : i32 to index
        %get3A_1064 = arith.constant 112 : index
        %get3A_1065 = tpu.vector_load %arg18[%get3A_1063, %get3A_1064] {strides = array<i32>} : memref<128x128xf32, #tpu.memory_space<vmem>>, vector<16xf32>,
        %mul3A_1066 = arith.mulf %get3A_1065, %broadcast_in_dim3A_1013 : vector<16xf32>
        %swap3A_1067 = arith.index_cast %add3A_1010 : i32 to index
        %swap3A_1068 = arith.constant 112 : index
        %swap3A_1069 = tpu.vector_load %arg18[%swap3A_1067, %swap3A_1068] {strides = array<i32>} : memref<128x128xf32, #tpu.memory_space<vmem>>, vector<16xf32>,
        tpu.vector_store %arg18[%swap3A_1067, %swap3A_1068], %mul3A_1066 {strides = array<i32>} : memref<128x128xf32, #tpu.memory_space<vmem>>, vector<16xf32>,
      }
      %scan3A_48 = arith.constant 8 : i32
      "tpu.region"() ({
        %run_scoped3A = tpu.sem_alloc : memref<!tpu.dma_semaphore, #tpu.memory_space<semaphore_mem>>
        %dma_start3A_49 = arith.constant 0 : i32
        %dma_start3A_50 = arith.constant 0 : i32
        %dma_start3A_51 = tpu.memref_slice %arg19[%dma_start3A_49, %dma_start3A_50] : memref<10000x128xf32, #tpu.memory_space<vmem_shared>> -> memref<10000x128xf32, #tpu.memory_space<vmem_shared>>
        tpu.enqueue_indirect_dma source(%arg18 : memref<128x128xf32, #tpu.memory_space<vmem>>) target(%dma_start3A_51 : memref<10000x128xf32, #tpu.memory_space<vmem_shared>>) offsets(%arg13 : memref<128xi32, #tpu.memory_space<vmem>>) semaphore(%run_scoped3A : memref<!tpu.dma_semaphore, #tpu.memory_space<semaphore_mem>>) {add = true}
        %dma_wait3A_52 = arith.constant 0 : i32
        %dma_wait3A_53 = arith.constant 0 : i32
        %dma_wait3A_54 = tpu.memref_slice %arg19[%dma_wait3A_52, %dma_wait3A_53] : memref<10000x128xf32, #tpu.memory_space<vmem_shared>> -> memref<10000x128xf32, #tpu.memory_space<vmem_shared>>
        tpu.wait_indirect_dma semaphore(%run_scoped3A : memref<!tpu.dma_semaphore, #tpu.memory_space<semaphore_mem>>) src(%arg18 : memref<128x128xf32, #tpu.memory_space<vmem>>) dst(%dma_wait3A_54 : memref<10000x128xf32, #tpu.memory_space<vmem_shared>>)
        tpu.yield
      }) : () -> ()
      "tpu.region"() ({
        %run_scoped3A = tpu.sem_alloc : memref<!tpu.dma_semaphore, #tpu.memory_space<semaphore_mem>>
        %dma_start3A_49 = arith.constant 0 : i32
        %dma_start3A_50 = tpu.memref_slice %arg20[%dma_start3A_49] : memref<10000xf32, #tpu.memory_space<vmem_shared>> -> memref<10000xf32, #tpu.memory_space<vmem_shared>>
        tpu.enqueue_indirect_dma source(%arg17 : memref<128xf32, #tpu.memory_space<vmem>>) target(%dma_start3A_50 : memref<10000xf32, #tpu.memory_space<vmem_shared>>) offsets(%arg13 : memref<128xi32, #tpu.memory_space<vmem>>) semaphore(%run_scoped3A : memref<!tpu.dma_semaphore, #tpu.memory_space<semaphore_mem>>) {add = true}
        %dma_wait3A_51 = arith.constant 0 : i32
        %dma_wait3A_52 = tpu.memref_slice %arg20[%dma_wait3A_51] : memref<10000xf32, #tpu.memory_space<vmem_shared>> -> memref<10000xf32, #tpu.memory_space<vmem_shared>>
        tpu.wait_indirect_dma semaphore(%run_scoped3A : memref<!tpu.dma_semaphore, #tpu.memory_space<semaphore_mem>>) src(%arg17 : memref<128xf32, #tpu.memory_space<vmem>>) dst(%dma_wait3A_52 : memref<10000xf32, #tpu.memory_space<vmem_shared>>)
        tpu.yield
      }) : () -> ()
    }
    %barrier3A_25 = arith.constant 0 : index
    tpu.barrier barrier_id(%barrier3A_25)
    %lt3A_26 = arith.constant 15 : i32
    %lt3A_27 = arith.cmpi slt, %arg1, %lt3A_26 : i32
    %convert_element_type3A_28 = arith.extui %lt3A_27 : i1 to i32
    %cond3A_29 = arith.constant 0 : i32
    %cond3A_30 = arith.cmpi ne, %convert_element_type3A_28, %cond3A_29 : i32
    scf.if %cond3A_30 {
      %mul3A_36 = arith.constant 632 : i32
      %mul3A_37 = arith.muli %arg1, %mul3A_36 : i32
      %mul3A_38 = arith.constant 632 : i32
      %mul3A_39 = arith.muli %arg1, %mul3A_38 : i32
      "tpu.region"() ({
        %run_scoped3A = tpu.sem_alloc : memref<!tpu.dma_semaphore, #tpu.memory_space<semaphore_mem>>
        %dma_start3A = arith.constant 0 : i32
        %dma_start3A_44 = tpu.memref_slice %arg10[%arg0, %mul3A_39, %dma_start3A] : memref<2x10000x128xf32, #tpu.memory_space<hbm>> -> memref<1x632x128xf32, #tpu.memory_space<hbm>>
        %dma_start3A_45 = tpu.memref_squeeze %dma_start3A_44 : memref<1x632x128xf32, #tpu.memory_space<hbm>> -> memref<632x128xf32, #tpu.memory_space<hbm>>
        %dma_start3A_46 = arith.constant 0 : i32
        %dma_start3A_47 = tpu.memref_slice %arg19[%mul3A_37, %dma_start3A_46] : memref<10000x128xf32, #tpu.memory_space<vmem_shared>> -> memref<632x128xf32, #tpu.memory_space<vmem_shared>>
        tpu.enqueue_dma source(%dma_start3A_47 : memref<632x128xf32, #tpu.memory_space<vmem_shared>>) target(%dma_start3A_45 : memref<632x128xf32, #tpu.memory_space<hbm>>) target_semaphore(%run_scoped3A : memref<!tpu.dma_semaphore, #tpu.memory_space<semaphore_mem>>)
        %dma_wait3A = arith.constant 0 : i32
        %dma_wait3A_48 = tpu.memref_slice %arg10[%arg0, %mul3A_39, %dma_wait3A] : memref<2x10000x128xf32, #tpu.memory_space<hbm>> -> memref<1x632x128xf32, #tpu.memory_space<hbm>>
        %dma_wait3A_49 = tpu.memref_squeeze %dma_wait3A_48 : memref<1x632x128xf32, #tpu.memory_space<hbm>> -> memref<632x128xf32, #tpu.memory_space<hbm>>
        %dma_wait3A_50 = arith.constant 0 : i32
        %dma_wait3A_51 = tpu.memref_slice %arg19[%mul3A_37, %dma_wait3A_50] : memref<10000x128xf32, #tpu.memory_space<vmem_shared>> -> memref<632x128xf32, #tpu.memory_space<vmem_shared>>
        tpu.wait_dma2 semaphore(%run_scoped3A : memref<!tpu.dma_semaphore, #tpu.memory_space<semaphore_mem>>) src(%dma_wait3A_51 : memref<632x128xf32, #tpu.memory_space<vmem_shared>>) dst(%dma_wait3A_49 : memref<632x128xf32, #tpu.memory_space<hbm>>)
        tpu.yield
      }) : () -> ()
      %mul3A_40 = arith.constant 632 : i32
      %mul3A_41 = arith.muli %arg1, %mul3A_40 : i32
      %mul3A_42 = arith.constant 632 : i32
      %mul3A_43 = arith.muli %arg1, %mul3A_42 : i32
      "tpu.region"() ({
        %run_scoped3A = tpu.sem_alloc : memref<!tpu.dma_semaphore, #tpu.memory_space<semaphore_mem>>
        %dma_start3A = tpu.memref_slice %arg11[%arg0, %mul3A_43] : memref<2x10000xf32, #tpu.memory_space<hbm>> -> memref<1x632xf32, #tpu.memory_space<hbm>>
        %dma_start3A_44 = tpu.memref_squeeze %dma_start3A : memref<1x632xf32, #tpu.memory_space<hbm>> -> memref<632xf32, #tpu.memory_space<hbm>>
        %dma_start3A_45 = tpu.memref_slice %arg20[%mul3A_41] : memref<10000xf32, #tpu.memory_space<vmem_shared>> -> memref<632xf32, #tpu.memory_space<vmem_shared>>
        tpu.enqueue_dma source(%dma_start3A_45 : memref<632xf32, #tpu.memory_space<vmem_shared>>) target(%dma_start3A_44 : memref<632xf32, #tpu.memory_space<hbm>>) target_semaphore(%run_scoped3A : memref<!tpu.dma_semaphore, #tpu.memory_space<semaphore_mem>>)
        %dma_wait3A = tpu.memref_slice %arg11[%arg0, %mul3A_43] : memref<2x10000xf32, #tpu.memory_space<hbm>> -> memref<1x632xf32, #tpu.memory_space<hbm>>
        %dma_wait3A_46 = tpu.memref_squeeze %dma_wait3A : memref<1x632xf32, #tpu.memory_space<hbm>> -> memref<632xf32, #tpu.memory_space<hbm>>
        %dma_wait3A_47 = tpu.memref_slice %arg20[%mul3A_41] : memref<10000xf32, #tpu.memory_space<vmem_shared>> -> memref<632xf32, #tpu.memory_space<vmem_shared>>
        tpu.wait_dma2 semaphore(%run_scoped3A : memref<!tpu.dma_semaphore, #tpu.memory_space<semaphore_mem>>) src(%dma_wait3A_47 : memref<632xf32, #tpu.memory_space<vmem_shared>>) dst(%dma_wait3A_46 : memref<632xf32, #tpu.memory_space<hbm>>)
        tpu.yield
      }) : () -> ()
    } else {
    }
    %eq3A_31 = arith.constant 15 : i32
    %eq3A_32 = arith.cmpi eq, %arg1, %eq3A_31 : i32
    %convert_element_type3A_33 = arith.extui %eq3A_32 : i1 to i32
    %cond3A_34 = arith.constant 0 : i32
    %cond3A_35 = arith.cmpi ne, %convert_element_type3A_33, %cond3A_34 : i32
    scf.if %cond3A_35 {
      "tpu.region"() ({
        %run_scoped3A = tpu.sem_alloc : memref<!tpu.dma_semaphore, #tpu.memory_space<semaphore_mem>>
        %dma_start3A = arith.constant 9480 : i32
        %dma_start3A_36 = arith.constant 0 : i32
        %dma_start3A_37 = tpu.memref_slice %arg10[%arg0, %dma_start3A, %dma_start3A_36] : memref<2x10000x128xf32, #tpu.memory_space<hbm>> -> memref<1x520x128xf32, #tpu.memory_space<hbm>>
        %dma_start3A_38 = tpu.memref_squeeze %dma_start3A_37 : memref<1x520x128xf32, #tpu.memory_space<hbm>> -> memref<520x128xf32, #tpu.memory_space<hbm>>
        %dma_start3A_39 = arith.constant 9480 : i32
        %dma_start3A_40 = arith.constant 0 : i32
        %dma_start3A_41 = tpu.memref_slice %arg19[%dma_start3A_39, %dma_start3A_40] : memref<10000x128xf32, #tpu.memory_space<vmem_shared>> -> memref<520x128xf32, #tpu.memory_space<vmem_shared>>
        tpu.enqueue_dma source(%dma_start3A_41 : memref<520x128xf32, #tpu.memory_space<vmem_shared>>) target(%dma_start3A_38 : memref<520x128xf32, #tpu.memory_space<hbm>>) target_semaphore(%run_scoped3A : memref<!tpu.dma_semaphore, #tpu.memory_space<semaphore_mem>>)
        %dma_wait3A = arith.constant 9480 : i32
        %dma_wait3A_42 = arith.constant 0 : i32
        %dma_wait3A_43 = tpu.memref_slice %arg10[%arg0, %dma_wait3A, %dma_wait3A_42] : memref<2x10000x128xf32, #tpu.memory_space<hbm>> -> memref<1x520x128xf32, #tpu.memory_space<hbm>>
        %dma_wait3A_44 = tpu.memref_squeeze %dma_wait3A_43 : memref<1x520x128xf32, #tpu.memory_space<hbm>> -> memref<520x128xf32, #tpu.memory_space<hbm>>
        %dma_wait3A_45 = arith.constant 9480 : i32
        %dma_wait3A_46 = arith.constant 0 : i32
        %dma_wait3A_47 = tpu.memref_slice %arg19[%dma_wait3A_45, %dma_wait3A_46] : memref<10000x128xf32, #tpu.memory_space<vmem_shared>> -> memref<520x128xf32, #tpu.memory_space<vmem_shared>>
        tpu.wait_dma2 semaphore(%run_scoped3A : memref<!tpu.dma_semaphore, #tpu.memory_space<semaphore_mem>>) src(%dma_wait3A_47 : memref<520x128xf32, #tpu.memory_space<vmem_shared>>) dst(%dma_wait3A_44 : memref<520x128xf32, #tpu.memory_space<hbm>>)
        tpu.yield
      }) : () -> ()
      "tpu.region"() ({
        %run_scoped3A = tpu.sem_alloc : memref<!tpu.dma_semaphore, #tpu.memory_space<semaphore_mem>>
        %dma_start3A = arith.constant 9480 : i32
        %dma_start3A_36 = tpu.memref_slice %arg11[%arg0, %dma_start3A] : memref<2x10000xf32, #tpu.memory_space<hbm>> -> memref<1x520xf32, #tpu.memory_space<hbm>>
        %dma_start3A_37 = tpu.memref_squeeze %dma_start3A_36 : memref<1x520xf32, #tpu.memory_space<hbm>> -> memref<520xf32, #tpu.memory_space<hbm>>
        %dma_start3A_38 = arith.constant 9480 : i32
        %dma_start3A_39 = tpu.memref_slice %arg20[%dma_start3A_38] : memref<10000xf32, #tpu.memory_space<vmem_shared>> -> memref<520xf32, #tpu.memory_space<vmem_shared>>
        tpu.enqueue_dma source(%dma_start3A_39 : memref<520xf32, #tpu.memory_space<vmem_shared>>) target(%dma_start3A_37 : memref<520xf32, #tpu.memory_space<hbm>>) target_semaphore(%run_scoped3A : memref<!tpu.dma_semaphore, #tpu.memory_space<semaphore_mem>>)
        %dma_wait3A = arith.constant 9480 : i32
        %dma_wait3A_40 = tpu.memref_slice %arg11[%arg0, %dma_wait3A] : memref<2x10000xf32, #tpu.memory_space<hbm>> -> memref<1x520xf32, #tpu.memory_space<hbm>>
        %dma_wait3A_41 = tpu.memref_squeeze %dma_wait3A_40 : memref<1x520xf32, #tpu.memory_space<hbm>> -> memref<520xf32, #tpu.memory_space<hbm>>
        %dma_wait3A_42 = arith.constant 9480 : i32
        %dma_wait3A_43 = tpu.memref_slice %arg20[%dma_wait3A_42] : memref<10000xf32, #tpu.memory_space<vmem_shared>> -> memref<520xf32, #tpu.memory_space<vmem_shared>>
        tpu.wait_dma2 semaphore(%run_scoped3A : memref<!tpu.dma_semaphore, #tpu.memory_space<semaphore_mem>>) src(%dma_wait3A_43 : memref<520xf32, #tpu.memory_space<vmem_shared>>) dst(%dma_wait3A_41 : memref<520xf32, #tpu.memory_space<hbm>>)
        tpu.yield
      }) : () -> ()
    } else {
    }
    return
  }
}

module attributes {stable_mosaic.version = 14 : i64} {
  func.func @_tc1_body(%arg0: i32, %arg1: memref<1000x128xf32, #tpu.memory_space<vmem>>, %arg2: memref<16x128xf32, #tpu.memory_space<vmem>>, %arg3: memref<128x128xf32, #tpu.memory_space<vmem>>, %arg4: memref<128x128xf32, #tpu.memory_space<vmem>>, %arg5: memref<1000x16xf32, #tpu.memory_space<vmem>>, %arg6: memref<1000x128xf32, #tpu.memory_space<vmem>>, %arg7: memref<1000x128xf32, #tpu.memory_space<vmem>>) attributes {dimension_semantics = [#tpu.dimension_semantics<arbitrary>], iteration_bounds = array<i64: 10>, scalar_prefetch = 0 : i64, scratch_operands = 0 : i64, tpu.core_type = #tpu.core_type<tc>, window_params = [{transform_indices = @transform_0, window_bounds = array<i64: 1000, 128>}, {pipeline_mode = #tpu.pipeline_mode<synchronous>, transform_indices = @transform_1, window_bounds = array<i64: 16, 128>}, {pipeline_mode = #tpu.pipeline_mode<synchronous>, transform_indices = @transform_2, window_bounds = array<i64: 128, 128>}, {pipeline_mode = #tpu.pipeline_mode<synchronous>, transform_indices = @transform_3, window_bounds = array<i64: 128, 128>}, {transform_indices = @transform_4, window_bounds = array<i64: 1000, 16>}, {transform_indices = @transform_5, window_bounds = array<i64: 1000, 128>}, {transform_indices = @transform_6, window_bounds = array<i64: 1000, 128>}]} {
    %get3A = arith.constant 0 : index
    %get3A_0 = arith.constant 0 : index
    %get3A_1 = vector.load %arg1[%get3A, %get3A_0] : memref<1000x128xf32, #tpu.memory_space<vmem>>, vector<1000x128xf32>
    %get3A_2 = arith.constant 0 : index
    %get3A_3 = arith.constant 0 : index
    %get3A_4 = vector.load %arg2[%get3A_2, %get3A_3] : memref<16x128xf32, #tpu.memory_space<vmem>>, vector<16x128xf32>
    %dot_general3A = arith.constant dense<0.000000e+00> : vector<1000x16xf32>
    %dot_general3A_5 = tpu.matmul %get3A_1, %get3A_4, %dot_general3A {dimension_numbers = #tpu.dot_dimension_numbers<[1], [1], [0], [0], [0, 0, 1, 0], [], []>, precision = #tpu.contract_precision<fp32>, transpose_lhs_hint = false} : vector<1000x128xf32>, vector<16x128xf32>, vector<1000x16xf32> -> vector<1000x16xf32>
    %swap3A = arith.constant 0 : index
    %swap3A_6 = arith.constant 0 : index
    %swap3A_7 = vector.load %arg5[%swap3A, %swap3A_6] : memref<1000x16xf32, #tpu.memory_space<vmem>>, vector<1000x16xf32>
    tpu.vector_store %arg5[%swap3A, %swap3A_6], %dot_general3A_5 {strides = array<i32>} : memref<1000x16xf32, #tpu.memory_space<vmem>>, vector<1000x16xf32>,
    %get3A_8 = arith.constant 0 : index
    %get3A_9 = arith.constant 0 : index
    %get3A_10 = vector.load %arg3[%get3A_8, %get3A_9] : memref<128x128xf32, #tpu.memory_space<vmem>>, vector<128x128xf32>
    %dot_general3A_11 = arith.constant dense<0.000000e+00> : vector<1000x128xf32>
    %dot_general3A_12 = tpu.matmul %get3A_1, %get3A_10, %dot_general3A_11 {dimension_numbers = #tpu.dot_dimension_numbers<[1], [0], [0], [1], [0, 0, 1, 1], [], []>, transpose_lhs_hint = false} : vector<1000x128xf32>, vector<128x128xf32>, vector<1000x128xf32> -> vector<1000x128xf32>
    %swap3A_13 = arith.constant 0 : index
    %swap3A_14 = arith.constant 0 : index
    %swap3A_15 = vector.load %arg6[%swap3A_13, %swap3A_14] : memref<1000x128xf32, #tpu.memory_space<vmem>>, vector<1000x128xf32>
    tpu.vector_store %arg6[%swap3A_13, %swap3A_14], %dot_general3A_12 {strides = array<i32>} : memref<1000x128xf32, #tpu.memory_space<vmem>>, vector<1000x128xf32>,
    %get3A_16 = arith.constant 0 : index
    %get3A_17 = arith.constant 0 : index
    %get3A_18 = vector.load %arg4[%get3A_16, %get3A_17] : memref<128x128xf32, #tpu.memory_space<vmem>>, vector<128x128xf32>
    %dot_general3A_19 = arith.constant dense<0.000000e+00> : vector<1000x128xf32>
    %dot_general3A_20 = tpu.matmul %get3A_1, %get3A_18, %dot_general3A_19 {dimension_numbers = #tpu.dot_dimension_numbers<[1], [0], [0], [1], [0, 0, 1, 1], [], []>, transpose_lhs_hint = false} : vector<1000x128xf32>, vector<128x128xf32>, vector<1000x128xf32> -> vector<1000x128xf32>
    %swap3A_21 = arith.constant 0 : index
    %swap3A_22 = arith.constant 0 : index
    %swap3A_23 = vector.load %arg7[%swap3A_21, %swap3A_22] : memref<1000x128xf32, #tpu.memory_space<vmem>>, vector<1000x128xf32>
    tpu.vector_store %arg7[%swap3A_21, %swap3A_22], %dot_general3A_20 {strides = array<i32>} : memref<1000x128xf32, #tpu.memory_space<vmem>>, vector<1000x128xf32>,
    return
  }
  func.func @transform_0(%arg0: i32) -> (i32, i32) {
    %c0_i32 = arith.constant 0 : i32
    %c0_i32_0 = arith.constant 0 : i32
    return %arg0, %c0_i32 : i32, i32
  }
  func.func @transform_1(%arg0: i32) -> (i32, i32) {
    %c0_i32 = arith.constant 0 : i32
    %c0_i32_0 = arith.constant 0 : i32
    %c0_i32_1 = arith.constant 0 : i32
    return %c0_i32, %c0_i32_0 : i32, i32
  }
  func.func @transform_2(%arg0: i32) -> (i32, i32) {
    %c0_i32 = arith.constant 0 : i32
    %c0_i32_0 = arith.constant 0 : i32
    %c0_i32_1 = arith.constant 0 : i32
    return %c0_i32, %c0_i32_0 : i32, i32
  }
  func.func @transform_3(%arg0: i32) -> (i32, i32) {
    %c0_i32 = arith.constant 0 : i32
    %c0_i32_0 = arith.constant 0 : i32
    %c0_i32_1 = arith.constant 0 : i32
    return %c0_i32, %c0_i32_0 : i32, i32
  }
  func.func @transform_4(%arg0: i32) -> (i32, i32) {
    %c0_i32 = arith.constant 0 : i32
    %c0_i32_0 = arith.constant 0 : i32
    return %arg0, %c0_i32 : i32, i32
  }
  func.func @transform_5(%arg0: i32) -> (i32, i32) {
    %c0_i32 = arith.constant 0 : i32
    %c0_i32_0 = arith.constant 0 : i32
    return %arg0, %c0_i32 : i32, i32
  }
  func.func @transform_6(%arg0: i32) -> (i32, i32) {
    %c0_i32 = arith.constant 0 : i32
    %c0_i32_0 = arith.constant 0 : i32
    return %arg0, %c0_i32 : i32, i32
  }
}

module attributes {stable_mosaic.version = 14 : i64} {
  func.func @_tc3_body(%arg0: memref<2x80x125xf32, #tpu.memory_space<vmem>>, %arg1: memref<80x125xf32, #tpu.memory_space<vmem>>) attributes {dimension_semantics = [], scalar_prefetch = 0 : i64, scratch_operands = 0 : i64, tpu.core_type = #tpu.core_type<tc>} {
    %get3A = arith.constant 0 : index
    %get3A_0 = arith.constant 0 : index
    %get3A_1 = arith.constant 0 : index
    %get3A_2 = vector.load %arg0[%get3A, %get3A_0, %get3A_1] : memref<2x80x125xf32, #tpu.memory_space<vmem>>, vector<1x80x125xf32>
    %get3A_3 = vector.shape_cast %get3A_2 : vector<1x80x125xf32> to vector<80x125xf32>
    %get3A_4 = arith.constant 1 : index
    %get3A_5 = arith.constant 0 : index
    %get3A_6 = arith.constant 0 : index
    %get3A_7 = vector.load %arg0[%get3A_4, %get3A_5, %get3A_6] : memref<2x80x125xf32, #tpu.memory_space<vmem>>, vector<1x80x125xf32>
    %get3A_8 = vector.shape_cast %get3A_7 : vector<1x80x125xf32> to vector<80x125xf32>
    %add3A = arith.addf %get3A_3, %get3A_8 : vector<80x125xf32>
    %log3A = math.log %add3A : vector<80x125xf32>
    %mul3A = arith.constant 4.000000e+00 : f32
    %mul3A_9 = vector.broadcast %mul3A : f32 to vector<80x125xf32>
    %mul3A_10 = arith.mulf %mul3A_9, %log3A : vector<80x125xf32>
    %swap3A = arith.constant 0 : index
    %swap3A_11 = arith.constant 0 : index
    %swap3A_12 = vector.load %arg1[%swap3A, %swap3A_11] : memref<80x125xf32, #tpu.memory_space<vmem>>, vector<80x125xf32>
    tpu.vector_store %arg1[%swap3A, %swap3A_11], %mul3A_10 {strides = array<i32>} : memref<80x125xf32, #tpu.memory_space<vmem>>, vector<80x125xf32>,
    return
  }
}

module attributes {stable_mosaic.version = 14 : i64} {
  func.func @_tc4_body(%arg0: memref<10000x128xf32, #tpu.memory_space<vmem>>, %arg1: memref<10000x128xf32, #tpu.memory_space<vmem>>, %arg2: memref<10000x2xf32, #tpu.memory_space<vmem>>, %arg3: memref<10000x128xf32, #tpu.memory_space<vmem>>, %arg4: memref<128x128xf32, #tpu.memory_space<vmem>>, %arg5: memref<1x128xf32, #tpu.memory_space<vmem>>, %arg6: memref<1x128xf32, #tpu.memory_space<vmem>>, %arg7: memref<1x128xf32, #tpu.memory_space<vmem>>, %arg8: memref<10000x128xf32, #tpu.memory_space<vmem>>) attributes {dimension_semantics = [], scalar_prefetch = 0 : i64, scratch_operands = 0 : i64, tpu.core_type = #tpu.core_type<tc>} {
    %get3A = arith.constant 0 : index
    %get3A_0 = arith.constant 0 : index
    %get3A_1 = vector.load %arg0[%get3A, %get3A_0] : memref<10000x128xf32, #tpu.memory_space<vmem>>, vector<10000x128xf32>
    %get3A_2 = arith.constant 0 : index
    %get3A_3 = arith.constant 0 : index
    %get3A_4 = vector.load %arg1[%get3A_2, %get3A_3] : memref<10000x128xf32, #tpu.memory_space<vmem>>, vector<10000x128xf32>
    %add3A = arith.addf %get3A_1, %get3A_4 : vector<10000x128xf32>
    %get3A_5 = arith.constant 0 : index
    %get3A_6 = arith.constant 0 : index
    %get3A_7 = vector.load %arg2[%get3A_5, %get3A_6] : memref<10000x2xf32, #tpu.memory_space<vmem>>, vector<10000x1xf32>
    %get3A_8 = arith.constant 0 : index
    %get3A_9 = arith.constant 1 : index
    %get3A_10 = vector.load %arg2[%get3A_8, %get3A_9] : memref<10000x2xf32, #tpu.memory_space<vmem>>, vector<10000x1xf32>
    %add3A_11 = arith.addf %get3A_7, %get3A_10 : vector<10000x1xf32>
    %gt3A = arith.constant 0.000000e+00 : f32
    %gt3A_12 = vector.broadcast %gt3A : f32 to vector<10000x1xf32>
    %gt3A_13 = arith.cmpf ogt, %add3A_11, %gt3A_12 : vector<10000x1xf32>
    %jit3A = arith.constant 1.000000e+00 : f32
    %broadcast_in_dim3A = vector.broadcast %jit3A : f32 to vector<10000x1xf32>
    %select_n3A = arith.select %gt3A_13, %add3A_11, %broadcast_in_dim3A : vector<10000x1xi1>, vector<10000x1xf32>
    %div3A = vector.broadcast %select_n3A : vector<10000x1xf32> to vector<10000x128xf32>
    %div3A_14 = arith.divf %add3A, %div3A : vector<10000x128xf32>
    %get3A_15 = arith.constant 0 : index
    %get3A_16 = arith.constant 0 : index
    %get3A_17 = vector.load %arg3[%get3A_15, %get3A_16] : memref<10000x128xf32, #tpu.memory_space<vmem>>, vector<10000x128xf32>
    %broadcast_in_dim3A_18 = vector.shape_cast %gt3A_13 : vector<10000x1xi1> to vector<10000x1xi1>
    %broadcast_in_dim3A_19 = vector.broadcast %broadcast_in_dim3A_18 : vector<10000x1xi1> to vector<10000x128xi1>
    %select_n3A_20 = arith.select %broadcast_in_dim3A_19, %div3A_14, %get3A_17 : vector<10000x128xi1>, vector<10000x128xf32>
    %get3A_21 = arith.constant 0 : index
    %get3A_22 = arith.constant 0 : index
    %get3A_23 = vector.load %arg4[%get3A_21, %get3A_22] : memref<128x128xf32, #tpu.memory_space<vmem>>, vector<128x128xf32>
    %dot_general3A = arith.constant dense<0.000000e+00> : vector<10000x128xf32>
    %dot_general3A_24 = tpu.matmul %select_n3A_20, %get3A_23, %dot_general3A {dimension_numbers = #tpu.dot_dimension_numbers<[1], [0], [0], [1], [0, 0, 1, 1], [], []>, transpose_lhs_hint = false} : vector<10000x128xf32>, vector<128x128xf32>, vector<10000x128xf32> -> vector<10000x128xf32>
    %get3A_25 = arith.constant 0 : index
    %get3A_26 = arith.constant 0 : index
    %get3A_27 = vector.load %arg5[%get3A_25, %get3A_26] : memref<1x128xf32, #tpu.memory_space<vmem>>, vector<1x128xf32>
    %add3A_28 = vector.broadcast %get3A_27 : vector<1x128xf32> to vector<10000x128xf32>
    %add3A_29 = arith.addf %dot_general3A_24, %add3A_28 : vector<10000x128xf32>
    %max3A = arith.constant 0.000000e+00 : f32
    %max3A_30 = vector.broadcast %max3A : f32 to vector<10000x128xf32>
    %max3A_31 = arith.maximumf %add3A_29, %max3A_30 : vector<10000x128xf32>
    %reduce_sum3A = arith.constant dense<0.000000e+00> : vector<128xf32>
    %reduce_sum3A_32 = vector.multi_reduction <add>, %max3A_31, %reduce_sum3A [0] : vector<10000x128xf32> to vector<128xf32>
    %broadcast_in_dim3A_33 = vector.shape_cast %reduce_sum3A_32 : vector<128xf32> to vector<1x128xf32>
    %div3A_34 = arith.constant 1.000000e+04 : f32
    %div3A_35 = vector.broadcast %div3A_34 : f32 to vector<1x128xf32>
    %div3A_36 = arith.divf %broadcast_in_dim3A_33, %div3A_35 : vector<1x128xf32>
    %sub3A = vector.broadcast %div3A_36 : vector<1x128xf32> to vector<10000x128xf32>
    %sub3A_37 = arith.subf %max3A_31, %sub3A : vector<10000x128xf32>
    %mul3A = arith.mulf %sub3A_37, %sub3A_37 : vector<10000x128xf32>
    %reduce_sum3A_38 = arith.constant dense<0.000000e+00> : vector<128xf32>
    %reduce_sum3A_39 = vector.multi_reduction <add>, %mul3A, %reduce_sum3A_38 [0] : vector<10000x128xf32> to vector<128xf32>
    %broadcast_in_dim3A_40 = vector.shape_cast %reduce_sum3A_39 : vector<128xf32> to vector<1x128xf32>
    %div3A_41 = arith.constant 1.000000e+04 : f32
    %div3A_42 = vector.broadcast %div3A_41 : f32 to vector<1x128xf32>
    %div3A_43 = arith.divf %broadcast_in_dim3A_40, %div3A_42 : vector<1x128xf32>
    %get3A_44 = arith.constant 0 : index
    %get3A_45 = arith.constant 0 : index
    %get3A_46 = vector.load %arg6[%get3A_44, %get3A_45] : memref<1x128xf32, #tpu.memory_space<vmem>>, vector<1x128xf32>
    %mul3A_47 = vector.broadcast %get3A_46 : vector<1x128xf32> to vector<10000x128xf32>
    %mul3A_48 = arith.mulf %mul3A_47, %sub3A_37 : vector<10000x128xf32>
    %add3A_49 = arith.constant 9.99999974E-6 : f32
    %add3A_50 = vector.broadcast %add3A_49 : f32 to vector<1x128xf32>
    %add3A_51 = arith.addf %div3A_43, %add3A_50 : vector<1x128xf32>
    %rsqrt3A = math.rsqrt %add3A_51 : vector<1x128xf32>
    %mul3A_52 = vector.broadcast %rsqrt3A : vector<1x128xf32> to vector<10000x128xf32>
    %mul3A_53 = arith.mulf %mul3A_48, %mul3A_52 : vector<10000x128xf32>
    %get3A_54 = arith.constant 0 : index
    %get3A_55 = arith.constant 0 : index
    %get3A_56 = vector.load %arg7[%get3A_54, %get3A_55] : memref<1x128xf32, #tpu.memory_space<vmem>>, vector<1x128xf32>
    %add3A_57 = vector.broadcast %get3A_56 : vector<1x128xf32> to vector<10000x128xf32>
    %add3A_58 = arith.addf %mul3A_53, %add3A_57 : vector<10000x128xf32>
    %swap3A = arith.constant 0 : index
    %swap3A_59 = arith.constant 0 : index
    %swap3A_60 = vector.load %arg8[%swap3A, %swap3A_59] : memref<10000x128xf32, #tpu.memory_space<vmem>>, vector<10000x128xf32>
    tpu.vector_store %arg8[%swap3A, %swap3A_59], %add3A_58 {strides = array<i32>} : memref<10000x128xf32, #tpu.memory_space<vmem>>, vector<10000x128xf32>,
    return
  }
}

</mosaic_0001>

<sc_bundles>
// kernel: kernel.10.cloned.1.call-start
scs
__scs_entry_jumppad:
0x0: {  	(pc) =	sbr.rel $0x88, $3  }
0x1: {  	(tag) =	ssettag $0x0;
	lr =	simm.s32 $0x1  }
0x2: {  	[smem:$0x3F97] =	sst lr;
	_ =	strace $0xD0000000  }
0x3: {  	_ = 	snop  }
0x4: {  	_ = 	snop  }
0x5: {  	_ = 	snop  }
0x6: {  	_ = 	snop  }
0x7: {  	_ = 	snop  }
__scs_overlays_trampoline_lowered:
0x8: {  	[smem:$0x3FA6] =	sst s0  }
0x9: {  	[smem:$0x3FA7] =	sst s1  }
0xa: {  	[smem:$0x3FA8] =	sst s2  }
0xb: {  	[smem:$0x3FA9] =	sst s3  }
0xc: {  	[smem:$0x3FAA] =	sst s4  }
0xd: {  	[smem:$0x3FAB] =	sst s5  }
0xe: {  	[smem:$0x3FAC] =	sst s6  }
0xf: {  	[smem:$0x3FAD] =	sst s7  }
0x10: {  	[smem:$0x3FAE] =	sst s8  }
0x11: {  	[smem:$0x3FAF] =	sst s9;
	s0 =	simm.s32 @!p0 $0x0  }
0x12: {  	s1 =	sld [smem:$0x3F95];
	s0 =	simm.s32 @p0 $0x1  }
0x13: {  	[smem:$0x3FB0] =	sst s0;
	s0 =	simm.s32 @!p1 $0x0  }
0x14: {  	s2 =	sld [smem:$0x3F94];
	s0 =	simm.s32 @p1 $0x1  }
0x15: {  	[smem:$0x3FB1] =	sst s0;
	s0 =	simm.s32 @!p2 $0x0  }
0x16: {  	s3 =	sld [smem:$0x3FDB];
	s0 =	simm.s32 @p2 $0x1  }
0x17: {  	s4 =	simm.s32 $0x1BF5;
	[smem:$0x3FB3] =	sst s0  }
0x18: {  	s0 =	sld [smem:$0x3F96];
	_ =	swait.ge [sflag:s4], $0x0  }
0x19: {  	s7 =	sld [smem:$0x3F97]  }
0x1a: {  	s8 =	sadd.s32 $0xFFFFE003, lr  }
0x1b: {  	s9 =	sadd.s32 $0xFFFFFEF7, lr;
	s5 =	simm.s32 $0xFFFFFFFF;
	p2 =	slt.u32 s8, $0xFFFFF086  }
0x1c: {  	p1 =	slt.u32 s9, $0xF7A;
	s5 =	simm.s32 @!p2 $0x0  }
0x1d: {  	s5 =	simm.s32 @p1 $0x1;
	p0 =	seq.s32 s7, s2  }
0x1e: {  	s7 =	smul.u32 @!p0 $0xF7A, s2;
	p2 =	seq.s32 @!p0 s5, $0x0  }
0x1f: {  	s9 =	smul.u32 $0xF7A, s1;
	s8 =	simm.s32 @!p0 $0x1BF5;
	p2 =	por !p2, p0  }
0x20: {  	[sflag:s8] =	ssyncset.s32 @!p0 $0xFFFFF086;
	s6 =	sadd.s32 @!p0 s3, s7;
	s7 =	simm.s32 @!p0 $0x108  }
0x21: {  	s3 =	sadd.s32 s3, s9;
	s6 =	sadd.s32 @!p0 $0x88, s6;
	s7 =	simm.s32 @p2 $0x1082  }
0x22: {  	[simem:s7], [sflag:s8] =	dma.local @!p0 [hbm:s6], $0xF7A  }
0x23: {  	s9 =	sor.u32 $0xD0000000, s2;
	s6 =	simm.s32 $0x108;
	_ =	swait.ge @!p0 [sflag:s8], $0x0  }
0x24: {  	s3 =	sadd.s32 $0x88, s3;
	s6 =	simm.s32 @!p1 $0x1082;
	[sflag:s4] =	ssyncset.s32 $0xFFFFF086  }
0x25: {  	[simem:s6], [sflag:s4] =	dma.local [hbm:s3], $0xF7A  }
0x26: {  	[smem:$0x3F97] =	sst s1;
	(tag) =	ssettag s2;
	_ =	strace s9  }
0x27: {  	s1 =	sld [smem:$0x3FA7]  }
0x28: {  	s2 =	sld [smem:$0x3FA8]  }
0x29: {  	s4 =	sld [smem:$0x3FAA]  }
0x2a: {  	p0 =	seq.s32 s5, $0x0;
	s5 =	sld [smem:$0x3FAB]  }
0x2b: {  	s6 =	sld [smem:$0x3FAC]  }
0x2c: {  	s7 =	sld [smem:$0x3FAD]  }
0x2d: {  	s3 =	simm.s32 $0x108;
	s8 =	sld [smem:$0x3FAE]  }
0x2e: {  	s3 =	simm.s32 @!p0 $0x1082;
	s9 =	sld [smem:$0x3FAF]  }
0x2f: {  	lr =	sadd.s32 s0, s3;
	s0 =	sld [smem:$0x3FA6]  }
0x30: {  	s3 =	sld [smem:$0x3FA9]  }
0x31: {  	[smem:$0x3FB2] =	sst s10  }
0x32: {  	s10 =	sld [smem:$0x3FB0];
	_ =	sdelay $0x3  }
0x33: {  	p0 =	seq.s32 s10, $0x1;
	s10 =	sld [smem:$0x3FB2];
	_ =	sdelay $0x3  }
0x34: {  	[smem:$0x3FB2] =	sst s10  }
0x35: {  	s10 =	sld [smem:$0x3FB1];
	_ =	sdelay $0x3  }
0x36: {  	p1 =	seq.s32 s10, $0x1;
	s10 =	sld [smem:$0x3FB2];
	_ =	sdelay $0x3  }
0x37: {  	[smem:$0x3FB2] =	sst s10  }
0x38: {  	s10 =	sld [smem:$0x3FB3]  }
0x39: {  	_ = 	snop;
	(pc) =	sbr.ind lr, $3  }
0x3a: {  	_ = 	snop  }
0x3b: {  	_ = 	snop  }
0x3c: {  	p2 =	seq.s32 s10, $0x1;
	s10 =	sld [smem:$0x3FB2]  }
0x3d: {  	_ =	shalt  }
0x3e: {  	_ =	shalt  }
0x3f: {  	_ =	shalt  }
0x40: {  	_ =	shalt  }
0x41: {  	_ =	shalt  }
0x42: {  	_ =	shalt  }
0x43: {  	_ =	shalt  }
0x44: {  	_ =	shalt  }
0x45: {  	_ =	shalt  }
0x46: {  	_ =	shalt  }
0x47: {  	_ =	shalt  }
0x48: {  	_ =	shalt  }
0x49: {  	_ =	shalt  }
0x4a: {  	_ =	shalt  }
0x4b: {  	_ =	shalt  }
0x4c: {  	_ =	shalt  }
0x4d: {  	_ =	shalt  }
0x4e: {  	_ =	shalt  }
0x4f: {  	_ =	shalt  }
0x50: {  	_ =	shalt  }
0x51: {  	_ =	shalt  }
0x52: {  	_ =	shalt  }
0x53: {  	_ =	shalt  }
0x54: {  	_ =	shalt  }
0x55: {  	_ =	shalt  }
0x56: {  	_ =	shalt  }
0x57: {  	_ =	shalt  }
0x58: {  	_ =	shalt  }
0x59: {  	_ =	shalt  }
0x5a: {  	_ =	shalt  }
0x5b: {  	_ =	shalt  }
0x5c: {  	_ =	shalt  }
0x5d: {  	_ =	shalt  }
0x5e: {  	_ =	shalt  }
0x5f: {  	_ =	shalt  }
0x60: {  	_ =	shalt  }
0x61: {  	_ =	shalt  }
0x62: {  	_ =	shalt  }
0x63: {  	_ =	shalt  }
0x64: {  	_ =	shalt  }
0x65: {  	_ =	shalt  }
0x66: {  	_ =	shalt  }
0x67: {  	_ =	shalt  }
0x68: {  	_ =	shalt  }
0x69: {  	_ =	shalt  }
0x6a: {  	_ =	shalt  }
0x6b: {  	_ =	shalt  }
0x6c: {  	_ =	shalt  }
0x6d: {  	_ =	shalt  }
0x6e: {  	_ =	shalt  }
0x6f: {  	_ =	shalt  }
0x70: {  	_ =	shalt  }
0x71: {  	_ =	shalt  }
0x72: {  	_ =	shalt  }
0x73: {  	_ =	shalt  }
0x74: {  	_ =	shalt  }
0x75: {  	_ =	shalt  }
0x76: {  	_ =	shalt  }
0x77: {  	_ =	shalt  }
0x78: {  	_ =	shalt  }
0x79: {  	_ =	shalt  }
0x7a: {  	_ =	shalt  }
0x7b: {  	_ =	shalt  }
0x7c: {  	_ =	shalt  }
0x7d: {  	_ =	shalt  }
0x7e: {  	_ =	shalt  }
0x7f: {  	_ =	shalt  }
0x80: {  	_ =	shalt  }
0x81: {  	_ =	shalt  }
0x82: {  	_ =	shalt  }
0x83: {  	_ =	shalt  }
0x84: {  	_ =	shalt  }
0x85: {  	_ =	shalt  }
0x86: {  	_ =	shalt  }
0x87: {  	_ =	shalt  }
.Lfunc_end0:
.L_simem_size_0:
called_computation.1_lowered:
.L_overlay_start_0:
0x88: {  	s2 =	sld [smem:$0x3FD9]  }
0x89: {  	s3 =	sld [smem:$0x3FFE];
	_ =	sdelay $0x1  }
0x8a: {  	s1 =	srdreg.scid  }
0x8b: {  	s0 =	sand.u32 $0x1, s1  }
0x8c: {  	s17 =	sshll.u32 s0, $0xA;
	s2 =	sadd.s32 s3, s2  }
0x8d: {  	s2 =	sadd.s32 s2, s17  }
0x8e: {  	[smem:$0x3FBE] =	sst s2  }
0x8f: {  	_ = 	snop  }
0x90: {  	s2 =	sld [smem:$0x3FD0];
	(tm) =	ssettm $0x1  }
0x91: {  	s18 =	sld [smem:$0x3FFB];
	_ =	sdelay $0x3  }
0x92: {  	_ =	strace s18  }
0x93: {  	s3 =	sld [smem:$0x3FFC];
	_ =	sdelay $0x3  }
0x94: {  	_ =	strace s3  }
0x95: {  	s3 =	sld [smem:$0x3FFD];
	_ =	sdelay $0x3  }
0x96: {  	_ =	strace s3  }
0x97: {  	_ =	strace $0x8FFFFFFF  }
0x98: {  	s19 =	sld [smem:$0x3FDB];
	_ =	sdelay $0x1  }
0x99: {  	s4 =	simm.s32 $_scs_section_size  }
0x9a: {  	s5 =	simm.s32 $_size__tile_overlayer_lowered;
	s6 =	simm.s32 $_tile_overlayer_lowered  }
0x9b: {  	s22 =	simm.s32 $0x1BFF;
	s21 =	sshll.u32 s6, $0x1;
	s3 =	sadd.s32 s4, s19  }
0x9c: {  	s7 =	simm.s32 $0x0;
	s20 =	sshll.u32 s5, $0x1;
	s5 =	sadd.s32 s21, s3  }
0x9d: {  	[timem:s7], [sflag:s22] =	dma.local [hbm:s5], s20  }
0x9e: {  	_ =	swait.ge [sflag:s22], s20  }
0x9f: {  	s4 =	ssub.s32 $0x0, s20;
	[sflag:s22] =	ssyncset.done $0x0  }
0xa0: {  	[sflag:s22] =	ssyncadd.s32 s4;
	_ =	sdelay $0x1  }
0xa1: {  	s23 =	simm.s32 $0x1B8B  }
0xa2: {  	_ =	swait.ge [sflag:s23], $0x1  }
0xa3: {  	[sflag:s23] =	ssyncset.done $0x0  }
0xa4: {  	s25 =	simm.s32 $0x1B8E;
	s24 =	sld [smem:$0x3FFE];
	[sflag:s23] =	ssyncadd.s32 $0xFFFFFFFF  }
0xa5: {  	s26 =	simm.s32 $execute0_lowered;
	[smem:$0x3FD2] =	sst s25  }
0xa6: {  	s5 =	sshll.u32 s26, $0x1;
	_ =	strace $0x80000049;
	[dreg:$0x1] =	wrdreg $0xFFFFFFFF  }
0xa7: {  	s28 =	simm.s32 $_size_execute0_lowered;
	s3 =	sadd.s32 s3, s5;
	[dreg:$0x0] =	wrdreg $0x0  }
0xa8: {  	s5 =	sshll.u32 s28, $0x1;
	[dreg:$0x2] =	wrdreg s3  }
0xa9: {  	[dreg:$0x3] =	wrdreg s5  }
0xaa: {  	[dreg:$0x4] =	wrdreg $0xC0  }
0xab: {  	_ =	task [dreg:s7], $0x5FFFF  }
0xac: {  	[dreg:$0x1] =	wrdreg $0xFFFFFFFF  }
0xad: {  	[dreg:$0x0] =	wrdreg $0x60  }
0xae: {  	[dreg:$0x2] =	wrdreg s24  }
0xaf: {  	[dreg:$0x3] =	wrdreg s2  }
0xb0: {  	[dreg:$0x4] =	wrdreg $0x69900  }
0xb1: {  	[dreg:$0x5] =	wrdreg $0x1A2100  }
0xb2: {  	[dreg:$0x6] =	wrdreg $0x9  }
0xb3: {  	_ =	task.clear_ibuf [dreg:s7], $0x7FFFF;
	_ =	strace $0x90000049  }
0xb4: {  	s29 =	simm.s32 $0x9;
	_ =	strace $0x8000004B  }
0xb5: {  	_ =	swait.ge [sflag:s29], $0x1  }
0xb6: {  	[sflag:s29] =	ssyncadd.s32 $0xFFFFFFFF  }
0xb7: {  	_ =	strace $0x9000004B  }
0xb8: {  	_ =	sfence  }
0xb9: {  	s30 =	sld [smem:$0x0];
	_ =	sdelay $0x2  }
0xba: {  	s31 =	sshll.u32 s1, $0xD;
	s1 =	sshrl.u32 s1, $0x2  }
0xbb: {  	s3 =	sand.u32 $0x4000, s31;
	s1 =	sadd.s32 s1, s30  }
0xbc: {  	s0 =	sor.u32 s3, s0;
	s1 =	sshll.u32 s1, $0x11  }
0xbd: {  	s0 =	sor.u32 s1, s0  }
0xbe: {  	s0 =	sadd.s32 $0x8F2B, s0  }
0xbf: {  	[sflag:s0] =	ssyncadd.remote.s32 $0x1  }
0xc0: {  	_ =	sfence.sel $0xFFFF  }
0xc1: {  	[dreg:$0x0] =	wrdreg $0xFFFFFFFF;
	(pc) =	sbr.abs _section_cstart, $3  }
0xc2: {  	[dreg:$0x1] =	wrdreg $0xFFFFFFFF  }
0xc3: {  	_ =	task.clear_ibuf [dreg:s7], $0x2FFFF;
	_ =	strace $0x9FFFFFFF  }
0xc4: {  	(tm) =	ssettm $0x7FFFFFFF  }
0xc5: {  	_ =	shalt  }
tec
execute0_lowered:
.L_overlay_start_1:
0x0: {  	(tag) =	ssettag $0x1  }
0x1: {  	s0 =	rddreg [dreg:$0x0]  }
0x2: {  	s3 =	rddreg [dreg:$0x1]  }
0x3: {  	s1 =	rddreg [dreg:$0x2]  }
0x4: {  	s2 =	rddreg [dreg:$0x3];
	s4 =	simm.s32 $0x0  }
0x5: {  	s21 =	stileid.u32;
	s12 =	srdreg.scid;
	s28 =	simm.s32 $0x2710  }
0x6: {  	s29 =	simm.s32 $0x2790;
	s30 =	simm.s32 $0x2810;
	s31 =	simm.s32 $0x2890  }
0x7: {  	[smem:$0x7FF] =	sst s4;
	s5 =	sadd.s32 $0x16C00, s0;
	s6 =	sadd.s32 $0x20A00, s0  }
0x8: {  	s9 =	smul.u32 $0x278, s21;
	s7 =	sadd.s32 $0x2400, s0;
	s8 =	sadd.s32 $0x78A00, s0  }
0x9: {  	s10 =	sadd.s32 $0xC200, s0;
	s14 =	sand.u32 $0x1, s12;
	s19 =	sshll.u32 s21, $0x1  }
0xa: {  	s15 =	sadd.s32 $0x82800, s0;
	s17 =	sadd.s32 $0xCE00, s0;
	p0 =	slt.u32 s21, $0x2  }
0xb: {  	_ =	strace $0x8000004A;
	[dreg:$0x5] =	wrdreg s10;
	s10 =	sadd.s32 $0x2A800, s0  }
0xc: {  	s12 =	ssub.s32 $0x2, s14;
	s16 =	sor.u32 s14, s19;
	s23 =	smul.u32 $0x138800, s14  }
0xd: {  	s14 =	smul.u32 $0x2710, s14;
	s11 =	sshrl.u32 s9, $0x3;
	s20 =	sshrl.u32 s12, $0x1  }
0xe: {  	s18 =	smul.u32 $0x4E, s16;
	s22 =	smin.u32 s16, $0x4;
	s26 =	sadd.s32 s9, s2  }
0xf: {  	s13 =	sadd.s32 s11, s0;
	s19 =	ssub.s32 s12, s20;
	s20 =	smul.u32 $0x13C00, s21  }
0x10: {  	s11 =	simm.s32 $0x4F;
	[dreg:$0x8] =	wrdreg s26;
	s9 =	sadd.s32 s9, s14  }
0x11: {  	s14 =	sadd.s32 $0x2508, s14;
	s26 =	sadd.s32 $0x2508, s2;
	s0 =	sadd.s32 $0xCCA1, s0  }
0x12: {  	s11 =	simm.s32 @!p0 $0x4E;
	s12 =	sadd.s32 s22, s18;
	s13 =	sadd.s32 $0xC800, s13  }
0x13: {  	s9 =	sshrl.u32 s9, $0x3;
	s14 =	sshrl.u32 s14, $0x3;
	[dreg:$0xf] =	wrdreg s26  }
0x14: {  	[dreg:$0x10] =	wrdreg s0;
	p0 =	seq.s32 s21, $0xF;
	s26 =	simm.s32 $0x2  }
0x15: {  	s24 =	sshrl.u32 s20, $0x3;
	s22 =	sadd.s32 s20, s1;
	[dreg:$0x9] =	wrdreg s13  }
0x16: {  	s25 =	sadd.s32 s20, s23;
	[dreg:$0x6] =	wrdreg s22;
	s18 =	sadd.s32 s3, s24  }
0x17: {  	s22 =	sshrl.u32 s23, $0x3;
	s23 =	sadd.s32 $0x128400, s1;
	[dreg:$0x7] =	wrdreg s18  }
0x18: {  	s0 =	simm.s32 $0x80;
	s3 =	sadd.s32 $0x25080, s3;
	[dreg:$0xb] =	wrdreg s23  }
0x19: {  	s24 =	sadd.s32 s17, s9;
	s9 =	simm.s32 $0x1;
	[dreg:$0xc] =	wrdreg s3  }
0x1a: {  	s18 =	sshrl.u32 s25, $0x3;
	s13 =	sadd.s32 s15, s22;
	[dreg:$0xd] =	wrdreg s24  }
0x1b: {  	s25 =	sadd.s32 s17, s14;
	s3 =	simm.s32 $0x2990;
	s14 =	simm.s32 $0x0  }
0x1c: {  	s20 =	sadd.s32 s15, s18;
	[dreg:$0xe] =	wrdreg s25;
	s24 =	sadd.s32 $0x25080, s13  }
0x1d: {  	s25 =	smax.u32 s19, $0x1;
	s13 =	simm.s32 $0x2910;
	[dreg:$0xa] =	wrdreg s20  }
.LBB2_1:
0x1e: {  	s15 =	rddreg [dreg:$0xb]  }
0x1f: {  	s17 =	rddreg [dreg:$0xc]  }
0x20: {  	s18 =	simm.s32 @p0 $0x2;
	s16 =	sshrl.u32 @p0 s15, $0x3;
	s15 =	simm.s32 @p0 $0x1FC2  }
0x21: {  	[spmem:s16], [sflag:s15] =	dma.local @p0 [hbm:s17], $0x2080  }
0x22: {  	_ =	swait.ge @p0 [sflag:s18], $0x2080  }
0x23: {  	[sflag:s18] =	ssyncset.done @p0 $0x0;
	s17 =	rddreg [dreg:$0xf]  }
0x24: {  	s19 =	rddreg [dreg:$0x10];
	[sflag:s18] =	ssyncadd.s32 @p0 $0xFFFFDF80;
	s17 =	sshrl.u32 @p0 s17, $0x3  }
0x25: {  	[spmem:s17], [sflag:s15] =	dma.local @p0 [hbm:s19], $0x41  }
0x26: {  	_ =	swait.ge @p0 [sflag:s18], $0x41  }
0x27: {  	s20 =	simm.s32 @!p0 $0x2;
	s15 =	stileid.u32;
	[sflag:s18] =	ssyncset.done @p0 $0x0  }
0x28: {  	s15 =	sshll.u32 @!p0 s15, $0x6;
	[sflag:s18] =	ssyncadd.s32 @p0 $0xFFFFFFBF;
	s18 =	rddreg [dreg:$0x6]  }
0x29: {  	s15 =	sor.u32 @!p0 $0x1C02, s15;
	s19 =	rddreg [dreg:$0x7];
	s18 =	sshrl.u32 @!p0 s18, $0x3  }
0x2a: {  	[spmem:s18], [sflag:s15] =	dma.local @!p0 [hbm:s19], $0x2780  }
0x2b: {  	_ =	swait.ge @!p0 [sflag:s20], $0x2780  }
0x2c: {  	[sflag:s20] =	ssyncset.done @!p0 $0x0;
	s19 =	rddreg [dreg:$0x8]  }
0x2d: {  	s21 =	rddreg [dreg:$0x9];
	[sflag:s20] =	ssyncadd.s32 @!p0 $0xFFFFD880;
	s19 =	sshrl.u32 @!p0 s19, $0x3  }
0x2e: {  	[spmem:s19], [sflag:s15] =	dma.local @!p0 [hbm:s21], $0x4F  }
0x2f: {  	_ =	swait.ge @!p0 [sflag:s20], $0x4F  }
0x30: {  	[sflag:s20] =	ssyncset.done @!p0 $0x0  }
0x31: {  	s23 =	rddreg [dreg:$0x5];
	[sflag:s20] =	ssyncadd.s32 @!p0 $0xFFFFFFB1  }
0x32: {  	[tilespmem:s4], [sflag:$0x2] =	stream.linear.gather [hbm4b:s23+s4], $0x2710, $0x38;
	[tilespmem:$0x1A488] =	vst v63  }
0x33: {  	_ =	swait.ge [sflag:s26], $0x2710  }
0x34: {  	[sflag:s26] =	ssyncset.done $0x0  }
0x35: {  	[sflag:s26] =	ssyncadd.s32 $0xFFFFD8F0  }
0x36: {  	s20 =	simm.s32 $0x0;
	[bflag:$0x0] =	sbarrier.arrive $0xFFFF  }
.LBB2_2:
0x37: {  	s21 =	sadd.s32 s20, s12  }
0x38: {  	s21 =	sshll.u32 s21, $0x4  }
0x39: {  	s22 =	sand.u32 $0x1FFFFFF0, s21  }
0x3a: {  	s21 =	simm.s32 $0x0;
	s23 =	sadd.s32 s7, s22  }
0x3b: {  	[tilespmem:s28], [sflag:$0x2] =	stream.linear.gather [hbm4b:s23+s21], $0x80, $0x38;
	[tilespmem:$0x1A488] =	vst v63  }
0x3c: {  	_ =	swait.ge [sflag:s26], $0x80  }
0x3d: {  	[sflag:s26] =	ssyncset.done $0x0  }
0x3e: {  	s23 =	sadd.s32 s8, s22;
	[sflag:s26] =	ssyncadd.s32 $0xFFFFFF80  }
0x3f: {  	[tilespmem:s29], [sflag:$0x2] =	stream.linear.gather [hbm4b:s23+s21], $0x80, $0x38;
	[tilespmem:$0x1A488] =	vst v63  }
0x40: {  	_ =	swait.ge [sflag:s26], $0x80  }
0x41: {  	[sflag:s26] =	ssyncset.done $0x0  }
0x42: {  	s23 =	sadd.s32 s5, s22;
	[sflag:s26] =	ssyncadd.s32 $0xFFFFFF80  }
0x43: {  	[tilespmem:s30], [sflag:$0x2] =	stream.linear.gather [hbm4b:s23+s21], $0x80, $0x38;
	[tilespmem:$0x1A488] =	vst v63  }
0x44: {  	_ =	swait.ge [sflag:s26], $0x80  }
0x45: {  	[sflag:s26] =	ssyncset.done $0x0  }
0x46: {  	s22 =	sadd.s32 s6, s22;
	[sflag:s26] =	ssyncadd.s32 $0xFFFFFF80  }
0x47: {  	[tilespmem:s31], [sflag:$0x2] =	stream.linear.gather [hbm4b:s22+s21], $0x80, $0x38;
	[tilespmem:$0x1A488] =	vst v63  }
0x48: {  	_ =	swait.ge [sflag:s26], $0x80  }
0x49: {  	[sflag:s26] =	ssyncset.done $0x0  }
0x4a: {  	[sflag:s26] =	ssyncadd.s32 $0xFFFFFF80  }
0x4b: {  	[tilespmem:s3], [sflag:$0x1] =	stream.indirect.gather [hbm4b:s10+s0], $0x80, s29, s0, $0xb8;
	[tilespmem:$0x1A488] =	vst v63  }
0x4c: {  	_ =	swait.ge [sflag:s9], $0x4000  }
0x4d: {  	[sflag:s9] =	ssyncset.done $0x0  }
0x4e: {  	[sflag:s9] =	ssyncadd.s32 $0xFFFFC000  }
.LBB2_3:
0x4f: {  	s22 =	sshll.u32 s21, $0x4  }
0x50: {  	v0 =	vld [tilespmem:s22+$0x2710];
	_ =	sdelay $0x6  }
0x51: {  	v1 =	vld [tilespmem:s22+$0x2810]  }
0x52: {  	v0 =	vld.idx.msk [tilespmem:v0+s4+$0x0], $0xffff;
	_ =	sdelay $0x4  }
0x53: {  	v0 =	vsub.f32 v1, v0;
	_ =	sdelay $0x1  }
0x54: {  	v0 =	vmul.f32 $1.442695020e+00, v0;
	_ =	sdelay $0x1  }
0x55: {  	(erf) = vpow2.f32 v0;
	_ =	sdelay $0x6  }
0x56: {  	v10 =	vld [tilespmem:s22+$0x2890];
	_ =	sdelay $0x1  }
0x57: {  	s23 =	sshll.u32 s21, $0xB;
	v11 =	vpop (erf)  }
0x58: {  	s23 =	sand.u32 $0x3FFFF800, s23;
	[tilespmem:s22+$0x2910] =	vst v11  }
0x59: {  	v2 =	vld [tilespmem:s23+$0x2990]  }
0x5a: {  	v0 =	vmul.f32 v11, v10;
	v12 =	vld [tilespmem:s23+$0x29A0]  }
0x5b: {  	v3 =	vld [tilespmem:s23+$0x29B0]  }
0x5c: {  	v5 =	vld [tilespmem:s23+$0x29C0];
	v4 =	vbroadcast v0, $0x0  }
0x5d: {  	v6 =	vld [tilespmem:s23+$0x29D0]  }
0x5e: {  	v7 =	vld [tilespmem:s23+$0x29E0];
	v2 =	vmul.f32 v4, v2  }
0x5f: {  	v8 =	vld [tilespmem:s23+$0x29F0];
	v1 =	vmul.f32 v4, v12  }
0x60: {  	v14 =	vld [tilespmem:s23+$0x2A00];
	v13 =	vmul.f32 v3, v4;
	[tilespmem:s23+$0x2990] =	vst v2  }
0x61: {  	v16 =	vld [tilespmem:s23+$0x2A10];
	v15 =	vmul.f32 v5, v4;
	[tilespmem:s23+$0x29A0] =	vst v1  }
0x62: {  	v18 =	vld [tilespmem:s23+$0x2A20];
	v17 =	vmul.f32 v6, v4;
	[tilespmem:s23+$0x29B0] =	vst v13  }
0x63: {  	v20 =	vld [tilespmem:s23+$0x2A30];
	v19 =	vmul.f32 v7, v4;
	[tilespmem:s23+$0x29C0] =	vst v15  }
0x64: {  	v9 =	vld [tilespmem:s23+$0x2A40];
	v22 =	vbroadcast v0, $0x1;
	v21 =	vmul.f32 v8, v4;
	[tilespmem:s23+$0x29D0] =	vst v17  }
0x65: {  	v24 =	vld [tilespmem:s23+$0x2A50];
	v23 =	vmul.f32 v14, v4;
	[tilespmem:s23+$0x29E0] =	vst v19  }
0x66: {  	v26 =	vld [tilespmem:s23+$0x2A60];
	v25 =	vmul.f32 v16, v22;
	[tilespmem:s23+$0x29F0] =	vst v21  }
0x67: {  	v28 =	vld [tilespmem:s23+$0x2A70];
	v27 =	vmul.f32 v18, v22;
	[tilespmem:s23+$0x2A00] =	vst v23  }
0x68: {  	v30 =	vld [tilespmem:s23+$0x2A80];
	v29 =	vmul.f32 v20, v22;
	[tilespmem:s23+$0x2A10] =	vst v25  }
0x69: {  	v32 =	vld [tilespmem:s23+$0x2A90];
	v31 =	vmul.f32 v9, v22;
	[tilespmem:s23+$0x2A20] =	vst v27  }
0x6a: {  	v34 =	vld [tilespmem:s23+$0x2AA0];
	v33 =	vmul.f32 v24, v22;
	[tilespmem:s23+$0x2A30] =	vst v29  }
0x6b: {  	v36 =	vld [tilespmem:s23+$0x2AB0];
	v35 =	vmul.f32 v26, v22;
	[tilespmem:s23+$0x2A40] =	vst v31  }
0x6c: {  	v39 =	vld [tilespmem:s23+$0x2AC0];
	v38 =	vbroadcast v0, $0x2;
	v37 =	vmul.f32 v28, v22;
	[tilespmem:s23+$0x2A50] =	vst v33  }
0x6d: {  	v41 =	vld [tilespmem:s23+$0x2AD0];
	v40 =	vmul.f32 v30, v22;
	[tilespmem:s23+$0x2A60] =	vst v35  }
0x6e: {  	v43 =	vld [tilespmem:s23+$0x2AE0];
	v42 =	vmul.f32 v32, v38;
	[tilespmem:s23+$0x2A70] =	vst v37  }
0x6f: {  	v45 =	vld [tilespmem:s23+$0x2AF0];
	v44 =	vmul.f32 v34, v38;
	[tilespmem:s23+$0x2A80] =	vst v40  }
0x70: {  	v47 =	vld [tilespmem:s23+$0x2B00];
	v46 =	vmul.f32 v36, v38;
	[tilespmem:s23+$0x2A90] =	vst v42  }
0x71: {  	v49 =	vld [tilespmem:s23+$0x2B10];
	v48 =	vmul.f32 v39, v38;
	[tilespmem:s23+$0x2AA0] =	vst v44  }
0x72: {  	v51 =	vld [tilespmem:s23+$0x2B20];
	v50 =	vmul.f32 v41, v38;
	[tilespmem:s23+$0x2AB0] =	vst v46  }
0x73: {  	v53 =	vld [tilespmem:s23+$0x2B30];
	v52 =	vmul.f32 v43, v38;
	[tilespmem:s23+$0x2AC0] =	vst v48  }
0x74: {  	v56 =	vld [tilespmem:s23+$0x2B40];
	v55 =	vbroadcast v0, $0x3;
	v54 =	vmul.f32 v45, v38;
	[tilespmem:s23+$0x2AD0] =	vst v50  }
0x75: {  	v58 =	vld [tilespmem:s23+$0x2B50];
	v57 =	vmul.f32 v47, v38;
	[tilespmem:s23+$0x2AE0] =	vst v52  }
0x76: {  	v60 =	vld [tilespmem:s23+$0x2B60];
	v59 =	vmul.f32 v49, v55;
	[tilespmem:s23+$0x2AF0] =	vst v54  }
0x77: {  	v62 =	vld [tilespmem:s23+$0x2B70];
	v61 =	vmul.f32 v51, v55;
	[tilespmem:s23+$0x2B00] =	vst v57  }
0x78: {  	v63 =	vmul.f32 v53, v55;
	v12 =	vld [tilespmem:s23+$0x2B80];
	[tilespmem:s23+$0x2B10] =	vst v59  }
0x79: {  	v14 =	vld [tilespmem:s23+$0x2B90];
	[tilespmem:s23+$0x2B20] =	vst v61;
	v13 =	vmul.f32 v56, v55  }
0x7a: {  	v16 =	vld [tilespmem:s23+$0x2BA0];
	[tilespmem:s23+$0x2B30] =	vst v63;
	v15 =	vmul.f32 v58, v55  }
0x7b: {  	v18 =	vld [tilespmem:s23+$0x2BB0];
	v17 =	vmul.f32 v60, v55;
	[tilespmem:s23+$0x2B40] =	vst v13  }
0x7c: {  	v20 =	vbroadcast v0, $0x4;
	v38 =	vld [tilespmem:s23+$0x2C40];
	v19 =	vmul.f32 v62, v55;
	[tilespmem:s23+$0x2B50] =	vst v15  }
0x7d: {  	v21 =	vld [tilespmem:s23+$0x2BC0];
	[tilespmem:s23+$0x2B60] =	vst v17;
	v22 =	vmul.f32 v12, v55  }
0x7e: {  	v23 =	vld [tilespmem:s23+$0x2BD0];
	[tilespmem:s23+$0x2B70] =	vst v19;
	v24 =	vmul.f32 v14, v20  }
0x7f: {  	v25 =	vld [tilespmem:s23+$0x2BE0];
	v37 =	vbroadcast v0, $0x5;
	v26 =	vmul.f32 v16, v20;
	[tilespmem:s23+$0x2B80] =	vst v22  }
0x80: {  	v27 =	vld [tilespmem:s23+$0x2BF0];
	v28 =	vmul.f32 v18, v20;
	[tilespmem:s23+$0x2B90] =	vst v24  }
0x81: {  	v29 =	vld [tilespmem:s23+$0x2C00];
	v47 =	vmul.f32 v38, v37;
	[tilespmem:s23+$0x2BA0] =	vst v26  }
0x82: {  	v31 =	vld [tilespmem:s23+$0x2C10];
	v30 =	vmul.f32 v21, v20;
	[tilespmem:s23+$0x2BB0] =	vst v28  }
0x83: {  	v33 =	vld [tilespmem:s23+$0x2C20];
	v32 =	vmul.f32 v23, v20;
	[tilespmem:s23+$0x2C40] =	vst v47  }
0x84: {  	v35 =	vld [tilespmem:s23+$0x2C30];
	v34 =	vmul.f32 v25, v20;
	[tilespmem:s23+$0x2BC0] =	vst v30  }
0x85: {  	v40 =	vld [tilespmem:s23+$0x2C50];
	v36 =	vmul.f32 v27, v20;
	[tilespmem:s23+$0x2BD0] =	vst v32  }
0x86: {  	v42 =	vld [tilespmem:s23+$0x2C60];
	v39 =	vmul.f32 v29, v20;
	[tilespmem:s23+$0x2BE0] =	vst v34  }
0x87: {  	v44 =	vld [tilespmem:s23+$0x2C70];
	v41 =	vmul.f32 v31, v37;
	[tilespmem:s23+$0x2BF0] =	vst v36  }
0x88: {  	v46 =	vld [tilespmem:s23+$0x2C80];
	v43 =	vmul.f32 v33, v37;
	[tilespmem:s23+$0x2C00] =	vst v39  }
0x89: {  	v48 =	vld [tilespmem:s23+$0x2C90];
	v45 =	vmul.f32 v35, v37;
	[tilespmem:s23+$0x2C10] =	vst v41  }
0x8a: {  	v50 =	vld [tilespmem:s23+$0x2CA0];
	v49 =	vmul.f32 v40, v37;
	[tilespmem:s23+$0x2C20] =	vst v43  }
0x8b: {  	v52 =	vld [tilespmem:s23+$0x2CB0];
	v51 =	vmul.f32 v42, v37;
	[tilespmem:s23+$0x2C30] =	vst v45  }
0x8c: {  	v54 =	vbroadcast v0, $0x6;
	v57 =	vld [tilespmem:s23+$0x2CD0];
	v53 =	vmul.f32 v44, v37;
	[tilespmem:s23+$0x2C50] =	vst v49  }
0x8d: {  	v59 =	vld [tilespmem:s23+$0x2CE0];
	v56 =	vmul.f32 v46, v37;
	[tilespmem:s23+$0x2C60] =	vst v51  }
0x8e: {  	v61 =	vld [tilespmem:s23+$0x2CF0];
	v58 =	vmul.f32 v48, v54;
	[tilespmem:s23+$0x2C70] =	vst v53  }
0x8f: {  	v63 =	vld [tilespmem:s23+$0x2D00];
	v60 =	vmul.f32 v50, v54;
	[tilespmem:s23+$0x2C80] =	vst v56  }
0x90: {  	v13 =	vld [tilespmem:s23+$0x2D10];
	v62 =	vmul.f32 v52, v54;
	[tilespmem:s23+$0x2C90] =	vst v58  }
0x91: {  	v15 =	vld [tilespmem:s23+$0x2D20];
	v14 =	vmul.f32 v57, v54;
	[tilespmem:s23+$0x2CA0] =	vst v60  }
0x92: {  	v17 =	vld [tilespmem:s23+$0x2D30];
	v16 =	vmul.f32 v59, v54;
	[tilespmem:s23+$0x2CB0] =	vst v62  }
0x93: {  	v19 =	vbroadcast v0, $0x7;
	v55 =	vld [tilespmem:s23+$0x2CC0];
	v18 =	vmul.f32 v61, v54;
	[tilespmem:s23+$0x2CD0] =	vst v14  }
0x94: {  	v20 =	vld [tilespmem:s23+$0x2D40];
	v21 =	vmul.f32 v63, v54;
	[tilespmem:s23+$0x2CE0] =	vst v16  }
0x95: {  	v22 =	vld [tilespmem:s23+$0x2D50];
	[tilespmem:s23+$0x2CF0] =	vst v18;
	v23 =	vmul.f32 v13, v19  }
0x96: {  	v24 =	vld [tilespmem:s23+$0x2D60];
	[tilespmem:s23+$0x2D00] =	vst v21;
	v25 =	vmul.f32 v15, v19  }
0x97: {  	v26 =	vld [tilespmem:s23+$0x2D70];
	v27 =	vmul.f32 v17, v19;
	[tilespmem:s23+$0x2D10] =	vst v23  }
0x98: {  	v28 =	vld [tilespmem:s23+$0x2D80];
	v12 =	vmul.f32 v55, v54;
	[tilespmem:s23+$0x2D20] =	vst v25  }
0x99: {  	v37 =	vld [tilespmem:s23+$0x2DC0];
	[tilespmem:s23+$0x2D30] =	vst v27;
	v29 =	vmul.f32 v20, v19  }
0x9a: {  	v47 =	vld [tilespmem:s23+$0x2E10];
	[tilespmem:s23+$0x2CC0] =	vst v12;
	v31 =	vmul.f32 v22, v19  }
0x9b: {  	v30 =	vld [tilespmem:s23+$0x2D90];
	v33 =	vmul.f32 v24, v19;
	[tilespmem:s23+$0x2D40] =	vst v29  }
0x9c: {  	v32 =	vld [tilespmem:s23+$0x2DA0];
	v36 =	vbroadcast v0, $0x8;
	v35 =	vmul.f32 v26, v19;
	[tilespmem:s23+$0x2D50] =	vst v31  }
0x9d: {  	v34 =	vld [tilespmem:s23+$0x2DB0];
	v53 =	vbroadcast v0, $0x9;
	v38 =	vmul.f32 v28, v19;
	[tilespmem:s23+$0x2D60] =	vst v33  }
0x9e: {  	v39 =	vld [tilespmem:s23+$0x2DD0];
	v46 =	vmul.f32 v37, v36;
	[tilespmem:s23+$0x2D70] =	vst v35  }
0x9f: {  	v41 =	vld [tilespmem:s23+$0x2DE0];
	v57 =	vmul.f32 v47, v53;
	[tilespmem:s23+$0x2D80] =	vst v38  }
0xa0: {  	v43 =	vld [tilespmem:s23+$0x2DF0];
	v40 =	vmul.f32 v30, v36;
	[tilespmem:s23+$0x2DC0] =	vst v46  }
0xa1: {  	v45 =	vld [tilespmem:s23+$0x2E00];
	v42 =	vmul.f32 v32, v36;
	[tilespmem:s23+$0x2E10] =	vst v57  }
0xa2: {  	v49 =	vld [tilespmem:s23+$0x2E20];
	v44 =	vmul.f32 v34, v36;
	[tilespmem:s23+$0x2D90] =	vst v40  }
0xa3: {  	v51 =	vld [tilespmem:s23+$0x2E30];
	v48 =	vmul.f32 v39, v36;
	[tilespmem:s23+$0x2DA0] =	vst v42  }
0xa4: {  	v56 =	vld [tilespmem:s23+$0x2E50];
	v50 =	vmul.f32 v41, v36;
	[tilespmem:s23+$0x2DB0] =	vst v44  }
0xa5: {  	v58 =	vld [tilespmem:s23+$0x2E60];
	v52 =	vmul.f32 v43, v36;
	[tilespmem:s23+$0x2DD0] =	vst v48  }
0xa6: {  	v60 =	vld [tilespmem:s23+$0x2E70];
	v55 =	vmul.f32 v45, v36;
	[tilespmem:s23+$0x2DE0] =	vst v50  }
0xa7: {  	v62 =	vld [tilespmem:s23+$0x2E80];
	v59 =	vmul.f32 v49, v53;
	[tilespmem:s23+$0x2DF0] =	vst v52  }
0xa8: {  	v14 =	vld [tilespmem:s23+$0x2EA0];
	v61 =	vmul.f32 v51, v53;
	[tilespmem:s23+$0x2E00] =	vst v55  }
0xa9: {  	v16 =	vld [tilespmem:s23+$0x2EB0];
	v13 =	vmul.f32 v56, v53;
	[tilespmem:s23+$0x2E20] =	vst v59  }
0xaa: {  	v21 =	vld [tilespmem:s23+$0x2ED0];
	v15 =	vmul.f32 v58, v53;
	[tilespmem:s23+$0x2E30] =	vst v61  }
0xab: {  	v18 =	vbroadcast v0, $0xA;
	v54 =	vld [tilespmem:s23+$0x2E40];
	v17 =	vmul.f32 v60, v53;
	[tilespmem:s23+$0x2E50] =	vst v13  }
0xac: {  	v23 =	vld [tilespmem:s23+$0x2EE0];
	v20 =	vmul.f32 v62, v53;
	[tilespmem:s23+$0x2E60] =	vst v15  }
0xad: {  	v25 =	vld [tilespmem:s23+$0x2EF0];
	v24 =	vmul.f32 v14, v18;
	[tilespmem:s23+$0x2E70] =	vst v17  }
0xae: {  	v27 =	vld [tilespmem:s23+$0x2F00];
	v26 =	vmul.f32 v16, v18;
	[tilespmem:s23+$0x2E80] =	vst v20  }
0xaf: {  	v12 =	vld [tilespmem:s23+$0x2E90];
	v30 =	vmul.f32 v21, v18;
	[tilespmem:s23+$0x2EA0] =	vst v24  }
0xb0: {  	v19 =	vld [tilespmem:s23+$0x2EC0];
	v63 =	vmul.f32 v54, v53;
	[tilespmem:s23+$0x2EB0] =	vst v26  }
0xb1: {  	v29 =	vld [tilespmem:s23+$0x2F10];
	v32 =	vmul.f32 v23, v18;
	[tilespmem:s23+$0x2ED0] =	vst v30  }
0xb2: {  	v31 =	vld [tilespmem:s23+$0x2F20];
	v34 =	vmul.f32 v25, v18;
	[tilespmem:s23+$0x2E40] =	vst v63  }
0xb3: {  	v33 =	vld [tilespmem:s23+$0x2F30];
	v37 =	vmul.f32 v27, v18;
	[tilespmem:s23+$0x2EE0] =	vst v32  }
0xb4: {  	v35 =	vbroadcast v0, $0xB;
	v36 =	vld [tilespmem:s23+$0x2F40];
	v22 =	vmul.f32 v12, v18;
	[tilespmem:s23+$0x2EF0] =	vst v34  }
0xb5: {  	v38 =	vld [tilespmem:s23+$0x2F50];
	v28 =	vmul.f32 v19, v18;
	[tilespmem:s23+$0x2F00] =	vst v37  }
0xb6: {  	v46 =	vld [tilespmem:s23+$0x2F90];
	[tilespmem:s23+$0x2E90] =	vst v22;
	v39 =	vmul.f32 v29, v35  }
0xb7: {  	v57 =	vld [tilespmem:s23+$0x2FE0];
	[tilespmem:s23+$0x2EC0] =	vst v28;
	v41 =	vmul.f32 v31, v35  }
0xb8: {  	v53 =	vld [tilespmem:s23+$0x2FC0];
	v43 =	vmul.f32 v33, v35;
	[tilespmem:s23+$0x2F10] =	vst v39  }
0xb9: {  	v40 =	vld [tilespmem:s23+$0x2F60];
	v52 =	vbroadcast v0, $0xC;
	v45 =	vmul.f32 v36, v35;
	[tilespmem:s23+$0x2F20] =	vst v41  }
0xba: {  	v42 =	vld [tilespmem:s23+$0x2F70];
	v47 =	vmul.f32 v38, v35;
	[tilespmem:s23+$0x2F30] =	vst v43  }
0xbb: {  	v44 =	vld [tilespmem:s23+$0x2F80];
	v56 =	vmul.f32 v46, v52;
	[tilespmem:s23+$0x2F40] =	vst v45  }
0xbc: {  	v48 =	vld [tilespmem:s23+$0x2FA0];
	v14 =	vmul.f32 v57, v52;
	[tilespmem:s23+$0x2F50] =	vst v47  }
0xbd: {  	v50 =	vld [tilespmem:s23+$0x2FB0];
	v62 =	vmul.f32 v53, v52;
	[tilespmem:s23+$0x2F90] =	vst v56  }
0xbe: {  	v55 =	vld [tilespmem:s23+$0x2FD0];
	v49 =	vmul.f32 v40, v35;
	[tilespmem:s23+$0x2FE0] =	vst v14  }
0xbf: {  	v59 =	vld [tilespmem:s23+$0x2FF0];
	v51 =	vmul.f32 v42, v35;
	[tilespmem:s23+$0x2FC0] =	vst v62  }
0xc0: {  	v61 =	vld [tilespmem:s23+$0x3000];
	v54 =	vmul.f32 v44, v35;
	[tilespmem:s23+$0x2F60] =	vst v49  }
0xc1: {  	v13 =	vld [tilespmem:s23+$0x3020];
	v58 =	vmul.f32 v48, v52;
	[tilespmem:s23+$0x2F70] =	vst v51  }
0xc2: {  	v15 =	vld [tilespmem:s23+$0x3030];
	v60 =	vmul.f32 v50, v52;
	[tilespmem:s23+$0x2F80] =	vst v54  }
0xc3: {  	v20 =	vld [tilespmem:s23+$0x3050];
	v12 =	vmul.f32 v55, v52;
	[tilespmem:s23+$0x2FA0] =	vst v58  }
0xc4: {  	v17 =	vbroadcast v0, $0xD;
	v24 =	vld [tilespmem:s23+$0x3070];
	v16 =	vmul.f32 v59, v52;
	[tilespmem:s23+$0x2FB0] =	vst v60  }
0xc5: {  	v26 =	vld [tilespmem:s23+$0x3080];
	v19 =	vmul.f32 v61, v52;
	[tilespmem:s23+$0x2FD0] =	vst v12  }
0xc6: {  	v30 =	vld [tilespmem:s23+$0x30A0];
	v23 =	vmul.f32 v13, v17;
	[tilespmem:s23+$0x2FF0] =	vst v16  }
0xc7: {  	v63 =	vld [tilespmem:s23+$0x3010];
	v25 =	vmul.f32 v15, v17;
	[tilespmem:s23+$0x3000] =	vst v19  }
0xc8: {  	v18 =	vld [tilespmem:s23+$0x3040];
	v29 =	vmul.f32 v20, v17;
	[tilespmem:s23+$0x3020] =	vst v23  }
0xc9: {  	v32 =	vld [tilespmem:s23+$0x30B0];
	v34 =	vbroadcast v0, $0xE;
	v33 =	vmul.f32 v24, v17;
	[tilespmem:s23+$0x3030] =	vst v25  }
0xca: {  	v37 =	vld [tilespmem:s23+$0x30D0];
	v36 =	vmul.f32 v26, v17;
	[tilespmem:s23+$0x3050] =	vst v29  }
0xcb: {  	v22 =	vld [tilespmem:s23+$0x3060];
	v40 =	vmul.f32 v30, v34;
	[tilespmem:s23+$0x3070] =	vst v33  }
0xcc: {  	v28 =	vld [tilespmem:s23+$0x3090];
	v21 =	vmul.f32 v63, v17;
	[tilespmem:s23+$0x3080] =	vst v36  }
0xcd: {  	v57 =	vld [tilespmem:s23+$0x3170];
	v27 =	vmul.f32 v18, v17;
	[tilespmem:s23+$0x30A0] =	vst v40  }
0xce: {  	v53 =	vld [tilespmem:s23+$0x3150];
	v42 =	vmul.f32 v32, v34;
	[tilespmem:s23+$0x3010] =	vst v21  }
0xcf: {  	v35 =	vld [tilespmem:s23+$0x30C0];
	v46 =	vmul.f32 v37, v34;
	[tilespmem:s23+$0x3040] =	vst v27  }
0xd0: {  	v0 =	vbroadcast v0, $0xF;
	v39 =	vld [tilespmem:s23+$0x30E0];
	v31 =	vmul.f32 v22, v17;
	[tilespmem:s23+$0x30B0] =	vst v42  }
0xd1: {  	v41 =	vld [tilespmem:s23+$0x30F0];
	v38 =	vmul.f32 v28, v34;
	[tilespmem:s23+$0x30D0] =	vst v46  }
0xd2: {  	v43 =	vld [tilespmem:s23+$0x3100];
	v63 =	vmul.f32 v57, v0;
	[tilespmem:s23+$0x3060] =	vst v31  }
0xd3: {  	v45 =	vld [tilespmem:s23+$0x3110];
	v61 =	vmul.f32 v53, v0;
	[tilespmem:s23+$0x3090] =	vst v38  }
0xd4: {  	v47 =	vld [tilespmem:s23+$0x3120];
	v44 =	vmul.f32 v35, v34;
	[tilespmem:s23+$0x3170] =	vst v63  }
0xd5: {  	v55 =	vld [tilespmem:s23+$0x3160];
	v48 =	vmul.f32 v39, v34;
	[tilespmem:s23+$0x3150] =	vst v61  }
0xd6: {  	v49 =	vld [tilespmem:s23+$0x3130];
	v50 =	vmul.f32 v41, v34;
	[tilespmem:s23+$0x30C0] =	vst v44  }
0xd7: {  	v51 =	vld [tilespmem:s23+$0x3140];
	v52 =	vmul.f32 v43, v34;
	[tilespmem:s23+$0x30E0] =	vst v48  }
0xd8: {  	v59 =	vld [tilespmem:s23+$0x3180];
	v54 =	vmul.f32 v45, v0;
	[tilespmem:s23+$0x30F0] =	vst v50  }
0xd9: {  	v56 =	vmul.f32 v47, v0;
	[tilespmem:s23+$0x3100] =	vst v52  }
0xda: {  	p1 =	sne.s32 s21, $0x7;
	v62 =	vmul.f32 v55, v0;
	[tilespmem:s23+$0x3110] =	vst v54  }
.Ltmp0:
0xdb: {  	v58 =	vmul.f32 v49, v0;
	[tilespmem:s23+$0x3120] =	vst v56;
	(pc) =	sbr.rel @p1 .LBB2_3-.Ltmp0, $4  }
0xdc: {  	v60 =	vmul.f32 v51, v0;
	[tilespmem:s23+$0x3160] =	vst v62  }
0xdd: {  	v0 =	vmul.f32 v59, v0;
	[tilespmem:s23+$0x3130] =	vst v58  }
0xde: {  	[tilespmem:s23+$0x3140] =	vst v60  }
0xdf: {  	s21 =	sadd.s32 $0x1, s21;
	[tilespmem:s23+$0x3180] =	vst v0  }
0xe0: {  	[spmem:s1] =	stream.indirect.scatter.add.f32 [tilespmem:s3], [sflag:$0x2], $0x80, s28, s0, $0xb8;
	[tilespmem:$0x1A488] =	vst v63  }
0xe1: {  	s20 =	sadd.s32 $0x1, s20;
	_ =	swait.ge [sflag:s26], $0x4000  }
0xe2: {  	p1 =	sne.s32 s20, s11;
	[sflag:s26] =	ssyncset.done $0x0  }
.Ltmp1:
0xe3: {  	[sflag:s26] =	ssyncadd.s32 $0xFFFFC000;
	(pc) =	sbr.rel @p1 .LBB2_2-.Ltmp1, $4  }
0xe4: {  	[spmem:s2] =	stream.indirect.scatter.add.f32 [tilespmem:s13], [sflag:$0x2], $0x1, s28, s0, $0xb8;
	[tilespmem:$0x1A488] =	vst v63  }
0xe5: {  	_ =	swait.ge [sflag:s26], $0x80  }
0xe6: {  	[sflag:s26] =	ssyncset.done $0x0  }
0xe7: {  	[sflag:s26] =	ssyncadd.s32 $0xFFFFFF80  }
0xe8: {  	[bflag:$0x0] =	sbarrier.arrive $0xFFFF;
	s20 =	simm.s32 @p0 $0x1FC2  }
0xe9: {  	[hbm:s24], [sflag:s20] =	dma.local @p0 [spmem:s16], $0x2080  }
0xea: {  	s16 =	simm.s32 @p0 $0x2  }
0xeb: {  	_ =	swait.ge @p0 [sflag:s16], $0x2080  }
0xec: {  	[sflag:s16] =	ssyncset.done @p0 $0x0  }
0xed: {  	s21 =	rddreg [dreg:$0xe];
	[sflag:s16] =	ssyncadd.s32 @p0 $0xFFFFDF80  }
0xee: {  	[hbm:s21], [sflag:s20] =	dma.local @p0 [spmem:s17], $0x41  }
0xef: {  	_ =	swait.ge @p0 [sflag:s16], $0x41  }
0xf0: {  	[sflag:s16] =	ssyncset.done @p0 $0x0  }
0xf1: {  	[sflag:s16] =	ssyncadd.s32 @p0 $0xFFFFFFBF;
	s16 =	rddreg [dreg:$0xa]  }
0xf2: {  	[hbm:s16], [sflag:s15] =	dma.local @!p0 [spmem:s18], $0x2780  }
0xf3: {  	s16 =	simm.s32 @!p0 $0x2  }
0xf4: {  	s14 =	sadd.s32 $0x1, s14;
	_ =	swait.ge @!p0 [sflag:s16], $0x2780  }
0xf5: {  	p1 =	sne.s32 s14, s25;
	[sflag:s16] =	ssyncset.done @!p0 $0x0  }
.Ltmp2:
0xf6: {  	s17 =	rddreg [dreg:$0xd];
	[sflag:s16] =	ssyncadd.s32 @!p0 $0xFFFFD880;
	(pc) =	sbr.rel @p1 .LBB2_1-.Ltmp2, $4  }
0xf7: {  	[hbm:s17], [sflag:s15] =	dma.local @!p0 [spmem:s19], $0x4F  }
0xf8: {  	_ =	swait.ge @!p0 [sflag:s16], $0x4F  }
0xf9: {  	[sflag:s16] =	ssyncset.done @!p0 $0x0  }
0xfa: {  	[sflag:s16] =	ssyncadd.s32 @!p0 $0xFFFFFFB1  }
0xfb: {  	_ =	sfence.sel $0x180000  }
0xfc: {  	[bflag:$0x0] =	sbarrier.arrive $0xFFFF  }
0xfd: {  	_ =	strace $0x9000004A  }
0xfe: {  	s0 =	stileid.u32;
	[bflag:$0x2] =	sbarrier.arrive $0xFFFF  }
0xff: {  	p0 =	sne.s32 s0, $0x0;
	s0 =	rddreg [dreg:$0x4]  }
0x100: {  	s0 =	sadd.s32 @!p0 $0x100000, s0  }
0x101: {  	[sflag:s0] =	ssyncadd.tile.s32 @!p0 $0x1;
	_ =	shalt  }
.Lfunc_end2:
_tile_overlayer_lowered:
.L_overlay_start_2:
0x102: {  	(tag) =	ssettag $0x2  }
0x103: {  	s0 =	rddreg [dreg:$0x0];
	s2 =	stileid.u32  }
0x104: {  	s1 =	rddreg [dreg:$0x1];
	p0 =	sne.s32 s2, $0x0  }
0x105: {  	s3 =	rddreg [dreg:$0x2];
	[bflag:$0x3] =	sbarrier.arrive $0xFFFF;
	s2 =	simm.s32 @!p0 $0x1C02  }
0x106: {  	[timem:s3], [sflag:s2] =	dma.local @!p0 [hbm:s0], s1  }
0x107: {  	s0 =	simm.s32 @!p0 $0x2  }
0x108: {  	_ =	swait.ge @!p0 [sflag:s0], s1  }
0x109: {  	s1 =	ssub.s32 @!p0 $0x0, s1;
	[sflag:s0] =	ssyncset.done @!p0 $0x0  }
0x10a: {  	[sflag:s0] =	ssyncadd.s32 @!p0 s1  }
0x10b: {  	[bflag:$0x3] =	sbarrier.arrive $0xFFFF  }
0x10c: {  	_ =	shalt  }

// kernel: kernel.7.cloned.1.call-start
scs
__scs_entry_jumppad:
0x0: {  	(pc) =	sbr.rel $0x88, $3  }
0x1: {  	(tag) =	ssettag $0x0;
	lr =	simm.s32 $0x1  }
0x2: {  	[smem:$0x3F97] =	sst lr;
	_ =	strace $0xD0000000  }
0x3: {  	_ = 	snop  }
0x4: {  	_ = 	snop  }
0x5: {  	_ = 	snop  }
0x6: {  	_ = 	snop  }
0x7: {  	_ = 	snop  }
__scs_overlays_trampoline_lowered:
0x8: {  	[smem:$0x3FA6] =	sst s0  }
0x9: {  	[smem:$0x3FA7] =	sst s1  }
0xa: {  	[smem:$0x3FA8] =	sst s2  }
0xb: {  	[smem:$0x3FA9] =	sst s3  }
0xc: {  	[smem:$0x3FAA] =	sst s4  }
0xd: {  	[smem:$0x3FAB] =	sst s5  }
0xe: {  	[smem:$0x3FAC] =	sst s6  }
0xf: {  	[smem:$0x3FAD] =	sst s7  }
0x10: {  	[smem:$0x3FAE] =	sst s8  }
0x11: {  	[smem:$0x3FAF] =	sst s9;
	s0 =	simm.s32 @!p0 $0x0  }
0x12: {  	s1 =	sld [smem:$0x3F95];
	s0 =	simm.s32 @p0 $0x1  }
0x13: {  	[smem:$0x3FB0] =	sst s0;
	s0 =	simm.s32 @!p1 $0x0  }
0x14: {  	s2 =	sld [smem:$0x3F94];
	s0 =	simm.s32 @p1 $0x1  }
0x15: {  	[smem:$0x3FB1] =	sst s0;
	s0 =	simm.s32 @!p2 $0x0  }
0x16: {  	s3 =	sld [smem:$0x3FDB];
	s0 =	simm.s32 @p2 $0x1  }
0x17: {  	s4 =	simm.s32 $0x1BF5;
	[smem:$0x3FB3] =	sst s0  }
0x18: {  	s0 =	sld [smem:$0x3F96];
	_ =	swait.ge [sflag:s4], $0x0  }
0x19: {  	s7 =	sld [smem:$0x3F97]  }
0x1a: {  	s8 =	sadd.s32 $0xFFFFE003, lr  }
0x1b: {  	s9 =	sadd.s32 $0xFFFFFEF7, lr;
	s5 =	simm.s32 $0xFFFFFFFF;
	p2 =	slt.u32 s8, $0xFFFFF086  }
0x1c: {  	p1 =	slt.u32 s9, $0xF7A;
	s5 =	simm.s32 @!p2 $0x0  }
0x1d: {  	s5 =	simm.s32 @p1 $0x1;
	p0 =	seq.s32 s7, s2  }
0x1e: {  	s7 =	smul.u32 @!p0 $0xF7A, s2;
	p2 =	seq.s32 @!p0 s5, $0x0  }
0x1f: {  	s9 =	smul.u32 $0xF7A, s1;
	s8 =	simm.s32 @!p0 $0x1BF5;
	p2 =	por !p2, p0  }
0x20: {  	[sflag:s8] =	ssyncset.s32 @!p0 $0xFFFFF086;
	s6 =	sadd.s32 @!p0 s3, s7;
	s7 =	simm.s32 @!p0 $0x108  }
0x21: {  	s3 =	sadd.s32 s3, s9;
	s6 =	sadd.s32 @!p0 $0x88, s6;
	s7 =	simm.s32 @p2 $0x1082  }
0x22: {  	[simem:s7], [sflag:s8] =	dma.local @!p0 [hbm:s6], $0xF7A  }
0x23: {  	s9 =	sor.u32 $0xD0000000, s2;
	s6 =	simm.s32 $0x108;
	_ =	swait.ge @!p0 [sflag:s8], $0x0  }
0x24: {  	s3 =	sadd.s32 $0x88, s3;
	s6 =	simm.s32 @!p1 $0x1082;
	[sflag:s4] =	ssyncset.s32 $0xFFFFF086  }
0x25: {  	[simem:s6], [sflag:s4] =	dma.local [hbm:s3], $0xF7A  }
0x26: {  	[smem:$0x3F97] =	sst s1;
	(tag) =	ssettag s2;
	_ =	strace s9  }
0x27: {  	s1 =	sld [smem:$0x3FA7]  }
0x28: {  	s2 =	sld [smem:$0x3FA8]  }
0x29: {  	s4 =	sld [smem:$0x3FAA]  }
0x2a: {  	p0 =	seq.s32 s5, $0x0;
	s5 =	sld [smem:$0x3FAB]  }
0x2b: {  	s6 =	sld [smem:$0x3FAC]  }
0x2c: {  	s7 =	sld [smem:$0x3FAD]  }
0x2d: {  	s3 =	simm.s32 $0x108;
	s8 =	sld [smem:$0x3FAE]  }
0x2e: {  	s3 =	simm.s32 @!p0 $0x1082;
	s9 =	sld [smem:$0x3FAF]  }
0x2f: {  	lr =	sadd.s32 s0, s3;
	s0 =	sld [smem:$0x3FA6]  }
0x30: {  	s3 =	sld [smem:$0x3FA9]  }
0x31: {  	[smem:$0x3FB2] =	sst s10  }
0x32: {  	s10 =	sld [smem:$0x3FB0];
	_ =	sdelay $0x3  }
0x33: {  	p0 =	seq.s32 s10, $0x1;
	s10 =	sld [smem:$0x3FB2];
	_ =	sdelay $0x3  }
0x34: {  	[smem:$0x3FB2] =	sst s10  }
0x35: {  	s10 =	sld [smem:$0x3FB1];
	_ =	sdelay $0x3  }
0x36: {  	p1 =	seq.s32 s10, $0x1;
	s10 =	sld [smem:$0x3FB2];
	_ =	sdelay $0x3  }
0x37: {  	[smem:$0x3FB2] =	sst s10  }
0x38: {  	s10 =	sld [smem:$0x3FB3]  }
0x39: {  	_ = 	snop;
	(pc) =	sbr.ind lr, $3  }
0x3a: {  	_ = 	snop  }
0x3b: {  	_ = 	snop  }
0x3c: {  	p2 =	seq.s32 s10, $0x1;
	s10 =	sld [smem:$0x3FB2]  }
0x3d: {  	_ =	shalt  }
0x3e: {  	_ =	shalt  }
0x3f: {  	_ =	shalt  }
0x40: {  	_ =	shalt  }
0x41: {  	_ =	shalt  }
0x42: {  	_ =	shalt  }
0x43: {  	_ =	shalt  }
0x44: {  	_ =	shalt  }
0x45: {  	_ =	shalt  }
0x46: {  	_ =	shalt  }
0x47: {  	_ =	shalt  }
0x48: {  	_ =	shalt  }
0x49: {  	_ =	shalt  }
0x4a: {  	_ =	shalt  }
0x4b: {  	_ =	shalt  }
0x4c: {  	_ =	shalt  }
0x4d: {  	_ =	shalt  }
0x4e: {  	_ =	shalt  }
0x4f: {  	_ =	shalt  }
0x50: {  	_ =	shalt  }
0x51: {  	_ =	shalt  }
0x52: {  	_ =	shalt  }
0x53: {  	_ =	shalt  }
0x54: {  	_ =	shalt  }
0x55: {  	_ =	shalt  }
0x56: {  	_ =	shalt  }
0x57: {  	_ =	shalt  }
0x58: {  	_ =	shalt  }
0x59: {  	_ =	shalt  }
0x5a: {  	_ =	shalt  }
0x5b: {  	_ =	shalt  }
0x5c: {  	_ =	shalt  }
0x5d: {  	_ =	shalt  }
0x5e: {  	_ =	shalt  }
0x5f: {  	_ =	shalt  }
0x60: {  	_ =	shalt  }
0x61: {  	_ =	shalt  }
0x62: {  	_ =	shalt  }
0x63: {  	_ =	shalt  }
0x64: {  	_ =	shalt  }
0x65: {  	_ =	shalt  }
0x66: {  	_ =	shalt  }
0x67: {  	_ =	shalt  }
0x68: {  	_ =	shalt  }
0x69: {  	_ =	shalt  }
0x6a: {  	_ =	shalt  }
0x6b: {  	_ =	shalt  }
0x6c: {  	_ =	shalt  }
0x6d: {  	_ =	shalt  }
0x6e: {  	_ =	shalt  }
0x6f: {  	_ =	shalt  }
0x70: {  	_ =	shalt  }
0x71: {  	_ =	shalt  }
0x72: {  	_ =	shalt  }
0x73: {  	_ =	shalt  }
0x74: {  	_ =	shalt  }
0x75: {  	_ =	shalt  }
0x76: {  	_ =	shalt  }
0x77: {  	_ =	shalt  }
0x78: {  	_ =	shalt  }
0x79: {  	_ =	shalt  }
0x7a: {  	_ =	shalt  }
0x7b: {  	_ =	shalt  }
0x7c: {  	_ =	shalt  }
0x7d: {  	_ =	shalt  }
0x7e: {  	_ =	shalt  }
0x7f: {  	_ =	shalt  }
0x80: {  	_ =	shalt  }
0x81: {  	_ =	shalt  }
0x82: {  	_ =	shalt  }
0x83: {  	_ =	shalt  }
0x84: {  	_ =	shalt  }
0x85: {  	_ =	shalt  }
0x86: {  	_ =	shalt  }
0x87: {  	_ =	shalt  }
.Lfunc_end0:
.L_simem_size_0:
called_computation_lowered:
.L_overlay_start_0:
0x88: {  	s2 =	sld [smem:$0x3FD9]  }
0x89: {  	s3 =	sld [smem:$0x3FFE];
	_ =	sdelay $0x1  }
0x8a: {  	s1 =	srdreg.scid  }
0x8b: {  	s0 =	sand.u32 $0x1, s1  }
0x8c: {  	s17 =	sshll.u32 s0, $0xA;
	s2 =	sadd.s32 s3, s2  }
0x8d: {  	s2 =	sadd.s32 s2, s17  }
0x8e: {  	[smem:$0x3FBE] =	sst s2  }
0x8f: {  	_ = 	snop  }
0x90: {  	s2 =	sld [smem:$0x3FD0];
	(tm) =	ssettm $0x1  }
0x91: {  	s18 =	sld [smem:$0x3FFB];
	_ =	sdelay $0x3  }
0x92: {  	_ =	strace s18  }
0x93: {  	s3 =	sld [smem:$0x3FFC];
	_ =	sdelay $0x3  }
0x94: {  	_ =	strace s3  }
0x95: {  	s3 =	sld [smem:$0x3FFD];
	_ =	sdelay $0x3  }
0x96: {  	_ =	strace s3  }
0x97: {  	_ =	strace $0x8FFFFFFF  }
0x98: {  	s19 =	sld [smem:$0x3FDB];
	_ =	sdelay $0x1  }
0x99: {  	s4 =	simm.s32 $_scs_section_size  }
0x9a: {  	s5 =	simm.s32 $_size__tile_overlayer_lowered;
	s6 =	simm.s32 $_tile_overlayer_lowered  }
0x9b: {  	s22 =	simm.s32 $0x1BFF;
	s21 =	sshll.u32 s6, $0x1;
	s3 =	sadd.s32 s4, s19  }
0x9c: {  	s7 =	simm.s32 $0x0;
	s20 =	sshll.u32 s5, $0x1;
	s5 =	sadd.s32 s21, s3  }
0x9d: {  	[timem:s7], [sflag:s22] =	dma.local [hbm:s5], s20  }
0x9e: {  	_ =	swait.ge [sflag:s22], s20  }
0x9f: {  	s4 =	ssub.s32 $0x0, s20;
	[sflag:s22] =	ssyncset.done $0x0  }
0xa0: {  	[sflag:s22] =	ssyncadd.s32 s4;
	_ =	sdelay $0x1  }
0xa1: {  	s23 =	simm.s32 $0x1B8B  }
0xa2: {  	_ =	swait.ge [sflag:s23], $0x1  }
0xa3: {  	[sflag:s23] =	ssyncset.done $0x0  }
0xa4: {  	s25 =	simm.s32 $0x1B8E;
	s24 =	sld [smem:$0x3FFE];
	[sflag:s23] =	ssyncadd.s32 $0xFFFFFFFF  }
0xa5: {  	s26 =	simm.s32 $execute0_lowered;
	[smem:$0x3FD2] =	sst s25  }
0xa6: {  	s5 =	sshll.u32 s26, $0x1;
	_ =	strace $0x80000046;
	[dreg:$0x1] =	wrdreg $0xFFFFFFFF  }
0xa7: {  	s28 =	simm.s32 $_size_execute0_lowered;
	s3 =	sadd.s32 s3, s5;
	[dreg:$0x0] =	wrdreg $0x0  }
0xa8: {  	s5 =	sshll.u32 s28, $0x1;
	[dreg:$0x2] =	wrdreg s3  }
0xa9: {  	[dreg:$0x3] =	wrdreg s5  }
0xaa: {  	[dreg:$0x4] =	wrdreg $0xC0  }
0xab: {  	_ =	task [dreg:s7], $0x5FFFF  }
0xac: {  	[dreg:$0x1] =	wrdreg $0xFFFFFFFF  }
0xad: {  	[dreg:$0x0] =	wrdreg $0x60  }
0xae: {  	[dreg:$0x2] =	wrdreg s24  }
0xaf: {  	[dreg:$0x3] =	wrdreg s2  }
0xb0: {  	[dreg:$0x4] =	wrdreg $0x1D000  }
0xb1: {  	[dreg:$0x5] =	wrdreg $0x9  }
0xb2: {  	_ =	task.clear_ibuf [dreg:s7], $0x6FFFF;
	_ =	strace $0x90000046  }
0xb3: {  	s29 =	simm.s32 $0x9;
	_ =	strace $0x80000048  }
0xb4: {  	_ =	swait.ge [sflag:s29], $0x1  }
0xb5: {  	[sflag:s29] =	ssyncadd.s32 $0xFFFFFFFF  }
0xb6: {  	_ =	strace $0x90000048  }
0xb7: {  	_ =	sfence  }
0xb8: {  	s30 =	sld [smem:$0x0];
	_ =	sdelay $0x2  }
0xb9: {  	s31 =	sshll.u32 s1, $0xD;
	s1 =	sshrl.u32 s1, $0x2  }
0xba: {  	s3 =	sand.u32 $0x4000, s31;
	s1 =	sadd.s32 s1, s30  }
0xbb: {  	s0 =	sor.u32 s3, s0;
	s1 =	sshll.u32 s1, $0x11  }
0xbc: {  	s0 =	sor.u32 s1, s0  }
0xbd: {  	s0 =	sadd.s32 $0x8F2B, s0  }
0xbe: {  	[sflag:s0] =	ssyncadd.remote.s32 $0x1  }
0xbf: {  	_ =	sfence.sel $0xFFFF  }
0xc0: {  	[dreg:$0x0] =	wrdreg $0xFFFFFFFF;
	(pc) =	sbr.abs _section_cstart, $3  }
0xc1: {  	[dreg:$0x1] =	wrdreg $0xFFFFFFFF  }
0xc2: {  	_ =	task.clear_ibuf [dreg:s7], $0x2FFFF;
	_ =	strace $0x9FFFFFFF  }
0xc3: {  	(tm) =	ssettm $0x7FFFFFFF  }
tec
execute0_lowered:
.L_overlay_start_1:
0x0: {  	(tag) =	ssettag $0x1  }
0x1: {  	s0 =	rddreg [dreg:$0x0]  }
0x2: {  	s1 =	rddreg [dreg:$0x1]  }
0x3: {  	s2 =	rddreg [dreg:$0x2]  }
0x4: {  	s4 =	simm.s32 $0x0;
	s3 =	srdreg.scid;
	s17 =	stileid.u32  }
0x5: {  	s10 =	simm.s32 $0x4F;
	s18 =	simm.s32 $0x80;
	s19 =	simm.s32 $0x100  }
0x6: {  	s20 =	simm.s32 $0x1;
	s21 =	simm.s32 $0x900;
	s22 =	simm.s32 $0x1100  }
0x7: {  	s23 =	simm.s32 $0x1900;
	s24 =	simm.s32 $0x1980;
	s28 =	simm.s32 $0x0  }
0x8: {  	[smem:$0x7FF] =	sst s4;
	s3 =	sand.u32 $0x1, s3;
	s7 =	sshll.u32 s17, $0x1  }
0x9: {  	s5 =	sadd.s32 $0x11200, s0;
	s6 =	sadd.s32 $0xC200, s0;
	s8 =	sadd.s32 $0x16C00, s0  }
0xa: {  	s9 =	sadd.s32 $0x20A00, s0;
	s14 =	smul.u32 $0x9E0, s17;
	p0 =	slt.u32 s17, $0x2  }
0xb: {  	s16 =	smul.u32 $0x278, s17;
	_ =	strace $0x80000047;
	s11 =	sor.u32 s3, s7  }
0xc: {  	s7 =	sadd.s32 $0x2400, s0;
	s13 =	ssub.s32 $0x2, s3;
	s0 =	sadd.s32 $0x16200, s0  }
0xd: {  	s3 =	smul.u32 $0x2710, s3;
	s10 =	simm.s32 @!p0 $0x4E;
	p0 =	seq.s32 s17, $0xF  }
0xe: {  	s12 =	smul.u32 $0x4E, s11;
	s15 =	sshrl.u32 s13, $0x1;
	s11 =	smin.u32 s11, $0x4  }
0xf: {  	s26 =	sshrl.u32 s14, $0x2;
	s15 =	ssub.s32 s13, s15;
	s29 =	sadd.s32 s16, s3  }
0x10: {  	s3 =	sadd.s32 $0x2508, s3;
	s11 =	sadd.s32 s11, s12;
	s12 =	sadd.s32 s26, s2  }
0x11: {  	s30 =	sshrl.u32 s29, $0x3;
	s31 =	smax.u32 s15, $0x1;
	[dreg:$0x4] =	wrdreg s12  }
0x12: {  	s3 =	sshrl.u32 s3, $0x3;
	s12 =	sadd.s32 s0, s30;
	[dreg:$0x7] =	wrdreg s31  }
0x13: {  	s0 =	sadd.s32 s0, s3;
	[dreg:$0x5] =	wrdreg s12;
	s12 =	sadd.s32 s16, s2  }
0x14: {  	v1 =	vlaneseq.u32;
	s17 =	simm.s32 $0x2;
	[dreg:$0x6] =	wrdreg s0;
	s0 =	sshrl.u32 @!p0 s12, $0x3  }
0x15: {  	v0 =	vimm.f32 $0.0e+00;
	v1 =	vmul.u32 $0x10, v1;
	s13 =	sadd.s32 $0x2508, s2;
	s26 =	simm.s32 $0x1A00;
	[dreg:$0x8] =	wrdreg s0  }
.LBB2_1:
0x16: {  	[tilespmem:$0x1A80] =	vst v0  }
0x17: {  	[tilespmem:$0x1A90] =	vst v0  }
0x18: {  	[tilespmem:$0x1AA0] =	vst v0  }
0x19: {  	[tilespmem:$0x1AB0] =	vst v0  }
0x1a: {  	[tilespmem:$0x1AC0] =	vst v0  }
0x1b: {  	[tilespmem:$0x1AD0] =	vst v0  }
0x1c: {  	[tilespmem:$0x1AE0] =	vst v0  }
0x1d: {  	[tilespmem:$0x1AF0] =	vst v0  }
0x1e: {  	[tilespmem:$0x1B00] =	vst v0  }
0x1f: {  	[tilespmem:$0x1B10] =	vst v0  }
0x20: {  	[tilespmem:$0x1B20] =	vst v0  }
0x21: {  	[tilespmem:$0x1B30] =	vst v0  }
0x22: {  	[tilespmem:$0x1B40] =	vst v0  }
0x23: {  	[tilespmem:$0x1B50] =	vst v0  }
0x24: {  	[tilespmem:$0x1B60] =	vst v0  }
0x25: {  	[tilespmem:$0x1B70] =	vst v0  }
0x26: {  	[tilespmem:$0x1B80] =	vst v0  }
0x27: {  	[tilespmem:$0x1B90] =	vst v0  }
0x28: {  	[tilespmem:$0x1BA0] =	vst v0  }
0x29: {  	[tilespmem:$0x1BB0] =	vst v0  }
0x2a: {  	[tilespmem:$0x1BC0] =	vst v0  }
0x2b: {  	[tilespmem:$0x1BD0] =	vst v0  }
0x2c: {  	[tilespmem:$0x1BE0] =	vst v0  }
0x2d: {  	[tilespmem:$0x1BF0] =	vst v0  }
0x2e: {  	[tilespmem:$0x1C00] =	vst v0  }
0x2f: {  	[tilespmem:$0x1C10] =	vst v0  }
0x30: {  	[tilespmem:$0x1C20] =	vst v0  }
0x31: {  	[tilespmem:$0x1C30] =	vst v0  }
0x32: {  	[tilespmem:$0x1C40] =	vst v0  }
0x33: {  	[tilespmem:$0x1C50] =	vst v0  }
0x34: {  	[tilespmem:$0x1C60] =	vst v0  }
0x35: {  	[tilespmem:$0x1C70] =	vst v0  }
0x36: {  	[tilespmem:$0x1C80] =	vst v0  }
0x37: {  	[tilespmem:$0x1C90] =	vst v0  }
0x38: {  	[tilespmem:$0x1CA0] =	vst v0  }
0x39: {  	[tilespmem:$0x1CB0] =	vst v0  }
0x3a: {  	[tilespmem:$0x1CC0] =	vst v0  }
0x3b: {  	[tilespmem:$0x1CD0] =	vst v0  }
0x3c: {  	[tilespmem:$0x1CE0] =	vst v0  }
0x3d: {  	[tilespmem:$0x1CF0] =	vst v0;
	s0 =	simm.s32 @p0 $0x1A80  }
0x3e: {  	[spmem:s13] =	stream.linear.scatter @p0 [tilespmem:s0], [sflag:$0x2], $0x208, $0x38;
	[tilespmem:$0x1F78] =	vst v63  }
0x3f: {  	s0 =	simm.s32 @p0 $0x2  }
0x40: {  	_ =	swait.ge @p0 [sflag:s0], $0x208  }
0x41: {  	[sflag:s0] =	ssyncset.done @p0 $0x0  }
0x42: {  	s3 =	rddreg [dreg:$0x4];
	[sflag:s0] =	ssyncadd.s32 @p0 $0xFFFFFDF8;
	s0 =	simm.s32 @!p0 $0x1A80  }
0x43: {  	[spmem:s3] =	stream.linear.scatter @!p0 [tilespmem:s0], [sflag:$0x2], $0x278, $0x38;
	[tilespmem:$0x1F78] =	vst v63  }
0x44: {  	s0 =	simm.s32 @!p0 $0x2  }
0x45: {  	_ =	swait.ge @!p0 [sflag:s0], $0x278  }
0x46: {  	[sflag:s0] =	ssyncset.done @!p0 $0x0  }
0x47: {  	[sflag:s0] =	ssyncadd.s32 @!p0 $0xFFFFFD88  }
0x48: {  	s29 =	simm.s32 $0x0;
	[bflag:$0x0] =	sbarrier.arrive $0xFFFF  }
.LBB2_2:
0x49: {  	s0 =	sadd.s32 s29, s11  }
0x4a: {  	s0 =	sshll.u32 s0, $0x4  }
0x4b: {  	s30 =	sand.u32 $0x1FFFFFF0, s0  }
0x4c: {  	s3 =	simm.s32 $0x0;
	s0 =	sadd.s32 s1, s30  }
0x4d: {  	[tilespmem:s3], [sflag:$0x2] =	stream.linear.gather [hbm4b:s0+s3], $0x80, $0x38;
	[tilespmem:$0x1F78] =	vst v63  }
0x4e: {  	_ =	swait.ge [sflag:s17], $0x80  }
0x4f: {  	[sflag:s17] =	ssyncset.done $0x0  }
0x50: {  	s25 =	sadd.s32 s7, s30;
	[sflag:s17] =	ssyncadd.s32 $0xFFFFFF80  }
0x51: {  	[tilespmem:s18], [sflag:$0x2] =	stream.linear.gather [hbm4b:s25+s3], $0x80, $0x38;
	[tilespmem:$0x1F78] =	vst v63  }
0x52: {  	_ =	swait.ge [sflag:s17], $0x80  }
0x53: {  	[sflag:s17] =	ssyncset.done $0x0  }
0x54: {  	[sflag:s17] =	ssyncadd.s32 $0xFFFFFF80  }
0x55: {  	[tilespmem:s19], [sflag:$0x1] =	stream.indirect.gather [hbm4b:s5+s18], $0x10, s3, s18, $0xb8;
	[tilespmem:$0x1F78] =	vst v63  }
0x56: {  	_ =	swait.ge [sflag:s20], $0x800  }
0x57: {  	[sflag:s20] =	ssyncset.done $0x0  }
0x58: {  	[sflag:s20] =	ssyncadd.s32 $0xFFFFF800  }
0x59: {  	v2 =	vmov s3;
	[tilespmem:s21], [sflag:$0x1] =	stream.indirect.gather [hbm4b:s6+s18], $0x10, s3, s18, $0xb8;
	[tilespmem:$0x1F78] =	vst v63  }
0x5a: {  	v2 =	vshll.u32 v2, $0x4;
	_ =	swait.ge [sflag:s20], $0x800  }
0x5b: {  	v6 =	vor.u32 v1, v2;
	[sflag:s20] =	ssyncset.done $0x0  }
0x5c: {  	v7 =	vor.u32 $0x2, v6;
	[sflag:s20] =	ssyncadd.s32 $0xFFFFF800  }
0x5d: {  	[tilespmem:s22], [sflag:$0x1] =	stream.indirect.gather [hbm4b:s6+s18], $0x10, s18, s18, $0xb8;
	[tilespmem:$0x1F78] =	vst v63  }
0x5e: {  	_ =	swait.ge [sflag:s20], $0x800  }
0x5f: {  	v8 =	vor.u32 $0x1, v6;
	[sflag:s20] =	ssyncset.done $0x0  }
0x60: {  	[sflag:s20] =	ssyncadd.s32 $0xFFFFF800  }
0x61: {  	v2 =	vld.idx.msk [tilespmem:v7+s21+$0x0], $0xffff  }
0x62: {  	v9 =	vor.u32 $0x3, v6;
	v3 =	vld.idx.msk [tilespmem:v6+s21+$0x0], $0xffff  }
0x63: {  	v10 =	vld.idx.msk [tilespmem:v7+s22+$0x0], $0xffff  }
0x64: {  	v13 =	vor.u32 $0x4, v6;
	v11 =	vld.idx.msk [tilespmem:v8+s22+$0x0], $0xffff  }
0x65: {  	v12 =	vld.idx.msk [tilespmem:v6+s22+$0x0], $0xffff  }
0x66: {  	v15 =	vor.u32 $0x5, v6;
	v14 =	vld.idx.msk [tilespmem:v8+s21+$0x0], $0xffff  }
0x67: {  	v19 =	vld.idx.msk [tilespmem:v9+s21+$0x0], $0xffff  }
0x68: {  	v17 =	vor.u32 $0x7, v6;
	v22 =	vld.idx.msk [tilespmem:v9+s22+$0x0], $0xffff  }
0x69: {  	v23 =	vld.idx.msk [tilespmem:v13+s22+$0x0], $0xffff  }
0x6a: {  	v18 =	vor.u32 $0x8, v6;
	v26 =	vld.idx.msk [tilespmem:v13+s21+$0x0], $0xffff  }
0x6b: {  	v28 =	vld.idx.msk [tilespmem:v15+s22+$0x0], $0xffff  }
0x6c: {  	v5 =	vor.u32 $0xB, v6;
	v62 =	vld.idx.msk [tilespmem:v15+s21+$0x0], $0xffff  }
0x6d: {  	v35 =	vld.idx.msk [tilespmem:v17+s22+$0x0], $0xffff  }
0x6e: {  	v36 =	vld.idx.msk [tilespmem:v17+s21+$0x0], $0xffff  }
0x6f: {  	v39 =	vld.idx.msk [tilespmem:v18+s22+$0x0], $0xffff  }
0x70: {  	v42 =	vld.idx.msk [tilespmem:v18+s21+$0x0], $0xffff  }
0x71: {  	v52 =	vld.idx.msk [tilespmem:v5+s22+$0x0], $0xffff  }
0x72: {  	v16 =	vor.u32 $0x6, v6;
	v20 =	vor.u32 $0x9, v6;
	v21 =	vor.u32 $0xA, v6;
	v53 =	vld.idx.msk [tilespmem:v5+s21+$0x0], $0xffff  }
0x73: {  	v4 =	vor.u32 $0xC, v6;
	v12 =	vsub.f32 v3, v12;
	v10 =	vsub.f32 v2, v10  }
0x74: {  	v3 =	vor.u32 $0xD, v6;
	v11 =	vsub.f32 v14, v11;
	v19 =	vsub.f32 v19, v22  }
0x75: {  	v2 =	vor.u32 $0xE, v6;
	v23 =	vsub.f32 v26, v23;
	v22 =	vsub.f32 v62, v28  }
0x76: {  	v30 =	vld.idx.msk [tilespmem:v6+s19+$0x0], $0xffff;
	v6 =	vor.u32 $0xF, v6;
	v48 =	vsub.f32 v36, v35;
	v50 =	vsub.f32 v42, v39  }
0x77: {  	v60 =	vsub.f32 v53, v52;
	v14 =	vshrl.u32 v12, $0x10;
	v24 =	vmul.f32 v12, v12  }
0x78: {  	v25 =	vshrl.u32 v10, $0x10;
	v27 =	vshrl.u32 v11, $0x10;
	v29 =	vmul.f32 v11, v11  }
0x79: {  	v7 =	vld.idx.msk [tilespmem:v7+s19+$0x0], $0xffff;
	v63 =	vshrl.u32 v19, $0x10;
	v37 =	vshrl.u32 v23, $0x10;
	v38 =	vshrl.u32 v22, $0x10  }
0x7a: {  	v33 =	vld.idx.msk [tilespmem:v16+s22+$0x0], $0xffff;
	v43 =	vmul.f32 v23, v23;
	v54 =	vmul.f32 v50, v50;
	v14 =	vand.u32 $0x1, v14  }
0x7b: {  	v34 =	vld.idx.msk [tilespmem:v16+s21+$0x0], $0xffff;
	v25 =	vand.u32 $0x1, v25;
	v27 =	vand.u32 $0x1, v27;
	v40 =	vand.u32 $0x1, v37  }
0x7c: {  	v8 =	vld.idx.msk [tilespmem:v8+s19+$0x0], $0xffff;
	v41 =	vand.u32 $0x1, v38;
	v25 =	vadd.s32 v25, v10;
	v10 =	vmul.f32 v10, v10  }
0x7d: {  	v12 =	vadd.s32 v14, v12;
	v24 =	vadd.f32 v29, v24;
	v11 =	vadd.s32 v27, v11  }
0x7e: {  	v25 =	vadd.s32 $0x7FFF, v25;
	v12 =	vadd.s32 $0x7FFF, v12;
	v11 =	vadd.s32 $0x7FFF, v11  }
0x7f: {  	v15 =	vld.idx.msk [tilespmem:v15+s19+$0x0], $0xffff;
	v14 =	vand.u32 $0xFFFF0000, v25;
	v10 =	vadd.f32 v10, v24;
	v12 =	vand.u32 $0xFFFF0000, v12  }
0x80: {  	v44 =	vld.idx.msk [tilespmem:v20+s22+$0x0], $0xffff;
	v11 =	vand.u32 $0xFFFF0000, v11;
	v24 =	vsub.f32 v34, v33;
	v7 =	vmul.f32 v14, v7  }
0x81: {  	v45 =	vld.idx.msk [tilespmem:v20+s21+$0x0], $0xffff;
	v14 =	vand.u32 $0x1, v63;
	v12 =	vmul.f32 v12, v30;
	v8 =	vmul.f32 v11, v8  }
0x82: {  	v9 =	vld.idx.msk [tilespmem:v9+s19+$0x0], $0xffff;
	v11 =	vadd.s32 v41, v22;
	v14 =	vadd.s32 v14, v19;
	v19 =	vmul.f32 v19, v19  }
0x83: {  	v11 =	vadd.s32 $0x7FFF, v11;
	v46 =	vshrl.u32 v24, $0x10;
	v47 =	vmul.f32 v24, v24  }
0x84: {  	v14 =	vadd.s32 $0x7FFF, v14;
	v12 =	vadd.f32 $0.0e+00, v12;
	v11 =	vand.u32 $0xFFFF0000, v11  }
0x85: {  	v13 =	vld.idx.msk [tilespmem:v13+s19+$0x0], $0xffff;
	v14 =	vand.u32 $0xFFFF0000, v14;
	v10 =	vadd.f32 v19, v10;
	v11 =	vmul.f32 v11, v15  }
0x86: {  	v15 =	vsub.f32 v45, v44;
	v8 =	vadd.f32 v8, v12;
	v12 =	vadd.s32 v40, v23  }
0x87: {  	v16 =	vld.idx.msk [tilespmem:v16+s19+$0x0], $0xffff;
	v9 =	vmul.f32 v14, v9;
	v14 =	vmul.f32 v22, v22;
	v12 =	vadd.s32 $0x7FFF, v12  }
0x88: {  	v49 =	vld.idx.msk [tilespmem:v21+s22+$0x0], $0xffff;
	v10 =	vadd.f32 v43, v10;
	v7 =	vadd.f32 v7, v8;
	v8 =	vand.u32 $0x1, v46  }
0x89: {  	v58 =	vld.idx.msk [tilespmem:v3+s22+$0x0], $0xffff;
	v51 =	vmul.f32 v15, v15;
	v12 =	vand.u32 $0xFFFF0000, v12;
	v8 =	vadd.s32 v8, v24  }
0x8a: {  	v59 =	vld.idx.msk [tilespmem:v3+s21+$0x0], $0xffff;
	v12 =	vmul.f32 v12, v13;
	v10 =	vadd.f32 v14, v10;
	v13 =	vshrl.u32 v48, $0x10  }
0x8b: {  	v14 =	vld.idx.msk [tilespmem:v21+s21+$0x0], $0xffff;
	v8 =	vadd.s32 $0x7FFF, v8;
	v7 =	vadd.f32 v9, v7;
	v9 =	vmul.f32 v48, v48  }
0x8c: {  	v13 =	vand.u32 $0x1, v13;
	v8 =	vand.u32 $0xFFFF0000, v8;
	v10 =	vadd.f32 v47, v10  }
0x8d: {  	v13 =	vadd.s32 v13, v48;
	v8 =	vmul.f32 v8, v16;
	v7 =	vadd.f32 v12, v7  }
0x8e: {  	v18 =	vld.idx.msk [tilespmem:v18+s19+$0x0], $0xffff;
	v12 =	vadd.s32 $0x7FFF, v13;
	v9 =	vadd.f32 v9, v10;
	v10 =	vshrl.u32 v50, $0x10  }
0x8f: {  	v17 =	vld.idx.msk [tilespmem:v17+s19+$0x0], $0xffff;
	v13 =	vshrl.u32 v15, $0x10;
	v16 =	vsub.f32 v59, v58;
	v10 =	vand.u32 $0x1, v10  }
0x90: {  	v55 =	vld.idx.msk [tilespmem:v4+s22+$0x0], $0xffff;
	v7 =	vadd.f32 v11, v7;
	v11 =	vsub.f32 v14, v49;
	v10 =	vadd.s32 v10, v50  }
0x91: {  	v13 =	vand.u32 $0x1, v13;
	v12 =	vand.u32 $0xFFFF0000, v12;
	v14 =	vld.idx.msk [tilespmem:v4+s21+$0x0], $0xffff;
	v10 =	vadd.s32 $0x7FFF, v10  }
0x92: {  	v13 =	vadd.s32 v13, v15;
	v15 =	vld.idx.msk [tilespmem:v21+s19+$0x0], $0xffff;
	v56 =	vshrl.u32 v11, $0x10;
	v10 =	vand.u32 $0xFFFF0000, v10  }
0x93: {  	v7 =	vadd.f32 v8, v7;
	v8 =	vmul.f32 v10, v18;
	v10 =	vand.u32 $0x1, v56  }
0x94: {  	v57 =	vld.idx.msk [tilespmem:v20+s19+$0x0], $0xffff;
	v12 =	vmul.f32 v12, v17;
	v13 =	vadd.s32 $0x7FFF, v13;
	v10 =	vadd.s32 v10, v11  }
0x95: {  	v9 =	vadd.f32 v54, v9;
	v13 =	vand.u32 $0xFFFF0000, v13;
	v10 =	vadd.s32 $0x7FFF, v10  }
0x96: {  	v5 =	vld.idx.msk [tilespmem:v5+s19+$0x0], $0xffff;
	v7 =	vadd.f32 v12, v7;
	v12 =	vsub.f32 v14, v55;
	v10 =	vand.u32 $0xFFFF0000, v10  }
0x97: {  	v61 =	vld.idx.msk [tilespmem:v2+s22+$0x0], $0xffff;
	v9 =	vadd.f32 v51, v9;
	v14 =	vshrl.u32 v60, $0x10;
	v10 =	vmul.f32 v10, v15  }
0x98: {  	v15 =	vld.idx.msk [tilespmem:v4+s19+$0x0], $0xffff;
	v4 =	vadd.f32 v8, v7;
	v7 =	vand.u32 $0x1, v14;
	v8 =	vshrl.u32 v12, $0x10  }
0x99: {  	v13 =	vmul.f32 v13, v57;
	v14 =	vld.idx.msk [tilespmem:v2+s21+$0x0], $0xffff;
	v7 =	vadd.s32 v7, v60;
	v8 =	vand.u32 $0x1, v8  }
0x9a: {  	v11 =	vmul.f32 v11, v11;
	v7 =	vadd.s32 $0x7FFF, v7;
	v8 =	vadd.s32 v8, v12  }
0x9b: {  	v62 =	vld.idx.msk [tilespmem:v6+s22+$0x0], $0xffff;
	v13 =	vadd.f32 v13, v4;
	v4 =	vand.u32 $0xFFFF0000, v7;
	v7 =	vadd.s32 $0x7FFF, v8  }
0x9c: {  	v11 =	vadd.f32 v11, v9;
	v8 =	vld.idx.msk [tilespmem:v6+s21+$0x0], $0xffff;
	v5 =	vmul.f32 v4, v5;
	v7 =	vand.u32 $0xFFFF0000, v7  }
0x9d: {  	v4 =	vmul.f32 v12, v12;
	v12 =	vld.idx.msk [tilespmem:v3+s19+$0x0], $0xffff;
	v10 =	vadd.f32 v10, v13;
	v3 =	vshrl.u32 v16, $0x10  }
0x9e: {  	v13 =	vmul.f32 v7, v15;
	v7 =	vand.u32 $0x1, v3;
	v3 =	vsub.f32 v14, v61  }
0x9f: {  	v14 =	vmul.f32 v60, v60;
	v9 =	vadd.f32 v5, v10;
	v7 =	vadd.s32 v7, v16  }
0xa0: {  	v5 =	vmul.f32 v16, v16;
	v7 =	vadd.s32 $0x7FFF, v7;
	v10 =	vshrl.u32 v3, $0x10  }
0xa1: {  	s12 =	simm.s32 $0x1900;
	v2 =	vld.idx.msk [tilespmem:v2+s19+$0x0], $0xffff;
	v15 =	vand.u32 $0xFFFF0000, v7;
	v63 =	vand.u32 $0x1, v10;
	v7 =	vsub.f32 v8, v62  }
0xa2: {  	s14 =	simm.s32 $0x1980;
	s15 =	simm.s32 $0x1A00;
	s16 =	simm.s32 $0x10;
	v9 =	vadd.f32 v13, v9;
	v10 =	vmul.f32 v15, v12;
	v12 =	vadd.s32 v63, v3  }
0xa3: {  	s31 =	simm.s32 $0x1A00;
	s0 =	simm.s32 $0x1980;
	s3 =	simm.s32 $0x1900;
	v6 =	vld.idx.msk [tilespmem:v6+s19+$0x0], $0xffff;
	v8 =	vadd.f32 v14, v11;
	v11 =	vadd.s32 $0x7FFF, v12;
	v12 =	vshrl.u32 v7, $0x10  }
.LBB2_3:
0xa4: {  	v12 =	vand.u32 $0x1, v12;
	s12 =	sadd.s32 $0x10, s12;
	s14 =	sadd.s32 $0x10, s14;
	s15 =	sadd.s32 $0x10, s15  }
0xa5: {  	p1 =	sne.s32 s16, $0x70;
	s25 =	smov.u32 s16;
	s16 =	sadd.s32 $0x10, s16;
	v4 =	vadd.f32 v4, v8;
	v8 =	vand.u32 $0xFFFF0000, v11;
	v11 =	vadd.s32 v12, v7  }
0xa6: {  	v9 =	vadd.f32 v10, v9;
	v2 =	vmul.f32 v8, v2;
	v8 =	vadd.s32 $0x7FFF, v11  }
0xa7: {  	v3 =	vmul.f32 v3, v3;
	v4 =	vadd.f32 v5, v4;
	v5 =	vand.u32 $0xFFFF0000, v8  }
0xa8: {  	v2 =	vadd.f32 v2, v9;
	v5 =	vmul.f32 v5, v6  }
0xa9: {  	v3 =	vadd.f32 v3, v4;
	v4 =	vmul.f32 v7, v7  }
0xaa: {  	v2 =	vadd.f32 v5, v2  }
0xab: {  	v3 =	vadd.f32 v4, v3  }
0xac: {  	[tilespmem:s3+$0x0] =	vst v2;
	v2 =	vmul.f32 $2.500000000e-01, v2;
	s3 =	smov.u32 s12  }
0xad: {  	v3 =	vadd.f32 $1.000000000e+00, v3  }
0xae: {  	v2 =	vmul.f32 $1.442695020e+00, v2  }
0xaf: {  	(erf) = vrcp.f32 v3  }
0xb0: {  	(erf) = vpow2.f32 v2;
	_ =	sdelay $0x1  }
0xb1: {  	v2 =	vmov s25  }
0xb2: {  	v2 =	vshll.u32 v2, $0x4  }
0xb3: {  	v8 =	vor.u32 v1, v2  }
0xb4: {  	v11 =	vor.u32 $0x1, v8;
	v12 =	vor.u32 $0x2, v8;
	v13 =	vor.u32 $0x3, v8  }
0xb5: {  	v14 =	vor.u32 $0x4, v8;
	v15 =	vor.u32 $0x5, v8;
	v16 =	vor.u32 $0x6, v8  }
0xb6: {  	v10 =	vor.u32 $0x7, v8;
	v9 =	vor.u32 $0x8, v8;
	v7 =	vor.u32 $0x9, v8  }
0xb7: {  	v6 =	vor.u32 $0xA, v8;
	v5 =	vor.u32 $0xB, v8;
	v4 =	vor.u32 $0xC, v8;
	v17 =	vpop (erf)  }
0xb8: {  	v3 =	vor.u32 $0xD, v8;
	v2 =	vor.u32 $0xE, v8;
	[tilespmem:s0+$0x0] =	vst v17;
	v17 =	vpop (erf);
	s0 =	smov.u32 s14  }
0xb9: {  	[tilespmem:s31+$0x0] =	vst v17;
	s31 =	smov.u32 s15  }
0xba: {  	v17 =	vld.idx.msk [tilespmem:v12+s21+$0x0], $0xffff  }
0xbb: {  	v18 =	vld.idx.msk [tilespmem:v8+s21+$0x0], $0xffff  }
0xbc: {  	v19 =	vld.idx.msk [tilespmem:v12+s22+$0x0], $0xffff  }
0xbd: {  	v20 =	vld.idx.msk [tilespmem:v11+s22+$0x0], $0xffff  }
0xbe: {  	v21 =	vld.idx.msk [tilespmem:v8+s22+$0x0], $0xffff  }
0xbf: {  	v22 =	vld.idx.msk [tilespmem:v11+s21+$0x0], $0xffff  }
0xc0: {  	v23 =	vld.idx.msk [tilespmem:v14+s22+$0x0], $0xffff  }
0xc1: {  	v24 =	vld.idx.msk [tilespmem:v13+s21+$0x0], $0xffff  }
0xc2: {  	v25 =	vld.idx.msk [tilespmem:v13+s22+$0x0], $0xffff  }
0xc3: {  	v26 =	vld.idx.msk [tilespmem:v8+s19+$0x0], $0xffff  }
0xc4: {  	v17 =	vsub.f32 v17, v19;
	v18 =	vsub.f32 v18, v21;
	v11 =	vld.idx.msk [tilespmem:v11+s19+$0x0], $0xffff  }
0xc5: {  	v19 =	vsub.f32 v22, v20;
	v12 =	vld.idx.msk [tilespmem:v12+s19+$0x0], $0xffff  }
0xc6: {  	v22 =	vshrl.u32 v17, $0x10;
	v20 =	vshrl.u32 v18, $0x10;
	v21 =	vmul.f32 v18, v18;
	v27 =	vld.idx.msk [tilespmem:v14+s21+$0x0], $0xffff  }
0xc7: {  	v22 =	vand.u32 $0x1, v22;
	v20 =	vand.u32 $0x1, v20;
	v28 =	vshrl.u32 v19, $0x10;
	v29 =	vld.idx.msk [tilespmem:v15+s22+$0x0], $0xffff  }
0xc8: {  	v30 =	vmul.f32 v19, v19;
	v22 =	vadd.s32 v22, v17;
	v24 =	vsub.f32 v24, v25;
	v25 =	vld.idx.msk [tilespmem:v15+s21+$0x0], $0xffff  }
0xc9: {  	v17 =	vmul.f32 v17, v17;
	v28 =	vand.u32 $0x1, v28;
	v22 =	vadd.s32 $0x7FFF, v22;
	v13 =	vld.idx.msk [tilespmem:v13+s19+$0x0], $0xffff  }
0xca: {  	v18 =	vadd.s32 v20, v18;
	v20 =	vand.u32 $0xFFFF0000, v22;
	v22 =	vshrl.u32 v24, $0x10;
	v31 =	vld.idx.msk [tilespmem:v16+s22+$0x0], $0xffff  }
0xcb: {  	v21 =	vadd.f32 v30, v21;
	v12 =	vmul.f32 v20, v12;
	v20 =	vand.u32 $0x1, v22;
	v22 =	vld.idx.msk [tilespmem:v16+s21+$0x0], $0xffff  }
0xcc: {  	v18 =	vadd.s32 $0x7FFF, v18;
	v20 =	vadd.s32 v20, v24;
	v24 =	vmul.f32 v24, v24  }
0xcd: {  	v19 =	vadd.s32 v28, v19;
	v17 =	vadd.f32 v17, v21;
	v20 =	vadd.s32 $0x7FFF, v20  }
0xce: {  	v21 =	vsub.f32 v27, v23;
	v20 =	vand.u32 $0xFFFF0000, v20;
	v23 =	vsub.f32 v25, v29;
	v25 =	vld.idx.msk [tilespmem:v10+s22+$0x0], $0xffff  }
0xcf: {  	v8 =	vor.u32 $0xF, v8;
	v19 =	vadd.s32 $0x7FFF, v19;
	v13 =	vmul.f32 v20, v13;
	v14 =	vld.idx.msk [tilespmem:v14+s19+$0x0], $0xffff  }
0xd0: {  	v18 =	vand.u32 $0xFFFF0000, v18;
	v19 =	vand.u32 $0xFFFF0000, v19;
	v20 =	vmul.f32 v23, v23;
	v27 =	vld.idx.msk [tilespmem:v10+s21+$0x0], $0xffff  }
0xd1: {  	v18 =	vmul.f32 v18, v26;
	v26 =	vshrl.u32 v21, $0x10;
	v28 =	vshrl.u32 v23, $0x10;
	v29 =	vld.idx.msk [tilespmem:v9+s22+$0x0], $0xffff  }
0xd2: {  	v17 =	vadd.f32 v24, v17;
	v24 =	vand.u32 $0x1, v26;
	v26 =	vand.u32 $0x1, v28;
	v28 =	vld.idx.msk [tilespmem:v9+s21+$0x0], $0xffff  }
0xd3: {  	v11 =	vmul.f32 v19, v11;
	v18 =	vadd.f32 $0.0e+00, v18;
	v19 =	vadd.s32 v26, v23;
	v15 =	vld.idx.msk [tilespmem:v15+s19+$0x0], $0xffff  }
0xd4: {  	v22 =	vsub.f32 v22, v31;
	v23 =	vmul.f32 v21, v21;
	v19 =	vadd.s32 $0x7FFF, v19;
	v26 =	vld.idx.msk [tilespmem:v7+s22+$0x0], $0xffff  }
0xd5: {  	v11 =	vadd.f32 v11, v18;
	v18 =	vadd.s32 v24, v21;
	v19 =	vand.u32 $0xFFFF0000, v19;
	v21 =	vld.idx.msk [tilespmem:v7+s21+$0x0], $0xffff  }
0xd6: {  	v18 =	vadd.s32 $0x7FFF, v18;
	v24 =	vshrl.u32 v22, $0x10;
	v30 =	vmul.f32 v22, v22;
	v16 =	vld.idx.msk [tilespmem:v16+s19+$0x0], $0xffff  }
0xd7: {  	v11 =	vadd.f32 v12, v11;
	v12 =	vand.u32 $0x1, v24;
	v24 =	vsub.f32 v27, v25  }
0xd8: {  	v18 =	vand.u32 $0xFFFF0000, v18;
	v17 =	vadd.f32 v23, v17;
	v12 =	vadd.s32 v12, v22;
	v10 =	vld.idx.msk [tilespmem:v10+s19+$0x0], $0xffff  }
0xd9: {  	v14 =	vmul.f32 v18, v14;
	v12 =	vadd.s32 $0x7FFF, v12;
	v15 =	vmul.f32 v19, v15;
	v18 =	vld.idx.msk [tilespmem:v6+s21+$0x0], $0xffff  }
0xda: {  	v17 =	vadd.f32 v20, v17;
	v12 =	vand.u32 $0xFFFF0000, v12;
	v19 =	vshrl.u32 v24, $0x10  }
0xdb: {  	v11 =	vadd.f32 v13, v11;
	v13 =	vmul.f32 v24, v24;
	v20 =	vsub.f32 v21, v26;
	v21 =	vld.idx.msk [tilespmem:v6+s22+$0x0], $0xffff  }
0xdc: {  	v12 =	vmul.f32 v12, v16;
	v16 =	vand.u32 $0x1, v19;
	v19 =	vsub.f32 v28, v29;
	v22 =	vld.idx.msk [tilespmem:v5+s22+$0x0], $0xffff  }
0xdd: {  	v17 =	vadd.f32 v30, v17;
	v16 =	vadd.s32 v16, v24;
	v23 =	vmul.f32 v20, v20;
	v24 =	vld.idx.msk [tilespmem:v5+s21+$0x0], $0xffff  }
0xde: {  	v11 =	vadd.f32 v14, v11;
	v14 =	vadd.s32 $0x7FFF, v16;
	v16 =	vshrl.u32 v20, $0x10;
	v9 =	vld.idx.msk [tilespmem:v9+s19+$0x0], $0xffff  }
0xdf: {  	v13 =	vadd.f32 v13, v17;
	v17 =	vshrl.u32 v19, $0x10;
	v16 =	vand.u32 $0x1, v16;
	v25 =	vld.idx.msk [tilespmem:v4+s22+$0x0], $0xffff  }
0xe0: {  	v26 =	vmul.f32 v19, v19;
	v14 =	vand.u32 $0xFFFF0000, v14;
	v17 =	vand.u32 $0x1, v17;
	v27 =	vld.idx.msk [tilespmem:v4+s21+$0x0], $0xffff  }
0xe1: {  	v11 =	vadd.f32 v15, v11;
	v15 =	vadd.s32 v17, v19;
	v17 =	vsub.f32 v18, v21;
	v7 =	vld.idx.msk [tilespmem:v7+s19+$0x0], $0xffff  }
0xe2: {  	v10 =	vmul.f32 v14, v10;
	v14 =	vadd.s32 $0x7FFF, v15;
	v15 =	vadd.s32 v16, v20;
	v6 =	vld.idx.msk [tilespmem:v6+s19+$0x0], $0xffff  }
0xe3: {  	v13 =	vadd.f32 v26, v13;
	v14 =	vand.u32 $0xFFFF0000, v14;
	v16 =	vshrl.u32 v17, $0x10;
	v18 =	vld.idx.msk [tilespmem:v3+s22+$0x0], $0xffff  }
0xe4: {  	v11 =	vadd.f32 v12, v11;
	v9 =	vmul.f32 v14, v9;
	v12 =	vand.u32 $0x1, v16;
	v14 =	vld.idx.msk [tilespmem:v3+s21+$0x0], $0xffff  }
0xe5: {  	v15 =	vadd.s32 $0x7FFF, v15;
	v13 =	vadd.f32 v23, v13;
	v12 =	vadd.s32 v12, v17;
	v16 =	vld.idx.msk [tilespmem:v2+s22+$0x0], $0xffff  }
0xe6: {  	v19 =	vsub.f32 v24, v22;
	v17 =	vmul.f32 v17, v17;
	v12 =	vadd.s32 $0x7FFF, v12;
	v20 =	vld.idx.msk [tilespmem:v2+s21+$0x0], $0xffff  }
0xe7: {  	v10 =	vadd.f32 v10, v11;
	v11 =	vand.u32 $0xFFFF0000, v12;
	v12 =	vsub.f32 v27, v25;
	v5 =	vld.idx.msk [tilespmem:v5+s19+$0x0], $0xffff  }
0xe8: {  	v15 =	vand.u32 $0xFFFF0000, v15;
	v6 =	vmul.f32 v11, v6;
	v11 =	vshrl.u32 v19, $0x10;
	v21 =	vld.idx.msk [tilespmem:v4+s19+$0x0], $0xffff  }
0xe9: {  	v4 =	vadd.f32 v9, v10;
	v9 =	vand.u32 $0x1, v11;
	v10 =	vshrl.u32 v12, $0x10  }
0xea: {  	v7 =	vmul.f32 v15, v7;
	v9 =	vadd.s32 v9, v19;
	v10 =	vand.u32 $0x1, v10  }
0xeb: {  	v11 =	vsub.f32 v14, v18;
	v9 =	vadd.s32 $0x7FFF, v9;
	v10 =	vadd.s32 v10, v12;
	v14 =	vld.idx.msk [tilespmem:v8+s22+$0x0], $0xffff  }
0xec: {  	v7 =	vadd.f32 v7, v4;
	v4 =	vand.u32 $0xFFFF0000, v9;
	v9 =	vadd.s32 $0x7FFF, v10;
	v10 =	vld.idx.msk [tilespmem:v8+s21+$0x0], $0xffff  }
0xed: {  	v5 =	vmul.f32 v4, v5;
	v9 =	vand.u32 $0xFFFF0000, v9;
	v4 =	vmul.f32 v12, v12;
	v12 =	vld.idx.msk [tilespmem:v3+s19+$0x0], $0xffff  }
0xee: {  	v6 =	vadd.f32 v6, v7;
	v9 =	vmul.f32 v9, v21;
	v3 =	vshrl.u32 v11, $0x10  }
0xef: {  	v13 =	vadd.f32 v17, v13;
	v7 =	vand.u32 $0x1, v3;
	v3 =	vsub.f32 v20, v16  }
.Ltmp0:
0xf0: {  	v6 =	vadd.f32 v5, v6;
	v5 =	vmul.f32 v11, v11;
	v7 =	vadd.s32 v7, v11;
	(pc) =	sbr.rel @p1 .LBB2_3-.Ltmp0, $4  }
0xf1: {  	v11 =	vmul.f32 v19, v19;
	v7 =	vadd.s32 $0x7FFF, v7;
	v15 =	vshrl.u32 v3, $0x10;
	v2 =	vld.idx.msk [tilespmem:v2+s19+$0x0], $0xffff  }
0xf2: {  	v16 =	vand.u32 $0xFFFF0000, v7;
	v15 =	vand.u32 $0x1, v15;
	v7 =	vsub.f32 v10, v14  }
0xf3: {  	v9 =	vadd.f32 v9, v6;
	v10 =	vmul.f32 v16, v12;
	v12 =	vadd.s32 v15, v3;
	v6 =	vld.idx.msk [tilespmem:v8+s19+$0x0], $0xffff  }
0xf4: {  	v8 =	vadd.f32 v11, v13;
	v11 =	vadd.s32 $0x7FFF, v12;
	v12 =	vshrl.u32 v7, $0x10  }
0xf5: {  	v12 =	vand.u32 $0x1, v12  }
0xf6: {  	v58 =	vand.u32 $0xFFFF0000, v11;
	v4 =	vadd.f32 v4, v8;
	v59 =	vadd.s32 v12, v7  }
0xf7: {  	v9 =	vadd.f32 v10, v9;
	v2 =	vmul.f32 v58, v2;
	v60 =	vadd.s32 $0x7FFF, v59  }
0xf8: {  	v3 =	vmul.f32 v3, v3;
	v4 =	vadd.f32 v5, v4;
	v61 =	vand.u32 $0xFFFF0000, v60  }
0xf9: {  	v2 =	vadd.f32 v2, v9;
	v5 =	vmul.f32 v61, v6  }
0xfa: {  	v62 =	vmul.f32 v7, v7;
	v3 =	vadd.f32 v3, v4  }
0xfb: {  	v2 =	vadd.f32 v5, v2  }
0xfc: {  	v3 =	vadd.f32 v62, v3  }
0xfd: {  	v63 =	vmul.f32 $2.500000000e-01, v2  }
0xfe: {  	v3 =	vadd.f32 $1.000000000e+00, v3  }
0xff: {  	v4 =	vmul.f32 $1.442695020e+00, v63  }
0x100: {  	(erf) = vrcp.f32 v3  }
0x101: {  	(erf) = vpow2.f32 v4;
	_ =	sdelay $0x7  }
0x102: {  	[tilespmem:s3+$0x0] =	vst v2;
	v2 =	vpop (erf)  }
0x103: {  	[tilespmem:s0+$0x0] =	vst v2;
	v2 =	vpop (erf)  }
0x104: {  	s25 =	sadd.s32 s8, s30;
	[tilespmem:s31+$0x0] =	vst v2  }
0x105: {  	[hbm4b:s25+s4] =	stream.linear.scatter [tilespmem:s23], [sflag:$0x2], $0x80, $0x38;
	[tilespmem:$0x1F78] =	vst v63  }
0x106: {  	_ =	swait.ge [sflag:s17], $0x80  }
0x107: {  	[sflag:s17] =	ssyncset.done $0x0  }
0x108: {  	s31 =	sadd.s32 s9, s30;
	[sflag:s17] =	ssyncadd.s32 $0xFFFFFF80  }
0x109: {  	[hbm4b:s31+s4] =	stream.linear.scatter [tilespmem:s24], [sflag:$0x2], $0x80, $0x38;
	[tilespmem:$0x1F78] =	vst v63  }
0x10a: {  	s29 =	sadd.s32 $0x1, s29;
	_ =	swait.ge [sflag:s17], $0x80  }
0x10b: {  	p1 =	sne.s32 s29, s10;
	[sflag:s17] =	ssyncset.done $0x0  }
.Ltmp1:
0x10c: {  	[sflag:s17] =	ssyncadd.s32 $0xFFFFFF80;
	(pc) =	sbr.rel @p1 .LBB2_2-.Ltmp1, $4  }
0x10d: {  	[spmem:s2] =	stream.indirect.scatter.add.f32 [tilespmem:s26], [sflag:$0x2], $0x1, s18, s18, $0xb8;
	[tilespmem:$0x1F78] =	vst v63  }
0x10e: {  	_ =	swait.ge [sflag:s17], $0x80  }
0x10f: {  	[sflag:s17] =	ssyncset.done $0x0  }
0x110: {  	[sflag:s17] =	ssyncadd.s32 $0xFFFFFF80  }
0x111: {  	[bflag:$0x0] =	sbarrier.arrive $0xFFFF  }
0x112: {  	s0 =	sshrl.u32 @p0 s13, $0x3;
	s3 =	simm.s32 @p0 $0x1FC2;
	s12 =	rddreg [dreg:$0x6]  }
0x113: {  	[hbm:s12], [sflag:s3] =	dma.local @p0 [spmem:s0], $0x41  }
0x114: {  	s0 =	simm.s32 @p0 $0x2  }
0x115: {  	s3 =	stileid.u32;
	_ =	swait.ge @p0 [sflag:s0], $0x41  }
0x116: {  	s3 =	sshll.u32 @!p0 s3, $0x6;
	[sflag:s0] =	ssyncset.done @p0 $0x0;
	s12 =	rddreg [dreg:$0x8]  }
0x117: {  	[sflag:s0] =	ssyncadd.s32 @p0 $0xFFFFFFBF;
	s0 =	sor.u32 @!p0 $0x1C02, s3;
	s3 =	rddreg [dreg:$0x5]  }
0x118: {  	[hbm:s3], [sflag:s0] =	dma.local @!p0 [spmem:s12], $0x4F  }
0x119: {  	s0 =	simm.s32 @!p0 $0x2  }
0x11a: {  	_ =	swait.ge @!p0 [sflag:s0], $0x4F  }
0x11b: {  	s28 =	sadd.s32 $0x1, s28;
	s31 =	rddreg [dreg:$0x7]  }
0x11c: {  	p1 =	sne.s32 s28, s31  }
.Ltmp2:
0x11d: {  	_ = 	snop;
	(pc) =	sbr.rel @p1 .LBB2_1-.Ltmp2, $3  }
0x11e: {  	_ =	sdelay $0x1  }
0x11f: {  	[sflag:s0] =	ssyncset.done @!p0 $0x0  }
0x120: {  	[sflag:s0] =	ssyncadd.s32 @!p0 $0xFFFFFFB1  }
0x121: {  	_ =	sfence.sel $0x180000  }
0x122: {  	[bflag:$0x0] =	sbarrier.arrive $0xFFFF  }
0x123: {  	_ =	strace $0x90000047  }
0x124: {  	s0 =	stileid.u32;
	[bflag:$0x2] =	sbarrier.arrive $0xFFFF  }
0x125: {  	p0 =	sne.s32 s0, $0x0;
	s0 =	rddreg [dreg:$0x3]  }
0x126: {  	s0 =	sadd.s32 @!p0 $0x100000, s0  }
0x127: {  	[sflag:s0] =	ssyncadd.tile.s32 @!p0 $0x1;
	_ =	shalt  }
.Lfunc_end2:
_tile_overlayer_lowered:
.L_overlay_start_2:
0x128: {  	(tag) =	ssettag $0x2  }
0x129: {  	s0 =	rddreg [dreg:$0x0];
	s2 =	stileid.u32  }
0x12a: {  	s1 =	rddreg [dreg:$0x1];
	p0 =	sne.s32 s2, $0x0  }
0x12b: {  	s3 =	rddreg [dreg:$0x2];
	[bflag:$0x3] =	sbarrier.arrive $0xFFFF;
	s2 =	simm.s32 @!p0 $0x1C02  }
0x12c: {  	[timem:s3], [sflag:s2] =	dma.local @!p0 [hbm:s0], s1  }
0x12d: {  	s0 =	simm.s32 @!p0 $0x2  }
0x12e: {  	_ =	swait.ge @!p0 [sflag:s0], s1  }
0x12f: {  	s1 =	ssub.s32 @!p0 $0x0, s1;
	[sflag:s0] =	ssyncset.done @!p0 $0x0  }
0x130: {  	[sflag:s0] =	ssyncadd.s32 @!p0 s1  }
0x131: {  	[bflag:$0x3] =	sbarrier.arrive $0xFFFF  }
0x132: {  	_ =	shalt  }

</sc_bundles>
